<compile_context>
chip_gen: v7x
topology: tpu7x:2x2x1
jax: 0.10.2.dev20260603
libtpu: 0.0.44.dev20260713+nightly
codegen_flags: <defaults>
</compile_context>

<pallas_src>
import functools

import jax
import jax.numpy as jnp
from jax import lax
from jax.experimental import pallas as pl
from jax.experimental.pallas import tpu as pltpu
from jax.experimental.pallas import tpu_sc as plsc

_TASKS = 4
_B = 4096
_ED = 20
_FE = 512
_ES = 64
_TS = 32
_NF, _NA, _NU, _ND = 120000, 20000, 20000, 2
_NBF, _NBA, _NBU = _NF // 10, _NA // 10, _NU // 10

_NW = 32
_CHUNK = _TASKS * _B // _NW
_NSTREAM = _CHUNK // 128

_C1F, _C2F = 1000003 % _NBF, 999983 % _NBF
_C1A, _C2A = 1000003 % _NBA, 999983 % _NBA
_C1U, _C2U = 1000003 % _NBU, 999983 % _NBU

_f32 = jnp.float32
_i32 = jnp.int32


def _sc_gather_body(fid_h, aid_h, uid_h, ft_h, at_h, ut_h, fw_h, aw_h, uw_h,
                    rf1_h, rf2_h, ra1_h, ra2_h, ru1_h, ru2_h, wf_h, wa_h, wu_h,
                    idsf, idsa, idsu,
                    i1f, i2f, iwf, i1a, i2a, iwa, i1u, i2u, iwu,
                    rf1, rf2, ra1, ra2, ru1, ru2, wf, wa, wu, sem):
    wid = lax.axis_index("s") * 2 + lax.axis_index("c")
    t = wid // 8
    b0 = (wid % 8) * _CHUNK
    g0 = wid * _CHUNK

    pltpu.sync_copy(fid_h.at[pl.ds(b0, _CHUNK)], idsf)
    pltpu.sync_copy(aid_h.at[pl.ds(b0, _CHUNK)], idsa)
    pltpu.sync_copy(uid_h.at[pl.ds(b0, _CHUNK)], idsu)

    feats = (
        (idsf, i1f, i2f, iwf, _NBF, _C1F, _C2F, t * _NBF, t * _NF),
        (idsa, i1a, i2a, iwa, _NBA, _C1A, _C2A, t * _NBA, t * _NA),
        (idsu, i1u, i2u, iwu, _NBU, _C1U, _C2U, t * _NBU, t * _NU),
    )

    def step(k, carry):
        o = k * 16
        for ids, i1, i2, iw, nb, c1, c2, tb, tw in feats:
            v = ids[pl.ds(o, 16)]
            m = lax.rem(v, nb)
            i1[pl.ds(o, 16)] = lax.rem(m * c1 + 11, nb) + tb
            i2[pl.ds(o, 16)] = lax.rem(m * c2 + 97, nb) + tb
            iw[pl.ds(o, 16)] = v + tw
        return carry

    lax.fori_loop(0, _CHUNK // 16, step, 0)

    copies = []
    gathers = (
        (ft_h, i1f, rf1), (ft_h, i2f, rf2),
        (at_h, i1a, ra1), (at_h, i2a, ra2),
        (ut_h, i1u, ru1), (ut_h, i2u, ru2),
        (fw_h, iwf, wf), (aw_h, iwa, wa), (uw_h, iwu, wu),
    )
    for tbl, iref, rref in gathers:
        for j in range(_NSTREAM):
            copies.append(
                pltpu.async_copy(tbl.at[iref.at[pl.ds(j * 128, 128)]],
                                 rref.at[pl.ds(j * 128, 128)], sem))
    for cp in copies:
        cp.wait()

    pltpu.sync_copy(rf1, rf1_h.at[pl.ds(g0, _CHUNK)])
    pltpu.sync_copy(rf2, rf2_h.at[pl.ds(g0, _CHUNK)])
    pltpu.sync_copy(ra1, ra1_h.at[pl.ds(g0, _CHUNK)])
    pltpu.sync_copy(ra2, ra2_h.at[pl.ds(g0, _CHUNK)])
    pltpu.sync_copy(ru1, ru1_h.at[pl.ds(g0, _CHUNK)])
    pltpu.sync_copy(ru2, ru2_h.at[pl.ds(g0, _CHUNK)])
    pltpu.sync_copy(wf, wf_h.at[pl.ds(g0, _CHUNK)])
    pltpu.sync_copy(wa, wa_h.at[pl.ds(g0, _CHUNK)])
    pltpu.sync_copy(wu, wu_h.at[pl.ds(g0, _CHUNK)])


def _make_sc_gather():
    n = _TASKS * _B
    out_type = (
        [jax.ShapeDtypeStruct((n, _ED), _f32) for _ in range(6)]
        + [jax.ShapeDtypeStruct((n, 2), _f32) for _ in range(3)]
    )
    scratch = (
        [pltpu.VMEM((_CHUNK,), _i32) for _ in range(12)]
        + [pltpu.VMEM((_CHUNK, _ED), _f32) for _ in range(6)]
        + [pltpu.VMEM((_CHUNK, 2), _f32) for _ in range(3)]
        + [pltpu.SemaphoreType.DMA]
    )
    mesh = plsc.VectorSubcoreMesh(core_axis_name="c", subcore_axis_name="s")
    return functools.partial(
        pl.kernel, mesh=mesh, out_type=out_type, scratch_types=scratch,
        compiler_params=pltpu.CompilerParams(use_tc_tiling_on_sc=False),
    )(_sc_gather_body)


def _tc_body(svu_ref, dsel_ref, feed_ref,
             rf1_ref, rf2_ref, ra1_ref, ra2_ref, ru1_ref, ru2_ref,
             wf_ref, wa_ref, wu_ref,
             muv_ref, vgp_ref, wfeed_ref, wsm_ref, bcat_ref,
             wt1_ref, bt1_ref, wt2_ref, bt2_ref, out_ref):
    bsz = feed_ref.shape[0]
    feed = feed_ref[...]
    svu = svu_ref[...]
    dsel = dsel_ref[...]

    g_lin = jnp.dot(svu, muv_ref[...], preferred_element_type=_f32)
    g_all = g_lin + jnp.dot(feed, vgp_ref[...], preferred_element_type=_f32)
    uv = g_all[:, 0:4]
    gate = jax.nn.sigmoid(g_all[:, 4:8]) + jax.nn.sigmoid(g_all[:, 8:12])
    sscale = (1.0 + gate) * svu[:, 8:12]

    for t in range(_TASKS):
        wfv, wav, wuv = wf_ref[t], wa_ref[t], wu_ref[t]
        fe = wfv[:, 0:1] * rf1_ref[t] + wfv[:, 1:2] * rf2_ref[t]
        ae = wav[:, 0:1] * ra1_ref[t] + wav[:, 1:2] * ra2_ref[t]
        ue = wuv[:, 0:1] * ru1_ref[t] + wuv[:, 1:2] * ru2_ref[t]
        s_small = jnp.concatenate([fe, ae, ue, uv, dsel], axis=1)
        y = (jnp.dot(s_small, wsm_ref[t], preferred_element_type=_f32)
             + jnp.dot(feed, wfeed_ref[t], preferred_element_type=_f32)
             + bcat_ref[t:t + 1, :])
        e = jnp.maximum(y[:, 0:192], 0.0)
        gl = y[:, 192:195]
        gl = gl - jnp.max(gl, axis=1, keepdims=True)
        p = jnp.exp(gl)
        g = p / jnp.sum(p, axis=1, keepdims=True)
        h = (g[:, 0:1] * e[:, 0:64] + g[:, 1:2] * e[:, 64:128]
             + g[:, 2:3] * e[:, 128:192])
        tt = jnp.maximum(
            jnp.dot(h, wt1_ref[t], preferred_element_type=_f32)
            + bt1_ref[t:t + 1, :], 0.0)
        r = (jnp.dot(tt, wt2_ref[t], preferred_element_type=_f32)
             + bt2_ref[t:t + 1, :])
        s = sscale[:, t:t + 1]
        out_ref[t] = r + jnp.concatenate([1.0 - s, s], axis=1)


def _tc_call(bsz):
    grid = (_B // bsz,)
    row = lambda w: pl.BlockSpec((bsz, w), lambda i: (i, 0))
    trow = lambda w: pl.BlockSpec((_TASKS, bsz, w), lambda i: (0, i, 0))
    full2 = lambda a, b: pl.BlockSpec((a, b), lambda i: (0, 0))
    full3 = lambda a, b, c: pl.BlockSpec((a, b, c), lambda i: (0, 0, 0))
    in_specs = [
        row(16), row(2), row(_FE),
        trow(_ED), trow(_ED), trow(_ED), trow(_ED), trow(_ED), trow(_ED),
        trow(2), trow(2), trow(2),
        full2(16, 128), full2(_FE, 128), full3(_TASKS, _FE, 195),
        full3(_TASKS, 66, 195), full2(_TASKS, 195),
        full3(_TASKS, _ES, _TS), full2(_TASKS, _TS),
        full3(_TASKS, _TS, 2), full2(_TASKS, 2),
    ]
    return pl.pallas_call(
        _tc_body,
        grid=grid,
        in_specs=in_specs,
        out_specs=pl.BlockSpec((_TASKS, bsz, 2), lambda i: (0, i, 0)),
        out_shape=jax.ShapeDtypeStruct((_TASKS, _B, 2), _f32),
        compiler_params=pltpu.CompilerParams(
            dimension_semantics=("arbitrary",)),
    )


def _prep_weights(device_table, hot_w, vg_W, vg_b, ug_W, ug_b,
                  Wte, bte, Wse, bse, Wtg, btg):
    wcat = jnp.concatenate([Wte[:, 0], Wte[:, 1], Wse[:, 0], Wtg], axis=2)
    bcat = jnp.concatenate([bte[:, 0], bte[:, 1], bse[:, 0], btg], axis=1)

    wfeed = wcat[:, 40:552, :]
    vgp = jnp.pad(vg_W, ((0, 0), (4, 120)))

    dev_rows = device_table * wcat[:, 576:577, :]
    wsm = jnp.concatenate(
        [wcat[:, 0:40], wcat[:, 556:576], wcat[:, 552:556], dev_rows],
        axis=1)

    m0 = jnp.zeros((16, 4), _f32)
    m0 = m0.at[0:4, 0].set(hot_w[:, 0]).at[4:7, 1:4].set(jnp.eye(3, dtype=_f32))
    mug = (m0 @ ug_W).at[7, :].add(ug_b)
    mvgb = jnp.zeros((16, 4), _f32).at[7, :].set(vg_b)
    muv = jnp.concatenate([m0, mvgb, mug, jnp.zeros((16, 116), _f32)], axis=1)
    return muv, vgp, wfeed, wsm, bcat


def _planes_t(w3):
    return jax.lax.dot_general(
        jnp.eye(2, dtype=_f32), w3.reshape(-1, 2), (((1,), (1,)), ((), ())),
        precision=jax.lax.Precision.HIGHEST, preferred_element_type=_f32)


_ILF = _TASKS * _NF // _NW
_ILA = _TASKS * _NA // _NW
_ILU = _TASKS * _NU // _NW


def _interleave_body(f_h, a_h, u_h,
                     fw_h, aw_h, uw_h,
                     b0v, b1v, ob, sem):
    wid = lax.axis_index("s") * 2 + lax.axis_index("c")
    lanes = lax.iota(_i32, 16)
    zeros16 = lanes * 0
    ones16 = zeros16 + 1

    def do(p_h, out_h, base, cnt):
        pltpu.sync_copy(p_h.at[0, pl.ds(base, cnt)], b0v.at[pl.ds(0, cnt)])
        pltpu.sync_copy(p_h.at[1, pl.ds(base, cnt)], b1v.at[pl.ds(0, cnt)])

        def step(k, carry):
            o = k * 16
            rowv = lanes + o
            v0 = b0v[pl.ds(o, 16)]
            v1 = b1v[pl.ds(o, 16)]
            plsc.store_scatter(ob, [rowv, zeros16], v0)
            plsc.store_scatter(ob, [rowv, ones16], v1)
            return carry

        lax.fori_loop(0, cnt // 16, step, 0)
        pltpu.sync_copy(ob.at[pl.ds(0, cnt)], out_h.at[pl.ds(base, cnt)])

    for part in range(3):
        do(f_h, fw_h, wid * _ILF + part * 5000, 5000)

    half = _TASKS * _NA // 16

    @pl.when(wid < 16)
    def _():
        do(a_h, aw_h, wid * half, half)

    @pl.when(wid >= 16)
    def _():
        do(u_h, uw_h, (wid - 16) * half, half)


def _make_interleave():
    out_type = [jax.ShapeDtypeStruct((_TASKS * _NF, 2), _f32),
                jax.ShapeDtypeStruct((_TASKS * _NA, 2), _f32),
                jax.ShapeDtypeStruct((_TASKS * _NU, 2), _f32)]
    scratch = [pltpu.VMEM((5000,), _f32), pltpu.VMEM((5000,), _f32),
               pltpu.VMEM((5000, 2), _f32), pltpu.SemaphoreType.DMA]
    mesh = plsc.VectorSubcoreMesh(core_axis_name="c", subcore_axis_name="s")
    return functools.partial(
        pl.kernel, mesh=mesh, out_type=out_type, scratch_types=scratch,
        compiler_params=pltpu.CompilerParams(use_tc_tiling_on_sc=False,
                                             needs_layout_passes=False),
    )(_interleave_body)


def _linear_pairs_all(feed_w, author_w, user_w):
    il = _make_interleave()
    return il(_planes_t(feed_w), _planes_t(author_w), _planes_t(user_w))


def kernel(fid, aid, uid, did, feed_embedding, statistics_v, uv_info,
           statistics_u, feed_table, feed_w, author_table, author_w,
           user_table, user_w, device_table, hot_w, vg_W, vg_b, ug_W, ug_b,
           Wte, bte, Wse, bse, Wtg, btg, Wt1, bt1, Wt2, bt2):
    fid = fid.astype(_i32)
    aid = aid.astype(_i32)
    uid = uid.astype(_i32)

    sc = _make_sc_gather()
    rf1, rf2, ra1, ra2, ru1, ru2, wfv, wav, wuv = sc(
        fid, aid, uid,
        feed_table.reshape(_TASKS * _NBF, _ED),
        author_table.reshape(_TASKS * _NBA, _ED),
        user_table.reshape(_TASKS * _NBU, _ED),
        *_linear_pairs_all(feed_w, author_w, user_w),
    )
    shp = (_TASKS, _B, _ED)
    rf1, rf2 = rf1.reshape(shp), rf2.reshape(shp)
    ra1, ra2 = ra1.reshape(shp), ra2.reshape(shp)
    ru1, ru2 = ru1.reshape(shp), ru2.reshape(shp)
    wfv = wfv.reshape(_TASKS, _B, 2)
    wav = wav.reshape(_TASKS, _B, 2)
    wuv = wuv.reshape(_TASKS, _B, 2)

    muv, vgp, wfeed, wsm, bcat = _prep_weights(
        device_table, hot_w, vg_W, vg_b, ug_W, ug_b,
        Wte, bte, Wse, bse, Wtg, btg)

    svu = jnp.concatenate(
        [statistics_v, uv_info, jnp.ones((_B, 1), _f32), statistics_u,
         jnp.zeros((_B, 4), _f32)], axis=1)
    dsel = (did[:, None] == jnp.arange(_ND, dtype=did.dtype)[None, :])
    dsel = dsel.astype(_f32)

    return _tc_call(512)(
        svu, dsel, feed_embedding,
        rf1, rf2, ra1, ra2, ru1, ru2, wfv, wav, wuv,
        muv, vgp, wfeed, wsm, bcat, Wt1, bt1, Wt2, bt2)

# --- scband reference (transcript-rebuilt; emitter-appended) ---
"""Pipeline reference for scband-net-18957985644861 (READ-ONLY COPY).

The authoritative reference and input builder live on the scoring server;
editing this copy changes nothing except your own understanding.
"""

import jax, jax.numpy as jnp
import numpy as np

TASKS = 4
B = 4096
ED = 20
FE = 512
EXP = 2
SH = 1
ES = 64
TS = 32
NF, NA, NU, ND = 120000, 20000, 20000, 2
NBF, NBA, NBU = NF // 10, NA // 10, NU // 10
FEAT = ED * 3 + FE + 5


def _hash_embed(table, w, ids, nb):
    m = ids % nb
    h1 = (m * (1000003 % nb) + 11) % nb
    h2 = (m * (999983 % nb) + 97) % nb
    return w[ids, 0:1] * table[h1] + w[ids, 1:2] * table[h2]


def _forward(fid, aid, uid, did, feed_embedding, statistics_v, uv_info, statistics_u,
             feed_table, feed_w, author_table, author_w, user_table, user_w,
             device_table, hot_w, vg_W, vg_b, ug_W, ug_b,
             Wte, bte, Wse, bse, Wtg, btg, Wt1, bt1, Wt2, bt2):
    hot = statistics_v @ hot_w
    uv = jnp.concatenate([hot, uv_info], axis=-1)
    vg = jax.nn.sigmoid(feed_embedding @ vg_W + vg_b)
    ug = jax.nn.sigmoid(uv @ ug_W + ug_b)
    gate = vg + ug
    stat_u = (1.0 + gate) * statistics_u
    res = []
    for i in range(TASKS):
        fe = _hash_embed(feed_table[i], feed_w[i], fid, NBF)
        ae = _hash_embed(author_table[i], author_w[i], aid, NBA)
        ue = _hash_embed(user_table[i], user_w[i], uid, NBU)
        de = device_table[i][did]
        uinfo = jnp.concatenate([ue, de], axis=-1)
        x = jnp.concatenate([fe, ae, feed_embedding, uv, uinfo], axis=-1)
        experts = [jax.nn.relu(x @ Wte[i, j] + bte[i, j]) for j in range(EXP)]
        experts += [jax.nn.relu(x @ Wse[i, j] + bse[i, j]) for j in range(SH)]
        e = jnp.stack(experts, axis=1)
        g = jax.nn.softmax(x @ Wtg[i] + btg[i], axis=-1)
        h = jnp.sum(g[:, :, None] * e, axis=1)
        t = jax.nn.relu(h @ Wt1[i] + bt1[i])
        res.append(t @ Wt2[i] + bt2[i])
    s = stat_u.T[:, :, None]
    s = jnp.concatenate([1.0 - s, s], axis=-1)
    return jnp.stack([res[i] + s[i] for i in range(TASKS)], axis=0)


def setup_inputs(seed: int = 0):
    key = jax.random.key(seed)
    ks = jax.random.split(key, 40)
    sc = 0.05
    d = {}
    d["fid"] = jax.random.randint(ks[0], (B,), 0, NF)
    d["aid"] = jax.random.randint(ks[1], (B,), 0, NA)
    d["uid"] = jax.random.randint(ks[2], (B,), 0, NU)
    d["did"] = jax.random.randint(ks[3], (B,), 0, ND)
    d["feed_embedding"] = jax.random.normal(ks[4], (B, FE), dtype=jnp.float32)
    d["statistics_v"] = jax.random.normal(ks[5], (B, 4), dtype=jnp.float32)
    d["uv_info"] = jax.random.normal(ks[6], (B, 3), dtype=jnp.float32)
    d["statistics_u"] = jax.random.uniform(ks[7], (B, 4), dtype=jnp.float32)
    d["feed_table"] = jax.random.normal(ks[8], (TASKS, NBF, ED), dtype=jnp.float32) * sc
    d["feed_w"] = jax.random.normal(ks[9], (TASKS, NF, 2), dtype=jnp.float32) * sc
    d["author_table"] = jax.random.normal(ks[10], (TASKS, NBA, ED), dtype=jnp.float32) * sc
    d["author_w"] = jax.random.normal(ks[11], (TASKS, NA, 2), dtype=jnp.float32) * sc
    d["user_table"] = jax.random.normal(ks[12], (TASKS, NBU, ED), dtype=jnp.float32) * sc
    d["user_w"] = jax.random.normal(ks[13], (TASKS, NU, 2), dtype=jnp.float32) * sc
    d["device_table"] = jax.random.normal(ks[14], (TASKS, ND, 1), dtype=jnp.float32) * sc
    d["hot_w"] = jax.random.normal(ks[15], (4, 1), dtype=jnp.float32) * sc
    d["vg_W"] = jax.random.normal(ks[16], (FE, 4), dtype=jnp.float32) * sc
    d["vg_b"] = jnp.zeros((4,), jnp.float32)
    d["ug_W"] = jax.random.normal(ks[17], (4, 4), dtype=jnp.float32) * sc
    d["ug_b"] = jnp.zeros((4,), jnp.float32)
    d["Wte"] = jax.random.normal(ks[18], (TASKS, EXP, FEAT, ES), dtype=jnp.float32) * sc
    d["bte"] = jnp.zeros((TASKS, EXP, ES), jnp.float32)
    d["Wse"] = jax.random.normal(ks[19], (TASKS, SH, FEAT, ES), dtype=jnp.float32) * sc
    d["bse"] = jnp.zeros((TASKS, SH, ES), jnp.float32)
    d["Wtg"] = jax.random.normal(ks[20], (TASKS, FEAT, EXP + SH), dtype=jnp.float32) * sc
    d["btg"] = jnp.zeros((TASKS, EXP + SH), jnp.float32)
    d["Wt1"] = jax.random.normal(ks[21], (TASKS, ES, TS), dtype=jnp.float32) * sc
    d["bt1"] = jnp.zeros((TASKS, TS), jnp.float32)
    d["Wt2"] = jax.random.normal(ks[22], (TASKS, TS, 2), dtype=jnp.float32) * sc
    d["bt2"] = jnp.zeros((TASKS, 2), jnp.float32)
    return d


def reference(fid, aid, uid, did, feed_embedding, statistics_v, uv_info, statistics_u,
              feed_table, feed_w, author_table, author_w, user_table, user_w,
              device_table, hot_w, vg_W, vg_b, ug_W, ug_b,
              Wte, bte, Wse, bse, Wtg, btg, Wt1, bt1, Wt2, bt2):
    return _forward(fid=fid, aid=aid, uid=uid, did=did,
                    feed_embedding=feed_embedding, statistics_v=statistics_v,
                    uv_info=uv_info, statistics_u=statistics_u,
                    feed_table=feed_table, feed_w=feed_w,
                    author_table=author_table, author_w=author_w,
                    user_table=user_table, user_w=user_w,
                    device_table=device_table, hot_w=hot_w,
                    vg_W=vg_W, vg_b=vg_b, ug_W=ug_W, ug_b=ug_b,
                    Wte=Wte, bte=bte, Wse=Wse, bse=bse, Wtg=Wtg, btg=btg,
                    Wt1=Wt1, bt1=bt1, Wt2=Wt2, bt2=bt2)

if __name__ == "__main__":
    import jax
    _d = setup_inputs()
    print(jax.jit(kernel)(*tuple(_d.values())))

</pallas_src>

<mosaic_0001>
#map = affine_map<(d0, d1) -> (0, 0)>
module attributes {stable_mosaic.version = 14 : i64} {
  func.func @_interleave_body(%arg0: i32, %arg1: i32, %arg2: memref<2x480000xf32, #tpu.memory_space<hbm>>, %arg3: memref<2x80000xf32, #tpu.memory_space<hbm>>, %arg4: memref<2x80000xf32, #tpu.memory_space<hbm>>, %arg5: memref<480000x2xf32, #tpu.memory_space<hbm>>, %arg6: memref<80000x2xf32, #tpu.memory_space<hbm>>, %arg7: memref<80000x2xf32, #tpu.memory_space<hbm>>, %arg8: memref<5000xf32, #tpu.memory_space<vmem>>, %arg9: memref<5000xf32, #tpu.memory_space<vmem>>, %arg10: memref<5000x2xf32, #tpu.memory_space<vmem>>, %arg11: memref<!tpu.dma_semaphore, #tpu.memory_space<semaphore_mem>>) attributes {dimension_semantics = [#tpu.dimension_semantics<core_parallel>, #tpu.dimension_semantics<subcore_parallel>], iteration_bounds = array<i64: 2, 16>, scalar_prefetch = 0 : i64, scratch_operands = 4 : i64, tpu.core_type = #tpu.core_type<sc_vector_subcore>, window_params = [{transform_indices = #map}, {transform_indices = #map}, {transform_indices = #map}, {transform_indices = #map}, {transform_indices = #map}, {transform_indices = #map}]} {
    %mul3A = arith.constant 2 : i32
    %mul3A_0 = arith.muli %arg1, %mul3A : i32
    %add3A = arith.addi %mul3A_0, %arg0 : i32
    %iota3A = tpu.iota {dimensions = array<i32: 0>} : vector<16xi32>
    %mul3A_1 = arith.constant 0 : i32
    %mul3A_2 = vector.broadcast %mul3A_1 : i32 to vector<16xi32>
    %mul3A_3 = arith.muli %iota3A, %mul3A_2 : vector<16xi32>
    %add3A_4 = arith.constant 1 : i32
    %add3A_5 = vector.broadcast %add3A_4 : i32 to vector<16xi32>
    %add3A_6 = arith.addi %mul3A_3, %add3A_5 : vector<16xi32>
    %mul3A_7 = arith.constant 15000 : i32
    %mul3A_8 = arith.muli %add3A, %mul3A_7 : i32
    %add3A_9 = arith.constant 0 : i32
    %add3A_10 = arith.addi %mul3A_8, %add3A_9 : i32
    %run_scoped3A = arith.constant 0 : i32
    "tpu.region"() ({
      %run_scoped3A_47 = tpu.sem_alloc : memref<!tpu.dma_semaphore, #tpu.memory_space<semaphore_mem>>
      %dma_start3A = arith.constant 0 : i32
      %dma_start3A_48 = tpu.memref_slice %arg8[%dma_start3A] : memref<5000xf32, #tpu.memory_space<vmem>> -> memref<5000xf32, #tpu.memory_space<vmem>>
      %dma_start3A_49 = tpu.memref_slice %arg2[%run_scoped3A, %add3A_10] : memref<2x480000xf32, #tpu.memory_space<hbm>> -> memref<1x5000xf32, #tpu.memory_space<hbm>>
      %dma_start3A_50 = tpu.memref_squeeze %dma_start3A_49 : memref<1x5000xf32, #tpu.memory_space<hbm>> -> memref<5000xf32, #tpu.memory_space<hbm>>
      %dma_start3A_51 = arith.constant 0 : i32
      %dma_start3A_52 = tpu.memref_slice %arg8[%dma_start3A_51] : memref<5000xf32, #tpu.memory_space<vmem>> -> memref<5000xf32, #tpu.memory_space<vmem>>
      %dma_start3A_53 = tpu.memref_slice %arg2[%run_scoped3A, %add3A_10] : memref<2x480000xf32, #tpu.memory_space<hbm>> -> memref<1x5000xf32, #tpu.memory_space<hbm>>
      %dma_start3A_54 = tpu.memref_squeeze %dma_start3A_53 : memref<1x5000xf32, #tpu.memory_space<hbm>> -> memref<5000xf32, #tpu.memory_space<hbm>>
      tpu.enqueue_dma source(%dma_start3A_54 : memref<5000xf32, #tpu.memory_space<hbm>>) target(%dma_start3A_52 : memref<5000xf32, #tpu.memory_space<vmem>>) target_semaphore(%run_scoped3A_47 : memref<!tpu.dma_semaphore, #tpu.memory_space<semaphore_mem>>)
      %dma_wait3A = arith.constant 0 : i32
      %dma_wait3A_55 = tpu.memref_slice %arg8[%dma_wait3A] : memref<5000xf32, #tpu.memory_space<vmem>> -> memref<5000xf32, #tpu.memory_space<vmem>>
      %dma_wait3A_56 = tpu.memref_slice %arg2[%run_scoped3A, %add3A_10] : memref<2x480000xf32, #tpu.memory_space<hbm>> -> memref<1x5000xf32, #tpu.memory_space<hbm>>
      %dma_wait3A_57 = tpu.memref_squeeze %dma_wait3A_56 : memref<1x5000xf32, #tpu.memory_space<hbm>> -> memref<5000xf32, #tpu.memory_space<hbm>>
      %dma_wait3A_58 = arith.constant 0 : i32
      %dma_wait3A_59 = tpu.memref_slice %arg8[%dma_wait3A_58] : memref<5000xf32, #tpu.memory_space<vmem>> -> memref<5000xf32, #tpu.memory_space<vmem>>
      %dma_wait3A_60 = tpu.memref_slice %arg2[%run_scoped3A, %add3A_10] : memref<2x480000xf32, #tpu.memory_space<hbm>> -> memref<1x5000xf32, #tpu.memory_space<hbm>>
      %dma_wait3A_61 = tpu.memref_squeeze %dma_wait3A_60 : memref<1x5000xf32, #tpu.memory_space<hbm>> -> memref<5000xf32, #tpu.memory_space<hbm>>
      tpu.wait_dma2 semaphore(%run_scoped3A_47 : memref<!tpu.dma_semaphore, #tpu.memory_space<semaphore_mem>>) src(%dma_wait3A_61 : memref<5000xf32, #tpu.memory_space<hbm>>) dst(%dma_wait3A_59 : memref<5000xf32, #tpu.memory_space<vmem>>)
      tpu.yield
    }) : () -> ()
    %run_scoped3A_11 = arith.constant 1 : i32
    "tpu.region"() ({
      %run_scoped3A_47 = tpu.sem_alloc : memref<!tpu.dma_semaphore, #tpu.memory_space<semaphore_mem>>
      %dma_start3A = arith.constant 0 : i32
      %dma_start3A_48 = tpu.memref_slice %arg9[%dma_start3A] : memref<5000xf32, #tpu.memory_space<vmem>> -> memref<5000xf32, #tpu.memory_space<vmem>>
      %dma_start3A_49 = tpu.memref_slice %arg2[%run_scoped3A_11, %add3A_10] : memref<2x480000xf32, #tpu.memory_space<hbm>> -> memref<1x5000xf32, #tpu.memory_space<hbm>>
      %dma_start3A_50 = tpu.memref_squeeze %dma_start3A_49 : memref<1x5000xf32, #tpu.memory_space<hbm>> -> memref<5000xf32, #tpu.memory_space<hbm>>
      %dma_start3A_51 = arith.constant 0 : i32
      %dma_start3A_52 = tpu.memref_slice %arg9[%dma_start3A_51] : memref<5000xf32, #tpu.memory_space<vmem>> -> memref<5000xf32, #tpu.memory_space<vmem>>
      %dma_start3A_53 = tpu.memref_slice %arg2[%run_scoped3A_11, %add3A_10] : memref<2x480000xf32, #tpu.memory_space<hbm>> -> memref<1x5000xf32, #tpu.memory_space<hbm>>
      %dma_start3A_54 = tpu.memref_squeeze %dma_start3A_53 : memref<1x5000xf32, #tpu.memory_space<hbm>> -> memref<5000xf32, #tpu.memory_space<hbm>>
      tpu.enqueue_dma source(%dma_start3A_54 : memref<5000xf32, #tpu.memory_space<hbm>>) target(%dma_start3A_52 : memref<5000xf32, #tpu.memory_space<vmem>>) target_semaphore(%run_scoped3A_47 : memref<!tpu.dma_semaphore, #tpu.memory_space<semaphore_mem>>)
      %dma_wait3A = arith.constant 0 : i32
      %dma_wait3A_55 = tpu.memref_slice %arg9[%dma_wait3A] : memref<5000xf32, #tpu.memory_space<vmem>> -> memref<5000xf32, #tpu.memory_space<vmem>>
      %dma_wait3A_56 = tpu.memref_slice %arg2[%run_scoped3A_11, %add3A_10] : memref<2x480000xf32, #tpu.memory_space<hbm>> -> memref<1x5000xf32, #tpu.memory_space<hbm>>
      %dma_wait3A_57 = tpu.memref_squeeze %dma_wait3A_56 : memref<1x5000xf32, #tpu.memory_space<hbm>> -> memref<5000xf32, #tpu.memory_space<hbm>>
      %dma_wait3A_58 = arith.constant 0 : i32
      %dma_wait3A_59 = tpu.memref_slice %arg9[%dma_wait3A_58] : memref<5000xf32, #tpu.memory_space<vmem>> -> memref<5000xf32, #tpu.memory_space<vmem>>
      %dma_wait3A_60 = tpu.memref_slice %arg2[%run_scoped3A_11, %add3A_10] : memref<2x480000xf32, #tpu.memory_space<hbm>> -> memref<1x5000xf32, #tpu.memory_space<hbm>>
      %dma_wait3A_61 = tpu.memref_squeeze %dma_wait3A_60 : memref<1x5000xf32, #tpu.memory_space<hbm>> -> memref<5000xf32, #tpu.memory_space<hbm>>
      tpu.wait_dma2 semaphore(%run_scoped3A_47 : memref<!tpu.dma_semaphore, #tpu.memory_space<semaphore_mem>>) src(%dma_wait3A_61 : memref<5000xf32, #tpu.memory_space<hbm>>) dst(%dma_wait3A_59 : memref<5000xf32, #tpu.memory_space<vmem>>)
      tpu.yield
    }) : () -> ()
    %scan3A = arith.constant 0 : i32
    %scan3A_12 = arith.constant 0 : i32
    %scan3A_13 = arith.constant 312 : i32
    %scan3A_14 = arith.addi %scan3A_12, %scan3A_13 : i32
    %scan3A_15 = arith.constant 1 : i32
    scf.for %scan3A_47 = %scan3A_12 to %scan3A_14 step %scan3A_15  : i32 {
      %mul3A_48 = arith.constant 16 : i32
      %mul3A_49 = arith.muli %scan3A_47, %mul3A_48 : i32
      %add3A_50 = vector.broadcast %mul3A_49 : i32 to vector<16xi32>
      %add3A_51 = arith.addi %iota3A, %add3A_50 : vector<16xi32>
      %get3A = arith.index_cast %mul3A_49 : i32 to index
      %get3A_52 = tpu.vector_load %arg8[%get3A] {strides = array<i32>} : memref<5000xf32, #tpu.memory_space<vmem>>, vector<16xf32>,
      %get3A_53 = arith.index_cast %mul3A_49 : i32 to index
      %get3A_54 = tpu.vector_load %arg9[%get3A_53] {strides = array<i32>} : memref<5000xf32, #tpu.memory_space<vmem>>, vector<16xf32>,
      tpu.vector_store_idx %arg10[%add3A_51, %mul3A_3], %get3A_52 : memref<5000x2xf32, #tpu.memory_space<vmem>>[vector<16xi32>, vector<16xi32>], vector<16xf32>,
      tpu.vector_store_idx %arg10[%add3A_51, %add3A_6], %get3A_54 : memref<5000x2xf32, #tpu.memory_space<vmem>>[vector<16xi32>, vector<16xi32>], vector<16xf32>,
    }
    %scan3A_16 = arith.constant 312 : i32
    "tpu.region"() ({
      %run_scoped3A_47 = tpu.sem_alloc : memref<!tpu.dma_semaphore, #tpu.memory_space<semaphore_mem>>
      %dma_start3A = arith.constant 0 : i32
      %dma_start3A_48 = arith.constant 0 : i32
      %dma_start3A_49 = tpu.memref_slice %arg10[%dma_start3A, %dma_start3A_48] : memref<5000x2xf32, #tpu.memory_space<vmem>> -> memref<5000x2xf32, #tpu.memory_space<vmem>>
      %dma_start3A_50 = arith.constant 0 : i32
      %dma_start3A_51 = tpu.memref_slice %arg5[%add3A_10, %dma_start3A_50] : memref<480000x2xf32, #tpu.memory_space<hbm>> -> memref<5000x2xf32, #tpu.memory_space<hbm>>
      %dma_start3A_52 = arith.constant 0 : i32
      %dma_start3A_53 = tpu.memref_slice %arg5[%add3A_10, %dma_start3A_52] : memref<480000x2xf32, #tpu.memory_space<hbm>> -> memref<5000x2xf32, #tpu.memory_space<hbm>>
      %dma_start3A_54 = arith.constant 0 : i32
      %dma_start3A_55 = arith.constant 0 : i32
      %dma_start3A_56 = tpu.memref_slice %arg10[%dma_start3A_54, %dma_start3A_55] : memref<5000x2xf32, #tpu.memory_space<vmem>> -> memref<5000x2xf32, #tpu.memory_space<vmem>>
      tpu.enqueue_dma source(%dma_start3A_56 : memref<5000x2xf32, #tpu.memory_space<vmem>>) target(%dma_start3A_53 : memref<5000x2xf32, #tpu.memory_space<hbm>>) target_semaphore(%run_scoped3A_47 : memref<!tpu.dma_semaphore, #tpu.memory_space<semaphore_mem>>)
      %dma_wait3A = arith.constant 0 : i32
      %dma_wait3A_57 = arith.constant 0 : i32
      %dma_wait3A_58 = tpu.memref_slice %arg10[%dma_wait3A, %dma_wait3A_57] : memref<5000x2xf32, #tpu.memory_space<vmem>> -> memref<5000x2xf32, #tpu.memory_space<vmem>>
      %dma_wait3A_59 = arith.constant 0 : i32
      %dma_wait3A_60 = tpu.memref_slice %arg5[%add3A_10, %dma_wait3A_59] : memref<480000x2xf32, #tpu.memory_space<hbm>> -> memref<5000x2xf32, #tpu.memory_space<hbm>>
      %dma_wait3A_61 = arith.constant 0 : i32
      %dma_wait3A_62 = tpu.memref_slice %arg5[%add3A_10, %dma_wait3A_61] : memref<480000x2xf32, #tpu.memory_space<hbm>> -> memref<5000x2xf32, #tpu.memory_space<hbm>>
      %dma_wait3A_63 = arith.constant 0 : i32
      %dma_wait3A_64 = arith.constant 0 : i32
      %dma_wait3A_65 = tpu.memref_slice %arg10[%dma_wait3A_63, %dma_wait3A_64] : memref<5000x2xf32, #tpu.memory_space<vmem>> -> memref<5000x2xf32, #tpu.memory_space<vmem>>
      tpu.wait_dma2 semaphore(%run_scoped3A_47 : memref<!tpu.dma_semaphore, #tpu.memory_space<semaphore_mem>>) src(%dma_wait3A_65 : memref<5000x2xf32, #tpu.memory_space<vmem>>) dst(%dma_wait3A_62 : memref<5000x2xf32, #tpu.memory_space<hbm>>)
      tpu.yield
    }) : () -> ()
    %mul3A_17 = arith.constant 15000 : i32
    %mul3A_18 = arith.muli %add3A, %mul3A_17 : i32
    %add3A_19 = arith.constant 5000 : i32
    %add3A_20 = arith.addi %mul3A_18, %add3A_19 : i32
    %run_scoped3A_21 = arith.constant 0 : i32
    "tpu.region"() ({
      %run_scoped3A_47 = tpu.sem_alloc : memref<!tpu.dma_semaphore, #tpu.memory_space<semaphore_mem>>
      %dma_start3A = arith.constant 0 : i32
      %dma_start3A_48 = tpu.memref_slice %arg8[%dma_start3A] : memref<5000xf32, #tpu.memory_space<vmem>> -> memref<5000xf32, #tpu.memory_space<vmem>>
      %dma_start3A_49 = tpu.memref_slice %arg2[%run_scoped3A_21, %add3A_20] : memref<2x480000xf32, #tpu.memory_space<hbm>> -> memref<1x5000xf32, #tpu.memory_space<hbm>>
      %dma_start3A_50 = tpu.memref_squeeze %dma_start3A_49 : memref<1x5000xf32, #tpu.memory_space<hbm>> -> memref<5000xf32, #tpu.memory_space<hbm>>
      %dma_start3A_51 = arith.constant 0 : i32
      %dma_start3A_52 = tpu.memref_slice %arg8[%dma_start3A_51] : memref<5000xf32, #tpu.memory_space<vmem>> -> memref<5000xf32, #tpu.memory_space<vmem>>
      %dma_start3A_53 = tpu.memref_slice %arg2[%run_scoped3A_21, %add3A_20] : memref<2x480000xf32, #tpu.memory_space<hbm>> -> memref<1x5000xf32, #tpu.memory_space<hbm>>
      %dma_start3A_54 = tpu.memref_squeeze %dma_start3A_53 : memref<1x5000xf32, #tpu.memory_space<hbm>> -> memref<5000xf32, #tpu.memory_space<hbm>>
      tpu.enqueue_dma source(%dma_start3A_54 : memref<5000xf32, #tpu.memory_space<hbm>>) target(%dma_start3A_52 : memref<5000xf32, #tpu.memory_space<vmem>>) target_semaphore(%run_scoped3A_47 : memref<!tpu.dma_semaphore, #tpu.memory_space<semaphore_mem>>)
      %dma_wait3A = arith.constant 0 : i32
      %dma_wait3A_55 = tpu.memref_slice %arg8[%dma_wait3A] : memref<5000xf32, #tpu.memory_space<vmem>> -> memref<5000xf32, #tpu.memory_space<vmem>>
      %dma_wait3A_56 = tpu.memref_slice %arg2[%run_scoped3A_21, %add3A_20] : memref<2x480000xf32, #tpu.memory_space<hbm>> -> memref<1x5000xf32, #tpu.memory_space<hbm>>
      %dma_wait3A_57 = tpu.memref_squeeze %dma_wait3A_56 : memref<1x5000xf32, #tpu.memory_space<hbm>> -> memref<5000xf32, #tpu.memory_space<hbm>>
      %dma_wait3A_58 = arith.constant 0 : i32
      %dma_wait3A_59 = tpu.memref_slice %arg8[%dma_wait3A_58] : memref<5000xf32, #tpu.memory_space<vmem>> -> memref<5000xf32, #tpu.memory_space<vmem>>
      %dma_wait3A_60 = tpu.memref_slice %arg2[%run_scoped3A_21, %add3A_20] : memref<2x480000xf32, #tpu.memory_space<hbm>> -> memref<1x5000xf32, #tpu.memory_space<hbm>>
      %dma_wait3A_61 = tpu.memref_squeeze %dma_wait3A_60 : memref<1x5000xf32, #tpu.memory_space<hbm>> -> memref<5000xf32, #tpu.memory_space<hbm>>
      tpu.wait_dma2 semaphore(%run_scoped3A_47 : memref<!tpu.dma_semaphore, #tpu.memory_space<semaphore_mem>>) src(%dma_wait3A_61 : memref<5000xf32, #tpu.memory_space<hbm>>) dst(%dma_wait3A_59 : memref<5000xf32, #tpu.memory_space<vmem>>)
      tpu.yield
    }) : () -> ()
    %run_scoped3A_22 = arith.constant 1 : i32
    "tpu.region"() ({
      %run_scoped3A_47 = tpu.sem_alloc : memref<!tpu.dma_semaphore, #tpu.memory_space<semaphore_mem>>
      %dma_start3A = arith.constant 0 : i32
      %dma_start3A_48 = tpu.memref_slice %arg9[%dma_start3A] : memref<5000xf32, #tpu.memory_space<vmem>> -> memref<5000xf32, #tpu.memory_space<vmem>>
      %dma_start3A_49 = tpu.memref_slice %arg2[%run_scoped3A_22, %add3A_20] : memref<2x480000xf32, #tpu.memory_space<hbm>> -> memref<1x5000xf32, #tpu.memory_space<hbm>>
      %dma_start3A_50 = tpu.memref_squeeze %dma_start3A_49 : memref<1x5000xf32, #tpu.memory_space<hbm>> -> memref<5000xf32, #tpu.memory_space<hbm>>
      %dma_start3A_51 = arith.constant 0 : i32
      %dma_start3A_52 = tpu.memref_slice %arg9[%dma_start3A_51] : memref<5000xf32, #tpu.memory_space<vmem>> -> memref<5000xf32, #tpu.memory_space<vmem>>
      %dma_start3A_53 = tpu.memref_slice %arg2[%run_scoped3A_22, %add3A_20] : memref<2x480000xf32, #tpu.memory_space<hbm>> -> memref<1x5000xf32, #tpu.memory_space<hbm>>
      %dma_start3A_54 = tpu.memref_squeeze %dma_start3A_53 : memref<1x5000xf32, #tpu.memory_space<hbm>> -> memref<5000xf32, #tpu.memory_space<hbm>>
      tpu.enqueue_dma source(%dma_start3A_54 : memref<5000xf32, #tpu.memory_space<hbm>>) target(%dma_start3A_52 : memref<5000xf32, #tpu.memory_space<vmem>>) target_semaphore(%run_scoped3A_47 : memref<!tpu.dma_semaphore, #tpu.memory_space<semaphore_mem>>)
      %dma_wait3A = arith.constant 0 : i32
      %dma_wait3A_55 = tpu.memref_slice %arg9[%dma_wait3A] : memref<5000xf32, #tpu.memory_space<vmem>> -> memref<5000xf32, #tpu.memory_space<vmem>>
      %dma_wait3A_56 = tpu.memref_slice %arg2[%run_scoped3A_22, %add3A_20] : memref<2x480000xf32, #tpu.memory_space<hbm>> -> memref<1x5000xf32, #tpu.memory_space<hbm>>
      %dma_wait3A_57 = tpu.memref_squeeze %dma_wait3A_56 : memref<1x5000xf32, #tpu.memory_space<hbm>> -> memref<5000xf32, #tpu.memory_space<hbm>>
      %dma_wait3A_58 = arith.constant 0 : i32
      %dma_wait3A_59 = tpu.memref_slice %arg9[%dma_wait3A_58] : memref<5000xf32, #tpu.memory_space<vmem>> -> memref<5000xf32, #tpu.memory_space<vmem>>
      %dma_wait3A_60 = tpu.memref_slice %arg2[%run_scoped3A_22, %add3A_20] : memref<2x480000xf32, #tpu.memory_space<hbm>> -> memref<1x5000xf32, #tpu.memory_space<hbm>>
      %dma_wait3A_61 = tpu.memref_squeeze %dma_wait3A_60 : memref<1x5000xf32, #tpu.memory_space<hbm>> -> memref<5000xf32, #tpu.memory_space<hbm>>
      tpu.wait_dma2 semaphore(%run_scoped3A_47 : memref<!tpu.dma_semaphore, #tpu.memory_space<semaphore_mem>>) src(%dma_wait3A_61 : memref<5000xf32, #tpu.memory_space<hbm>>) dst(%dma_wait3A_59 : memref<5000xf32, #tpu.memory_space<vmem>>)
      tpu.yield
    }) : () -> ()
    %scan3A_23 = arith.constant 0 : i32
    %scan3A_24 = arith.constant 0 : i32
    %scan3A_25 = arith.constant 312 : i32
    %scan3A_26 = arith.addi %scan3A_24, %scan3A_25 : i32
    %scan3A_27 = arith.constant 1 : i32
    scf.for %scan3A_47 = %scan3A_24 to %scan3A_26 step %scan3A_27  : i32 {
      %mul3A_48 = arith.constant 16 : i32
      %mul3A_49 = arith.muli %scan3A_47, %mul3A_48 : i32
      %add3A_50 = vector.broadcast %mul3A_49 : i32 to vector<16xi32>
      %add3A_51 = arith.addi %iota3A, %add3A_50 : vector<16xi32>
      %get3A = arith.index_cast %mul3A_49 : i32 to index
      %get3A_52 = tpu.vector_load %arg8[%get3A] {strides = array<i32>} : memref<5000xf32, #tpu.memory_space<vmem>>, vector<16xf32>,
      %get3A_53 = arith.index_cast %mul3A_49 : i32 to index
      %get3A_54 = tpu.vector_load %arg9[%get3A_53] {strides = array<i32>} : memref<5000xf32, #tpu.memory_space<vmem>>, vector<16xf32>,
      tpu.vector_store_idx %arg10[%add3A_51, %mul3A_3], %get3A_52 : memref<5000x2xf32, #tpu.memory_space<vmem>>[vector<16xi32>, vector<16xi32>], vector<16xf32>,
      tpu.vector_store_idx %arg10[%add3A_51, %add3A_6], %get3A_54 : memref<5000x2xf32, #tpu.memory_space<vmem>>[vector<16xi32>, vector<16xi32>], vector<16xf32>,
    }
    %scan3A_28 = arith.constant 312 : i32
    "tpu.region"() ({
      %run_scoped3A_47 = tpu.sem_alloc : memref<!tpu.dma_semaphore, #tpu.memory_space<semaphore_mem>>
      %dma_start3A = arith.constant 0 : i32
      %dma_start3A_48 = arith.constant 0 : i32
      %dma_start3A_49 = tpu.memref_slice %arg10[%dma_start3A, %dma_start3A_48] : memref<5000x2xf32, #tpu.memory_space<vmem>> -> memref<5000x2xf32, #tpu.memory_space<vmem>>
      %dma_start3A_50 = arith.constant 0 : i32
      %dma_start3A_51 = tpu.memref_slice %arg5[%add3A_20, %dma_start3A_50] : memref<480000x2xf32, #tpu.memory_space<hbm>> -> memref<5000x2xf32, #tpu.memory_space<hbm>>
      %dma_start3A_52 = arith.constant 0 : i32
      %dma_start3A_53 = tpu.memref_slice %arg5[%add3A_20, %dma_start3A_52] : memref<480000x2xf32, #tpu.memory_space<hbm>> -> memref<5000x2xf32, #tpu.memory_space<hbm>>
      %dma_start3A_54 = arith.constant 0 : i32
      %dma_start3A_55 = arith.constant 0 : i32
      %dma_start3A_56 = tpu.memref_slice %arg10[%dma_start3A_54, %dma_start3A_55] : memref<5000x2xf32, #tpu.memory_space<vmem>> -> memref<5000x2xf32, #tpu.memory_space<vmem>>
      tpu.enqueue_dma source(%dma_start3A_56 : memref<5000x2xf32, #tpu.memory_space<vmem>>) target(%dma_start3A_53 : memref<5000x2xf32, #tpu.memory_space<hbm>>) target_semaphore(%run_scoped3A_47 : memref<!tpu.dma_semaphore, #tpu.memory_space<semaphore_mem>>)
      %dma_wait3A = arith.constant 0 : i32
      %dma_wait3A_57 = arith.constant 0 : i32
      %dma_wait3A_58 = tpu.memref_slice %arg10[%dma_wait3A, %dma_wait3A_57] : memref<5000x2xf32, #tpu.memory_space<vmem>> -> memref<5000x2xf32, #tpu.memory_space<vmem>>
      %dma_wait3A_59 = arith.constant 0 : i32
      %dma_wait3A_60 = tpu.memref_slice %arg5[%add3A_20, %dma_wait3A_59] : memref<480000x2xf32, #tpu.memory_space<hbm>> -> memref<5000x2xf32, #tpu.memory_space<hbm>>
      %dma_wait3A_61 = arith.constant 0 : i32
      %dma_wait3A_62 = tpu.memref_slice %arg5[%add3A_20, %dma_wait3A_61] : memref<480000x2xf32, #tpu.memory_space<hbm>> -> memref<5000x2xf32, #tpu.memory_space<hbm>>
      %dma_wait3A_63 = arith.constant 0 : i32
      %dma_wait3A_64 = arith.constant 0 : i32
      %dma_wait3A_65 = tpu.memref_slice %arg10[%dma_wait3A_63, %dma_wait3A_64] : memref<5000x2xf32, #tpu.memory_space<vmem>> -> memref<5000x2xf32, #tpu.memory_space<vmem>>
      tpu.wait_dma2 semaphore(%run_scoped3A_47 : memref<!tpu.dma_semaphore, #tpu.memory_space<semaphore_mem>>) src(%dma_wait3A_65 : memref<5000x2xf32, #tpu.memory_space<vmem>>) dst(%dma_wait3A_62 : memref<5000x2xf32, #tpu.memory_space<hbm>>)
      tpu.yield
    }) : () -> ()
    %mul3A_29 = arith.constant 15000 : i32
    %mul3A_30 = arith.muli %add3A, %mul3A_29 : i32
    %add3A_31 = arith.constant 10000 : i32
    %add3A_32 = arith.addi %mul3A_30, %add3A_31 : i32
    %run_scoped3A_33 = arith.constant 0 : i32
    "tpu.region"() ({
      %run_scoped3A_47 = tpu.sem_alloc : memref<!tpu.dma_semaphore, #tpu.memory_space<semaphore_mem>>
      %dma_start3A = arith.constant 0 : i32
      %dma_start3A_48 = tpu.memref_slice %arg8[%dma_start3A] : memref<5000xf32, #tpu.memory_space<vmem>> -> memref<5000xf32, #tpu.memory_space<vmem>>
      %dma_start3A_49 = tpu.memref_slice %arg2[%run_scoped3A_33, %add3A_32] : memref<2x480000xf32, #tpu.memory_space<hbm>> -> memref<1x5000xf32, #tpu.memory_space<hbm>>
      %dma_start3A_50 = tpu.memref_squeeze %dma_start3A_49 : memref<1x5000xf32, #tpu.memory_space<hbm>> -> memref<5000xf32, #tpu.memory_space<hbm>>
      %dma_start3A_51 = arith.constant 0 : i32
      %dma_start3A_52 = tpu.memref_slice %arg8[%dma_start3A_51] : memref<5000xf32, #tpu.memory_space<vmem>> -> memref<5000xf32, #tpu.memory_space<vmem>>
      %dma_start3A_53 = tpu.memref_slice %arg2[%run_scoped3A_33, %add3A_32] : memref<2x480000xf32, #tpu.memory_space<hbm>> -> memref<1x5000xf32, #tpu.memory_space<hbm>>
      %dma_start3A_54 = tpu.memref_squeeze %dma_start3A_53 : memref<1x5000xf32, #tpu.memory_space<hbm>> -> memref<5000xf32, #tpu.memory_space<hbm>>
      tpu.enqueue_dma source(%dma_start3A_54 : memref<5000xf32, #tpu.memory_space<hbm>>) target(%dma_start3A_52 : memref<5000xf32, #tpu.memory_space<vmem>>) target_semaphore(%run_scoped3A_47 : memref<!tpu.dma_semaphore, #tpu.memory_space<semaphore_mem>>)
      %dma_wait3A = arith.constant 0 : i32
      %dma_wait3A_55 = tpu.memref_slice %arg8[%dma_wait3A] : memref<5000xf32, #tpu.memory_space<vmem>> -> memref<5000xf32, #tpu.memory_space<vmem>>
      %dma_wait3A_56 = tpu.memref_slice %arg2[%run_scoped3A_33, %add3A_32] : memref<2x480000xf32, #tpu.memory_space<hbm>> -> memref<1x5000xf32, #tpu.memory_space<hbm>>
      %dma_wait3A_57 = tpu.memref_squeeze %dma_wait3A_56 : memref<1x5000xf32, #tpu.memory_space<hbm>> -> memref<5000xf32, #tpu.memory_space<hbm>>
      %dma_wait3A_58 = arith.constant 0 : i32
      %dma_wait3A_59 = tpu.memref_slice %arg8[%dma_wait3A_58] : memref<5000xf32, #tpu.memory_space<vmem>> -> memref<5000xf32, #tpu.memory_space<vmem>>
      %dma_wait3A_60 = tpu.memref_slice %arg2[%run_scoped3A_33, %add3A_32] : memref<2x480000xf32, #tpu.memory_space<hbm>> -> memref<1x5000xf32, #tpu.memory_space<hbm>>
      %dma_wait3A_61 = tpu.memref_squeeze %dma_wait3A_60 : memref<1x5000xf32, #tpu.memory_space<hbm>> -> memref<5000xf32, #tpu.memory_space<hbm>>
      tpu.wait_dma2 semaphore(%run_scoped3A_47 : memref<!tpu.dma_semaphore, #tpu.memory_space<semaphore_mem>>) src(%dma_wait3A_61 : memref<5000xf32, #tpu.memory_space<hbm>>) dst(%dma_wait3A_59 : memref<5000xf32, #tpu.memory_space<vmem>>)
      tpu.yield
    }) : () -> ()
    %run_scoped3A_34 = arith.constant 1 : i32
    "tpu.region"() ({
      %run_scoped3A_47 = tpu.sem_alloc : memref<!tpu.dma_semaphore, #tpu.memory_space<semaphore_mem>>
      %dma_start3A = arith.constant 0 : i32
      %dma_start3A_48 = tpu.memref_slice %arg9[%dma_start3A] : memref<5000xf32, #tpu.memory_space<vmem>> -> memref<5000xf32, #tpu.memory_space<vmem>>
      %dma_start3A_49 = tpu.memref_slice %arg2[%run_scoped3A_34, %add3A_32] : memref<2x480000xf32, #tpu.memory_space<hbm>> -> memref<1x5000xf32, #tpu.memory_space<hbm>>
      %dma_start3A_50 = tpu.memref_squeeze %dma_start3A_49 : memref<1x5000xf32, #tpu.memory_space<hbm>> -> memref<5000xf32, #tpu.memory_space<hbm>>
      %dma_start3A_51 = arith.constant 0 : i32
      %dma_start3A_52 = tpu.memref_slice %arg9[%dma_start3A_51] : memref<5000xf32, #tpu.memory_space<vmem>> -> memref<5000xf32, #tpu.memory_space<vmem>>
      %dma_start3A_53 = tpu.memref_slice %arg2[%run_scoped3A_34, %add3A_32] : memref<2x480000xf32, #tpu.memory_space<hbm>> -> memref<1x5000xf32, #tpu.memory_space<hbm>>
      %dma_start3A_54 = tpu.memref_squeeze %dma_start3A_53 : memref<1x5000xf32, #tpu.memory_space<hbm>> -> memref<5000xf32, #tpu.memory_space<hbm>>
      tpu.enqueue_dma source(%dma_start3A_54 : memref<5000xf32, #tpu.memory_space<hbm>>) target(%dma_start3A_52 : memref<5000xf32, #tpu.memory_space<vmem>>) target_semaphore(%run_scoped3A_47 : memref<!tpu.dma_semaphore, #tpu.memory_space<semaphore_mem>>)
      %dma_wait3A = arith.constant 0 : i32
      %dma_wait3A_55 = tpu.memref_slice %arg9[%dma_wait3A] : memref<5000xf32, #tpu.memory_space<vmem>> -> memref<5000xf32, #tpu.memory_space<vmem>>
      %dma_wait3A_56 = tpu.memref_slice %arg2[%run_scoped3A_34, %add3A_32] : memref<2x480000xf32, #tpu.memory_space<hbm>> -> memref<1x5000xf32, #tpu.memory_space<hbm>>
      %dma_wait3A_57 = tpu.memref_squeeze %dma_wait3A_56 : memref<1x5000xf32, #tpu.memory_space<hbm>> -> memref<5000xf32, #tpu.memory_space<hbm>>
      %dma_wait3A_58 = arith.constant 0 : i32
      %dma_wait3A_59 = tpu.memref_slice %arg9[%dma_wait3A_58] : memref<5000xf32, #tpu.memory_space<vmem>> -> memref<5000xf32, #tpu.memory_space<vmem>>
      %dma_wait3A_60 = tpu.memref_slice %arg2[%run_scoped3A_34, %add3A_32] : memref<2x480000xf32, #tpu.memory_space<hbm>> -> memref<1x5000xf32, #tpu.memory_space<hbm>>
      %dma_wait3A_61 = tpu.memref_squeeze %dma_wait3A_60 : memref<1x5000xf32, #tpu.memory_space<hbm>> -> memref<5000xf32, #tpu.memory_space<hbm>>
      tpu.wait_dma2 semaphore(%run_scoped3A_47 : memref<!tpu.dma_semaphore, #tpu.memory_space<semaphore_mem>>) src(%dma_wait3A_61 : memref<5000xf32, #tpu.memory_space<hbm>>) dst(%dma_wait3A_59 : memref<5000xf32, #tpu.memory_space<vmem>>)
      tpu.yield
    }) : () -> ()
    %scan3A_35 = arith.constant 0 : i32
    %scan3A_36 = arith.constant 0 : i32
    %scan3A_37 = arith.constant 312 : i32
    %scan3A_38 = arith.addi %scan3A_36, %scan3A_37 : i32
    %scan3A_39 = arith.constant 1 : i32
    scf.for %scan3A_47 = %scan3A_36 to %scan3A_38 step %scan3A_39  : i32 {
      %mul3A_48 = arith.constant 16 : i32
      %mul3A_49 = arith.muli %scan3A_47, %mul3A_48 : i32
      %add3A_50 = vector.broadcast %mul3A_49 : i32 to vector<16xi32>
      %add3A_51 = arith.addi %iota3A, %add3A_50 : vector<16xi32>
      %get3A = arith.index_cast %mul3A_49 : i32 to index
      %get3A_52 = tpu.vector_load %arg8[%get3A] {strides = array<i32>} : memref<5000xf32, #tpu.memory_space<vmem>>, vector<16xf32>,
      %get3A_53 = arith.index_cast %mul3A_49 : i32 to index
      %get3A_54 = tpu.vector_load %arg9[%get3A_53] {strides = array<i32>} : memref<5000xf32, #tpu.memory_space<vmem>>, vector<16xf32>,
      tpu.vector_store_idx %arg10[%add3A_51, %mul3A_3], %get3A_52 : memref<5000x2xf32, #tpu.memory_space<vmem>>[vector<16xi32>, vector<16xi32>], vector<16xf32>,
      tpu.vector_store_idx %arg10[%add3A_51, %add3A_6], %get3A_54 : memref<5000x2xf32, #tpu.memory_space<vmem>>[vector<16xi32>, vector<16xi32>], vector<16xf32>,
    }
    %scan3A_40 = arith.constant 312 : i32
    "tpu.region"() ({
      %run_scoped3A_47 = tpu.sem_alloc : memref<!tpu.dma_semaphore, #tpu.memory_space<semaphore_mem>>
      %dma_start3A = arith.constant 0 : i32
      %dma_start3A_48 = arith.constant 0 : i32
      %dma_start3A_49 = tpu.memref_slice %arg10[%dma_start3A, %dma_start3A_48] : memref<5000x2xf32, #tpu.memory_space<vmem>> -> memref<5000x2xf32, #tpu.memory_space<vmem>>
      %dma_start3A_50 = arith.constant 0 : i32
      %dma_start3A_51 = tpu.memref_slice %arg5[%add3A_32, %dma_start3A_50] : memref<480000x2xf32, #tpu.memory_space<hbm>> -> memref<5000x2xf32, #tpu.memory_space<hbm>>
      %dma_start3A_52 = arith.constant 0 : i32
      %dma_start3A_53 = tpu.memref_slice %arg5[%add3A_32, %dma_start3A_52] : memref<480000x2xf32, #tpu.memory_space<hbm>> -> memref<5000x2xf32, #tpu.memory_space<hbm>>
      %dma_start3A_54 = arith.constant 0 : i32
      %dma_start3A_55 = arith.constant 0 : i32
      %dma_start3A_56 = tpu.memref_slice %arg10[%dma_start3A_54, %dma_start3A_55] : memref<5000x2xf32, #tpu.memory_space<vmem>> -> memref<5000x2xf32, #tpu.memory_space<vmem>>
      tpu.enqueue_dma source(%dma_start3A_56 : memref<5000x2xf32, #tpu.memory_space<vmem>>) target(%dma_start3A_53 : memref<5000x2xf32, #tpu.memory_space<hbm>>) target_semaphore(%run_scoped3A_47 : memref<!tpu.dma_semaphore, #tpu.memory_space<semaphore_mem>>)
      %dma_wait3A = arith.constant 0 : i32
      %dma_wait3A_57 = arith.constant 0 : i32
      %dma_wait3A_58 = tpu.memref_slice %arg10[%dma_wait3A, %dma_wait3A_57] : memref<5000x2xf32, #tpu.memory_space<vmem>> -> memref<5000x2xf32, #tpu.memory_space<vmem>>
      %dma_wait3A_59 = arith.constant 0 : i32
      %dma_wait3A_60 = tpu.memref_slice %arg5[%add3A_32, %dma_wait3A_59] : memref<480000x2xf32, #tpu.memory_space<hbm>> -> memref<5000x2xf32, #tpu.memory_space<hbm>>
      %dma_wait3A_61 = arith.constant 0 : i32
      %dma_wait3A_62 = tpu.memref_slice %arg5[%add3A_32, %dma_wait3A_61] : memref<480000x2xf32, #tpu.memory_space<hbm>> -> memref<5000x2xf32, #tpu.memory_space<hbm>>
      %dma_wait3A_63 = arith.constant 0 : i32
      %dma_wait3A_64 = arith.constant 0 : i32
      %dma_wait3A_65 = tpu.memref_slice %arg10[%dma_wait3A_63, %dma_wait3A_64] : memref<5000x2xf32, #tpu.memory_space<vmem>> -> memref<5000x2xf32, #tpu.memory_space<vmem>>
      tpu.wait_dma2 semaphore(%run_scoped3A_47 : memref<!tpu.dma_semaphore, #tpu.memory_space<semaphore_mem>>) src(%dma_wait3A_65 : memref<5000x2xf32, #tpu.memory_space<vmem>>) dst(%dma_wait3A_62 : memref<5000x2xf32, #tpu.memory_space<hbm>>)
      tpu.yield
    }) : () -> ()
    %lt3A = arith.constant 16 : i32
    %lt3A_41 = arith.cmpi slt, %add3A, %lt3A : i32
    %convert_element_type3A = arith.extui %lt3A_41 : i1 to i32
    %cond3A = arith.constant 0 : i32
    %cond3A_42 = arith.cmpi ne, %convert_element_type3A, %cond3A : i32
    scf.if %cond3A_42 {
      %mul3A_47 = arith.constant 5000 : i32
      %mul3A_48 = arith.muli %add3A, %mul3A_47 : i32
      %run_scoped3A_49 = arith.constant 0 : i32
      "tpu.region"() ({
        %run_scoped3A_57 = tpu.sem_alloc : memref<!tpu.dma_semaphore, #tpu.memory_space<semaphore_mem>>
        %dma_start3A = arith.constant 0 : i32
        %dma_start3A_58 = tpu.memref_slice %arg8[%dma_start3A] : memref<5000xf32, #tpu.memory_space<vmem>> -> memref<5000xf32, #tpu.memory_space<vmem>>
        %dma_start3A_59 = tpu.memref_slice %arg3[%run_scoped3A_49, %mul3A_48] : memref<2x80000xf32, #tpu.memory_space<hbm>> -> memref<1x5000xf32, #tpu.memory_space<hbm>>
        %dma_start3A_60 = tpu.memref_squeeze %dma_start3A_59 : memref<1x5000xf32, #tpu.memory_space<hbm>> -> memref<5000xf32, #tpu.memory_space<hbm>>
        %dma_start3A_61 = arith.constant 0 : i32
        %dma_start3A_62 = tpu.memref_slice %arg8[%dma_start3A_61] : memref<5000xf32, #tpu.memory_space<vmem>> -> memref<5000xf32, #tpu.memory_space<vmem>>
        %dma_start3A_63 = tpu.memref_slice %arg3[%run_scoped3A_49, %mul3A_48] : memref<2x80000xf32, #tpu.memory_space<hbm>> -> memref<1x5000xf32, #tpu.memory_space<hbm>>
        %dma_start3A_64 = tpu.memref_squeeze %dma_start3A_63 : memref<1x5000xf32, #tpu.memory_space<hbm>> -> memref<5000xf32, #tpu.memory_space<hbm>>
        tpu.enqueue_dma source(%dma_start3A_64 : memref<5000xf32, #tpu.memory_space<hbm>>) target(%dma_start3A_62 : memref<5000xf32, #tpu.memory_space<vmem>>) target_semaphore(%run_scoped3A_57 : memref<!tpu.dma_semaphore, #tpu.memory_space<semaphore_mem>>)
        %dma_wait3A = arith.constant 0 : i32
        %dma_wait3A_65 = tpu.memref_slice %arg8[%dma_wait3A] : memref<5000xf32, #tpu.memory_space<vmem>> -> memref<5000xf32, #tpu.memory_space<vmem>>
        %dma_wait3A_66 = tpu.memref_slice %arg3[%run_scoped3A_49, %mul3A_48] : memref<2x80000xf32, #tpu.memory_space<hbm>> -> memref<1x5000xf32, #tpu.memory_space<hbm>>
        %dma_wait3A_67 = tpu.memref_squeeze %dma_wait3A_66 : memref<1x5000xf32, #tpu.memory_space<hbm>> -> memref<5000xf32, #tpu.memory_space<hbm>>
        %dma_wait3A_68 = arith.constant 0 : i32
        %dma_wait3A_69 = tpu.memref_slice %arg8[%dma_wait3A_68] : memref<5000xf32, #tpu.memory_space<vmem>> -> memref<5000xf32, #tpu.memory_space<vmem>>
        %dma_wait3A_70 = tpu.memref_slice %arg3[%run_scoped3A_49, %mul3A_48] : memref<2x80000xf32, #tpu.memory_space<hbm>> -> memref<1x5000xf32, #tpu.memory_space<hbm>>
        %dma_wait3A_71 = tpu.memref_squeeze %dma_wait3A_70 : memref<1x5000xf32, #tpu.memory_space<hbm>> -> memref<5000xf32, #tpu.memory_space<hbm>>
        tpu.wait_dma2 semaphore(%run_scoped3A_57 : memref<!tpu.dma_semaphore, #tpu.memory_space<semaphore_mem>>) src(%dma_wait3A_71 : memref<5000xf32, #tpu.memory_space<hbm>>) dst(%dma_wait3A_69 : memref<5000xf32, #tpu.memory_space<vmem>>)
        tpu.yield
      }) : () -> ()
      %run_scoped3A_50 = arith.constant 1 : i32
      "tpu.region"() ({
        %run_scoped3A_57 = tpu.sem_alloc : memref<!tpu.dma_semaphore, #tpu.memory_space<semaphore_mem>>
        %dma_start3A = arith.constant 0 : i32
        %dma_start3A_58 = tpu.memref_slice %arg9[%dma_start3A] : memref<5000xf32, #tpu.memory_space<vmem>> -> memref<5000xf32, #tpu.memory_space<vmem>>
        %dma_start3A_59 = tpu.memref_slice %arg3[%run_scoped3A_50, %mul3A_48] : memref<2x80000xf32, #tpu.memory_space<hbm>> -> memref<1x5000xf32, #tpu.memory_space<hbm>>
        %dma_start3A_60 = tpu.memref_squeeze %dma_start3A_59 : memref<1x5000xf32, #tpu.memory_space<hbm>> -> memref<5000xf32, #tpu.memory_space<hbm>>
        %dma_start3A_61 = arith.constant 0 : i32
        %dma_start3A_62 = tpu.memref_slice %arg9[%dma_start3A_61] : memref<5000xf32, #tpu.memory_space<vmem>> -> memref<5000xf32, #tpu.memory_space<vmem>>
        %dma_start3A_63 = tpu.memref_slice %arg3[%run_scoped3A_50, %mul3A_48] : memref<2x80000xf32, #tpu.memory_space<hbm>> -> memref<1x5000xf32, #tpu.memory_space<hbm>>
        %dma_start3A_64 = tpu.memref_squeeze %dma_start3A_63 : memref<1x5000xf32, #tpu.memory_space<hbm>> -> memref<5000xf32, #tpu.memory_space<hbm>>
        tpu.enqueue_dma source(%dma_start3A_64 : memref<5000xf32, #tpu.memory_space<hbm>>) target(%dma_start3A_62 : memref<5000xf32, #tpu.memory_space<vmem>>) target_semaphore(%run_scoped3A_57 : memref<!tpu.dma_semaphore, #tpu.memory_space<semaphore_mem>>)
        %dma_wait3A = arith.constant 0 : i32
        %dma_wait3A_65 = tpu.memref_slice %arg9[%dma_wait3A] : memref<5000xf32, #tpu.memory_space<vmem>> -> memref<5000xf32, #tpu.memory_space<vmem>>
        %dma_wait3A_66 = tpu.memref_slice %arg3[%run_scoped3A_50, %mul3A_48] : memref<2x80000xf32, #tpu.memory_space<hbm>> -> memref<1x5000xf32, #tpu.memory_space<hbm>>
        %dma_wait3A_67 = tpu.memref_squeeze %dma_wait3A_66 : memref<1x5000xf32, #tpu.memory_space<hbm>> -> memref<5000xf32, #tpu.memory_space<hbm>>
        %dma_wait3A_68 = arith.constant 0 : i32
        %dma_wait3A_69 = tpu.memref_slice %arg9[%dma_wait3A_68] : memref<5000xf32, #tpu.memory_space<vmem>> -> memref<5000xf32, #tpu.memory_space<vmem>>
        %dma_wait3A_70 = tpu.memref_slice %arg3[%run_scoped3A_50, %mul3A_48] : memref<2x80000xf32, #tpu.memory_space<hbm>> -> memref<1x5000xf32, #tpu.memory_space<hbm>>
        %dma_wait3A_71 = tpu.memref_squeeze %dma_wait3A_70 : memref<1x5000xf32, #tpu.memory_space<hbm>> -> memref<5000xf32, #tpu.memory_space<hbm>>
        tpu.wait_dma2 semaphore(%run_scoped3A_57 : memref<!tpu.dma_semaphore, #tpu.memory_space<semaphore_mem>>) src(%dma_wait3A_71 : memref<5000xf32, #tpu.memory_space<hbm>>) dst(%dma_wait3A_69 : memref<5000xf32, #tpu.memory_space<vmem>>)
        tpu.yield
      }) : () -> ()
      %scan3A_51 = arith.constant 0 : i32
      %scan3A_52 = arith.constant 0 : i32
      %scan3A_53 = arith.constant 312 : i32
      %scan3A_54 = arith.addi %scan3A_52, %scan3A_53 : i32
      %scan3A_55 = arith.constant 1 : i32
      scf.for %scan3A_57 = %scan3A_52 to %scan3A_54 step %scan3A_55  : i32 {
        %mul3A_58 = arith.constant 16 : i32
        %mul3A_59 = arith.muli %scan3A_57, %mul3A_58 : i32
        %add3A_60 = vector.broadcast %mul3A_59 : i32 to vector<16xi32>
        %add3A_61 = arith.addi %iota3A, %add3A_60 : vector<16xi32>
        %get3A = arith.index_cast %mul3A_59 : i32 to index
        %get3A_62 = tpu.vector_load %arg8[%get3A] {strides = array<i32>} : memref<5000xf32, #tpu.memory_space<vmem>>, vector<16xf32>,
        %get3A_63 = arith.index_cast %mul3A_59 : i32 to index
        %get3A_64 = tpu.vector_load %arg9[%get3A_63] {strides = array<i32>} : memref<5000xf32, #tpu.memory_space<vmem>>, vector<16xf32>,
        tpu.vector_store_idx %arg10[%add3A_61, %mul3A_3], %get3A_62 : memref<5000x2xf32, #tpu.memory_space<vmem>>[vector<16xi32>, vector<16xi32>], vector<16xf32>,
        tpu.vector_store_idx %arg10[%add3A_61, %add3A_6], %get3A_64 : memref<5000x2xf32, #tpu.memory_space<vmem>>[vector<16xi32>, vector<16xi32>], vector<16xf32>,
      }
      %scan3A_56 = arith.constant 312 : i32
      "tpu.region"() ({
        %run_scoped3A_57 = tpu.sem_alloc : memref<!tpu.dma_semaphore, #tpu.memory_space<semaphore_mem>>
        %dma_start3A = arith.constant 0 : i32
        %dma_start3A_58 = arith.constant 0 : i32
        %dma_start3A_59 = tpu.memref_slice %arg10[%dma_start3A, %dma_start3A_58] : memref<5000x2xf32, #tpu.memory_space<vmem>> -> memref<5000x2xf32, #tpu.memory_space<vmem>>
        %dma_start3A_60 = arith.constant 0 : i32
        %dma_start3A_61 = tpu.memref_slice %arg6[%mul3A_48, %dma_start3A_60] : memref<80000x2xf32, #tpu.memory_space<hbm>> -> memref<5000x2xf32, #tpu.memory_space<hbm>>
        %dma_start3A_62 = arith.constant 0 : i32
        %dma_start3A_63 = tpu.memref_slice %arg6[%mul3A_48, %dma_start3A_62] : memref<80000x2xf32, #tpu.memory_space<hbm>> -> memref<5000x2xf32, #tpu.memory_space<hbm>>
        %dma_start3A_64 = arith.constant 0 : i32
        %dma_start3A_65 = arith.constant 0 : i32
        %dma_start3A_66 = tpu.memref_slice %arg10[%dma_start3A_64, %dma_start3A_65] : memref<5000x2xf32, #tpu.memory_space<vmem>> -> memref<5000x2xf32, #tpu.memory_space<vmem>>
        tpu.enqueue_dma source(%dma_start3A_66 : memref<5000x2xf32, #tpu.memory_space<vmem>>) target(%dma_start3A_63 : memref<5000x2xf32, #tpu.memory_space<hbm>>) target_semaphore(%run_scoped3A_57 : memref<!tpu.dma_semaphore, #tpu.memory_space<semaphore_mem>>)
        %dma_wait3A = arith.constant 0 : i32
        %dma_wait3A_67 = arith.constant 0 : i32
        %dma_wait3A_68 = tpu.memref_slice %arg10[%dma_wait3A, %dma_wait3A_67] : memref<5000x2xf32, #tpu.memory_space<vmem>> -> memref<5000x2xf32, #tpu.memory_space<vmem>>
        %dma_wait3A_69 = arith.constant 0 : i32
        %dma_wait3A_70 = tpu.memref_slice %arg6[%mul3A_48, %dma_wait3A_69] : memref<80000x2xf32, #tpu.memory_space<hbm>> -> memref<5000x2xf32, #tpu.memory_space<hbm>>
        %dma_wait3A_71 = arith.constant 0 : i32
        %dma_wait3A_72 = tpu.memref_slice %arg6[%mul3A_48, %dma_wait3A_71] : memref<80000x2xf32, #tpu.memory_space<hbm>> -> memref<5000x2xf32, #tpu.memory_space<hbm>>
        %dma_wait3A_73 = arith.constant 0 : i32
        %dma_wait3A_74 = arith.constant 0 : i32
        %dma_wait3A_75 = tpu.memref_slice %arg10[%dma_wait3A_73, %dma_wait3A_74] : memref<5000x2xf32, #tpu.memory_space<vmem>> -> memref<5000x2xf32, #tpu.memory_space<vmem>>
        tpu.wait_dma2 semaphore(%run_scoped3A_57 : memref<!tpu.dma_semaphore, #tpu.memory_space<semaphore_mem>>) src(%dma_wait3A_75 : memref<5000x2xf32, #tpu.memory_space<vmem>>) dst(%dma_wait3A_72 : memref<5000x2xf32, #tpu.memory_space<hbm>>)
        tpu.yield
      }) : () -> ()
    } else {
    }
    %ge3A = arith.constant 16 : i32
    %ge3A_43 = arith.cmpi sge, %add3A, %ge3A : i32
    %convert_element_type3A_44 = arith.extui %ge3A_43 : i1 to i32
    %cond3A_45 = arith.constant 0 : i32
    %cond3A_46 = arith.cmpi ne, %convert_element_type3A_44, %cond3A_45 : i32
    scf.if %cond3A_46 {
      %sub3A = arith.constant 16 : i32
      %sub3A_47 = arith.subi %add3A, %sub3A : i32
      %mul3A_48 = arith.constant 5000 : i32
      %mul3A_49 = arith.muli %sub3A_47, %mul3A_48 : i32
      %run_scoped3A_50 = arith.constant 0 : i32
      "tpu.region"() ({
        %run_scoped3A_58 = tpu.sem_alloc : memref<!tpu.dma_semaphore, #tpu.memory_space<semaphore_mem>>
        %dma_start3A = arith.constant 0 : i32
        %dma_start3A_59 = tpu.memref_slice %arg8[%dma_start3A] : memref<5000xf32, #tpu.memory_space<vmem>> -> memref<5000xf32, #tpu.memory_space<vmem>>
        %dma_start3A_60 = tpu.memref_slice %arg4[%run_scoped3A_50, %mul3A_49] : memref<2x80000xf32, #tpu.memory_space<hbm>> -> memref<1x5000xf32, #tpu.memory_space<hbm>>
        %dma_start3A_61 = tpu.memref_squeeze %dma_start3A_60 : memref<1x5000xf32, #tpu.memory_space<hbm>> -> memref<5000xf32, #tpu.memory_space<hbm>>
        %dma_start3A_62 = arith.constant 0 : i32
        %dma_start3A_63 = tpu.memref_slice %arg8[%dma_start3A_62] : memref<5000xf32, #tpu.memory_space<vmem>> -> memref<5000xf32, #tpu.memory_space<vmem>>
        %dma_start3A_64 = tpu.memref_slice %arg4[%run_scoped3A_50, %mul3A_49] : memref<2x80000xf32, #tpu.memory_space<hbm>> -> memref<1x5000xf32, #tpu.memory_space<hbm>>
        %dma_start3A_65 = tpu.memref_squeeze %dma_start3A_64 : memref<1x5000xf32, #tpu.memory_space<hbm>> -> memref<5000xf32, #tpu.memory_space<hbm>>
        tpu.enqueue_dma source(%dma_start3A_65 : memref<5000xf32, #tpu.memory_space<hbm>>) target(%dma_start3A_63 : memref<5000xf32, #tpu.memory_space<vmem>>) target_semaphore(%run_scoped3A_58 : memref<!tpu.dma_semaphore, #tpu.memory_space<semaphore_mem>>)
        %dma_wait3A = arith.constant 0 : i32
        %dma_wait3A_66 = tpu.memref_slice %arg8[%dma_wait3A] : memref<5000xf32, #tpu.memory_space<vmem>> -> memref<5000xf32, #tpu.memory_space<vmem>>
        %dma_wait3A_67 = tpu.memref_slice %arg4[%run_scoped3A_50, %mul3A_49] : memref<2x80000xf32, #tpu.memory_space<hbm>> -> memref<1x5000xf32, #tpu.memory_space<hbm>>
        %dma_wait3A_68 = tpu.memref_squeeze %dma_wait3A_67 : memref<1x5000xf32, #tpu.memory_space<hbm>> -> memref<5000xf32, #tpu.memory_space<hbm>>
        %dma_wait3A_69 = arith.constant 0 : i32
        %dma_wait3A_70 = tpu.memref_slice %arg8[%dma_wait3A_69] : memref<5000xf32, #tpu.memory_space<vmem>> -> memref<5000xf32, #tpu.memory_space<vmem>>
        %dma_wait3A_71 = tpu.memref_slice %arg4[%run_scoped3A_50, %mul3A_49] : memref<2x80000xf32, #tpu.memory_space<hbm>> -> memref<1x5000xf32, #tpu.memory_space<hbm>>
        %dma_wait3A_72 = tpu.memref_squeeze %dma_wait3A_71 : memref<1x5000xf32, #tpu.memory_space<hbm>> -> memref<5000xf32, #tpu.memory_space<hbm>>
        tpu.wait_dma2 semaphore(%run_scoped3A_58 : memref<!tpu.dma_semaphore, #tpu.memory_space<semaphore_mem>>) src(%dma_wait3A_72 : memref<5000xf32, #tpu.memory_space<hbm>>) dst(%dma_wait3A_70 : memref<5000xf32, #tpu.memory_space<vmem>>)
        tpu.yield
      }) : () -> ()
      %run_scoped3A_51 = arith.constant 1 : i32
      "tpu.region"() ({
        %run_scoped3A_58 = tpu.sem_alloc : memref<!tpu.dma_semaphore, #tpu.memory_space<semaphore_mem>>
        %dma_start3A = arith.constant 0 : i32
        %dma_start3A_59 = tpu.memref_slice %arg9[%dma_start3A] : memref<5000xf32, #tpu.memory_space<vmem>> -> memref<5000xf32, #tpu.memory_space<vmem>>
        %dma_start3A_60 = tpu.memref_slice %arg4[%run_scoped3A_51, %mul3A_49] : memref<2x80000xf32, #tpu.memory_space<hbm>> -> memref<1x5000xf32, #tpu.memory_space<hbm>>
        %dma_start3A_61 = tpu.memref_squeeze %dma_start3A_60 : memref<1x5000xf32, #tpu.memory_space<hbm>> -> memref<5000xf32, #tpu.memory_space<hbm>>
        %dma_start3A_62 = arith.constant 0 : i32
        %dma_start3A_63 = tpu.memref_slice %arg9[%dma_start3A_62] : memref<5000xf32, #tpu.memory_space<vmem>> -> memref<5000xf32, #tpu.memory_space<vmem>>
        %dma_start3A_64 = tpu.memref_slice %arg4[%run_scoped3A_51, %mul3A_49] : memref<2x80000xf32, #tpu.memory_space<hbm>> -> memref<1x5000xf32, #tpu.memory_space<hbm>>
        %dma_start3A_65 = tpu.memref_squeeze %dma_start3A_64 : memref<1x5000xf32, #tpu.memory_space<hbm>> -> memref<5000xf32, #tpu.memory_space<hbm>>
        tpu.enqueue_dma source(%dma_start3A_65 : memref<5000xf32, #tpu.memory_space<hbm>>) target(%dma_start3A_63 : memref<5000xf32, #tpu.memory_space<vmem>>) target_semaphore(%run_scoped3A_58 : memref<!tpu.dma_semaphore, #tpu.memory_space<semaphore_mem>>)
        %dma_wait3A = arith.constant 0 : i32
        %dma_wait3A_66 = tpu.memref_slice %arg9[%dma_wait3A] : memref<5000xf32, #tpu.memory_space<vmem>> -> memref<5000xf32, #tpu.memory_space<vmem>>
        %dma_wait3A_67 = tpu.memref_slice %arg4[%run_scoped3A_51, %mul3A_49] : memref<2x80000xf32, #tpu.memory_space<hbm>> -> memref<1x5000xf32, #tpu.memory_space<hbm>>
        %dma_wait3A_68 = tpu.memref_squeeze %dma_wait3A_67 : memref<1x5000xf32, #tpu.memory_space<hbm>> -> memref<5000xf32, #tpu.memory_space<hbm>>
        %dma_wait3A_69 = arith.constant 0 : i32
        %dma_wait3A_70 = tpu.memref_slice %arg9[%dma_wait3A_69] : memref<5000xf32, #tpu.memory_space<vmem>> -> memref<5000xf32, #tpu.memory_space<vmem>>
        %dma_wait3A_71 = tpu.memref_slice %arg4[%run_scoped3A_51, %mul3A_49] : memref<2x80000xf32, #tpu.memory_space<hbm>> -> memref<1x5000xf32, #tpu.memory_space<hbm>>
        %dma_wait3A_72 = tpu.memref_squeeze %dma_wait3A_71 : memref<1x5000xf32, #tpu.memory_space<hbm>> -> memref<5000xf32, #tpu.memory_space<hbm>>
        tpu.wait_dma2 semaphore(%run_scoped3A_58 : memref<!tpu.dma_semaphore, #tpu.memory_space<semaphore_mem>>) src(%dma_wait3A_72 : memref<5000xf32, #tpu.memory_space<hbm>>) dst(%dma_wait3A_70 : memref<5000xf32, #tpu.memory_space<vmem>>)
        tpu.yield
      }) : () -> ()
      %scan3A_52 = arith.constant 0 : i32
      %scan3A_53 = arith.constant 0 : i32
      %scan3A_54 = arith.constant 312 : i32
      %scan3A_55 = arith.addi %scan3A_53, %scan3A_54 : i32
      %scan3A_56 = arith.constant 1 : i32
      scf.for %scan3A_58 = %scan3A_53 to %scan3A_55 step %scan3A_56  : i32 {
        %mul3A_59 = arith.constant 16 : i32
        %mul3A_60 = arith.muli %scan3A_58, %mul3A_59 : i32
        %add3A_61 = vector.broadcast %mul3A_60 : i32 to vector<16xi32>
        %add3A_62 = arith.addi %iota3A, %add3A_61 : vector<16xi32>
        %get3A = arith.index_cast %mul3A_60 : i32 to index
        %get3A_63 = tpu.vector_load %arg8[%get3A] {strides = array<i32>} : memref<5000xf32, #tpu.memory_space<vmem>>, vector<16xf32>,
        %get3A_64 = arith.index_cast %mul3A_60 : i32 to index
        %get3A_65 = tpu.vector_load %arg9[%get3A_64] {strides = array<i32>} : memref<5000xf32, #tpu.memory_space<vmem>>, vector<16xf32>,
        tpu.vector_store_idx %arg10[%add3A_62, %mul3A_3], %get3A_63 : memref<5000x2xf32, #tpu.memory_space<vmem>>[vector<16xi32>, vector<16xi32>], vector<16xf32>,
        tpu.vector_store_idx %arg10[%add3A_62, %add3A_6], %get3A_65 : memref<5000x2xf32, #tpu.memory_space<vmem>>[vector<16xi32>, vector<16xi32>], vector<16xf32>,
      }
      %scan3A_57 = arith.constant 312 : i32
      "tpu.region"() ({
        %run_scoped3A_58 = tpu.sem_alloc : memref<!tpu.dma_semaphore, #tpu.memory_space<semaphore_mem>>
        %dma_start3A = arith.constant 0 : i32
        %dma_start3A_59 = arith.constant 0 : i32
        %dma_start3A_60 = tpu.memref_slice %arg10[%dma_start3A, %dma_start3A_59] : memref<5000x2xf32, #tpu.memory_space<vmem>> -> memref<5000x2xf32, #tpu.memory_space<vmem>>
        %dma_start3A_61 = arith.constant 0 : i32
        %dma_start3A_62 = tpu.memref_slice %arg7[%mul3A_49, %dma_start3A_61] : memref<80000x2xf32, #tpu.memory_space<hbm>> -> memref<5000x2xf32, #tpu.memory_space<hbm>>
        %dma_start3A_63 = arith.constant 0 : i32
        %dma_start3A_64 = tpu.memref_slice %arg7[%mul3A_49, %dma_start3A_63] : memref<80000x2xf32, #tpu.memory_space<hbm>> -> memref<5000x2xf32, #tpu.memory_space<hbm>>
        %dma_start3A_65 = arith.constant 0 : i32
        %dma_start3A_66 = arith.constant 0 : i32
        %dma_start3A_67 = tpu.memref_slice %arg10[%dma_start3A_65, %dma_start3A_66] : memref<5000x2xf32, #tpu.memory_space<vmem>> -> memref<5000x2xf32, #tpu.memory_space<vmem>>
        tpu.enqueue_dma source(%dma_start3A_67 : memref<5000x2xf32, #tpu.memory_space<vmem>>) target(%dma_start3A_64 : memref<5000x2xf32, #tpu.memory_space<hbm>>) target_semaphore(%run_scoped3A_58 : memref<!tpu.dma_semaphore, #tpu.memory_space<semaphore_mem>>)
        %dma_wait3A = arith.constant 0 : i32
        %dma_wait3A_68 = arith.constant 0 : i32
        %dma_wait3A_69 = tpu.memref_slice %arg10[%dma_wait3A, %dma_wait3A_68] : memref<5000x2xf32, #tpu.memory_space<vmem>> -> memref<5000x2xf32, #tpu.memory_space<vmem>>
        %dma_wait3A_70 = arith.constant 0 : i32
        %dma_wait3A_71 = tpu.memref_slice %arg7[%mul3A_49, %dma_wait3A_70] : memref<80000x2xf32, #tpu.memory_space<hbm>> -> memref<5000x2xf32, #tpu.memory_space<hbm>>
        %dma_wait3A_72 = arith.constant 0 : i32
        %dma_wait3A_73 = tpu.memref_slice %arg7[%mul3A_49, %dma_wait3A_72] : memref<80000x2xf32, #tpu.memory_space<hbm>> -> memref<5000x2xf32, #tpu.memory_space<hbm>>
        %dma_wait3A_74 = arith.constant 0 : i32
        %dma_wait3A_75 = arith.constant 0 : i32
        %dma_wait3A_76 = tpu.memref_slice %arg10[%dma_wait3A_74, %dma_wait3A_75] : memref<5000x2xf32, #tpu.memory_space<vmem>> -> memref<5000x2xf32, #tpu.memory_space<vmem>>
        tpu.wait_dma2 semaphore(%run_scoped3A_58 : memref<!tpu.dma_semaphore, #tpu.memory_space<semaphore_mem>>) src(%dma_wait3A_76 : memref<5000x2xf32, #tpu.memory_space<vmem>>) dst(%dma_wait3A_73 : memref<5000x2xf32, #tpu.memory_space<hbm>>)
        tpu.yield
      }) : () -> ()
    } else {
    }
    return
  }
}

#map = affine_map<(d0, d1) -> (0)>
#map1 = affine_map<(d0, d1) -> (0, 0)>
module attributes {stable_mosaic.version = 14 : i64} {
  func.func @_sc_gather_body(%arg0: i32, %arg1: i32, %arg2: memref<4096xi32, #tpu.memory_space<hbm>>, %arg3: memref<4096xi32, #tpu.memory_space<hbm>>, %arg4: memref<4096xi32, #tpu.memory_space<hbm>>, %arg5: memref<48000x20xf32, #tpu.memory_space<hbm>>, %arg6: memref<8000x20xf32, #tpu.memory_space<hbm>>, %arg7: memref<8000x20xf32, #tpu.memory_space<hbm>>, %arg8: memref<480000x2xf32, #tpu.memory_space<hbm>>, %arg9: memref<80000x2xf32, #tpu.memory_space<hbm>>, %arg10: memref<80000x2xf32, #tpu.memory_space<hbm>>, %arg11: memref<16384x20xf32, #tpu.memory_space<hbm>>, %arg12: memref<16384x20xf32, #tpu.memory_space<hbm>>, %arg13: memref<16384x20xf32, #tpu.memory_space<hbm>>, %arg14: memref<16384x20xf32, #tpu.memory_space<hbm>>, %arg15: memref<16384x20xf32, #tpu.memory_space<hbm>>, %arg16: memref<16384x20xf32, #tpu.memory_space<hbm>>, %arg17: memref<16384x2xf32, #tpu.memory_space<hbm>>, %arg18: memref<16384x2xf32, #tpu.memory_space<hbm>>, %arg19: memref<16384x2xf32, #tpu.memory_space<hbm>>, %arg20: memref<512xi32, #tpu.memory_space<vmem>>, %arg21: memref<512xi32, #tpu.memory_space<vmem>>, %arg22: memref<512xi32, #tpu.memory_space<vmem>>, %arg23: memref<512xi32, #tpu.memory_space<vmem>>, %arg24: memref<512xi32, #tpu.memory_space<vmem>>, %arg25: memref<512xi32, #tpu.memory_space<vmem>>, %arg26: memref<512xi32, #tpu.memory_space<vmem>>, %arg27: memref<512xi32, #tpu.memory_space<vmem>>, %arg28: memref<512xi32, #tpu.memory_space<vmem>>, %arg29: memref<512xi32, #tpu.memory_space<vmem>>, %arg30: memref<512xi32, #tpu.memory_space<vmem>>, %arg31: memref<512xi32, #tpu.memory_space<vmem>>, %arg32: memref<512x20xf32, #tpu.memory_space<vmem>>, %arg33: memref<512x20xf32, #tpu.memory_space<vmem>>, %arg34: memref<512x20xf32, #tpu.memory_space<vmem>>, %arg35: memref<512x20xf32, #tpu.memory_space<vmem>>, %arg36: memref<512x20xf32, #tpu.memory_space<vmem>>, %arg37: memref<512x20xf32, #tpu.memory_space<vmem>>, %arg38: memref<512x2xf32, #tpu.memory_space<vmem>>, %arg39: memref<512x2xf32, #tpu.memory_space<vmem>>, %arg40: memref<512x2xf32, #tpu.memory_space<vmem>>, %arg41: memref<!tpu.dma_semaphore, #tpu.memory_space<semaphore_mem>>) attributes {dimension_semantics = [#tpu.dimension_semantics<core_parallel>, #tpu.dimension_semantics<subcore_parallel>], iteration_bounds = array<i64: 2, 16>, scalar_prefetch = 0 : i64, scratch_operands = 22 : i64, tpu.core_type = #tpu.core_type<sc_vector_subcore>, window_params = [{transform_indices = #map}, {transform_indices = #map}, {transform_indices = #map}, {transform_indices = #map1}, {transform_indices = #map1}, {transform_indices = #map1}, {transform_indices = #map1}, {transform_indices = #map1}, {transform_indices = #map1}, {transform_indices = #map1}, {transform_indices = #map1}, {transform_indices = #map1}, {transform_indices = #map1}, {transform_indices = #map1}, {transform_indices = #map1}, {transform_indices = #map1}, {transform_indices = #map1}, {transform_indices = #map1}]} {
    %mul3A = arith.constant 2 : i32
    %mul3A_0 = arith.muli %arg1, %mul3A : i32
    %add3A = arith.addi %mul3A_0, %arg0 : i32
    %jit3A = arith.constant 8 : i32
    %div3A = arith.divsi %add3A, %jit3A : i32
    %sign3A = arith.constant 0 : i32
    %sign3A_1 = arith.cmpi sgt, %add3A, %sign3A : i32
    %sign3A_2 = arith.extui %sign3A_1 : i1 to i32
    %sign3A_3 = arith.constant 0 : i32
    %sign3A_4 = arith.cmpi slt, %add3A, %sign3A_3 : i32
    %sign3A_5 = arith.extui %sign3A_4 : i1 to i32
    %sign3A_6 = arith.subi %sign3A_2, %sign3A_5 : i32
    %sign3A_7 = arith.constant 0 : i32
    %sign3A_8 = arith.cmpi sgt, %jit3A, %sign3A_7 : i32
    %sign3A_9 = arith.extui %sign3A_8 : i1 to i32
    %sign3A_10 = arith.constant 0 : i32
    %sign3A_11 = arith.cmpi slt, %jit3A, %sign3A_10 : i32
    %sign3A_12 = arith.extui %sign3A_11 : i1 to i32
    %sign3A_13 = arith.subi %sign3A_9, %sign3A_12 : i32
    %ne3A = arith.cmpi ne, %sign3A_6, %sign3A_13 : i32
    %rem3A = arith.remsi %add3A, %jit3A : i32
    %ne3A_14 = arith.constant 0 : i32
    %ne3A_15 = arith.cmpi ne, %rem3A, %ne3A_14 : i32
    %and3A = arith.andi %ne3A, %ne3A_15 : i1
    %sub3A = arith.constant 1 : i32
    %sub3A_16 = arith.subi %div3A, %sub3A : i32
    %select_n3A = arith.select %and3A, %sub3A_16, %div3A : i32
    %jit3A_17 = arith.constant 8 : i32
    %eq3A = arith.constant 0 : i32
    %eq3A_18 = arith.cmpi eq, %jit3A_17, %eq3A : i32
    %jit3A_19 = arith.constant 1 : i32
    %select_n3A_20 = arith.select %eq3A_18, %jit3A_19, %jit3A_17 : i32
    %rem3A_21 = arith.remsi %add3A, %select_n3A_20 : i32
    %ne3A_22 = arith.constant 0 : i32
    %ne3A_23 = arith.cmpi ne, %rem3A_21, %ne3A_22 : i32
    %lt3A = arith.constant 0 : i32
    %lt3A_24 = arith.cmpi slt, %rem3A_21, %lt3A : i32
    %lt3A_25 = arith.constant 0 : i32
    %lt3A_26 = arith.cmpi slt, %select_n3A_20, %lt3A_25 : i32
    %ne3A_27 = arith.xori %lt3A_24, %lt3A_26 : i1
    %and3A_28 = arith.andi %ne3A_27, %ne3A_23 : i1
    %add3A_29 = arith.addi %rem3A_21, %select_n3A_20 : i32
    %select_n3A_30 = arith.select %and3A_28, %add3A_29, %rem3A_21 : i32
    %mul3A_31 = arith.constant 512 : i32
    %mul3A_32 = arith.muli %select_n3A_30, %mul3A_31 : i32
    %mul3A_33 = arith.constant 512 : i32
    %mul3A_34 = arith.muli %add3A, %mul3A_33 : i32
    "tpu.region"() ({
      %run_scoped3A = tpu.sem_alloc : memref<!tpu.dma_semaphore, #tpu.memory_space<semaphore_mem>>
      %dma_start3A_626 = tpu.memref_slice %arg2[%mul3A_32] : memref<4096xi32, #tpu.memory_space<hbm>> -> memref<512xi32, #tpu.memory_space<hbm>>
      %dma_start3A_627 = tpu.memref_slice %arg2[%mul3A_32] : memref<4096xi32, #tpu.memory_space<hbm>> -> memref<512xi32, #tpu.memory_space<hbm>>
      tpu.enqueue_dma source(%dma_start3A_627 : memref<512xi32, #tpu.memory_space<hbm>>) target(%arg20 : memref<512xi32, #tpu.memory_space<vmem>>) target_semaphore(%run_scoped3A : memref<!tpu.dma_semaphore, #tpu.memory_space<semaphore_mem>>)
      %dma_wait3A_628 = tpu.memref_slice %arg2[%mul3A_32] : memref<4096xi32, #tpu.memory_space<hbm>> -> memref<512xi32, #tpu.memory_space<hbm>>
      %dma_wait3A_629 = tpu.memref_slice %arg2[%mul3A_32] : memref<4096xi32, #tpu.memory_space<hbm>> -> memref<512xi32, #tpu.memory_space<hbm>>
      tpu.wait_dma2 semaphore(%run_scoped3A : memref<!tpu.dma_semaphore, #tpu.memory_space<semaphore_mem>>) src(%dma_wait3A_629 : memref<512xi32, #tpu.memory_space<hbm>>) dst(%arg20 : memref<512xi32, #tpu.memory_space<vmem>>)
      tpu.yield
    }) : () -> ()
    "tpu.region"() ({
      %run_scoped3A = tpu.sem_alloc : memref<!tpu.dma_semaphore, #tpu.memory_space<semaphore_mem>>
      %dma_start3A_626 = tpu.memref_slice %arg3[%mul3A_32] : memref<4096xi32, #tpu.memory_space<hbm>> -> memref<512xi32, #tpu.memory_space<hbm>>
      %dma_start3A_627 = tpu.memref_slice %arg3[%mul3A_32] : memref<4096xi32, #tpu.memory_space<hbm>> -> memref<512xi32, #tpu.memory_space<hbm>>
      tpu.enqueue_dma source(%dma_start3A_627 : memref<512xi32, #tpu.memory_space<hbm>>) target(%arg21 : memref<512xi32, #tpu.memory_space<vmem>>) target_semaphore(%run_scoped3A : memref<!tpu.dma_semaphore, #tpu.memory_space<semaphore_mem>>)
      %dma_wait3A_628 = tpu.memref_slice %arg3[%mul3A_32] : memref<4096xi32, #tpu.memory_space<hbm>> -> memref<512xi32, #tpu.memory_space<hbm>>
      %dma_wait3A_629 = tpu.memref_slice %arg3[%mul3A_32] : memref<4096xi32, #tpu.memory_space<hbm>> -> memref<512xi32, #tpu.memory_space<hbm>>
      tpu.wait_dma2 semaphore(%run_scoped3A : memref<!tpu.dma_semaphore, #tpu.memory_space<semaphore_mem>>) src(%dma_wait3A_629 : memref<512xi32, #tpu.memory_space<hbm>>) dst(%arg21 : memref<512xi32, #tpu.memory_space<vmem>>)
      tpu.yield
    }) : () -> ()
    "tpu.region"() ({
      %run_scoped3A = tpu.sem_alloc : memref<!tpu.dma_semaphore, #tpu.memory_space<semaphore_mem>>
      %dma_start3A_626 = tpu.memref_slice %arg4[%mul3A_32] : memref<4096xi32, #tpu.memory_space<hbm>> -> memref<512xi32, #tpu.memory_space<hbm>>
      %dma_start3A_627 = tpu.memref_slice %arg4[%mul3A_32] : memref<4096xi32, #tpu.memory_space<hbm>> -> memref<512xi32, #tpu.memory_space<hbm>>
      tpu.enqueue_dma source(%dma_start3A_627 : memref<512xi32, #tpu.memory_space<hbm>>) target(%arg22 : memref<512xi32, #tpu.memory_space<vmem>>) target_semaphore(%run_scoped3A : memref<!tpu.dma_semaphore, #tpu.memory_space<semaphore_mem>>)
      %dma_wait3A_628 = tpu.memref_slice %arg4[%mul3A_32] : memref<4096xi32, #tpu.memory_space<hbm>> -> memref<512xi32, #tpu.memory_space<hbm>>
      %dma_wait3A_629 = tpu.memref_slice %arg4[%mul3A_32] : memref<4096xi32, #tpu.memory_space<hbm>> -> memref<512xi32, #tpu.memory_space<hbm>>
      tpu.wait_dma2 semaphore(%run_scoped3A : memref<!tpu.dma_semaphore, #tpu.memory_space<semaphore_mem>>) src(%dma_wait3A_629 : memref<512xi32, #tpu.memory_space<hbm>>) dst(%arg22 : memref<512xi32, #tpu.memory_space<vmem>>)
      tpu.yield
    }) : () -> ()
    %mul3A_35 = arith.constant 12000 : i32
    %mul3A_36 = arith.muli %select_n3A, %mul3A_35 : i32
    %mul3A_37 = arith.constant 120000 : i32
    %mul3A_38 = arith.muli %select_n3A, %mul3A_37 : i32
    %mul3A_39 = arith.constant 2000 : i32
    %mul3A_40 = arith.muli %select_n3A, %mul3A_39 : i32
    %mul3A_41 = arith.constant 20000 : i32
    %mul3A_42 = arith.muli %select_n3A, %mul3A_41 : i32
    %mul3A_43 = arith.constant 2000 : i32
    %mul3A_44 = arith.muli %select_n3A, %mul3A_43 : i32
    %mul3A_45 = arith.constant 20000 : i32
    %mul3A_46 = arith.muli %select_n3A, %mul3A_45 : i32
    %scan3A = arith.constant 0 : i32
    %scan3A_47 = arith.constant 0 : i32
    %scan3A_48 = arith.constant 32 : i32
    %scan3A_49 = arith.addi %scan3A_47, %scan3A_48 : i32
    %scan3A_50 = arith.constant 1 : i32
    scf.for %scan3A_626 = %scan3A_47 to %scan3A_49 step %scan3A_50  : i32 {
      %mul3A_627 = arith.constant 16 : i32
      %mul3A_628 = arith.muli %scan3A_626, %mul3A_627 : i32
      %get3A = arith.index_cast %mul3A_628 : i32 to index
      %get3A_629 = tpu.vector_load %arg20[%get3A] {strides = array<i32>} : memref<512xi32, #tpu.memory_space<vmem>>, vector<16xi32>,
      %get3A_630 = vector.shape_cast %get3A_629 : vector<16xi32> to vector<16xi32>
      %rem3A_631 = arith.constant 12000 : i32
      %rem3A_632 = vector.broadcast %rem3A_631 : i32 to vector<16xi32>
      %rem3A_633 = arith.remsi %get3A_630, %rem3A_632 : vector<16xi32>
      %mul3A_634 = arith.constant 4003 : i32
      %mul3A_635 = vector.broadcast %mul3A_634 : i32 to vector<16xi32>
      %mul3A_636 = arith.muli %rem3A_633, %mul3A_635 : vector<16xi32>
      %add3A_637 = arith.constant 11 : i32
      %add3A_638 = vector.broadcast %add3A_637 : i32 to vector<16xi32>
      %add3A_639 = arith.addi %mul3A_636, %add3A_638 : vector<16xi32>
      %rem3A_640 = arith.constant 12000 : i32
      %rem3A_641 = vector.broadcast %rem3A_640 : i32 to vector<16xi32>
      %rem3A_642 = arith.remsi %add3A_639, %rem3A_641 : vector<16xi32>
      %add3A_643 = vector.broadcast %mul3A_36 : i32 to vector<16xi32>
      %add3A_644 = arith.addi %rem3A_642, %add3A_643 : vector<16xi32>
      %swap3A = arith.index_cast %mul3A_628 : i32 to index
      %swap3A_645 = tpu.vector_load %arg23[%swap3A] {strides = array<i32>} : memref<512xi32, #tpu.memory_space<vmem>>, vector<16xi32>,
      %swap3A_646 = vector.shape_cast %swap3A_645 : vector<16xi32> to vector<16xi32>
      %swap3A_647 = vector.shape_cast %add3A_644 : vector<16xi32> to vector<16xi32>
      tpu.vector_store %arg23[%swap3A], %swap3A_647 {strides = array<i32>} : memref<512xi32, #tpu.memory_space<vmem>>, vector<16xi32>,
      %mul3A_648 = arith.constant 3983 : i32
      %mul3A_649 = vector.broadcast %mul3A_648 : i32 to vector<16xi32>
      %mul3A_650 = arith.muli %rem3A_633, %mul3A_649 : vector<16xi32>
      %add3A_651 = arith.constant 97 : i32
      %add3A_652 = vector.broadcast %add3A_651 : i32 to vector<16xi32>
      %add3A_653 = arith.addi %mul3A_650, %add3A_652 : vector<16xi32>
      %rem3A_654 = arith.constant 12000 : i32
      %rem3A_655 = vector.broadcast %rem3A_654 : i32 to vector<16xi32>
      %rem3A_656 = arith.remsi %add3A_653, %rem3A_655 : vector<16xi32>
      %add3A_657 = vector.broadcast %mul3A_36 : i32 to vector<16xi32>
      %add3A_658 = arith.addi %rem3A_656, %add3A_657 : vector<16xi32>
      %swap3A_659 = arith.index_cast %mul3A_628 : i32 to index
      %swap3A_660 = tpu.vector_load %arg24[%swap3A_659] {strides = array<i32>} : memref<512xi32, #tpu.memory_space<vmem>>, vector<16xi32>,
      %swap3A_661 = vector.shape_cast %swap3A_660 : vector<16xi32> to vector<16xi32>
      %swap3A_662 = vector.shape_cast %add3A_658 : vector<16xi32> to vector<16xi32>
      tpu.vector_store %arg24[%swap3A_659], %swap3A_662 {strides = array<i32>} : memref<512xi32, #tpu.memory_space<vmem>>, vector<16xi32>,
      %add3A_663 = vector.broadcast %mul3A_38 : i32 to vector<16xi32>
      %add3A_664 = arith.addi %get3A_630, %add3A_663 : vector<16xi32>
      %swap3A_665 = arith.index_cast %mul3A_628 : i32 to index
      %swap3A_666 = tpu.vector_load %arg25[%swap3A_665] {strides = array<i32>} : memref<512xi32, #tpu.memory_space<vmem>>, vector<16xi32>,
      %swap3A_667 = vector.shape_cast %swap3A_666 : vector<16xi32> to vector<16xi32>
      %swap3A_668 = vector.shape_cast %add3A_664 : vector<16xi32> to vector<16xi32>
      tpu.vector_store %arg25[%swap3A_665], %swap3A_668 {strides = array<i32>} : memref<512xi32, #tpu.memory_space<vmem>>, vector<16xi32>,
      %get3A_669 = arith.index_cast %mul3A_628 : i32 to index
      %get3A_670 = tpu.vector_load %arg21[%get3A_669] {strides = array<i32>} : memref<512xi32, #tpu.memory_space<vmem>>, vector<16xi32>,
      %get3A_671 = vector.shape_cast %get3A_670 : vector<16xi32> to vector<16xi32>
      %rem3A_672 = arith.constant 2000 : i32
      %rem3A_673 = vector.broadcast %rem3A_672 : i32 to vector<16xi32>
      %rem3A_674 = arith.remsi %get3A_671, %rem3A_673 : vector<16xi32>
      %mul3A_675 = arith.constant 3 : i32
      %mul3A_676 = vector.broadcast %mul3A_675 : i32 to vector<16xi32>
      %mul3A_677 = arith.muli %rem3A_674, %mul3A_676 : vector<16xi32>
      %add3A_678 = arith.constant 11 : i32
      %add3A_679 = vector.broadcast %add3A_678 : i32 to vector<16xi32>
      %add3A_680 = arith.addi %mul3A_677, %add3A_679 : vector<16xi32>
      %rem3A_681 = arith.constant 2000 : i32
      %rem3A_682 = vector.broadcast %rem3A_681 : i32 to vector<16xi32>
      %rem3A_683 = arith.remsi %add3A_680, %rem3A_682 : vector<16xi32>
      %add3A_684 = vector.broadcast %mul3A_40 : i32 to vector<16xi32>
      %add3A_685 = arith.addi %rem3A_683, %add3A_684 : vector<16xi32>
      %swap3A_686 = arith.index_cast %mul3A_628 : i32 to index
      %swap3A_687 = tpu.vector_load %arg26[%swap3A_686] {strides = array<i32>} : memref<512xi32, #tpu.memory_space<vmem>>, vector<16xi32>,
      %swap3A_688 = vector.shape_cast %swap3A_687 : vector<16xi32> to vector<16xi32>
      %swap3A_689 = vector.shape_cast %add3A_685 : vector<16xi32> to vector<16xi32>
      tpu.vector_store %arg26[%swap3A_686], %swap3A_689 {strides = array<i32>} : memref<512xi32, #tpu.memory_space<vmem>>, vector<16xi32>,
      %mul3A_690 = arith.constant 1983 : i32
      %mul3A_691 = vector.broadcast %mul3A_690 : i32 to vector<16xi32>
      %mul3A_692 = arith.muli %rem3A_674, %mul3A_691 : vector<16xi32>
      %add3A_693 = arith.constant 97 : i32
      %add3A_694 = vector.broadcast %add3A_693 : i32 to vector<16xi32>
      %add3A_695 = arith.addi %mul3A_692, %add3A_694 : vector<16xi32>
      %rem3A_696 = arith.constant 2000 : i32
      %rem3A_697 = vector.broadcast %rem3A_696 : i32 to vector<16xi32>
      %rem3A_698 = arith.remsi %add3A_695, %rem3A_697 : vector<16xi32>
      %add3A_699 = vector.broadcast %mul3A_40 : i32 to vector<16xi32>
      %add3A_700 = arith.addi %rem3A_698, %add3A_699 : vector<16xi32>
      %swap3A_701 = arith.index_cast %mul3A_628 : i32 to index
      %swap3A_702 = tpu.vector_load %arg27[%swap3A_701] {strides = array<i32>} : memref<512xi32, #tpu.memory_space<vmem>>, vector<16xi32>,
      %swap3A_703 = vector.shape_cast %swap3A_702 : vector<16xi32> to vector<16xi32>
      %swap3A_704 = vector.shape_cast %add3A_700 : vector<16xi32> to vector<16xi32>
      tpu.vector_store %arg27[%swap3A_701], %swap3A_704 {strides = array<i32>} : memref<512xi32, #tpu.memory_space<vmem>>, vector<16xi32>,
      %add3A_705 = vector.broadcast %mul3A_42 : i32 to vector<16xi32>
      %add3A_706 = arith.addi %get3A_671, %add3A_705 : vector<16xi32>
      %swap3A_707 = arith.index_cast %mul3A_628 : i32 to index
      %swap3A_708 = tpu.vector_load %arg28[%swap3A_707] {strides = array<i32>} : memref<512xi32, #tpu.memory_space<vmem>>, vector<16xi32>,
      %swap3A_709 = vector.shape_cast %swap3A_708 : vector<16xi32> to vector<16xi32>
      %swap3A_710 = vector.shape_cast %add3A_706 : vector<16xi32> to vector<16xi32>
      tpu.vector_store %arg28[%swap3A_707], %swap3A_710 {strides = array<i32>} : memref<512xi32, #tpu.memory_space<vmem>>, vector<16xi32>,
      %get3A_711 = arith.index_cast %mul3A_628 : i32 to index
      %get3A_712 = tpu.vector_load %arg22[%get3A_711] {strides = array<i32>} : memref<512xi32, #tpu.memory_space<vmem>>, vector<16xi32>,
      %get3A_713 = vector.shape_cast %get3A_712 : vector<16xi32> to vector<16xi32>
      %rem3A_714 = arith.constant 2000 : i32
      %rem3A_715 = vector.broadcast %rem3A_714 : i32 to vector<16xi32>
      %rem3A_716 = arith.remsi %get3A_713, %rem3A_715 : vector<16xi32>
      %mul3A_717 = arith.constant 3 : i32
      %mul3A_718 = vector.broadcast %mul3A_717 : i32 to vector<16xi32>
      %mul3A_719 = arith.muli %rem3A_716, %mul3A_718 : vector<16xi32>
      %add3A_720 = arith.constant 11 : i32
      %add3A_721 = vector.broadcast %add3A_720 : i32 to vector<16xi32>
      %add3A_722 = arith.addi %mul3A_719, %add3A_721 : vector<16xi32>
      %rem3A_723 = arith.constant 2000 : i32
      %rem3A_724 = vector.broadcast %rem3A_723 : i32 to vector<16xi32>
      %rem3A_725 = arith.remsi %add3A_722, %rem3A_724 : vector<16xi32>
      %add3A_726 = vector.broadcast %mul3A_44 : i32 to vector<16xi32>
      %add3A_727 = arith.addi %rem3A_725, %add3A_726 : vector<16xi32>
      %swap3A_728 = arith.index_cast %mul3A_628 : i32 to index
      %swap3A_729 = tpu.vector_load %arg29[%swap3A_728] {strides = array<i32>} : memref<512xi32, #tpu.memory_space<vmem>>, vector<16xi32>,
      %swap3A_730 = vector.shape_cast %swap3A_729 : vector<16xi32> to vector<16xi32>
      %swap3A_731 = vector.shape_cast %add3A_727 : vector<16xi32> to vector<16xi32>
      tpu.vector_store %arg29[%swap3A_728], %swap3A_731 {strides = array<i32>} : memref<512xi32, #tpu.memory_space<vmem>>, vector<16xi32>,
      %mul3A_732 = arith.constant 1983 : i32
      %mul3A_733 = vector.broadcast %mul3A_732 : i32 to vector<16xi32>
      %mul3A_734 = arith.muli %rem3A_716, %mul3A_733 : vector<16xi32>
      %add3A_735 = arith.constant 97 : i32
      %add3A_736 = vector.broadcast %add3A_735 : i32 to vector<16xi32>
      %add3A_737 = arith.addi %mul3A_734, %add3A_736 : vector<16xi32>
      %rem3A_738 = arith.constant 2000 : i32
      %rem3A_739 = vector.broadcast %rem3A_738 : i32 to vector<16xi32>
      %rem3A_740 = arith.remsi %add3A_737, %rem3A_739 : vector<16xi32>
      %add3A_741 = vector.broadcast %mul3A_44 : i32 to vector<16xi32>
      %add3A_742 = arith.addi %rem3A_740, %add3A_741 : vector<16xi32>
      %swap3A_743 = arith.index_cast %mul3A_628 : i32 to index
      %swap3A_744 = tpu.vector_load %arg30[%swap3A_743] {strides = array<i32>} : memref<512xi32, #tpu.memory_space<vmem>>, vector<16xi32>,
      %swap3A_745 = vector.shape_cast %swap3A_744 : vector<16xi32> to vector<16xi32>
      %swap3A_746 = vector.shape_cast %add3A_742 : vector<16xi32> to vector<16xi32>
      tpu.vector_store %arg30[%swap3A_743], %swap3A_746 {strides = array<i32>} : memref<512xi32, #tpu.memory_space<vmem>>, vector<16xi32>,
      %add3A_747 = vector.broadcast %mul3A_46 : i32 to vector<16xi32>
      %add3A_748 = arith.addi %get3A_713, %add3A_747 : vector<16xi32>
      %swap3A_749 = arith.index_cast %mul3A_628 : i32 to index
      %swap3A_750 = tpu.vector_load %arg31[%swap3A_749] {strides = array<i32>} : memref<512xi32, #tpu.memory_space<vmem>>, vector<16xi32>,
      %swap3A_751 = vector.shape_cast %swap3A_750 : vector<16xi32> to vector<16xi32>
      %swap3A_752 = vector.shape_cast %add3A_748 : vector<16xi32> to vector<16xi32>
      tpu.vector_store %arg31[%swap3A_749], %swap3A_752 {strides = array<i32>} : memref<512xi32, #tpu.memory_space<vmem>>, vector<16xi32>,
    }
    %scan3A_51 = arith.constant 32 : i32
    %dma_start3A = arith.constant 0 : i32
    %dma_start3A_52 = arith.constant 0 : i32
    %dma_start3A_53 = tpu.memref_slice %arg32[%dma_start3A, %dma_start3A_52] : memref<512x20xf32, #tpu.memory_space<vmem>> -> memref<128x20xf32, #tpu.memory_space<vmem>>
    %dma_start3A_54 = arith.constant 0 : i32
    %dma_start3A_55 = tpu.memref_slice %arg23[%dma_start3A_54] : memref<512xi32, #tpu.memory_space<vmem>> -> memref<128xi32, #tpu.memory_space<vmem>>
    %dma_start3A_56 = arith.constant 0 : i32
    %dma_start3A_57 = arith.constant 0 : i32
    %dma_start3A_58 = tpu.memref_slice %arg5[%dma_start3A_56, %dma_start3A_57] : memref<48000x20xf32, #tpu.memory_space<hbm>> -> memref<48000x20xf32, #tpu.memory_space<hbm>>
    tpu.enqueue_indirect_dma source(%dma_start3A_58 : memref<48000x20xf32, #tpu.memory_space<hbm>>) target(%dma_start3A_53 : memref<128x20xf32, #tpu.memory_space<vmem>>) offsets(%dma_start3A_55 : memref<128xi32, #tpu.memory_space<vmem>>) semaphore(%arg41 : memref<!tpu.dma_semaphore, #tpu.memory_space<semaphore_mem>>)
    %dma_start3A_59 = arith.constant 128 : i32
    %dma_start3A_60 = arith.constant 0 : i32
    %dma_start3A_61 = tpu.memref_slice %arg32[%dma_start3A_59, %dma_start3A_60] : memref<512x20xf32, #tpu.memory_space<vmem>> -> memref<128x20xf32, #tpu.memory_space<vmem>>
    %dma_start3A_62 = arith.constant 128 : i32
    %dma_start3A_63 = tpu.memref_slice %arg23[%dma_start3A_62] : memref<512xi32, #tpu.memory_space<vmem>> -> memref<128xi32, #tpu.memory_space<vmem>>
    %dma_start3A_64 = arith.constant 0 : i32
    %dma_start3A_65 = arith.constant 0 : i32
    %dma_start3A_66 = tpu.memref_slice %arg5[%dma_start3A_64, %dma_start3A_65] : memref<48000x20xf32, #tpu.memory_space<hbm>> -> memref<48000x20xf32, #tpu.memory_space<hbm>>
    tpu.enqueue_indirect_dma source(%dma_start3A_66 : memref<48000x20xf32, #tpu.memory_space<hbm>>) target(%dma_start3A_61 : memref<128x20xf32, #tpu.memory_space<vmem>>) offsets(%dma_start3A_63 : memref<128xi32, #tpu.memory_space<vmem>>) semaphore(%arg41 : memref<!tpu.dma_semaphore, #tpu.memory_space<semaphore_mem>>)
    %dma_start3A_67 = arith.constant 256 : i32
    %dma_start3A_68 = arith.constant 0 : i32
    %dma_start3A_69 = tpu.memref_slice %arg32[%dma_start3A_67, %dma_start3A_68] : memref<512x20xf32, #tpu.memory_space<vmem>> -> memref<128x20xf32, #tpu.memory_space<vmem>>
    %dma_start3A_70 = arith.constant 256 : i32
    %dma_start3A_71 = tpu.memref_slice %arg23[%dma_start3A_70] : memref<512xi32, #tpu.memory_space<vmem>> -> memref<128xi32, #tpu.memory_space<vmem>>
    %dma_start3A_72 = arith.constant 0 : i32
    %dma_start3A_73 = arith.constant 0 : i32
    %dma_start3A_74 = tpu.memref_slice %arg5[%dma_start3A_72, %dma_start3A_73] : memref<48000x20xf32, #tpu.memory_space<hbm>> -> memref<48000x20xf32, #tpu.memory_space<hbm>>
    tpu.enqueue_indirect_dma source(%dma_start3A_74 : memref<48000x20xf32, #tpu.memory_space<hbm>>) target(%dma_start3A_69 : memref<128x20xf32, #tpu.memory_space<vmem>>) offsets(%dma_start3A_71 : memref<128xi32, #tpu.memory_space<vmem>>) semaphore(%arg41 : memref<!tpu.dma_semaphore, #tpu.memory_space<semaphore_mem>>)
    %dma_start3A_75 = arith.constant 384 : i32
    %dma_start3A_76 = arith.constant 0 : i32
    %dma_start3A_77 = tpu.memref_slice %arg32[%dma_start3A_75, %dma_start3A_76] : memref<512x20xf32, #tpu.memory_space<vmem>> -> memref<128x20xf32, #tpu.memory_space<vmem>>
    %dma_start3A_78 = arith.constant 384 : i32
    %dma_start3A_79 = tpu.memref_slice %arg23[%dma_start3A_78] : memref<512xi32, #tpu.memory_space<vmem>> -> memref<128xi32, #tpu.memory_space<vmem>>
    %dma_start3A_80 = arith.constant 0 : i32
    %dma_start3A_81 = arith.constant 0 : i32
    %dma_start3A_82 = tpu.memref_slice %arg5[%dma_start3A_80, %dma_start3A_81] : memref<48000x20xf32, #tpu.memory_space<hbm>> -> memref<48000x20xf32, #tpu.memory_space<hbm>>
    tpu.enqueue_indirect_dma source(%dma_start3A_82 : memref<48000x20xf32, #tpu.memory_space<hbm>>) target(%dma_start3A_77 : memref<128x20xf32, #tpu.memory_space<vmem>>) offsets(%dma_start3A_79 : memref<128xi32, #tpu.memory_space<vmem>>) semaphore(%arg41 : memref<!tpu.dma_semaphore, #tpu.memory_space<semaphore_mem>>)
    %dma_start3A_83 = arith.constant 0 : i32
    %dma_start3A_84 = arith.constant 0 : i32
    %dma_start3A_85 = tpu.memref_slice %arg33[%dma_start3A_83, %dma_start3A_84] : memref<512x20xf32, #tpu.memory_space<vmem>> -> memref<128x20xf32, #tpu.memory_space<vmem>>
    %dma_start3A_86 = arith.constant 0 : i32
    %dma_start3A_87 = tpu.memref_slice %arg24[%dma_start3A_86] : memref<512xi32, #tpu.memory_space<vmem>> -> memref<128xi32, #tpu.memory_space<vmem>>
    %dma_start3A_88 = arith.constant 0 : i32
    %dma_start3A_89 = arith.constant 0 : i32
    %dma_start3A_90 = tpu.memref_slice %arg5[%dma_start3A_88, %dma_start3A_89] : memref<48000x20xf32, #tpu.memory_space<hbm>> -> memref<48000x20xf32, #tpu.memory_space<hbm>>
    tpu.enqueue_indirect_dma source(%dma_start3A_90 : memref<48000x20xf32, #tpu.memory_space<hbm>>) target(%dma_start3A_85 : memref<128x20xf32, #tpu.memory_space<vmem>>) offsets(%dma_start3A_87 : memref<128xi32, #tpu.memory_space<vmem>>) semaphore(%arg41 : memref<!tpu.dma_semaphore, #tpu.memory_space<semaphore_mem>>)
    %dma_start3A_91 = arith.constant 128 : i32
    %dma_start3A_92 = arith.constant 0 : i32
    %dma_start3A_93 = tpu.memref_slice %arg33[%dma_start3A_91, %dma_start3A_92] : memref<512x20xf32, #tpu.memory_space<vmem>> -> memref<128x20xf32, #tpu.memory_space<vmem>>
    %dma_start3A_94 = arith.constant 128 : i32
    %dma_start3A_95 = tpu.memref_slice %arg24[%dma_start3A_94] : memref<512xi32, #tpu.memory_space<vmem>> -> memref<128xi32, #tpu.memory_space<vmem>>
    %dma_start3A_96 = arith.constant 0 : i32
    %dma_start3A_97 = arith.constant 0 : i32
    %dma_start3A_98 = tpu.memref_slice %arg5[%dma_start3A_96, %dma_start3A_97] : memref<48000x20xf32, #tpu.memory_space<hbm>> -> memref<48000x20xf32, #tpu.memory_space<hbm>>
    tpu.enqueue_indirect_dma source(%dma_start3A_98 : memref<48000x20xf32, #tpu.memory_space<hbm>>) target(%dma_start3A_93 : memref<128x20xf32, #tpu.memory_space<vmem>>) offsets(%dma_start3A_95 : memref<128xi32, #tpu.memory_space<vmem>>) semaphore(%arg41 : memref<!tpu.dma_semaphore, #tpu.memory_space<semaphore_mem>>)
    %dma_start3A_99 = arith.constant 256 : i32
    %dma_start3A_100 = arith.constant 0 : i32
    %dma_start3A_101 = tpu.memref_slice %arg33[%dma_start3A_99, %dma_start3A_100] : memref<512x20xf32, #tpu.memory_space<vmem>> -> memref<128x20xf32, #tpu.memory_space<vmem>>
    %dma_start3A_102 = arith.constant 256 : i32
    %dma_start3A_103 = tpu.memref_slice %arg24[%dma_start3A_102] : memref<512xi32, #tpu.memory_space<vmem>> -> memref<128xi32, #tpu.memory_space<vmem>>
    %dma_start3A_104 = arith.constant 0 : i32
    %dma_start3A_105 = arith.constant 0 : i32
    %dma_start3A_106 = tpu.memref_slice %arg5[%dma_start3A_104, %dma_start3A_105] : memref<48000x20xf32, #tpu.memory_space<hbm>> -> memref<48000x20xf32, #tpu.memory_space<hbm>>
    tpu.enqueue_indirect_dma source(%dma_start3A_106 : memref<48000x20xf32, #tpu.memory_space<hbm>>) target(%dma_start3A_101 : memref<128x20xf32, #tpu.memory_space<vmem>>) offsets(%dma_start3A_103 : memref<128xi32, #tpu.memory_space<vmem>>) semaphore(%arg41 : memref<!tpu.dma_semaphore, #tpu.memory_space<semaphore_mem>>)
    %dma_start3A_107 = arith.constant 384 : i32
    %dma_start3A_108 = arith.constant 0 : i32
    %dma_start3A_109 = tpu.memref_slice %arg33[%dma_start3A_107, %dma_start3A_108] : memref<512x20xf32, #tpu.memory_space<vmem>> -> memref<128x20xf32, #tpu.memory_space<vmem>>
    %dma_start3A_110 = arith.constant 384 : i32
    %dma_start3A_111 = tpu.memref_slice %arg24[%dma_start3A_110] : memref<512xi32, #tpu.memory_space<vmem>> -> memref<128xi32, #tpu.memory_space<vmem>>
    %dma_start3A_112 = arith.constant 0 : i32
    %dma_start3A_113 = arith.constant 0 : i32
    %dma_start3A_114 = tpu.memref_slice %arg5[%dma_start3A_112, %dma_start3A_113] : memref<48000x20xf32, #tpu.memory_space<hbm>> -> memref<48000x20xf32, #tpu.memory_space<hbm>>
    tpu.enqueue_indirect_dma source(%dma_start3A_114 : memref<48000x20xf32, #tpu.memory_space<hbm>>) target(%dma_start3A_109 : memref<128x20xf32, #tpu.memory_space<vmem>>) offsets(%dma_start3A_111 : memref<128xi32, #tpu.memory_space<vmem>>) semaphore(%arg41 : memref<!tpu.dma_semaphore, #tpu.memory_space<semaphore_mem>>)
    %dma_start3A_115 = arith.constant 0 : i32
    %dma_start3A_116 = arith.constant 0 : i32
    %dma_start3A_117 = tpu.memref_slice %arg34[%dma_start3A_115, %dma_start3A_116] : memref<512x20xf32, #tpu.memory_space<vmem>> -> memref<128x20xf32, #tpu.memory_space<vmem>>
    %dma_start3A_118 = arith.constant 0 : i32
    %dma_start3A_119 = tpu.memref_slice %arg26[%dma_start3A_118] : memref<512xi32, #tpu.memory_space<vmem>> -> memref<128xi32, #tpu.memory_space<vmem>>
    %dma_start3A_120 = arith.constant 0 : i32
    %dma_start3A_121 = arith.constant 0 : i32
    %dma_start3A_122 = tpu.memref_slice %arg6[%dma_start3A_120, %dma_start3A_121] : memref<8000x20xf32, #tpu.memory_space<hbm>> -> memref<8000x20xf32, #tpu.memory_space<hbm>>
    tpu.enqueue_indirect_dma source(%dma_start3A_122 : memref<8000x20xf32, #tpu.memory_space<hbm>>) target(%dma_start3A_117 : memref<128x20xf32, #tpu.memory_space<vmem>>) offsets(%dma_start3A_119 : memref<128xi32, #tpu.memory_space<vmem>>) semaphore(%arg41 : memref<!tpu.dma_semaphore, #tpu.memory_space<semaphore_mem>>)
    %dma_start3A_123 = arith.constant 128 : i32
    %dma_start3A_124 = arith.constant 0 : i32
    %dma_start3A_125 = tpu.memref_slice %arg34[%dma_start3A_123, %dma_start3A_124] : memref<512x20xf32, #tpu.memory_space<vmem>> -> memref<128x20xf32, #tpu.memory_space<vmem>>
    %dma_start3A_126 = arith.constant 128 : i32
    %dma_start3A_127 = tpu.memref_slice %arg26[%dma_start3A_126] : memref<512xi32, #tpu.memory_space<vmem>> -> memref<128xi32, #tpu.memory_space<vmem>>
    %dma_start3A_128 = arith.constant 0 : i32
    %dma_start3A_129 = arith.constant 0 : i32
    %dma_start3A_130 = tpu.memref_slice %arg6[%dma_start3A_128, %dma_start3A_129] : memref<8000x20xf32, #tpu.memory_space<hbm>> -> memref<8000x20xf32, #tpu.memory_space<hbm>>
    tpu.enqueue_indirect_dma source(%dma_start3A_130 : memref<8000x20xf32, #tpu.memory_space<hbm>>) target(%dma_start3A_125 : memref<128x20xf32, #tpu.memory_space<vmem>>) offsets(%dma_start3A_127 : memref<128xi32, #tpu.memory_space<vmem>>) semaphore(%arg41 : memref<!tpu.dma_semaphore, #tpu.memory_space<semaphore_mem>>)
    %dma_start3A_131 = arith.constant 256 : i32
    %dma_start3A_132 = arith.constant 0 : i32
    %dma_start3A_133 = tpu.memref_slice %arg34[%dma_start3A_131, %dma_start3A_132] : memref<512x20xf32, #tpu.memory_space<vmem>> -> memref<128x20xf32, #tpu.memory_space<vmem>>
    %dma_start3A_134 = arith.constant 256 : i32
    %dma_start3A_135 = tpu.memref_slice %arg26[%dma_start3A_134] : memref<512xi32, #tpu.memory_space<vmem>> -> memref<128xi32, #tpu.memory_space<vmem>>
    %dma_start3A_136 = arith.constant 0 : i32
    %dma_start3A_137 = arith.constant 0 : i32
    %dma_start3A_138 = tpu.memref_slice %arg6[%dma_start3A_136, %dma_start3A_137] : memref<8000x20xf32, #tpu.memory_space<hbm>> -> memref<8000x20xf32, #tpu.memory_space<hbm>>
    tpu.enqueue_indirect_dma source(%dma_start3A_138 : memref<8000x20xf32, #tpu.memory_space<hbm>>) target(%dma_start3A_133 : memref<128x20xf32, #tpu.memory_space<vmem>>) offsets(%dma_start3A_135 : memref<128xi32, #tpu.memory_space<vmem>>) semaphore(%arg41 : memref<!tpu.dma_semaphore, #tpu.memory_space<semaphore_mem>>)
    %dma_start3A_139 = arith.constant 384 : i32
    %dma_start3A_140 = arith.constant 0 : i32
    %dma_start3A_141 = tpu.memref_slice %arg34[%dma_start3A_139, %dma_start3A_140] : memref<512x20xf32, #tpu.memory_space<vmem>> -> memref<128x20xf32, #tpu.memory_space<vmem>>
    %dma_start3A_142 = arith.constant 384 : i32
    %dma_start3A_143 = tpu.memref_slice %arg26[%dma_start3A_142] : memref<512xi32, #tpu.memory_space<vmem>> -> memref<128xi32, #tpu.memory_space<vmem>>
    %dma_start3A_144 = arith.constant 0 : i32
    %dma_start3A_145 = arith.constant 0 : i32
    %dma_start3A_146 = tpu.memref_slice %arg6[%dma_start3A_144, %dma_start3A_145] : memref<8000x20xf32, #tpu.memory_space<hbm>> -> memref<8000x20xf32, #tpu.memory_space<hbm>>
    tpu.enqueue_indirect_dma source(%dma_start3A_146 : memref<8000x20xf32, #tpu.memory_space<hbm>>) target(%dma_start3A_141 : memref<128x20xf32, #tpu.memory_space<vmem>>) offsets(%dma_start3A_143 : memref<128xi32, #tpu.memory_space<vmem>>) semaphore(%arg41 : memref<!tpu.dma_semaphore, #tpu.memory_space<semaphore_mem>>)
    %dma_start3A_147 = arith.constant 0 : i32
    %dma_start3A_148 = arith.constant 0 : i32
    %dma_start3A_149 = tpu.memref_slice %arg35[%dma_start3A_147, %dma_start3A_148] : memref<512x20xf32, #tpu.memory_space<vmem>> -> memref<128x20xf32, #tpu.memory_space<vmem>>
    %dma_start3A_150 = arith.constant 0 : i32
    %dma_start3A_151 = tpu.memref_slice %arg27[%dma_start3A_150] : memref<512xi32, #tpu.memory_space<vmem>> -> memref<128xi32, #tpu.memory_space<vmem>>
    %dma_start3A_152 = arith.constant 0 : i32
    %dma_start3A_153 = arith.constant 0 : i32
    %dma_start3A_154 = tpu.memref_slice %arg6[%dma_start3A_152, %dma_start3A_153] : memref<8000x20xf32, #tpu.memory_space<hbm>> -> memref<8000x20xf32, #tpu.memory_space<hbm>>
    tpu.enqueue_indirect_dma source(%dma_start3A_154 : memref<8000x20xf32, #tpu.memory_space<hbm>>) target(%dma_start3A_149 : memref<128x20xf32, #tpu.memory_space<vmem>>) offsets(%dma_start3A_151 : memref<128xi32, #tpu.memory_space<vmem>>) semaphore(%arg41 : memref<!tpu.dma_semaphore, #tpu.memory_space<semaphore_mem>>)
    %dma_start3A_155 = arith.constant 128 : i32
    %dma_start3A_156 = arith.constant 0 : i32
    %dma_start3A_157 = tpu.memref_slice %arg35[%dma_start3A_155, %dma_start3A_156] : memref<512x20xf32, #tpu.memory_space<vmem>> -> memref<128x20xf32, #tpu.memory_space<vmem>>
    %dma_start3A_158 = arith.constant 128 : i32
    %dma_start3A_159 = tpu.memref_slice %arg27[%dma_start3A_158] : memref<512xi32, #tpu.memory_space<vmem>> -> memref<128xi32, #tpu.memory_space<vmem>>
    %dma_start3A_160 = arith.constant 0 : i32
    %dma_start3A_161 = arith.constant 0 : i32
    %dma_start3A_162 = tpu.memref_slice %arg6[%dma_start3A_160, %dma_start3A_161] : memref<8000x20xf32, #tpu.memory_space<hbm>> -> memref<8000x20xf32, #tpu.memory_space<hbm>>
    tpu.enqueue_indirect_dma source(%dma_start3A_162 : memref<8000x20xf32, #tpu.memory_space<hbm>>) target(%dma_start3A_157 : memref<128x20xf32, #tpu.memory_space<vmem>>) offsets(%dma_start3A_159 : memref<128xi32, #tpu.memory_space<vmem>>) semaphore(%arg41 : memref<!tpu.dma_semaphore, #tpu.memory_space<semaphore_mem>>)
    %dma_start3A_163 = arith.constant 256 : i32
    %dma_start3A_164 = arith.constant 0 : i32
    %dma_start3A_165 = tpu.memref_slice %arg35[%dma_start3A_163, %dma_start3A_164] : memref<512x20xf32, #tpu.memory_space<vmem>> -> memref<128x20xf32, #tpu.memory_space<vmem>>
    %dma_start3A_166 = arith.constant 256 : i32
    %dma_start3A_167 = tpu.memref_slice %arg27[%dma_start3A_166] : memref<512xi32, #tpu.memory_space<vmem>> -> memref<128xi32, #tpu.memory_space<vmem>>
    %dma_start3A_168 = arith.constant 0 : i32
    %dma_start3A_169 = arith.constant 0 : i32
    %dma_start3A_170 = tpu.memref_slice %arg6[%dma_start3A_168, %dma_start3A_169] : memref<8000x20xf32, #tpu.memory_space<hbm>> -> memref<8000x20xf32, #tpu.memory_space<hbm>>
    tpu.enqueue_indirect_dma source(%dma_start3A_170 : memref<8000x20xf32, #tpu.memory_space<hbm>>) target(%dma_start3A_165 : memref<128x20xf32, #tpu.memory_space<vmem>>) offsets(%dma_start3A_167 : memref<128xi32, #tpu.memory_space<vmem>>) semaphore(%arg41 : memref<!tpu.dma_semaphore, #tpu.memory_space<semaphore_mem>>)
    %dma_start3A_171 = arith.constant 384 : i32
    %dma_start3A_172 = arith.constant 0 : i32
    %dma_start3A_173 = tpu.memref_slice %arg35[%dma_start3A_171, %dma_start3A_172] : memref<512x20xf32, #tpu.memory_space<vmem>> -> memref<128x20xf32, #tpu.memory_space<vmem>>
    %dma_start3A_174 = arith.constant 384 : i32
    %dma_start3A_175 = tpu.memref_slice %arg27[%dma_start3A_174] : memref<512xi32, #tpu.memory_space<vmem>> -> memref<128xi32, #tpu.memory_space<vmem>>
    %dma_start3A_176 = arith.constant 0 : i32
    %dma_start3A_177 = arith.constant 0 : i32
    %dma_start3A_178 = tpu.memref_slice %arg6[%dma_start3A_176, %dma_start3A_177] : memref<8000x20xf32, #tpu.memory_space<hbm>> -> memref<8000x20xf32, #tpu.memory_space<hbm>>
    tpu.enqueue_indirect_dma source(%dma_start3A_178 : memref<8000x20xf32, #tpu.memory_space<hbm>>) target(%dma_start3A_173 : memref<128x20xf32, #tpu.memory_space<vmem>>) offsets(%dma_start3A_175 : memref<128xi32, #tpu.memory_space<vmem>>) semaphore(%arg41 : memref<!tpu.dma_semaphore, #tpu.memory_space<semaphore_mem>>)
    %dma_start3A_179 = arith.constant 0 : i32
    %dma_start3A_180 = arith.constant 0 : i32
    %dma_start3A_181 = tpu.memref_slice %arg36[%dma_start3A_179, %dma_start3A_180] : memref<512x20xf32, #tpu.memory_space<vmem>> -> memref<128x20xf32, #tpu.memory_space<vmem>>
    %dma_start3A_182 = arith.constant 0 : i32
    %dma_start3A_183 = tpu.memref_slice %arg29[%dma_start3A_182] : memref<512xi32, #tpu.memory_space<vmem>> -> memref<128xi32, #tpu.memory_space<vmem>>
    %dma_start3A_184 = arith.constant 0 : i32
    %dma_start3A_185 = arith.constant 0 : i32
    %dma_start3A_186 = tpu.memref_slice %arg7[%dma_start3A_184, %dma_start3A_185] : memref<8000x20xf32, #tpu.memory_space<hbm>> -> memref<8000x20xf32, #tpu.memory_space<hbm>>
    tpu.enqueue_indirect_dma source(%dma_start3A_186 : memref<8000x20xf32, #tpu.memory_space<hbm>>) target(%dma_start3A_181 : memref<128x20xf32, #tpu.memory_space<vmem>>) offsets(%dma_start3A_183 : memref<128xi32, #tpu.memory_space<vmem>>) semaphore(%arg41 : memref<!tpu.dma_semaphore, #tpu.memory_space<semaphore_mem>>)
    %dma_start3A_187 = arith.constant 128 : i32
    %dma_start3A_188 = arith.constant 0 : i32
    %dma_start3A_189 = tpu.memref_slice %arg36[%dma_start3A_187, %dma_start3A_188] : memref<512x20xf32, #tpu.memory_space<vmem>> -> memref<128x20xf32, #tpu.memory_space<vmem>>
    %dma_start3A_190 = arith.constant 128 : i32
    %dma_start3A_191 = tpu.memref_slice %arg29[%dma_start3A_190] : memref<512xi32, #tpu.memory_space<vmem>> -> memref<128xi32, #tpu.memory_space<vmem>>
    %dma_start3A_192 = arith.constant 0 : i32
    %dma_start3A_193 = arith.constant 0 : i32
    %dma_start3A_194 = tpu.memref_slice %arg7[%dma_start3A_192, %dma_start3A_193] : memref<8000x20xf32, #tpu.memory_space<hbm>> -> memref<8000x20xf32, #tpu.memory_space<hbm>>
    tpu.enqueue_indirect_dma source(%dma_start3A_194 : memref<8000x20xf32, #tpu.memory_space<hbm>>) target(%dma_start3A_189 : memref<128x20xf32, #tpu.memory_space<vmem>>) offsets(%dma_start3A_191 : memref<128xi32, #tpu.memory_space<vmem>>) semaphore(%arg41 : memref<!tpu.dma_semaphore, #tpu.memory_space<semaphore_mem>>)
    %dma_start3A_195 = arith.constant 256 : i32
    %dma_start3A_196 = arith.constant 0 : i32
    %dma_start3A_197 = tpu.memref_slice %arg36[%dma_start3A_195, %dma_start3A_196] : memref<512x20xf32, #tpu.memory_space<vmem>> -> memref<128x20xf32, #tpu.memory_space<vmem>>
    %dma_start3A_198 = arith.constant 256 : i32
    %dma_start3A_199 = tpu.memref_slice %arg29[%dma_start3A_198] : memref<512xi32, #tpu.memory_space<vmem>> -> memref<128xi32, #tpu.memory_space<vmem>>
    %dma_start3A_200 = arith.constant 0 : i32
    %dma_start3A_201 = arith.constant 0 : i32
    %dma_start3A_202 = tpu.memref_slice %arg7[%dma_start3A_200, %dma_start3A_201] : memref<8000x20xf32, #tpu.memory_space<hbm>> -> memref<8000x20xf32, #tpu.memory_space<hbm>>
    tpu.enqueue_indirect_dma source(%dma_start3A_202 : memref<8000x20xf32, #tpu.memory_space<hbm>>) target(%dma_start3A_197 : memref<128x20xf32, #tpu.memory_space<vmem>>) offsets(%dma_start3A_199 : memref<128xi32, #tpu.memory_space<vmem>>) semaphore(%arg41 : memref<!tpu.dma_semaphore, #tpu.memory_space<semaphore_mem>>)
    %dma_start3A_203 = arith.constant 384 : i32
    %dma_start3A_204 = arith.constant 0 : i32
    %dma_start3A_205 = tpu.memref_slice %arg36[%dma_start3A_203, %dma_start3A_204] : memref<512x20xf32, #tpu.memory_space<vmem>> -> memref<128x20xf32, #tpu.memory_space<vmem>>
    %dma_start3A_206 = arith.constant 384 : i32
    %dma_start3A_207 = tpu.memref_slice %arg29[%dma_start3A_206] : memref<512xi32, #tpu.memory_space<vmem>> -> memref<128xi32, #tpu.memory_space<vmem>>
    %dma_start3A_208 = arith.constant 0 : i32
    %dma_start3A_209 = arith.constant 0 : i32
    %dma_start3A_210 = tpu.memref_slice %arg7[%dma_start3A_208, %dma_start3A_209] : memref<8000x20xf32, #tpu.memory_space<hbm>> -> memref<8000x20xf32, #tpu.memory_space<hbm>>
    tpu.enqueue_indirect_dma source(%dma_start3A_210 : memref<8000x20xf32, #tpu.memory_space<hbm>>) target(%dma_start3A_205 : memref<128x20xf32, #tpu.memory_space<vmem>>) offsets(%dma_start3A_207 : memref<128xi32, #tpu.memory_space<vmem>>) semaphore(%arg41 : memref<!tpu.dma_semaphore, #tpu.memory_space<semaphore_mem>>)
    %dma_start3A_211 = arith.constant 0 : i32
    %dma_start3A_212 = arith.constant 0 : i32
    %dma_start3A_213 = tpu.memref_slice %arg37[%dma_start3A_211, %dma_start3A_212] : memref<512x20xf32, #tpu.memory_space<vmem>> -> memref<128x20xf32, #tpu.memory_space<vmem>>
    %dma_start3A_214 = arith.constant 0 : i32
    %dma_start3A_215 = tpu.memref_slice %arg30[%dma_start3A_214] : memref<512xi32, #tpu.memory_space<vmem>> -> memref<128xi32, #tpu.memory_space<vmem>>
    %dma_start3A_216 = arith.constant 0 : i32
    %dma_start3A_217 = arith.constant 0 : i32
    %dma_start3A_218 = tpu.memref_slice %arg7[%dma_start3A_216, %dma_start3A_217] : memref<8000x20xf32, #tpu.memory_space<hbm>> -> memref<8000x20xf32, #tpu.memory_space<hbm>>
    tpu.enqueue_indirect_dma source(%dma_start3A_218 : memref<8000x20xf32, #tpu.memory_space<hbm>>) target(%dma_start3A_213 : memref<128x20xf32, #tpu.memory_space<vmem>>) offsets(%dma_start3A_215 : memref<128xi32, #tpu.memory_space<vmem>>) semaphore(%arg41 : memref<!tpu.dma_semaphore, #tpu.memory_space<semaphore_mem>>)
    %dma_start3A_219 = arith.constant 128 : i32
    %dma_start3A_220 = arith.constant 0 : i32
    %dma_start3A_221 = tpu.memref_slice %arg37[%dma_start3A_219, %dma_start3A_220] : memref<512x20xf32, #tpu.memory_space<vmem>> -> memref<128x20xf32, #tpu.memory_space<vmem>>
    %dma_start3A_222 = arith.constant 128 : i32
    %dma_start3A_223 = tpu.memref_slice %arg30[%dma_start3A_222] : memref<512xi32, #tpu.memory_space<vmem>> -> memref<128xi32, #tpu.memory_space<vmem>>
    %dma_start3A_224 = arith.constant 0 : i32
    %dma_start3A_225 = arith.constant 0 : i32
    %dma_start3A_226 = tpu.memref_slice %arg7[%dma_start3A_224, %dma_start3A_225] : memref<8000x20xf32, #tpu.memory_space<hbm>> -> memref<8000x20xf32, #tpu.memory_space<hbm>>
    tpu.enqueue_indirect_dma source(%dma_start3A_226 : memref<8000x20xf32, #tpu.memory_space<hbm>>) target(%dma_start3A_221 : memref<128x20xf32, #tpu.memory_space<vmem>>) offsets(%dma_start3A_223 : memref<128xi32, #tpu.memory_space<vmem>>) semaphore(%arg41 : memref<!tpu.dma_semaphore, #tpu.memory_space<semaphore_mem>>)
    %dma_start3A_227 = arith.constant 256 : i32
    %dma_start3A_228 = arith.constant 0 : i32
    %dma_start3A_229 = tpu.memref_slice %arg37[%dma_start3A_227, %dma_start3A_228] : memref<512x20xf32, #tpu.memory_space<vmem>> -> memref<128x20xf32, #tpu.memory_space<vmem>>
    %dma_start3A_230 = arith.constant 256 : i32
    %dma_start3A_231 = tpu.memref_slice %arg30[%dma_start3A_230] : memref<512xi32, #tpu.memory_space<vmem>> -> memref<128xi32, #tpu.memory_space<vmem>>
    %dma_start3A_232 = arith.constant 0 : i32
    %dma_start3A_233 = arith.constant 0 : i32
    %dma_start3A_234 = tpu.memref_slice %arg7[%dma_start3A_232, %dma_start3A_233] : memref<8000x20xf32, #tpu.memory_space<hbm>> -> memref<8000x20xf32, #tpu.memory_space<hbm>>
    tpu.enqueue_indirect_dma source(%dma_start3A_234 : memref<8000x20xf32, #tpu.memory_space<hbm>>) target(%dma_start3A_229 : memref<128x20xf32, #tpu.memory_space<vmem>>) offsets(%dma_start3A_231 : memref<128xi32, #tpu.memory_space<vmem>>) semaphore(%arg41 : memref<!tpu.dma_semaphore, #tpu.memory_space<semaphore_mem>>)
    %dma_start3A_235 = arith.constant 384 : i32
    %dma_start3A_236 = arith.constant 0 : i32
    %dma_start3A_237 = tpu.memref_slice %arg37[%dma_start3A_235, %dma_start3A_236] : memref<512x20xf32, #tpu.memory_space<vmem>> -> memref<128x20xf32, #tpu.memory_space<vmem>>
    %dma_start3A_238 = arith.constant 384 : i32
    %dma_start3A_239 = tpu.memref_slice %arg30[%dma_start3A_238] : memref<512xi32, #tpu.memory_space<vmem>> -> memref<128xi32, #tpu.memory_space<vmem>>
    %dma_start3A_240 = arith.constant 0 : i32
    %dma_start3A_241 = arith.constant 0 : i32
    %dma_start3A_242 = tpu.memref_slice %arg7[%dma_start3A_240, %dma_start3A_241] : memref<8000x20xf32, #tpu.memory_space<hbm>> -> memref<8000x20xf32, #tpu.memory_space<hbm>>
    tpu.enqueue_indirect_dma source(%dma_start3A_242 : memref<8000x20xf32, #tpu.memory_space<hbm>>) target(%dma_start3A_237 : memref<128x20xf32, #tpu.memory_space<vmem>>) offsets(%dma_start3A_239 : memref<128xi32, #tpu.memory_space<vmem>>) semaphore(%arg41 : memref<!tpu.dma_semaphore, #tpu.memory_space<semaphore_mem>>)
    %dma_start3A_243 = arith.constant 0 : i32
    %dma_start3A_244 = arith.constant 0 : i32
    %dma_start3A_245 = tpu.memref_slice %arg38[%dma_start3A_243, %dma_start3A_244] : memref<512x2xf32, #tpu.memory_space<vmem>> -> memref<128x2xf32, #tpu.memory_space<vmem>>
    %dma_start3A_246 = arith.constant 0 : i32
    %dma_start3A_247 = tpu.memref_slice %arg25[%dma_start3A_246] : memref<512xi32, #tpu.memory_space<vmem>> -> memref<128xi32, #tpu.memory_space<vmem>>
    %dma_start3A_248 = arith.constant 0 : i32
    %dma_start3A_249 = arith.constant 0 : i32
    %dma_start3A_250 = tpu.memref_slice %arg8[%dma_start3A_248, %dma_start3A_249] : memref<480000x2xf32, #tpu.memory_space<hbm>> -> memref<480000x2xf32, #tpu.memory_space<hbm>>
    tpu.enqueue_indirect_dma source(%dma_start3A_250 : memref<480000x2xf32, #tpu.memory_space<hbm>>) target(%dma_start3A_245 : memref<128x2xf32, #tpu.memory_space<vmem>>) offsets(%dma_start3A_247 : memref<128xi32, #tpu.memory_space<vmem>>) semaphore(%arg41 : memref<!tpu.dma_semaphore, #tpu.memory_space<semaphore_mem>>)
    %dma_start3A_251 = arith.constant 128 : i32
    %dma_start3A_252 = arith.constant 0 : i32
    %dma_start3A_253 = tpu.memref_slice %arg38[%dma_start3A_251, %dma_start3A_252] : memref<512x2xf32, #tpu.memory_space<vmem>> -> memref<128x2xf32, #tpu.memory_space<vmem>>
    %dma_start3A_254 = arith.constant 128 : i32
    %dma_start3A_255 = tpu.memref_slice %arg25[%dma_start3A_254] : memref<512xi32, #tpu.memory_space<vmem>> -> memref<128xi32, #tpu.memory_space<vmem>>
    %dma_start3A_256 = arith.constant 0 : i32
    %dma_start3A_257 = arith.constant 0 : i32
    %dma_start3A_258 = tpu.memref_slice %arg8[%dma_start3A_256, %dma_start3A_257] : memref<480000x2xf32, #tpu.memory_space<hbm>> -> memref<480000x2xf32, #tpu.memory_space<hbm>>
    tpu.enqueue_indirect_dma source(%dma_start3A_258 : memref<480000x2xf32, #tpu.memory_space<hbm>>) target(%dma_start3A_253 : memref<128x2xf32, #tpu.memory_space<vmem>>) offsets(%dma_start3A_255 : memref<128xi32, #tpu.memory_space<vmem>>) semaphore(%arg41 : memref<!tpu.dma_semaphore, #tpu.memory_space<semaphore_mem>>)
    %dma_start3A_259 = arith.constant 256 : i32
    %dma_start3A_260 = arith.constant 0 : i32
    %dma_start3A_261 = tpu.memref_slice %arg38[%dma_start3A_259, %dma_start3A_260] : memref<512x2xf32, #tpu.memory_space<vmem>> -> memref<128x2xf32, #tpu.memory_space<vmem>>
    %dma_start3A_262 = arith.constant 256 : i32
    %dma_start3A_263 = tpu.memref_slice %arg25[%dma_start3A_262] : memref<512xi32, #tpu.memory_space<vmem>> -> memref<128xi32, #tpu.memory_space<vmem>>
    %dma_start3A_264 = arith.constant 0 : i32
    %dma_start3A_265 = arith.constant 0 : i32
    %dma_start3A_266 = tpu.memref_slice %arg8[%dma_start3A_264, %dma_start3A_265] : memref<480000x2xf32, #tpu.memory_space<hbm>> -> memref<480000x2xf32, #tpu.memory_space<hbm>>
    tpu.enqueue_indirect_dma source(%dma_start3A_266 : memref<480000x2xf32, #tpu.memory_space<hbm>>) target(%dma_start3A_261 : memref<128x2xf32, #tpu.memory_space<vmem>>) offsets(%dma_start3A_263 : memref<128xi32, #tpu.memory_space<vmem>>) semaphore(%arg41 : memref<!tpu.dma_semaphore, #tpu.memory_space<semaphore_mem>>)
    %dma_start3A_267 = arith.constant 384 : i32
    %dma_start3A_268 = arith.constant 0 : i32
    %dma_start3A_269 = tpu.memref_slice %arg38[%dma_start3A_267, %dma_start3A_268] : memref<512x2xf32, #tpu.memory_space<vmem>> -> memref<128x2xf32, #tpu.memory_space<vmem>>
    %dma_start3A_270 = arith.constant 384 : i32
    %dma_start3A_271 = tpu.memref_slice %arg25[%dma_start3A_270] : memref<512xi32, #tpu.memory_space<vmem>> -> memref<128xi32, #tpu.memory_space<vmem>>
    %dma_start3A_272 = arith.constant 0 : i32
    %dma_start3A_273 = arith.constant 0 : i32
    %dma_start3A_274 = tpu.memref_slice %arg8[%dma_start3A_272, %dma_start3A_273] : memref<480000x2xf32, #tpu.memory_space<hbm>> -> memref<480000x2xf32, #tpu.memory_space<hbm>>
    tpu.enqueue_indirect_dma source(%dma_start3A_274 : memref<480000x2xf32, #tpu.memory_space<hbm>>) target(%dma_start3A_269 : memref<128x2xf32, #tpu.memory_space<vmem>>) offsets(%dma_start3A_271 : memref<128xi32, #tpu.memory_space<vmem>>) semaphore(%arg41 : memref<!tpu.dma_semaphore, #tpu.memory_space<semaphore_mem>>)
    %dma_start3A_275 = arith.constant 0 : i32
    %dma_start3A_276 = arith.constant 0 : i32
    %dma_start3A_277 = tpu.memref_slice %arg39[%dma_start3A_275, %dma_start3A_276] : memref<512x2xf32, #tpu.memory_space<vmem>> -> memref<128x2xf32, #tpu.memory_space<vmem>>
    %dma_start3A_278 = arith.constant 0 : i32
    %dma_start3A_279 = tpu.memref_slice %arg28[%dma_start3A_278] : memref<512xi32, #tpu.memory_space<vmem>> -> memref<128xi32, #tpu.memory_space<vmem>>
    %dma_start3A_280 = arith.constant 0 : i32
    %dma_start3A_281 = arith.constant 0 : i32
    %dma_start3A_282 = tpu.memref_slice %arg9[%dma_start3A_280, %dma_start3A_281] : memref<80000x2xf32, #tpu.memory_space<hbm>> -> memref<80000x2xf32, #tpu.memory_space<hbm>>
    tpu.enqueue_indirect_dma source(%dma_start3A_282 : memref<80000x2xf32, #tpu.memory_space<hbm>>) target(%dma_start3A_277 : memref<128x2xf32, #tpu.memory_space<vmem>>) offsets(%dma_start3A_279 : memref<128xi32, #tpu.memory_space<vmem>>) semaphore(%arg41 : memref<!tpu.dma_semaphore, #tpu.memory_space<semaphore_mem>>)
    %dma_start3A_283 = arith.constant 128 : i32
    %dma_start3A_284 = arith.constant 0 : i32
    %dma_start3A_285 = tpu.memref_slice %arg39[%dma_start3A_283, %dma_start3A_284] : memref<512x2xf32, #tpu.memory_space<vmem>> -> memref<128x2xf32, #tpu.memory_space<vmem>>
    %dma_start3A_286 = arith.constant 128 : i32
    %dma_start3A_287 = tpu.memref_slice %arg28[%dma_start3A_286] : memref<512xi32, #tpu.memory_space<vmem>> -> memref<128xi32, #tpu.memory_space<vmem>>
    %dma_start3A_288 = arith.constant 0 : i32
    %dma_start3A_289 = arith.constant 0 : i32
    %dma_start3A_290 = tpu.memref_slice %arg9[%dma_start3A_288, %dma_start3A_289] : memref<80000x2xf32, #tpu.memory_space<hbm>> -> memref<80000x2xf32, #tpu.memory_space<hbm>>
    tpu.enqueue_indirect_dma source(%dma_start3A_290 : memref<80000x2xf32, #tpu.memory_space<hbm>>) target(%dma_start3A_285 : memref<128x2xf32, #tpu.memory_space<vmem>>) offsets(%dma_start3A_287 : memref<128xi32, #tpu.memory_space<vmem>>) semaphore(%arg41 : memref<!tpu.dma_semaphore, #tpu.memory_space<semaphore_mem>>)
    %dma_start3A_291 = arith.constant 256 : i32
    %dma_start3A_292 = arith.constant 0 : i32
    %dma_start3A_293 = tpu.memref_slice %arg39[%dma_start3A_291, %dma_start3A_292] : memref<512x2xf32, #tpu.memory_space<vmem>> -> memref<128x2xf32, #tpu.memory_space<vmem>>
    %dma_start3A_294 = arith.constant 256 : i32
    %dma_start3A_295 = tpu.memref_slice %arg28[%dma_start3A_294] : memref<512xi32, #tpu.memory_space<vmem>> -> memref<128xi32, #tpu.memory_space<vmem>>
    %dma_start3A_296 = arith.constant 0 : i32
    %dma_start3A_297 = arith.constant 0 : i32
    %dma_start3A_298 = tpu.memref_slice %arg9[%dma_start3A_296, %dma_start3A_297] : memref<80000x2xf32, #tpu.memory_space<hbm>> -> memref<80000x2xf32, #tpu.memory_space<hbm>>
    tpu.enqueue_indirect_dma source(%dma_start3A_298 : memref<80000x2xf32, #tpu.memory_space<hbm>>) target(%dma_start3A_293 : memref<128x2xf32, #tpu.memory_space<vmem>>) offsets(%dma_start3A_295 : memref<128xi32, #tpu.memory_space<vmem>>) semaphore(%arg41 : memref<!tpu.dma_semaphore, #tpu.memory_space<semaphore_mem>>)
    %dma_start3A_299 = arith.constant 384 : i32
    %dma_start3A_300 = arith.constant 0 : i32
    %dma_start3A_301 = tpu.memref_slice %arg39[%dma_start3A_299, %dma_start3A_300] : memref<512x2xf32, #tpu.memory_space<vmem>> -> memref<128x2xf32, #tpu.memory_space<vmem>>
    %dma_start3A_302 = arith.constant 384 : i32
    %dma_start3A_303 = tpu.memref_slice %arg28[%dma_start3A_302] : memref<512xi32, #tpu.memory_space<vmem>> -> memref<128xi32, #tpu.memory_space<vmem>>
    %dma_start3A_304 = arith.constant 0 : i32
    %dma_start3A_305 = arith.constant 0 : i32
    %dma_start3A_306 = tpu.memref_slice %arg9[%dma_start3A_304, %dma_start3A_305] : memref<80000x2xf32, #tpu.memory_space<hbm>> -> memref<80000x2xf32, #tpu.memory_space<hbm>>
    tpu.enqueue_indirect_dma source(%dma_start3A_306 : memref<80000x2xf32, #tpu.memory_space<hbm>>) target(%dma_start3A_301 : memref<128x2xf32, #tpu.memory_space<vmem>>) offsets(%dma_start3A_303 : memref<128xi32, #tpu.memory_space<vmem>>) semaphore(%arg41 : memref<!tpu.dma_semaphore, #tpu.memory_space<semaphore_mem>>)
    %dma_start3A_307 = arith.constant 0 : i32
    %dma_start3A_308 = arith.constant 0 : i32
    %dma_start3A_309 = tpu.memref_slice %arg40[%dma_start3A_307, %dma_start3A_308] : memref<512x2xf32, #tpu.memory_space<vmem>> -> memref<128x2xf32, #tpu.memory_space<vmem>>
    %dma_start3A_310 = arith.constant 0 : i32
    %dma_start3A_311 = tpu.memref_slice %arg31[%dma_start3A_310] : memref<512xi32, #tpu.memory_space<vmem>> -> memref<128xi32, #tpu.memory_space<vmem>>
    %dma_start3A_312 = arith.constant 0 : i32
    %dma_start3A_313 = arith.constant 0 : i32
    %dma_start3A_314 = tpu.memref_slice %arg10[%dma_start3A_312, %dma_start3A_313] : memref<80000x2xf32, #tpu.memory_space<hbm>> -> memref<80000x2xf32, #tpu.memory_space<hbm>>
    tpu.enqueue_indirect_dma source(%dma_start3A_314 : memref<80000x2xf32, #tpu.memory_space<hbm>>) target(%dma_start3A_309 : memref<128x2xf32, #tpu.memory_space<vmem>>) offsets(%dma_start3A_311 : memref<128xi32, #tpu.memory_space<vmem>>) semaphore(%arg41 : memref<!tpu.dma_semaphore, #tpu.memory_space<semaphore_mem>>)
    %dma_start3A_315 = arith.constant 128 : i32
    %dma_start3A_316 = arith.constant 0 : i32
    %dma_start3A_317 = tpu.memref_slice %arg40[%dma_start3A_315, %dma_start3A_316] : memref<512x2xf32, #tpu.memory_space<vmem>> -> memref<128x2xf32, #tpu.memory_space<vmem>>
    %dma_start3A_318 = arith.constant 128 : i32
    %dma_start3A_319 = tpu.memref_slice %arg31[%dma_start3A_318] : memref<512xi32, #tpu.memory_space<vmem>> -> memref<128xi32, #tpu.memory_space<vmem>>
    %dma_start3A_320 = arith.constant 0 : i32
    %dma_start3A_321 = arith.constant 0 : i32
    %dma_start3A_322 = tpu.memref_slice %arg10[%dma_start3A_320, %dma_start3A_321] : memref<80000x2xf32, #tpu.memory_space<hbm>> -> memref<80000x2xf32, #tpu.memory_space<hbm>>
    tpu.enqueue_indirect_dma source(%dma_start3A_322 : memref<80000x2xf32, #tpu.memory_space<hbm>>) target(%dma_start3A_317 : memref<128x2xf32, #tpu.memory_space<vmem>>) offsets(%dma_start3A_319 : memref<128xi32, #tpu.memory_space<vmem>>) semaphore(%arg41 : memref<!tpu.dma_semaphore, #tpu.memory_space<semaphore_mem>>)
    %dma_start3A_323 = arith.constant 256 : i32
    %dma_start3A_324 = arith.constant 0 : i32
    %dma_start3A_325 = tpu.memref_slice %arg40[%dma_start3A_323, %dma_start3A_324] : memref<512x2xf32, #tpu.memory_space<vmem>> -> memref<128x2xf32, #tpu.memory_space<vmem>>
    %dma_start3A_326 = arith.constant 256 : i32
    %dma_start3A_327 = tpu.memref_slice %arg31[%dma_start3A_326] : memref<512xi32, #tpu.memory_space<vmem>> -> memref<128xi32, #tpu.memory_space<vmem>>
    %dma_start3A_328 = arith.constant 0 : i32
    %dma_start3A_329 = arith.constant 0 : i32
    %dma_start3A_330 = tpu.memref_slice %arg10[%dma_start3A_328, %dma_start3A_329] : memref<80000x2xf32, #tpu.memory_space<hbm>> -> memref<80000x2xf32, #tpu.memory_space<hbm>>
    tpu.enqueue_indirect_dma source(%dma_start3A_330 : memref<80000x2xf32, #tpu.memory_space<hbm>>) target(%dma_start3A_325 : memref<128x2xf32, #tpu.memory_space<vmem>>) offsets(%dma_start3A_327 : memref<128xi32, #tpu.memory_space<vmem>>) semaphore(%arg41 : memref<!tpu.dma_semaphore, #tpu.memory_space<semaphore_mem>>)
    %dma_start3A_331 = arith.constant 384 : i32
    %dma_start3A_332 = arith.constant 0 : i32
    %dma_start3A_333 = tpu.memref_slice %arg40[%dma_start3A_331, %dma_start3A_332] : memref<512x2xf32, #tpu.memory_space<vmem>> -> memref<128x2xf32, #tpu.memory_space<vmem>>
    %dma_start3A_334 = arith.constant 384 : i32
    %dma_start3A_335 = tpu.memref_slice %arg31[%dma_start3A_334] : memref<512xi32, #tpu.memory_space<vmem>> -> memref<128xi32, #tpu.memory_space<vmem>>
    %dma_start3A_336 = arith.constant 0 : i32
    %dma_start3A_337 = arith.constant 0 : i32
    %dma_start3A_338 = tpu.memref_slice %arg10[%dma_start3A_336, %dma_start3A_337] : memref<80000x2xf32, #tpu.memory_space<hbm>> -> memref<80000x2xf32, #tpu.memory_space<hbm>>
    tpu.enqueue_indirect_dma source(%dma_start3A_338 : memref<80000x2xf32, #tpu.memory_space<hbm>>) target(%dma_start3A_333 : memref<128x2xf32, #tpu.memory_space<vmem>>) offsets(%dma_start3A_335 : memref<128xi32, #tpu.memory_space<vmem>>) semaphore(%arg41 : memref<!tpu.dma_semaphore, #tpu.memory_space<semaphore_mem>>)
    %dma_wait3A = arith.constant 0 : i32
    %dma_wait3A_339 = arith.constant 0 : i32
    %dma_wait3A_340 = tpu.memref_slice %arg32[%dma_wait3A, %dma_wait3A_339] : memref<512x20xf32, #tpu.memory_space<vmem>> -> memref<128x20xf32, #tpu.memory_space<vmem>>
    %dma_wait3A_341 = arith.constant 0 : i32
    %dma_wait3A_342 = tpu.memref_slice %arg23[%dma_wait3A_341] : memref<512xi32, #tpu.memory_space<vmem>> -> memref<128xi32, #tpu.memory_space<vmem>>
    %dma_wait3A_343 = arith.constant 0 : i32
    %dma_wait3A_344 = arith.constant 0 : i32
    %dma_wait3A_345 = tpu.memref_slice %arg5[%dma_wait3A_343, %dma_wait3A_344] : memref<48000x20xf32, #tpu.memory_space<hbm>> -> memref<48000x20xf32, #tpu.memory_space<hbm>>
    tpu.wait_indirect_dma semaphore(%arg41 : memref<!tpu.dma_semaphore, #tpu.memory_space<semaphore_mem>>) src(%dma_wait3A_345 : memref<48000x20xf32, #tpu.memory_space<hbm>>) dst(%dma_wait3A_340 : memref<128x20xf32, #tpu.memory_space<vmem>>)
    %dma_wait3A_346 = arith.constant 128 : i32
    %dma_wait3A_347 = arith.constant 0 : i32
    %dma_wait3A_348 = tpu.memref_slice %arg32[%dma_wait3A_346, %dma_wait3A_347] : memref<512x20xf32, #tpu.memory_space<vmem>> -> memref<128x20xf32, #tpu.memory_space<vmem>>
    %dma_wait3A_349 = arith.constant 128 : i32
    %dma_wait3A_350 = tpu.memref_slice %arg23[%dma_wait3A_349] : memref<512xi32, #tpu.memory_space<vmem>> -> memref<128xi32, #tpu.memory_space<vmem>>
    %dma_wait3A_351 = arith.constant 0 : i32
    %dma_wait3A_352 = arith.constant 0 : i32
    %dma_wait3A_353 = tpu.memref_slice %arg5[%dma_wait3A_351, %dma_wait3A_352] : memref<48000x20xf32, #tpu.memory_space<hbm>> -> memref<48000x20xf32, #tpu.memory_space<hbm>>
    tpu.wait_indirect_dma semaphore(%arg41 : memref<!tpu.dma_semaphore, #tpu.memory_space<semaphore_mem>>) src(%dma_wait3A_353 : memref<48000x20xf32, #tpu.memory_space<hbm>>) dst(%dma_wait3A_348 : memref<128x20xf32, #tpu.memory_space<vmem>>)
    %dma_wait3A_354 = arith.constant 256 : i32
    %dma_wait3A_355 = arith.constant 0 : i32
    %dma_wait3A_356 = tpu.memref_slice %arg32[%dma_wait3A_354, %dma_wait3A_355] : memref<512x20xf32, #tpu.memory_space<vmem>> -> memref<128x20xf32, #tpu.memory_space<vmem>>
    %dma_wait3A_357 = arith.constant 256 : i32
    %dma_wait3A_358 = tpu.memref_slice %arg23[%dma_wait3A_357] : memref<512xi32, #tpu.memory_space<vmem>> -> memref<128xi32, #tpu.memory_space<vmem>>
    %dma_wait3A_359 = arith.constant 0 : i32
    %dma_wait3A_360 = arith.constant 0 : i32
    %dma_wait3A_361 = tpu.memref_slice %arg5[%dma_wait3A_359, %dma_wait3A_360] : memref<48000x20xf32, #tpu.memory_space<hbm>> -> memref<48000x20xf32, #tpu.memory_space<hbm>>
    tpu.wait_indirect_dma semaphore(%arg41 : memref<!tpu.dma_semaphore, #tpu.memory_space<semaphore_mem>>) src(%dma_wait3A_361 : memref<48000x20xf32, #tpu.memory_space<hbm>>) dst(%dma_wait3A_356 : memref<128x20xf32, #tpu.memory_space<vmem>>)
    %dma_wait3A_362 = arith.constant 384 : i32
    %dma_wait3A_363 = arith.constant 0 : i32
    %dma_wait3A_364 = tpu.memref_slice %arg32[%dma_wait3A_362, %dma_wait3A_363] : memref<512x20xf32, #tpu.memory_space<vmem>> -> memref<128x20xf32, #tpu.memory_space<vmem>>
    %dma_wait3A_365 = arith.constant 384 : i32
    %dma_wait3A_366 = tpu.memref_slice %arg23[%dma_wait3A_365] : memref<512xi32, #tpu.memory_space<vmem>> -> memref<128xi32, #tpu.memory_space<vmem>>
    %dma_wait3A_367 = arith.constant 0 : i32
    %dma_wait3A_368 = arith.constant 0 : i32
    %dma_wait3A_369 = tpu.memref_slice %arg5[%dma_wait3A_367, %dma_wait3A_368] : memref<48000x20xf32, #tpu.memory_space<hbm>> -> memref<48000x20xf32, #tpu.memory_space<hbm>>
    tpu.wait_indirect_dma semaphore(%arg41 : memref<!tpu.dma_semaphore, #tpu.memory_space<semaphore_mem>>) src(%dma_wait3A_369 : memref<48000x20xf32, #tpu.memory_space<hbm>>) dst(%dma_wait3A_364 : memref<128x20xf32, #tpu.memory_space<vmem>>)
    %dma_wait3A_370 = arith.constant 0 : i32
    %dma_wait3A_371 = arith.constant 0 : i32
    %dma_wait3A_372 = tpu.memref_slice %arg33[%dma_wait3A_370, %dma_wait3A_371] : memref<512x20xf32, #tpu.memory_space<vmem>> -> memref<128x20xf32, #tpu.memory_space<vmem>>
    %dma_wait3A_373 = arith.constant 0 : i32
    %dma_wait3A_374 = tpu.memref_slice %arg24[%dma_wait3A_373] : memref<512xi32, #tpu.memory_space<vmem>> -> memref<128xi32, #tpu.memory_space<vmem>>
    %dma_wait3A_375 = arith.constant 0 : i32
    %dma_wait3A_376 = arith.constant 0 : i32
    %dma_wait3A_377 = tpu.memref_slice %arg5[%dma_wait3A_375, %dma_wait3A_376] : memref<48000x20xf32, #tpu.memory_space<hbm>> -> memref<48000x20xf32, #tpu.memory_space<hbm>>
    tpu.wait_indirect_dma semaphore(%arg41 : memref<!tpu.dma_semaphore, #tpu.memory_space<semaphore_mem>>) src(%dma_wait3A_377 : memref<48000x20xf32, #tpu.memory_space<hbm>>) dst(%dma_wait3A_372 : memref<128x20xf32, #tpu.memory_space<vmem>>)
    %dma_wait3A_378 = arith.constant 128 : i32
    %dma_wait3A_379 = arith.constant 0 : i32
    %dma_wait3A_380 = tpu.memref_slice %arg33[%dma_wait3A_378, %dma_wait3A_379] : memref<512x20xf32, #tpu.memory_space<vmem>> -> memref<128x20xf32, #tpu.memory_space<vmem>>
    %dma_wait3A_381 = arith.constant 128 : i32
    %dma_wait3A_382 = tpu.memref_slice %arg24[%dma_wait3A_381] : memref<512xi32, #tpu.memory_space<vmem>> -> memref<128xi32, #tpu.memory_space<vmem>>
    %dma_wait3A_383 = arith.constant 0 : i32
    %dma_wait3A_384 = arith.constant 0 : i32
    %dma_wait3A_385 = tpu.memref_slice %arg5[%dma_wait3A_383, %dma_wait3A_384] : memref<48000x20xf32, #tpu.memory_space<hbm>> -> memref<48000x20xf32, #tpu.memory_space<hbm>>
    tpu.wait_indirect_dma semaphore(%arg41 : memref<!tpu.dma_semaphore, #tpu.memory_space<semaphore_mem>>) src(%dma_wait3A_385 : memref<48000x20xf32, #tpu.memory_space<hbm>>) dst(%dma_wait3A_380 : memref<128x20xf32, #tpu.memory_space<vmem>>)
    %dma_wait3A_386 = arith.constant 256 : i32
    %dma_wait3A_387 = arith.constant 0 : i32
    %dma_wait3A_388 = tpu.memref_slice %arg33[%dma_wait3A_386, %dma_wait3A_387] : memref<512x20xf32, #tpu.memory_space<vmem>> -> memref<128x20xf32, #tpu.memory_space<vmem>>
    %dma_wait3A_389 = arith.constant 256 : i32
    %dma_wait3A_390 = tpu.memref_slice %arg24[%dma_wait3A_389] : memref<512xi32, #tpu.memory_space<vmem>> -> memref<128xi32, #tpu.memory_space<vmem>>
    %dma_wait3A_391 = arith.constant 0 : i32
    %dma_wait3A_392 = arith.constant 0 : i32
    %dma_wait3A_393 = tpu.memref_slice %arg5[%dma_wait3A_391, %dma_wait3A_392] : memref<48000x20xf32, #tpu.memory_space<hbm>> -> memref<48000x20xf32, #tpu.memory_space<hbm>>
    tpu.wait_indirect_dma semaphore(%arg41 : memref<!tpu.dma_semaphore, #tpu.memory_space<semaphore_mem>>) src(%dma_wait3A_393 : memref<48000x20xf32, #tpu.memory_space<hbm>>) dst(%dma_wait3A_388 : memref<128x20xf32, #tpu.memory_space<vmem>>)
    %dma_wait3A_394 = arith.constant 384 : i32
    %dma_wait3A_395 = arith.constant 0 : i32
    %dma_wait3A_396 = tpu.memref_slice %arg33[%dma_wait3A_394, %dma_wait3A_395] : memref<512x20xf32, #tpu.memory_space<vmem>> -> memref<128x20xf32, #tpu.memory_space<vmem>>
    %dma_wait3A_397 = arith.constant 384 : i32
    %dma_wait3A_398 = tpu.memref_slice %arg24[%dma_wait3A_397] : memref<512xi32, #tpu.memory_space<vmem>> -> memref<128xi32, #tpu.memory_space<vmem>>
    %dma_wait3A_399 = arith.constant 0 : i32
    %dma_wait3A_400 = arith.constant 0 : i32
    %dma_wait3A_401 = tpu.memref_slice %arg5[%dma_wait3A_399, %dma_wait3A_400] : memref<48000x20xf32, #tpu.memory_space<hbm>> -> memref<48000x20xf32, #tpu.memory_space<hbm>>
    tpu.wait_indirect_dma semaphore(%arg41 : memref<!tpu.dma_semaphore, #tpu.memory_space<semaphore_mem>>) src(%dma_wait3A_401 : memref<48000x20xf32, #tpu.memory_space<hbm>>) dst(%dma_wait3A_396 : memref<128x20xf32, #tpu.memory_space<vmem>>)
    %dma_wait3A_402 = arith.constant 0 : i32
    %dma_wait3A_403 = arith.constant 0 : i32
    %dma_wait3A_404 = tpu.memref_slice %arg34[%dma_wait3A_402, %dma_wait3A_403] : memref<512x20xf32, #tpu.memory_space<vmem>> -> memref<128x20xf32, #tpu.memory_space<vmem>>
    %dma_wait3A_405 = arith.constant 0 : i32
    %dma_wait3A_406 = tpu.memref_slice %arg26[%dma_wait3A_405] : memref<512xi32, #tpu.memory_space<vmem>> -> memref<128xi32, #tpu.memory_space<vmem>>
    %dma_wait3A_407 = arith.constant 0 : i32
    %dma_wait3A_408 = arith.constant 0 : i32
    %dma_wait3A_409 = tpu.memref_slice %arg6[%dma_wait3A_407, %dma_wait3A_408] : memref<8000x20xf32, #tpu.memory_space<hbm>> -> memref<8000x20xf32, #tpu.memory_space<hbm>>
    tpu.wait_indirect_dma semaphore(%arg41 : memref<!tpu.dma_semaphore, #tpu.memory_space<semaphore_mem>>) src(%dma_wait3A_409 : memref<8000x20xf32, #tpu.memory_space<hbm>>) dst(%dma_wait3A_404 : memref<128x20xf32, #tpu.memory_space<vmem>>)
    %dma_wait3A_410 = arith.constant 128 : i32
    %dma_wait3A_411 = arith.constant 0 : i32
    %dma_wait3A_412 = tpu.memref_slice %arg34[%dma_wait3A_410, %dma_wait3A_411] : memref<512x20xf32, #tpu.memory_space<vmem>> -> memref<128x20xf32, #tpu.memory_space<vmem>>
    %dma_wait3A_413 = arith.constant 128 : i32
    %dma_wait3A_414 = tpu.memref_slice %arg26[%dma_wait3A_413] : memref<512xi32, #tpu.memory_space<vmem>> -> memref<128xi32, #tpu.memory_space<vmem>>
    %dma_wait3A_415 = arith.constant 0 : i32
    %dma_wait3A_416 = arith.constant 0 : i32
    %dma_wait3A_417 = tpu.memref_slice %arg6[%dma_wait3A_415, %dma_wait3A_416] : memref<8000x20xf32, #tpu.memory_space<hbm>> -> memref<8000x20xf32, #tpu.memory_space<hbm>>
    tpu.wait_indirect_dma semaphore(%arg41 : memref<!tpu.dma_semaphore, #tpu.memory_space<semaphore_mem>>) src(%dma_wait3A_417 : memref<8000x20xf32, #tpu.memory_space<hbm>>) dst(%dma_wait3A_412 : memref<128x20xf32, #tpu.memory_space<vmem>>)
    %dma_wait3A_418 = arith.constant 256 : i32
    %dma_wait3A_419 = arith.constant 0 : i32
    %dma_wait3A_420 = tpu.memref_slice %arg34[%dma_wait3A_418, %dma_wait3A_419] : memref<512x20xf32, #tpu.memory_space<vmem>> -> memref<128x20xf32, #tpu.memory_space<vmem>>
    %dma_wait3A_421 = arith.constant 256 : i32
    %dma_wait3A_422 = tpu.memref_slice %arg26[%dma_wait3A_421] : memref<512xi32, #tpu.memory_space<vmem>> -> memref<128xi32, #tpu.memory_space<vmem>>
    %dma_wait3A_423 = arith.constant 0 : i32
    %dma_wait3A_424 = arith.constant 0 : i32
    %dma_wait3A_425 = tpu.memref_slice %arg6[%dma_wait3A_423, %dma_wait3A_424] : memref<8000x20xf32, #tpu.memory_space<hbm>> -> memref<8000x20xf32, #tpu.memory_space<hbm>>
    tpu.wait_indirect_dma semaphore(%arg41 : memref<!tpu.dma_semaphore, #tpu.memory_space<semaphore_mem>>) src(%dma_wait3A_425 : memref<8000x20xf32, #tpu.memory_space<hbm>>) dst(%dma_wait3A_420 : memref<128x20xf32, #tpu.memory_space<vmem>>)
    %dma_wait3A_426 = arith.constant 384 : i32
    %dma_wait3A_427 = arith.constant 0 : i32
    %dma_wait3A_428 = tpu.memref_slice %arg34[%dma_wait3A_426, %dma_wait3A_427] : memref<512x20xf32, #tpu.memory_space<vmem>> -> memref<128x20xf32, #tpu.memory_space<vmem>>
    %dma_wait3A_429 = arith.constant 384 : i32
    %dma_wait3A_430 = tpu.memref_slice %arg26[%dma_wait3A_429] : memref<512xi32, #tpu.memory_space<vmem>> -> memref<128xi32, #tpu.memory_space<vmem>>
    %dma_wait3A_431 = arith.constant 0 : i32
    %dma_wait3A_432 = arith.constant 0 : i32
    %dma_wait3A_433 = tpu.memref_slice %arg6[%dma_wait3A_431, %dma_wait3A_432] : memref<8000x20xf32, #tpu.memory_space<hbm>> -> memref<8000x20xf32, #tpu.memory_space<hbm>>
    tpu.wait_indirect_dma semaphore(%arg41 : memref<!tpu.dma_semaphore, #tpu.memory_space<semaphore_mem>>) src(%dma_wait3A_433 : memref<8000x20xf32, #tpu.memory_space<hbm>>) dst(%dma_wait3A_428 : memref<128x20xf32, #tpu.memory_space<vmem>>)
    %dma_wait3A_434 = arith.constant 0 : i32
    %dma_wait3A_435 = arith.constant 0 : i32
    %dma_wait3A_436 = tpu.memref_slice %arg35[%dma_wait3A_434, %dma_wait3A_435] : memref<512x20xf32, #tpu.memory_space<vmem>> -> memref<128x20xf32, #tpu.memory_space<vmem>>
    %dma_wait3A_437 = arith.constant 0 : i32
    %dma_wait3A_438 = tpu.memref_slice %arg27[%dma_wait3A_437] : memref<512xi32, #tpu.memory_space<vmem>> -> memref<128xi32, #tpu.memory_space<vmem>>
    %dma_wait3A_439 = arith.constant 0 : i32
    %dma_wait3A_440 = arith.constant 0 : i32
    %dma_wait3A_441 = tpu.memref_slice %arg6[%dma_wait3A_439, %dma_wait3A_440] : memref<8000x20xf32, #tpu.memory_space<hbm>> -> memref<8000x20xf32, #tpu.memory_space<hbm>>
    tpu.wait_indirect_dma semaphore(%arg41 : memref<!tpu.dma_semaphore, #tpu.memory_space<semaphore_mem>>) src(%dma_wait3A_441 : memref<8000x20xf32, #tpu.memory_space<hbm>>) dst(%dma_wait3A_436 : memref<128x20xf32, #tpu.memory_space<vmem>>)
    %dma_wait3A_442 = arith.constant 128 : i32
    %dma_wait3A_443 = arith.constant 0 : i32
    %dma_wait3A_444 = tpu.memref_slice %arg35[%dma_wait3A_442, %dma_wait3A_443] : memref<512x20xf32, #tpu.memory_space<vmem>> -> memref<128x20xf32, #tpu.memory_space<vmem>>
    %dma_wait3A_445 = arith.constant 128 : i32
    %dma_wait3A_446 = tpu.memref_slice %arg27[%dma_wait3A_445] : memref<512xi32, #tpu.memory_space<vmem>> -> memref<128xi32, #tpu.memory_space<vmem>>
    %dma_wait3A_447 = arith.constant 0 : i32
    %dma_wait3A_448 = arith.constant 0 : i32
    %dma_wait3A_449 = tpu.memref_slice %arg6[%dma_wait3A_447, %dma_wait3A_448] : memref<8000x20xf32, #tpu.memory_space<hbm>> -> memref<8000x20xf32, #tpu.memory_space<hbm>>
    tpu.wait_indirect_dma semaphore(%arg41 : memref<!tpu.dma_semaphore, #tpu.memory_space<semaphore_mem>>) src(%dma_wait3A_449 : memref<8000x20xf32, #tpu.memory_space<hbm>>) dst(%dma_wait3A_444 : memref<128x20xf32, #tpu.memory_space<vmem>>)
    %dma_wait3A_450 = arith.constant 256 : i32
    %dma_wait3A_451 = arith.constant 0 : i32
    %dma_wait3A_452 = tpu.memref_slice %arg35[%dma_wait3A_450, %dma_wait3A_451] : memref<512x20xf32, #tpu.memory_space<vmem>> -> memref<128x20xf32, #tpu.memory_space<vmem>>
    %dma_wait3A_453 = arith.constant 256 : i32
    %dma_wait3A_454 = tpu.memref_slice %arg27[%dma_wait3A_453] : memref<512xi32, #tpu.memory_space<vmem>> -> memref<128xi32, #tpu.memory_space<vmem>>
    %dma_wait3A_455 = arith.constant 0 : i32
    %dma_wait3A_456 = arith.constant 0 : i32
    %dma_wait3A_457 = tpu.memref_slice %arg6[%dma_wait3A_455, %dma_wait3A_456] : memref<8000x20xf32, #tpu.memory_space<hbm>> -> memref<8000x20xf32, #tpu.memory_space<hbm>>
    tpu.wait_indirect_dma semaphore(%arg41 : memref<!tpu.dma_semaphore, #tpu.memory_space<semaphore_mem>>) src(%dma_wait3A_457 : memref<8000x20xf32, #tpu.memory_space<hbm>>) dst(%dma_wait3A_452 : memref<128x20xf32, #tpu.memory_space<vmem>>)
    %dma_wait3A_458 = arith.constant 384 : i32
    %dma_wait3A_459 = arith.constant 0 : i32
    %dma_wait3A_460 = tpu.memref_slice %arg35[%dma_wait3A_458, %dma_wait3A_459] : memref<512x20xf32, #tpu.memory_space<vmem>> -> memref<128x20xf32, #tpu.memory_space<vmem>>
    %dma_wait3A_461 = arith.constant 384 : i32
    %dma_wait3A_462 = tpu.memref_slice %arg27[%dma_wait3A_461] : memref<512xi32, #tpu.memory_space<vmem>> -> memref<128xi32, #tpu.memory_space<vmem>>
    %dma_wait3A_463 = arith.constant 0 : i32
    %dma_wait3A_464 = arith.constant 0 : i32
    %dma_wait3A_465 = tpu.memref_slice %arg6[%dma_wait3A_463, %dma_wait3A_464] : memref<8000x20xf32, #tpu.memory_space<hbm>> -> memref<8000x20xf32, #tpu.memory_space<hbm>>
    tpu.wait_indirect_dma semaphore(%arg41 : memref<!tpu.dma_semaphore, #tpu.memory_space<semaphore_mem>>) src(%dma_wait3A_465 : memref<8000x20xf32, #tpu.memory_space<hbm>>) dst(%dma_wait3A_460 : memref<128x20xf32, #tpu.memory_space<vmem>>)
    %dma_wait3A_466 = arith.constant 0 : i32
    %dma_wait3A_467 = arith.constant 0 : i32
    %dma_wait3A_468 = tpu.memref_slice %arg36[%dma_wait3A_466, %dma_wait3A_467] : memref<512x20xf32, #tpu.memory_space<vmem>> -> memref<128x20xf32, #tpu.memory_space<vmem>>
    %dma_wait3A_469 = arith.constant 0 : i32
    %dma_wait3A_470 = tpu.memref_slice %arg29[%dma_wait3A_469] : memref<512xi32, #tpu.memory_space<vmem>> -> memref<128xi32, #tpu.memory_space<vmem>>
    %dma_wait3A_471 = arith.constant 0 : i32
    %dma_wait3A_472 = arith.constant 0 : i32
    %dma_wait3A_473 = tpu.memref_slice %arg7[%dma_wait3A_471, %dma_wait3A_472] : memref<8000x20xf32, #tpu.memory_space<hbm>> -> memref<8000x20xf32, #tpu.memory_space<hbm>>
    tpu.wait_indirect_dma semaphore(%arg41 : memref<!tpu.dma_semaphore, #tpu.memory_space<semaphore_mem>>) src(%dma_wait3A_473 : memref<8000x20xf32, #tpu.memory_space<hbm>>) dst(%dma_wait3A_468 : memref<128x20xf32, #tpu.memory_space<vmem>>)
    %dma_wait3A_474 = arith.constant 128 : i32
    %dma_wait3A_475 = arith.constant 0 : i32
    %dma_wait3A_476 = tpu.memref_slice %arg36[%dma_wait3A_474, %dma_wait3A_475] : memref<512x20xf32, #tpu.memory_space<vmem>> -> memref<128x20xf32, #tpu.memory_space<vmem>>
    %dma_wait3A_477 = arith.constant 128 : i32
    %dma_wait3A_478 = tpu.memref_slice %arg29[%dma_wait3A_477] : memref<512xi32, #tpu.memory_space<vmem>> -> memref<128xi32, #tpu.memory_space<vmem>>
    %dma_wait3A_479 = arith.constant 0 : i32
    %dma_wait3A_480 = arith.constant 0 : i32
    %dma_wait3A_481 = tpu.memref_slice %arg7[%dma_wait3A_479, %dma_wait3A_480] : memref<8000x20xf32, #tpu.memory_space<hbm>> -> memref<8000x20xf32, #tpu.memory_space<hbm>>
    tpu.wait_indirect_dma semaphore(%arg41 : memref<!tpu.dma_semaphore, #tpu.memory_space<semaphore_mem>>) src(%dma_wait3A_481 : memref<8000x20xf32, #tpu.memory_space<hbm>>) dst(%dma_wait3A_476 : memref<128x20xf32, #tpu.memory_space<vmem>>)
    %dma_wait3A_482 = arith.constant 256 : i32
    %dma_wait3A_483 = arith.constant 0 : i32
    %dma_wait3A_484 = tpu.memref_slice %arg36[%dma_wait3A_482, %dma_wait3A_483] : memref<512x20xf32, #tpu.memory_space<vmem>> -> memref<128x20xf32, #tpu.memory_space<vmem>>
    %dma_wait3A_485 = arith.constant 256 : i32
    %dma_wait3A_486 = tpu.memref_slice %arg29[%dma_wait3A_485] : memref<512xi32, #tpu.memory_space<vmem>> -> memref<128xi32, #tpu.memory_space<vmem>>
    %dma_wait3A_487 = arith.constant 0 : i32
    %dma_wait3A_488 = arith.constant 0 : i32
    %dma_wait3A_489 = tpu.memref_slice %arg7[%dma_wait3A_487, %dma_wait3A_488] : memref<8000x20xf32, #tpu.memory_space<hbm>> -> memref<8000x20xf32, #tpu.memory_space<hbm>>
    tpu.wait_indirect_dma semaphore(%arg41 : memref<!tpu.dma_semaphore, #tpu.memory_space<semaphore_mem>>) src(%dma_wait3A_489 : memref<8000x20xf32, #tpu.memory_space<hbm>>) dst(%dma_wait3A_484 : memref<128x20xf32, #tpu.memory_space<vmem>>)
    %dma_wait3A_490 = arith.constant 384 : i32
    %dma_wait3A_491 = arith.constant 0 : i32
    %dma_wait3A_492 = tpu.memref_slice %arg36[%dma_wait3A_490, %dma_wait3A_491] : memref<512x20xf32, #tpu.memory_space<vmem>> -> memref<128x20xf32, #tpu.memory_space<vmem>>
    %dma_wait3A_493 = arith.constant 384 : i32
    %dma_wait3A_494 = tpu.memref_slice %arg29[%dma_wait3A_493] : memref<512xi32, #tpu.memory_space<vmem>> -> memref<128xi32, #tpu.memory_space<vmem>>
    %dma_wait3A_495 = arith.constant 0 : i32
    %dma_wait3A_496 = arith.constant 0 : i32
    %dma_wait3A_497 = tpu.memref_slice %arg7[%dma_wait3A_495, %dma_wait3A_496] : memref<8000x20xf32, #tpu.memory_space<hbm>> -> memref<8000x20xf32, #tpu.memory_space<hbm>>
    tpu.wait_indirect_dma semaphore(%arg41 : memref<!tpu.dma_semaphore, #tpu.memory_space<semaphore_mem>>) src(%dma_wait3A_497 : memref<8000x20xf32, #tpu.memory_space<hbm>>) dst(%dma_wait3A_492 : memref<128x20xf32, #tpu.memory_space<vmem>>)
    %dma_wait3A_498 = arith.constant 0 : i32
    %dma_wait3A_499 = arith.constant 0 : i32
    %dma_wait3A_500 = tpu.memref_slice %arg37[%dma_wait3A_498, %dma_wait3A_499] : memref<512x20xf32, #tpu.memory_space<vmem>> -> memref<128x20xf32, #tpu.memory_space<vmem>>
    %dma_wait3A_501 = arith.constant 0 : i32
    %dma_wait3A_502 = tpu.memref_slice %arg30[%dma_wait3A_501] : memref<512xi32, #tpu.memory_space<vmem>> -> memref<128xi32, #tpu.memory_space<vmem>>
    %dma_wait3A_503 = arith.constant 0 : i32
    %dma_wait3A_504 = arith.constant 0 : i32
    %dma_wait3A_505 = tpu.memref_slice %arg7[%dma_wait3A_503, %dma_wait3A_504] : memref<8000x20xf32, #tpu.memory_space<hbm>> -> memref<8000x20xf32, #tpu.memory_space<hbm>>
    tpu.wait_indirect_dma semaphore(%arg41 : memref<!tpu.dma_semaphore, #tpu.memory_space<semaphore_mem>>) src(%dma_wait3A_505 : memref<8000x20xf32, #tpu.memory_space<hbm>>) dst(%dma_wait3A_500 : memref<128x20xf32, #tpu.memory_space<vmem>>)
    %dma_wait3A_506 = arith.constant 128 : i32
    %dma_wait3A_507 = arith.constant 0 : i32
    %dma_wait3A_508 = tpu.memref_slice %arg37[%dma_wait3A_506, %dma_wait3A_507] : memref<512x20xf32, #tpu.memory_space<vmem>> -> memref<128x20xf32, #tpu.memory_space<vmem>>
    %dma_wait3A_509 = arith.constant 128 : i32
    %dma_wait3A_510 = tpu.memref_slice %arg30[%dma_wait3A_509] : memref<512xi32, #tpu.memory_space<vmem>> -> memref<128xi32, #tpu.memory_space<vmem>>
    %dma_wait3A_511 = arith.constant 0 : i32
    %dma_wait3A_512 = arith.constant 0 : i32
    %dma_wait3A_513 = tpu.memref_slice %arg7[%dma_wait3A_511, %dma_wait3A_512] : memref<8000x20xf32, #tpu.memory_space<hbm>> -> memref<8000x20xf32, #tpu.memory_space<hbm>>
    tpu.wait_indirect_dma semaphore(%arg41 : memref<!tpu.dma_semaphore, #tpu.memory_space<semaphore_mem>>) src(%dma_wait3A_513 : memref<8000x20xf32, #tpu.memory_space<hbm>>) dst(%dma_wait3A_508 : memref<128x20xf32, #tpu.memory_space<vmem>>)
    %dma_wait3A_514 = arith.constant 256 : i32
    %dma_wait3A_515 = arith.constant 0 : i32
    %dma_wait3A_516 = tpu.memref_slice %arg37[%dma_wait3A_514, %dma_wait3A_515] : memref<512x20xf32, #tpu.memory_space<vmem>> -> memref<128x20xf32, #tpu.memory_space<vmem>>
    %dma_wait3A_517 = arith.constant 256 : i32
    %dma_wait3A_518 = tpu.memref_slice %arg30[%dma_wait3A_517] : memref<512xi32, #tpu.memory_space<vmem>> -> memref<128xi32, #tpu.memory_space<vmem>>
    %dma_wait3A_519 = arith.constant 0 : i32
    %dma_wait3A_520 = arith.constant 0 : i32
    %dma_wait3A_521 = tpu.memref_slice %arg7[%dma_wait3A_519, %dma_wait3A_520] : memref<8000x20xf32, #tpu.memory_space<hbm>> -> memref<8000x20xf32, #tpu.memory_space<hbm>>
    tpu.wait_indirect_dma semaphore(%arg41 : memref<!tpu.dma_semaphore, #tpu.memory_space<semaphore_mem>>) src(%dma_wait3A_521 : memref<8000x20xf32, #tpu.memory_space<hbm>>) dst(%dma_wait3A_516 : memref<128x20xf32, #tpu.memory_space<vmem>>)
    %dma_wait3A_522 = arith.constant 384 : i32
    %dma_wait3A_523 = arith.constant 0 : i32
    %dma_wait3A_524 = tpu.memref_slice %arg37[%dma_wait3A_522, %dma_wait3A_523] : memref<512x20xf32, #tpu.memory_space<vmem>> -> memref<128x20xf32, #tpu.memory_space<vmem>>
    %dma_wait3A_525 = arith.constant 384 : i32
    %dma_wait3A_526 = tpu.memref_slice %arg30[%dma_wait3A_525] : memref<512xi32, #tpu.memory_space<vmem>> -> memref<128xi32, #tpu.memory_space<vmem>>
    %dma_wait3A_527 = arith.constant 0 : i32
    %dma_wait3A_528 = arith.constant 0 : i32
    %dma_wait3A_529 = tpu.memref_slice %arg7[%dma_wait3A_527, %dma_wait3A_528] : memref<8000x20xf32, #tpu.memory_space<hbm>> -> memref<8000x20xf32, #tpu.memory_space<hbm>>
    tpu.wait_indirect_dma semaphore(%arg41 : memref<!tpu.dma_semaphore, #tpu.memory_space<semaphore_mem>>) src(%dma_wait3A_529 : memref<8000x20xf32, #tpu.memory_space<hbm>>) dst(%dma_wait3A_524 : memref<128x20xf32, #tpu.memory_space<vmem>>)
    %dma_wait3A_530 = arith.constant 0 : i32
    %dma_wait3A_531 = arith.constant 0 : i32
    %dma_wait3A_532 = tpu.memref_slice %arg38[%dma_wait3A_530, %dma_wait3A_531] : memref<512x2xf32, #tpu.memory_space<vmem>> -> memref<128x2xf32, #tpu.memory_space<vmem>>
    %dma_wait3A_533 = arith.constant 0 : i32
    %dma_wait3A_534 = tpu.memref_slice %arg25[%dma_wait3A_533] : memref<512xi32, #tpu.memory_space<vmem>> -> memref<128xi32, #tpu.memory_space<vmem>>
    %dma_wait3A_535 = arith.constant 0 : i32
    %dma_wait3A_536 = arith.constant 0 : i32
    %dma_wait3A_537 = tpu.memref_slice %arg8[%dma_wait3A_535, %dma_wait3A_536] : memref<480000x2xf32, #tpu.memory_space<hbm>> -> memref<480000x2xf32, #tpu.memory_space<hbm>>
    tpu.wait_indirect_dma semaphore(%arg41 : memref<!tpu.dma_semaphore, #tpu.memory_space<semaphore_mem>>) src(%dma_wait3A_537 : memref<480000x2xf32, #tpu.memory_space<hbm>>) dst(%dma_wait3A_532 : memref<128x2xf32, #tpu.memory_space<vmem>>)
    %dma_wait3A_538 = arith.constant 128 : i32
    %dma_wait3A_539 = arith.constant 0 : i32
    %dma_wait3A_540 = tpu.memref_slice %arg38[%dma_wait3A_538, %dma_wait3A_539] : memref<512x2xf32, #tpu.memory_space<vmem>> -> memref<128x2xf32, #tpu.memory_space<vmem>>
    %dma_wait3A_541 = arith.constant 128 : i32
    %dma_wait3A_542 = tpu.memref_slice %arg25[%dma_wait3A_541] : memref<512xi32, #tpu.memory_space<vmem>> -> memref<128xi32, #tpu.memory_space<vmem>>
    %dma_wait3A_543 = arith.constant 0 : i32
    %dma_wait3A_544 = arith.constant 0 : i32
    %dma_wait3A_545 = tpu.memref_slice %arg8[%dma_wait3A_543, %dma_wait3A_544] : memref<480000x2xf32, #tpu.memory_space<hbm>> -> memref<480000x2xf32, #tpu.memory_space<hbm>>
    tpu.wait_indirect_dma semaphore(%arg41 : memref<!tpu.dma_semaphore, #tpu.memory_space<semaphore_mem>>) src(%dma_wait3A_545 : memref<480000x2xf32, #tpu.memory_space<hbm>>) dst(%dma_wait3A_540 : memref<128x2xf32, #tpu.memory_space<vmem>>)
    %dma_wait3A_546 = arith.constant 256 : i32
    %dma_wait3A_547 = arith.constant 0 : i32
    %dma_wait3A_548 = tpu.memref_slice %arg38[%dma_wait3A_546, %dma_wait3A_547] : memref<512x2xf32, #tpu.memory_space<vmem>> -> memref<128x2xf32, #tpu.memory_space<vmem>>
    %dma_wait3A_549 = arith.constant 256 : i32
    %dma_wait3A_550 = tpu.memref_slice %arg25[%dma_wait3A_549] : memref<512xi32, #tpu.memory_space<vmem>> -> memref<128xi32, #tpu.memory_space<vmem>>
    %dma_wait3A_551 = arith.constant 0 : i32
    %dma_wait3A_552 = arith.constant 0 : i32
    %dma_wait3A_553 = tpu.memref_slice %arg8[%dma_wait3A_551, %dma_wait3A_552] : memref<480000x2xf32, #tpu.memory_space<hbm>> -> memref<480000x2xf32, #tpu.memory_space<hbm>>
    tpu.wait_indirect_dma semaphore(%arg41 : memref<!tpu.dma_semaphore, #tpu.memory_space<semaphore_mem>>) src(%dma_wait3A_553 : memref<480000x2xf32, #tpu.memory_space<hbm>>) dst(%dma_wait3A_548 : memref<128x2xf32, #tpu.memory_space<vmem>>)
    %dma_wait3A_554 = arith.constant 384 : i32
    %dma_wait3A_555 = arith.constant 0 : i32
    %dma_wait3A_556 = tpu.memref_slice %arg38[%dma_wait3A_554, %dma_wait3A_555] : memref<512x2xf32, #tpu.memory_space<vmem>> -> memref<128x2xf32, #tpu.memory_space<vmem>>
    %dma_wait3A_557 = arith.constant 384 : i32
    %dma_wait3A_558 = tpu.memref_slice %arg25[%dma_wait3A_557] : memref<512xi32, #tpu.memory_space<vmem>> -> memref<128xi32, #tpu.memory_space<vmem>>
    %dma_wait3A_559 = arith.constant 0 : i32
    %dma_wait3A_560 = arith.constant 0 : i32
    %dma_wait3A_561 = tpu.memref_slice %arg8[%dma_wait3A_559, %dma_wait3A_560] : memref<480000x2xf32, #tpu.memory_space<hbm>> -> memref<480000x2xf32, #tpu.memory_space<hbm>>
    tpu.wait_indirect_dma semaphore(%arg41 : memref<!tpu.dma_semaphore, #tpu.memory_space<semaphore_mem>>) src(%dma_wait3A_561 : memref<480000x2xf32, #tpu.memory_space<hbm>>) dst(%dma_wait3A_556 : memref<128x2xf32, #tpu.memory_space<vmem>>)
    %dma_wait3A_562 = arith.constant 0 : i32
    %dma_wait3A_563 = arith.constant 0 : i32
    %dma_wait3A_564 = tpu.memref_slice %arg39[%dma_wait3A_562, %dma_wait3A_563] : memref<512x2xf32, #tpu.memory_space<vmem>> -> memref<128x2xf32, #tpu.memory_space<vmem>>
    %dma_wait3A_565 = arith.constant 0 : i32
    %dma_wait3A_566 = tpu.memref_slice %arg28[%dma_wait3A_565] : memref<512xi32, #tpu.memory_space<vmem>> -> memref<128xi32, #tpu.memory_space<vmem>>
    %dma_wait3A_567 = arith.constant 0 : i32
    %dma_wait3A_568 = arith.constant 0 : i32
    %dma_wait3A_569 = tpu.memref_slice %arg9[%dma_wait3A_567, %dma_wait3A_568] : memref<80000x2xf32, #tpu.memory_space<hbm>> -> memref<80000x2xf32, #tpu.memory_space<hbm>>
    tpu.wait_indirect_dma semaphore(%arg41 : memref<!tpu.dma_semaphore, #tpu.memory_space<semaphore_mem>>) src(%dma_wait3A_569 : memref<80000x2xf32, #tpu.memory_space<hbm>>) dst(%dma_wait3A_564 : memref<128x2xf32, #tpu.memory_space<vmem>>)
    %dma_wait3A_570 = arith.constant 128 : i32
    %dma_wait3A_571 = arith.constant 0 : i32
    %dma_wait3A_572 = tpu.memref_slice %arg39[%dma_wait3A_570, %dma_wait3A_571] : memref<512x2xf32, #tpu.memory_space<vmem>> -> memref<128x2xf32, #tpu.memory_space<vmem>>
    %dma_wait3A_573 = arith.constant 128 : i32
    %dma_wait3A_574 = tpu.memref_slice %arg28[%dma_wait3A_573] : memref<512xi32, #tpu.memory_space<vmem>> -> memref<128xi32, #tpu.memory_space<vmem>>
    %dma_wait3A_575 = arith.constant 0 : i32
    %dma_wait3A_576 = arith.constant 0 : i32
    %dma_wait3A_577 = tpu.memref_slice %arg9[%dma_wait3A_575, %dma_wait3A_576] : memref<80000x2xf32, #tpu.memory_space<hbm>> -> memref<80000x2xf32, #tpu.memory_space<hbm>>
    tpu.wait_indirect_dma semaphore(%arg41 : memref<!tpu.dma_semaphore, #tpu.memory_space<semaphore_mem>>) src(%dma_wait3A_577 : memref<80000x2xf32, #tpu.memory_space<hbm>>) dst(%dma_wait3A_572 : memref<128x2xf32, #tpu.memory_space<vmem>>)
    %dma_wait3A_578 = arith.constant 256 : i32
    %dma_wait3A_579 = arith.constant 0 : i32
    %dma_wait3A_580 = tpu.memref_slice %arg39[%dma_wait3A_578, %dma_wait3A_579] : memref<512x2xf32, #tpu.memory_space<vmem>> -> memref<128x2xf32, #tpu.memory_space<vmem>>
    %dma_wait3A_581 = arith.constant 256 : i32
    %dma_wait3A_582 = tpu.memref_slice %arg28[%dma_wait3A_581] : memref<512xi32, #tpu.memory_space<vmem>> -> memref<128xi32, #tpu.memory_space<vmem>>
    %dma_wait3A_583 = arith.constant 0 : i32
    %dma_wait3A_584 = arith.constant 0 : i32
    %dma_wait3A_585 = tpu.memref_slice %arg9[%dma_wait3A_583, %dma_wait3A_584] : memref<80000x2xf32, #tpu.memory_space<hbm>> -> memref<80000x2xf32, #tpu.memory_space<hbm>>
    tpu.wait_indirect_dma semaphore(%arg41 : memref<!tpu.dma_semaphore, #tpu.memory_space<semaphore_mem>>) src(%dma_wait3A_585 : memref<80000x2xf32, #tpu.memory_space<hbm>>) dst(%dma_wait3A_580 : memref<128x2xf32, #tpu.memory_space<vmem>>)
    %dma_wait3A_586 = arith.constant 384 : i32
    %dma_wait3A_587 = arith.constant 0 : i32
    %dma_wait3A_588 = tpu.memref_slice %arg39[%dma_wait3A_586, %dma_wait3A_587] : memref<512x2xf32, #tpu.memory_space<vmem>> -> memref<128x2xf32, #tpu.memory_space<vmem>>
    %dma_wait3A_589 = arith.constant 384 : i32
    %dma_wait3A_590 = tpu.memref_slice %arg28[%dma_wait3A_589] : memref<512xi32, #tpu.memory_space<vmem>> -> memref<128xi32, #tpu.memory_space<vmem>>
    %dma_wait3A_591 = arith.constant 0 : i32
    %dma_wait3A_592 = arith.constant 0 : i32
    %dma_wait3A_593 = tpu.memref_slice %arg9[%dma_wait3A_591, %dma_wait3A_592] : memref<80000x2xf32, #tpu.memory_space<hbm>> -> memref<80000x2xf32, #tpu.memory_space<hbm>>
    tpu.wait_indirect_dma semaphore(%arg41 : memref<!tpu.dma_semaphore, #tpu.memory_space<semaphore_mem>>) src(%dma_wait3A_593 : memref<80000x2xf32, #tpu.memory_space<hbm>>) dst(%dma_wait3A_588 : memref<128x2xf32, #tpu.memory_space<vmem>>)
    %dma_wait3A_594 = arith.constant 0 : i32
    %dma_wait3A_595 = arith.constant 0 : i32
    %dma_wait3A_596 = tpu.memref_slice %arg40[%dma_wait3A_594, %dma_wait3A_595] : memref<512x2xf32, #tpu.memory_space<vmem>> -> memref<128x2xf32, #tpu.memory_space<vmem>>
    %dma_wait3A_597 = arith.constant 0 : i32
    %dma_wait3A_598 = tpu.memref_slice %arg31[%dma_wait3A_597] : memref<512xi32, #tpu.memory_space<vmem>> -> memref<128xi32, #tpu.memory_space<vmem>>
    %dma_wait3A_599 = arith.constant 0 : i32
    %dma_wait3A_600 = arith.constant 0 : i32
    %dma_wait3A_601 = tpu.memref_slice %arg10[%dma_wait3A_599, %dma_wait3A_600] : memref<80000x2xf32, #tpu.memory_space<hbm>> -> memref<80000x2xf32, #tpu.memory_space<hbm>>
    tpu.wait_indirect_dma semaphore(%arg41 : memref<!tpu.dma_semaphore, #tpu.memory_space<semaphore_mem>>) src(%dma_wait3A_601 : memref<80000x2xf32, #tpu.memory_space<hbm>>) dst(%dma_wait3A_596 : memref<128x2xf32, #tpu.memory_space<vmem>>)
    %dma_wait3A_602 = arith.constant 128 : i32
    %dma_wait3A_603 = arith.constant 0 : i32
    %dma_wait3A_604 = tpu.memref_slice %arg40[%dma_wait3A_602, %dma_wait3A_603] : memref<512x2xf32, #tpu.memory_space<vmem>> -> memref<128x2xf32, #tpu.memory_space<vmem>>
    %dma_wait3A_605 = arith.constant 128 : i32
    %dma_wait3A_606 = tpu.memref_slice %arg31[%dma_wait3A_605] : memref<512xi32, #tpu.memory_space<vmem>> -> memref<128xi32, #tpu.memory_space<vmem>>
    %dma_wait3A_607 = arith.constant 0 : i32
    %dma_wait3A_608 = arith.constant 0 : i32
    %dma_wait3A_609 = tpu.memref_slice %arg10[%dma_wait3A_607, %dma_wait3A_608] : memref<80000x2xf32, #tpu.memory_space<hbm>> -> memref<80000x2xf32, #tpu.memory_space<hbm>>
    tpu.wait_indirect_dma semaphore(%arg41 : memref<!tpu.dma_semaphore, #tpu.memory_space<semaphore_mem>>) src(%dma_wait3A_609 : memref<80000x2xf32, #tpu.memory_space<hbm>>) dst(%dma_wait3A_604 : memref<128x2xf32, #tpu.memory_space<vmem>>)
    %dma_wait3A_610 = arith.constant 256 : i32
    %dma_wait3A_611 = arith.constant 0 : i32
    %dma_wait3A_612 = tpu.memref_slice %arg40[%dma_wait3A_610, %dma_wait3A_611] : memref<512x2xf32, #tpu.memory_space<vmem>> -> memref<128x2xf32, #tpu.memory_space<vmem>>
    %dma_wait3A_613 = arith.constant 256 : i32
    %dma_wait3A_614 = tpu.memref_slice %arg31[%dma_wait3A_613] : memref<512xi32, #tpu.memory_space<vmem>> -> memref<128xi32, #tpu.memory_space<vmem>>
    %dma_wait3A_615 = arith.constant 0 : i32
    %dma_wait3A_616 = arith.constant 0 : i32
    %dma_wait3A_617 = tpu.memref_slice %arg10[%dma_wait3A_615, %dma_wait3A_616] : memref<80000x2xf32, #tpu.memory_space<hbm>> -> memref<80000x2xf32, #tpu.memory_space<hbm>>
    tpu.wait_indirect_dma semaphore(%arg41 : memref<!tpu.dma_semaphore, #tpu.memory_space<semaphore_mem>>) src(%dma_wait3A_617 : memref<80000x2xf32, #tpu.memory_space<hbm>>) dst(%dma_wait3A_612 : memref<128x2xf32, #tpu.memory_space<vmem>>)
    %dma_wait3A_618 = arith.constant 384 : i32
    %dma_wait3A_619 = arith.constant 0 : i32
    %dma_wait3A_620 = tpu.memref_slice %arg40[%dma_wait3A_618, %dma_wait3A_619] : memref<512x2xf32, #tpu.memory_space<vmem>> -> memref<128x2xf32, #tpu.memory_space<vmem>>
    %dma_wait3A_621 = arith.constant 384 : i32
    %dma_wait3A_622 = tpu.memref_slice %arg31[%dma_wait3A_621] : memref<512xi32, #tpu.memory_space<vmem>> -> memref<128xi32, #tpu.memory_space<vmem>>
    %dma_wait3A_623 = arith.constant 0 : i32
    %dma_wait3A_624 = arith.constant 0 : i32
    %dma_wait3A_625 = tpu.memref_slice %arg10[%dma_wait3A_623, %dma_wait3A_624] : memref<80000x2xf32, #tpu.memory_space<hbm>> -> memref<80000x2xf32, #tpu.memory_space<hbm>>
    tpu.wait_indirect_dma semaphore(%arg41 : memref<!tpu.dma_semaphore, #tpu.memory_space<semaphore_mem>>) src(%dma_wait3A_625 : memref<80000x2xf32, #tpu.memory_space<hbm>>) dst(%dma_wait3A_620 : memref<128x2xf32, #tpu.memory_space<vmem>>)
    "tpu.region"() ({
      %run_scoped3A = tpu.sem_alloc : memref<!tpu.dma_semaphore, #tpu.memory_space<semaphore_mem>>
      %dma_start3A_626 = arith.constant 0 : i32
      %dma_start3A_627 = tpu.memref_slice %arg11[%mul3A_34, %dma_start3A_626] : memref<16384x20xf32, #tpu.memory_space<hbm>> -> memref<512x20xf32, #tpu.memory_space<hbm>>
      %dma_start3A_628 = arith.constant 0 : i32
      %dma_start3A_629 = tpu.memref_slice %arg11[%mul3A_34, %dma_start3A_628] : memref<16384x20xf32, #tpu.memory_space<hbm>> -> memref<512x20xf32, #tpu.memory_space<hbm>>
      tpu.enqueue_dma source(%arg32 : memref<512x20xf32, #tpu.memory_space<vmem>>) target(%dma_start3A_629 : memref<512x20xf32, #tpu.memory_space<hbm>>) target_semaphore(%run_scoped3A : memref<!tpu.dma_semaphore, #tpu.memory_space<semaphore_mem>>)
      %dma_wait3A_630 = arith.constant 0 : i32
      %dma_wait3A_631 = tpu.memref_slice %arg11[%mul3A_34, %dma_wait3A_630] : memref<16384x20xf32, #tpu.memory_space<hbm>> -> memref<512x20xf32, #tpu.memory_space<hbm>>
      %dma_wait3A_632 = arith.constant 0 : i32
      %dma_wait3A_633 = tpu.memref_slice %arg11[%mul3A_34, %dma_wait3A_632] : memref<16384x20xf32, #tpu.memory_space<hbm>> -> memref<512x20xf32, #tpu.memory_space<hbm>>
      tpu.wait_dma2 semaphore(%run_scoped3A : memref<!tpu.dma_semaphore, #tpu.memory_space<semaphore_mem>>) src(%arg32 : memref<512x20xf32, #tpu.memory_space<vmem>>) dst(%dma_wait3A_633 : memref<512x20xf32, #tpu.memory_space<hbm>>)
      tpu.yield
    }) : () -> ()
    "tpu.region"() ({
      %run_scoped3A = tpu.sem_alloc : memref<!tpu.dma_semaphore, #tpu.memory_space<semaphore_mem>>
      %dma_start3A_626 = arith.constant 0 : i32
      %dma_start3A_627 = tpu.memref_slice %arg12[%mul3A_34, %dma_start3A_626] : memref<16384x20xf32, #tpu.memory_space<hbm>> -> memref<512x20xf32, #tpu.memory_space<hbm>>
      %dma_start3A_628 = arith.constant 0 : i32
      %dma_start3A_629 = tpu.memref_slice %arg12[%mul3A_34, %dma_start3A_628] : memref<16384x20xf32, #tpu.memory_space<hbm>> -> memref<512x20xf32, #tpu.memory_space<hbm>>
      tpu.enqueue_dma source(%arg33 : memref<512x20xf32, #tpu.memory_space<vmem>>) target(%dma_start3A_629 : memref<512x20xf32, #tpu.memory_space<hbm>>) target_semaphore(%run_scoped3A : memref<!tpu.dma_semaphore, #tpu.memory_space<semaphore_mem>>)
      %dma_wait3A_630 = arith.constant 0 : i32
      %dma_wait3A_631 = tpu.memref_slice %arg12[%mul3A_34, %dma_wait3A_630] : memref<16384x20xf32, #tpu.memory_space<hbm>> -> memref<512x20xf32, #tpu.memory_space<hbm>>
      %dma_wait3A_632 = arith.constant 0 : i32
      %dma_wait3A_633 = tpu.memref_slice %arg12[%mul3A_34, %dma_wait3A_632] : memref<16384x20xf32, #tpu.memory_space<hbm>> -> memref<512x20xf32, #tpu.memory_space<hbm>>
      tpu.wait_dma2 semaphore(%run_scoped3A : memref<!tpu.dma_semaphore, #tpu.memory_space<semaphore_mem>>) src(%arg33 : memref<512x20xf32, #tpu.memory_space<vmem>>) dst(%dma_wait3A_633 : memref<512x20xf32, #tpu.memory_space<hbm>>)
      tpu.yield
    }) : () -> ()
    "tpu.region"() ({
      %run_scoped3A = tpu.sem_alloc : memref<!tpu.dma_semaphore, #tpu.memory_space<semaphore_mem>>
      %dma_start3A_626 = arith.constant 0 : i32
      %dma_start3A_627 = tpu.memref_slice %arg13[%mul3A_34, %dma_start3A_626] : memref<16384x20xf32, #tpu.memory_space<hbm>> -> memref<512x20xf32, #tpu.memory_space<hbm>>
      %dma_start3A_628 = arith.constant 0 : i32
      %dma_start3A_629 = tpu.memref_slice %arg13[%mul3A_34, %dma_start3A_628] : memref<16384x20xf32, #tpu.memory_space<hbm>> -> memref<512x20xf32, #tpu.memory_space<hbm>>
      tpu.enqueue_dma source(%arg34 : memref<512x20xf32, #tpu.memory_space<vmem>>) target(%dma_start3A_629 : memref<512x20xf32, #tpu.memory_space<hbm>>) target_semaphore(%run_scoped3A : memref<!tpu.dma_semaphore, #tpu.memory_space<semaphore_mem>>)
      %dma_wait3A_630 = arith.constant 0 : i32
      %dma_wait3A_631 = tpu.memref_slice %arg13[%mul3A_34, %dma_wait3A_630] : memref<16384x20xf32, #tpu.memory_space<hbm>> -> memref<512x20xf32, #tpu.memory_space<hbm>>
      %dma_wait3A_632 = arith.constant 0 : i32
      %dma_wait3A_633 = tpu.memref_slice %arg13[%mul3A_34, %dma_wait3A_632] : memref<16384x20xf32, #tpu.memory_space<hbm>> -> memref<512x20xf32, #tpu.memory_space<hbm>>
      tpu.wait_dma2 semaphore(%run_scoped3A : memref<!tpu.dma_semaphore, #tpu.memory_space<semaphore_mem>>) src(%arg34 : memref<512x20xf32, #tpu.memory_space<vmem>>) dst(%dma_wait3A_633 : memref<512x20xf32, #tpu.memory_space<hbm>>)
      tpu.yield
    }) : () -> ()
    "tpu.region"() ({
      %run_scoped3A = tpu.sem_alloc : memref<!tpu.dma_semaphore, #tpu.memory_space<semaphore_mem>>
      %dma_start3A_626 = arith.constant 0 : i32
      %dma_start3A_627 = tpu.memref_slice %arg14[%mul3A_34, %dma_start3A_626] : memref<16384x20xf32, #tpu.memory_space<hbm>> -> memref<512x20xf32, #tpu.memory_space<hbm>>
      %dma_start3A_628 = arith.constant 0 : i32
      %dma_start3A_629 = tpu.memref_slice %arg14[%mul3A_34, %dma_start3A_628] : memref<16384x20xf32, #tpu.memory_space<hbm>> -> memref<512x20xf32, #tpu.memory_space<hbm>>
      tpu.enqueue_dma source(%arg35 : memref<512x20xf32, #tpu.memory_space<vmem>>) target(%dma_start3A_629 : memref<512x20xf32, #tpu.memory_space<hbm>>) target_semaphore(%run_scoped3A : memref<!tpu.dma_semaphore, #tpu.memory_space<semaphore_mem>>)
      %dma_wait3A_630 = arith.constant 0 : i32
      %dma_wait3A_631 = tpu.memref_slice %arg14[%mul3A_34, %dma_wait3A_630] : memref<16384x20xf32, #tpu.memory_space<hbm>> -> memref<512x20xf32, #tpu.memory_space<hbm>>
      %dma_wait3A_632 = arith.constant 0 : i32
      %dma_wait3A_633 = tpu.memref_slice %arg14[%mul3A_34, %dma_wait3A_632] : memref<16384x20xf32, #tpu.memory_space<hbm>> -> memref<512x20xf32, #tpu.memory_space<hbm>>
      tpu.wait_dma2 semaphore(%run_scoped3A : memref<!tpu.dma_semaphore, #tpu.memory_space<semaphore_mem>>) src(%arg35 : memref<512x20xf32, #tpu.memory_space<vmem>>) dst(%dma_wait3A_633 : memref<512x20xf32, #tpu.memory_space<hbm>>)
      tpu.yield
    }) : () -> ()
    "tpu.region"() ({
      %run_scoped3A = tpu.sem_alloc : memref<!tpu.dma_semaphore, #tpu.memory_space<semaphore_mem>>
      %dma_start3A_626 = arith.constant 0 : i32
      %dma_start3A_627 = tpu.memref_slice %arg15[%mul3A_34, %dma_start3A_626] : memref<16384x20xf32, #tpu.memory_space<hbm>> -> memref<512x20xf32, #tpu.memory_space<hbm>>
      %dma_start3A_628 = arith.constant 0 : i32
      %dma_start3A_629 = tpu.memref_slice %arg15[%mul3A_34, %dma_start3A_628] : memref<16384x20xf32, #tpu.memory_space<hbm>> -> memref<512x20xf32, #tpu.memory_space<hbm>>
      tpu.enqueue_dma source(%arg36 : memref<512x20xf32, #tpu.memory_space<vmem>>) target(%dma_start3A_629 : memref<512x20xf32, #tpu.memory_space<hbm>>) target_semaphore(%run_scoped3A : memref<!tpu.dma_semaphore, #tpu.memory_space<semaphore_mem>>)
      %dma_wait3A_630 = arith.constant 0 : i32
      %dma_wait3A_631 = tpu.memref_slice %arg15[%mul3A_34, %dma_wait3A_630] : memref<16384x20xf32, #tpu.memory_space<hbm>> -> memref<512x20xf32, #tpu.memory_space<hbm>>
      %dma_wait3A_632 = arith.constant 0 : i32
      %dma_wait3A_633 = tpu.memref_slice %arg15[%mul3A_34, %dma_wait3A_632] : memref<16384x20xf32, #tpu.memory_space<hbm>> -> memref<512x20xf32, #tpu.memory_space<hbm>>
      tpu.wait_dma2 semaphore(%run_scoped3A : memref<!tpu.dma_semaphore, #tpu.memory_space<semaphore_mem>>) src(%arg36 : memref<512x20xf32, #tpu.memory_space<vmem>>) dst(%dma_wait3A_633 : memref<512x20xf32, #tpu.memory_space<hbm>>)
      tpu.yield
    }) : () -> ()
    "tpu.region"() ({
      %run_scoped3A = tpu.sem_alloc : memref<!tpu.dma_semaphore, #tpu.memory_space<semaphore_mem>>
      %dma_start3A_626 = arith.constant 0 : i32
      %dma_start3A_627 = tpu.memref_slice %arg16[%mul3A_34, %dma_start3A_626] : memref<16384x20xf32, #tpu.memory_space<hbm>> -> memref<512x20xf32, #tpu.memory_space<hbm>>
      %dma_start3A_628 = arith.constant 0 : i32
      %dma_start3A_629 = tpu.memref_slice %arg16[%mul3A_34, %dma_start3A_628] : memref<16384x20xf32, #tpu.memory_space<hbm>> -> memref<512x20xf32, #tpu.memory_space<hbm>>
      tpu.enqueue_dma source(%arg37 : memref<512x20xf32, #tpu.memory_space<vmem>>) target(%dma_start3A_629 : memref<512x20xf32, #tpu.memory_space<hbm>>) target_semaphore(%run_scoped3A : memref<!tpu.dma_semaphore, #tpu.memory_space<semaphore_mem>>)
      %dma_wait3A_630 = arith.constant 0 : i32
      %dma_wait3A_631 = tpu.memref_slice %arg16[%mul3A_34, %dma_wait3A_630] : memref<16384x20xf32, #tpu.memory_space<hbm>> -> memref<512x20xf32, #tpu.memory_space<hbm>>
      %dma_wait3A_632 = arith.constant 0 : i32
      %dma_wait3A_633 = tpu.memref_slice %arg16[%mul3A_34, %dma_wait3A_632] : memref<16384x20xf32, #tpu.memory_space<hbm>> -> memref<512x20xf32, #tpu.memory_space<hbm>>
      tpu.wait_dma2 semaphore(%run_scoped3A : memref<!tpu.dma_semaphore, #tpu.memory_space<semaphore_mem>>) src(%arg37 : memref<512x20xf32, #tpu.memory_space<vmem>>) dst(%dma_wait3A_633 : memref<512x20xf32, #tpu.memory_space<hbm>>)
      tpu.yield
    }) : () -> ()
    "tpu.region"() ({
      %run_scoped3A = tpu.sem_alloc : memref<!tpu.dma_semaphore, #tpu.memory_space<semaphore_mem>>
      %dma_start3A_626 = arith.constant 0 : i32
      %dma_start3A_627 = tpu.memref_slice %arg17[%mul3A_34, %dma_start3A_626] : memref<16384x2xf32, #tpu.memory_space<hbm>> -> memref<512x2xf32, #tpu.memory_space<hbm>>
      %dma_start3A_628 = arith.constant 0 : i32
      %dma_start3A_629 = tpu.memref_slice %arg17[%mul3A_34, %dma_start3A_628] : memref<16384x2xf32, #tpu.memory_space<hbm>> -> memref<512x2xf32, #tpu.memory_space<hbm>>
      tpu.enqueue_dma source(%arg38 : memref<512x2xf32, #tpu.memory_space<vmem>>) target(%dma_start3A_629 : memref<512x2xf32, #tpu.memory_space<hbm>>) target_semaphore(%run_scoped3A : memref<!tpu.dma_semaphore, #tpu.memory_space<semaphore_mem>>)
      %dma_wait3A_630 = arith.constant 0 : i32
      %dma_wait3A_631 = tpu.memref_slice %arg17[%mul3A_34, %dma_wait3A_630] : memref<16384x2xf32, #tpu.memory_space<hbm>> -> memref<512x2xf32, #tpu.memory_space<hbm>>
      %dma_wait3A_632 = arith.constant 0 : i32
      %dma_wait3A_633 = tpu.memref_slice %arg17[%mul3A_34, %dma_wait3A_632] : memref<16384x2xf32, #tpu.memory_space<hbm>> -> memref<512x2xf32, #tpu.memory_space<hbm>>
      tpu.wait_dma2 semaphore(%run_scoped3A : memref<!tpu.dma_semaphore, #tpu.memory_space<semaphore_mem>>) src(%arg38 : memref<512x2xf32, #tpu.memory_space<vmem>>) dst(%dma_wait3A_633 : memref<512x2xf32, #tpu.memory_space<hbm>>)
      tpu.yield
    }) : () -> ()
    "tpu.region"() ({
      %run_scoped3A = tpu.sem_alloc : memref<!tpu.dma_semaphore, #tpu.memory_space<semaphore_mem>>
      %dma_start3A_626 = arith.constant 0 : i32
      %dma_start3A_627 = tpu.memref_slice %arg18[%mul3A_34, %dma_start3A_626] : memref<16384x2xf32, #tpu.memory_space<hbm>> -> memref<512x2xf32, #tpu.memory_space<hbm>>
      %dma_start3A_628 = arith.constant 0 : i32
      %dma_start3A_629 = tpu.memref_slice %arg18[%mul3A_34, %dma_start3A_628] : memref<16384x2xf32, #tpu.memory_space<hbm>> -> memref<512x2xf32, #tpu.memory_space<hbm>>
      tpu.enqueue_dma source(%arg39 : memref<512x2xf32, #tpu.memory_space<vmem>>) target(%dma_start3A_629 : memref<512x2xf32, #tpu.memory_space<hbm>>) target_semaphore(%run_scoped3A : memref<!tpu.dma_semaphore, #tpu.memory_space<semaphore_mem>>)
      %dma_wait3A_630 = arith.constant 0 : i32
      %dma_wait3A_631 = tpu.memref_slice %arg18[%mul3A_34, %dma_wait3A_630] : memref<16384x2xf32, #tpu.memory_space<hbm>> -> memref<512x2xf32, #tpu.memory_space<hbm>>
      %dma_wait3A_632 = arith.constant 0 : i32
      %dma_wait3A_633 = tpu.memref_slice %arg18[%mul3A_34, %dma_wait3A_632] : memref<16384x2xf32, #tpu.memory_space<hbm>> -> memref<512x2xf32, #tpu.memory_space<hbm>>
      tpu.wait_dma2 semaphore(%run_scoped3A : memref<!tpu.dma_semaphore, #tpu.memory_space<semaphore_mem>>) src(%arg39 : memref<512x2xf32, #tpu.memory_space<vmem>>) dst(%dma_wait3A_633 : memref<512x2xf32, #tpu.memory_space<hbm>>)
      tpu.yield
    }) : () -> ()
    "tpu.region"() ({
      %run_scoped3A = tpu.sem_alloc : memref<!tpu.dma_semaphore, #tpu.memory_space<semaphore_mem>>
      %dma_start3A_626 = arith.constant 0 : i32
      %dma_start3A_627 = tpu.memref_slice %arg19[%mul3A_34, %dma_start3A_626] : memref<16384x2xf32, #tpu.memory_space<hbm>> -> memref<512x2xf32, #tpu.memory_space<hbm>>
      %dma_start3A_628 = arith.constant 0 : i32
      %dma_start3A_629 = tpu.memref_slice %arg19[%mul3A_34, %dma_start3A_628] : memref<16384x2xf32, #tpu.memory_space<hbm>> -> memref<512x2xf32, #tpu.memory_space<hbm>>
      tpu.enqueue_dma source(%arg40 : memref<512x2xf32, #tpu.memory_space<vmem>>) target(%dma_start3A_629 : memref<512x2xf32, #tpu.memory_space<hbm>>) target_semaphore(%run_scoped3A : memref<!tpu.dma_semaphore, #tpu.memory_space<semaphore_mem>>)
      %dma_wait3A_630 = arith.constant 0 : i32
      %dma_wait3A_631 = tpu.memref_slice %arg19[%mul3A_34, %dma_wait3A_630] : memref<16384x2xf32, #tpu.memory_space<hbm>> -> memref<512x2xf32, #tpu.memory_space<hbm>>
      %dma_wait3A_632 = arith.constant 0 : i32
      %dma_wait3A_633 = tpu.memref_slice %arg19[%mul3A_34, %dma_wait3A_632] : memref<16384x2xf32, #tpu.memory_space<hbm>> -> memref<512x2xf32, #tpu.memory_space<hbm>>
      tpu.wait_dma2 semaphore(%run_scoped3A : memref<!tpu.dma_semaphore, #tpu.memory_space<semaphore_mem>>) src(%arg40 : memref<512x2xf32, #tpu.memory_space<vmem>>) dst(%dma_wait3A_633 : memref<512x2xf32, #tpu.memory_space<hbm>>)
      tpu.yield
    }) : () -> ()
    return
  }
}

module attributes {stable_mosaic.version = 14 : i64} {
  func.func @_tc_body(%arg0: i32, %arg1: memref<512x16xf32, #tpu.memory_space<vmem>>, %arg2: memref<512x2xf32, #tpu.memory_space<vmem>>, %arg3: memref<512x512xf32, #tpu.memory_space<vmem>>, %arg4: memref<4x512x20xf32, #tpu.memory_space<vmem>>, %arg5: memref<4x512x20xf32, #tpu.memory_space<vmem>>, %arg6: memref<4x512x20xf32, #tpu.memory_space<vmem>>, %arg7: memref<4x512x20xf32, #tpu.memory_space<vmem>>, %arg8: memref<4x512x20xf32, #tpu.memory_space<vmem>>, %arg9: memref<4x512x20xf32, #tpu.memory_space<vmem>>, %arg10: memref<4x512x2xf32, #tpu.memory_space<vmem>>, %arg11: memref<4x512x2xf32, #tpu.memory_space<vmem>>, %arg12: memref<4x512x2xf32, #tpu.memory_space<vmem>>, %arg13: memref<16x128xf32, #tpu.memory_space<vmem>>, %arg14: memref<512x128xf32, #tpu.memory_space<vmem>>, %arg15: memref<4x512x195xf32, #tpu.memory_space<vmem>>, %arg16: memref<4x66x195xf32, #tpu.memory_space<vmem>>, %arg17: memref<4x195xf32, #tpu.memory_space<vmem>>, %arg18: memref<4x64x32xf32, #tpu.memory_space<vmem>>, %arg19: memref<4x32xf32, #tpu.memory_space<vmem>>, %arg20: memref<4x32x2xf32, #tpu.memory_space<vmem>>, %arg21: memref<4x2xf32, #tpu.memory_space<vmem>>, %arg22: memref<4x512x2xf32, #tpu.memory_space<vmem>>) attributes {dimension_semantics = [#tpu.dimension_semantics<arbitrary>], iteration_bounds = array<i64: 8>, scalar_prefetch = 0 : i64, scratch_operands = 0 : i64, tpu.core_type = #tpu.core_type<tc>, window_params = [{transform_indices = @transform_0, window_bounds = array<i64: 512, 16>}, {transform_indices = @transform_1, window_bounds = array<i64: 512, 2>}, {transform_indices = @transform_2, window_bounds = array<i64: 512, 512>}, {transform_indices = @transform_3, window_bounds = array<i64: 4, 512, 20>}, {transform_indices = @transform_4, window_bounds = array<i64: 4, 512, 20>}, {transform_indices = @transform_5, window_bounds = array<i64: 4, 512, 20>}, {transform_indices = @transform_6, window_bounds = array<i64: 4, 512, 20>}, {transform_indices = @transform_7, window_bounds = array<i64: 4, 512, 20>}, {transform_indices = @transform_8, window_bounds = array<i64: 4, 512, 20>}, {transform_indices = @transform_9, window_bounds = array<i64: 4, 512, 2>}, {transform_indices = @transform_10, window_bounds = array<i64: 4, 512, 2>}, {transform_indices = @transform_11, window_bounds = array<i64: 4, 512, 2>}, {pipeline_mode = #tpu.pipeline_mode<synchronous>, transform_indices = @transform_12, window_bounds = array<i64: 16, 128>}, {pipeline_mode = #tpu.pipeline_mode<synchronous>, transform_indices = @transform_13, window_bounds = array<i64: 512, 128>}, {pipeline_mode = #tpu.pipeline_mode<synchronous>, transform_indices = @transform_14, window_bounds = array<i64: 4, 512, 195>}, {pipeline_mode = #tpu.pipeline_mode<synchronous>, transform_indices = @transform_15, window_bounds = array<i64: 4, 66, 195>}, {pipeline_mode = #tpu.pipeline_mode<synchronous>, transform_indices = @transform_16, window_bounds = array<i64: 4, 195>}, {pipeline_mode = #tpu.pipeline_mode<synchronous>, transform_indices = @transform_17, window_bounds = array<i64: 4, 64, 32>}, {pipeline_mode = #tpu.pipeline_mode<synchronous>, transform_indices = @transform_18, window_bounds = array<i64: 4, 32>}, {pipeline_mode = #tpu.pipeline_mode<synchronous>, transform_indices = @transform_19, window_bounds = array<i64: 4, 32, 2>}, {pipeline_mode = #tpu.pipeline_mode<synchronous>, transform_indices = @transform_20, window_bounds = array<i64: 4, 2>}, {transform_indices = @transform_21, window_bounds = array<i64: 4, 512, 2>}]} {
    %get3A = arith.constant 0 : index
    %get3A_0 = arith.constant 0 : index
    %get3A_1 = vector.load %arg3[%get3A, %get3A_0] : memref<512x512xf32, #tpu.memory_space<vmem>>, vector<512x512xf32>
    %get3A_2 = arith.constant 0 : index
    %get3A_3 = arith.constant 0 : index
    %get3A_4 = vector.load %arg1[%get3A_2, %get3A_3] : memref<512x16xf32, #tpu.memory_space<vmem>>, vector<512x16xf32>
    %get3A_5 = arith.constant 0 : index
    %get3A_6 = arith.constant 0 : index
    %get3A_7 = vector.load %arg2[%get3A_5, %get3A_6] : memref<512x2xf32, #tpu.memory_space<vmem>>, vector<512x2xf32>
    %get3A_8 = arith.constant 0 : index
    %get3A_9 = arith.constant 0 : index
    %get3A_10 = vector.load %arg13[%get3A_8, %get3A_9] : memref<16x128xf32, #tpu.memory_space<vmem>>, vector<16x128xf32>
    %dot_general3A = arith.constant dense<0.000000e+00> : vector<512x128xf32>
    %dot_general3A_11 = tpu.matmul %get3A_4, %get3A_10, %dot_general3A {dimension_numbers = #tpu.dot_dimension_numbers<[1], [0], [0], [1], [0, 0, 1, 1], [], []>, transpose_lhs_hint = false} : vector<512x16xf32>, vector<16x128xf32>, vector<512x128xf32> -> vector<512x128xf32>
    %get3A_12 = arith.constant 0 : index
    %get3A_13 = arith.constant 0 : index
    %get3A_14 = vector.load %arg14[%get3A_12, %get3A_13] : memref<512x128xf32, #tpu.memory_space<vmem>>, vector<512x128xf32>
    %dot_general3A_15 = arith.constant dense<0.000000e+00> : vector<512x128xf32>
    %dot_general3A_16 = tpu.matmul %get3A_1, %get3A_14, %dot_general3A_15 {dimension_numbers = #tpu.dot_dimension_numbers<[1], [0], [0], [1], [0, 0, 1, 1], [], []>, transpose_lhs_hint = false} : vector<512x512xf32>, vector<512x128xf32>, vector<512x128xf32> -> vector<512x128xf32>
    %add3A = arith.addf %dot_general3A_11, %dot_general3A_16 : vector<512x128xf32>
    %slice3A = vector.extract_strided_slice %add3A {offsets = [0, 0], sizes = [512, 4], strides = [1, 1]} : vector<512x128xf32> to vector<512x4xf32>
    %slice3A_17 = vector.extract_strided_slice %add3A {offsets = [0, 4], sizes = [512, 4], strides = [1, 1]} : vector<512x128xf32> to vector<512x4xf32>
    %logistic3A = arith.negf %slice3A_17 : vector<512x4xf32>
    %logistic3A_18 = math.exp %logistic3A : vector<512x4xf32>
    %logistic3A_19 = arith.constant 1.000000e+00 : f32
    %logistic3A_20 = vector.broadcast %logistic3A_19 : f32 to vector<512x4xf32>
    %logistic3A_21 = arith.addf %logistic3A_20, %logistic3A_18 : vector<512x4xf32>
    %logistic3A_22 = arith.divf %logistic3A_20, %logistic3A_21 : vector<512x4xf32>
    %slice3A_23 = vector.extract_strided_slice %add3A {offsets = [0, 8], sizes = [512, 4], strides = [1, 1]} : vector<512x128xf32> to vector<512x4xf32>
    %logistic3A_24 = arith.negf %slice3A_23 : vector<512x4xf32>
    %logistic3A_25 = math.exp %logistic3A_24 : vector<512x4xf32>
    %logistic3A_26 = arith.constant 1.000000e+00 : f32
    %logistic3A_27 = vector.broadcast %logistic3A_26 : f32 to vector<512x4xf32>
    %logistic3A_28 = arith.addf %logistic3A_27, %logistic3A_25 : vector<512x4xf32>
    %logistic3A_29 = arith.divf %logistic3A_27, %logistic3A_28 : vector<512x4xf32>
    %add3A_30 = arith.addf %logistic3A_22, %logistic3A_29 : vector<512x4xf32>
    %add3A_31 = arith.constant 1.000000e+00 : f32
    %add3A_32 = vector.broadcast %add3A_31 : f32 to vector<512x4xf32>
    %add3A_33 = arith.addf %add3A_32, %add3A_30 : vector<512x4xf32>
    %slice3A_34 = vector.extract_strided_slice %get3A_4 {offsets = [0, 8], sizes = [512, 4], strides = [1, 1]} : vector<512x16xf32> to vector<512x4xf32>
    %mul3A = arith.mulf %add3A_33, %slice3A_34 : vector<512x4xf32>
    %get3A_35 = arith.constant 0 : index
    %get3A_36 = arith.constant 0 : index
    %get3A_37 = arith.constant 0 : index
    %get3A_38 = vector.load %arg10[%get3A_35, %get3A_36, %get3A_37] : memref<4x512x2xf32, #tpu.memory_space<vmem>>, vector<1x512x2xf32>
    %get3A_39 = vector.shape_cast %get3A_38 : vector<1x512x2xf32> to vector<512x2xf32>
    %get3A_40 = arith.constant 0 : index
    %get3A_41 = arith.constant 0 : index
    %get3A_42 = arith.constant 0 : index
    %get3A_43 = vector.load %arg11[%get3A_40, %get3A_41, %get3A_42] : memref<4x512x2xf32, #tpu.memory_space<vmem>>, vector<1x512x2xf32>
    %get3A_44 = vector.shape_cast %get3A_43 : vector<1x512x2xf32> to vector<512x2xf32>
    %get3A_45 = arith.constant 0 : index
    %get3A_46 = arith.constant 0 : index
    %get3A_47 = arith.constant 0 : index
    %get3A_48 = vector.load %arg12[%get3A_45, %get3A_46, %get3A_47] : memref<4x512x2xf32, #tpu.memory_space<vmem>>, vector<1x512x2xf32>
    %get3A_49 = vector.shape_cast %get3A_48 : vector<1x512x2xf32> to vector<512x2xf32>
    %slice3A_50 = vector.extract_strided_slice %get3A_39 {offsets = [0, 0], sizes = [512, 1], strides = [1, 1]} : vector<512x2xf32> to vector<512x1xf32>
    %get3A_51 = arith.constant 0 : index
    %get3A_52 = arith.constant 0 : index
    %get3A_53 = arith.constant 0 : index
    %get3A_54 = vector.load %arg4[%get3A_51, %get3A_52, %get3A_53] : memref<4x512x20xf32, #tpu.memory_space<vmem>>, vector<1x512x20xf32>
    %get3A_55 = vector.shape_cast %get3A_54 : vector<1x512x20xf32> to vector<512x20xf32>
    %mul3A_56 = vector.broadcast %slice3A_50 : vector<512x1xf32> to vector<512x20xf32>
    %mul3A_57 = arith.mulf %mul3A_56, %get3A_55 : vector<512x20xf32>
    %slice3A_58 = vector.extract_strided_slice %get3A_39 {offsets = [0, 1], sizes = [512, 1], strides = [1, 1]} : vector<512x2xf32> to vector<512x1xf32>
    %get3A_59 = arith.constant 0 : index
    %get3A_60 = arith.constant 0 : index
    %get3A_61 = arith.constant 0 : index
    %get3A_62 = vector.load %arg5[%get3A_59, %get3A_60, %get3A_61] : memref<4x512x20xf32, #tpu.memory_space<vmem>>, vector<1x512x20xf32>
    %get3A_63 = vector.shape_cast %get3A_62 : vector<1x512x20xf32> to vector<512x20xf32>
    %mul3A_64 = vector.broadcast %slice3A_58 : vector<512x1xf32> to vector<512x20xf32>
    %mul3A_65 = arith.mulf %mul3A_64, %get3A_63 : vector<512x20xf32>
    %add3A_66 = arith.addf %mul3A_57, %mul3A_65 : vector<512x20xf32>
    %slice3A_67 = vector.extract_strided_slice %get3A_44 {offsets = [0, 0], sizes = [512, 1], strides = [1, 1]} : vector<512x2xf32> to vector<512x1xf32>
    %get3A_68 = arith.constant 0 : index
    %get3A_69 = arith.constant 0 : index
    %get3A_70 = arith.constant 0 : index
    %get3A_71 = vector.load %arg6[%get3A_68, %get3A_69, %get3A_70] : memref<4x512x20xf32, #tpu.memory_space<vmem>>, vector<1x512x20xf32>
    %get3A_72 = vector.shape_cast %get3A_71 : vector<1x512x20xf32> to vector<512x20xf32>
    %mul3A_73 = vector.broadcast %slice3A_67 : vector<512x1xf32> to vector<512x20xf32>
    %mul3A_74 = arith.mulf %mul3A_73, %get3A_72 : vector<512x20xf32>
    %slice3A_75 = vector.extract_strided_slice %get3A_44 {offsets = [0, 1], sizes = [512, 1], strides = [1, 1]} : vector<512x2xf32> to vector<512x1xf32>
    %get3A_76 = arith.constant 0 : index
    %get3A_77 = arith.constant 0 : index
    %get3A_78 = arith.constant 0 : index
    %get3A_79 = vector.load %arg7[%get3A_76, %get3A_77, %get3A_78] : memref<4x512x20xf32, #tpu.memory_space<vmem>>, vector<1x512x20xf32>
    %get3A_80 = vector.shape_cast %get3A_79 : vector<1x512x20xf32> to vector<512x20xf32>
    %mul3A_81 = vector.broadcast %slice3A_75 : vector<512x1xf32> to vector<512x20xf32>
    %mul3A_82 = arith.mulf %mul3A_81, %get3A_80 : vector<512x20xf32>
    %add3A_83 = arith.addf %mul3A_74, %mul3A_82 : vector<512x20xf32>
    %slice3A_84 = vector.extract_strided_slice %get3A_49 {offsets = [0, 0], sizes = [512, 1], strides = [1, 1]} : vector<512x2xf32> to vector<512x1xf32>
    %get3A_85 = arith.constant 0 : index
    %get3A_86 = arith.constant 0 : index
    %get3A_87 = arith.constant 0 : index
    %get3A_88 = vector.load %arg8[%get3A_85, %get3A_86, %get3A_87] : memref<4x512x20xf32, #tpu.memory_space<vmem>>, vector<1x512x20xf32>
    %get3A_89 = vector.shape_cast %get3A_88 : vector<1x512x20xf32> to vector<512x20xf32>
    %mul3A_90 = vector.broadcast %slice3A_84 : vector<512x1xf32> to vector<512x20xf32>
    %mul3A_91 = arith.mulf %mul3A_90, %get3A_89 : vector<512x20xf32>
    %slice3A_92 = vector.extract_strided_slice %get3A_49 {offsets = [0, 1], sizes = [512, 1], strides = [1, 1]} : vector<512x2xf32> to vector<512x1xf32>
    %get3A_93 = arith.constant 0 : index
    %get3A_94 = arith.constant 0 : index
    %get3A_95 = arith.constant 0 : index
    %get3A_96 = vector.load %arg9[%get3A_93, %get3A_94, %get3A_95] : memref<4x512x20xf32, #tpu.memory_space<vmem>>, vector<1x512x20xf32>
    %get3A_97 = vector.shape_cast %get3A_96 : vector<1x512x20xf32> to vector<512x20xf32>
    %mul3A_98 = vector.broadcast %slice3A_92 : vector<512x1xf32> to vector<512x20xf32>
    %mul3A_99 = arith.mulf %mul3A_98, %get3A_97 : vector<512x20xf32>
    %add3A_100 = arith.addf %mul3A_91, %mul3A_99 : vector<512x20xf32>
    %concatenate3A = tpu.concatenate %add3A_66, %add3A_83, %add3A_100, %slice3A, %get3A_7 in 1 : vector<512x20xf32>, vector<512x20xf32>, vector<512x20xf32>, vector<512x4xf32>, vector<512x2xf32> -> vector<512x66xf32>
    %get3A_101 = arith.constant 0 : index
    %get3A_102 = arith.constant 0 : index
    %get3A_103 = arith.constant 0 : index
    %get3A_104 = vector.load %arg16[%get3A_101, %get3A_102, %get3A_103] : memref<4x66x195xf32, #tpu.memory_space<vmem>>, vector<1x66x195xf32>
    %get3A_105 = vector.shape_cast %get3A_104 : vector<1x66x195xf32> to vector<66x195xf32>
    %dot_general3A_106 = arith.constant dense<0.000000e+00> : vector<512x195xf32>
    %dot_general3A_107 = tpu.matmul %concatenate3A, %get3A_105, %dot_general3A_106 {dimension_numbers = #tpu.dot_dimension_numbers<[1], [0], [0], [1], [0, 0, 1, 1], [], []>, transpose_lhs_hint = false} : vector<512x66xf32>, vector<66x195xf32>, vector<512x195xf32> -> vector<512x195xf32>
    %get3A_108 = arith.constant 0 : index
    %get3A_109 = arith.constant 0 : index
    %get3A_110 = arith.constant 0 : index
    %get3A_111 = vector.load %arg15[%get3A_108, %get3A_109, %get3A_110] : memref<4x512x195xf32, #tpu.memory_space<vmem>>, vector<1x512x195xf32>
    %get3A_112 = vector.shape_cast %get3A_111 : vector<1x512x195xf32> to vector<512x195xf32>
    %dot_general3A_113 = arith.constant dense<0.000000e+00> : vector<512x195xf32>
    %dot_general3A_114 = tpu.matmul %get3A_1, %get3A_112, %dot_general3A_113 {dimension_numbers = #tpu.dot_dimension_numbers<[1], [0], [0], [1], [0, 0, 1, 1], [], []>, transpose_lhs_hint = false} : vector<512x512xf32>, vector<512x195xf32>, vector<512x195xf32> -> vector<512x195xf32>
    %add3A_115 = arith.addf %dot_general3A_107, %dot_general3A_114 : vector<512x195xf32>
    %get3A_116 = arith.constant 0 : index
    %get3A_117 = arith.constant 0 : index
    %get3A_118 = vector.load %arg17[%get3A_116, %get3A_117] : memref<4x195xf32, #tpu.memory_space<vmem>>, vector<1x195xf32>
    %add3A_119 = vector.broadcast %get3A_118 : vector<1x195xf32> to vector<512x195xf32>
    %add3A_120 = arith.addf %add3A_115, %add3A_119 : vector<512x195xf32>
    %slice3A_121 = vector.extract_strided_slice %add3A_120 {offsets = [0, 0], sizes = [512, 192], strides = [1, 1]} : vector<512x195xf32> to vector<512x192xf32>
    %max3A = arith.constant 0.000000e+00 : f32
    %max3A_122 = vector.broadcast %max3A : f32 to vector<512x192xf32>
    %max3A_123 = arith.maximumf %slice3A_121, %max3A_122 : vector<512x192xf32>
    %slice3A_124 = vector.extract_strided_slice %add3A_120 {offsets = [0, 192], sizes = [512, 3], strides = [1, 1]} : vector<512x195xf32> to vector<512x3xf32>
    %reduce_max3A = arith.constant dense<0xFF800000> : vector<512xf32>
    %reduce_max3A_125 = vector.multi_reduction <maximumf>, %slice3A_124, %reduce_max3A [1] : vector<512x3xf32> to vector<512xf32>
    %broadcast_in_dim3A = vector.shape_cast %reduce_max3A_125 : vector<512xf32> to vector<512x1xf32>
    %sub3A = vector.broadcast %broadcast_in_dim3A : vector<512x1xf32> to vector<512x3xf32>
    %sub3A_126 = arith.subf %slice3A_124, %sub3A : vector<512x3xf32>
    %exp3A = math.exp %sub3A_126 : vector<512x3xf32>
    %reduce_sum3A = arith.constant dense<0.000000e+00> : vector<512xf32>
    %reduce_sum3A_127 = vector.multi_reduction <add>, %exp3A, %reduce_sum3A [1] : vector<512x3xf32> to vector<512xf32>
    %broadcast_in_dim3A_128 = vector.shape_cast %reduce_sum3A_127 : vector<512xf32> to vector<512x1xf32>
    %div3A = vector.broadcast %broadcast_in_dim3A_128 : vector<512x1xf32> to vector<512x3xf32>
    %div3A_129 = arith.divf %exp3A, %div3A : vector<512x3xf32>
    %slice3A_130 = vector.extract_strided_slice %div3A_129 {offsets = [0, 0], sizes = [512, 1], strides = [1, 1]} : vector<512x3xf32> to vector<512x1xf32>
    %slice3A_131 = vector.extract_strided_slice %max3A_123 {offsets = [0, 0], sizes = [512, 64], strides = [1, 1]} : vector<512x192xf32> to vector<512x64xf32>
    %mul3A_132 = vector.broadcast %slice3A_130 : vector<512x1xf32> to vector<512x64xf32>
    %mul3A_133 = arith.mulf %mul3A_132, %slice3A_131 : vector<512x64xf32>
    %slice3A_134 = vector.extract_strided_slice %div3A_129 {offsets = [0, 1], sizes = [512, 1], strides = [1, 1]} : vector<512x3xf32> to vector<512x1xf32>
    %slice3A_135 = vector.extract_strided_slice %max3A_123 {offsets = [0, 64], sizes = [512, 64], strides = [1, 1]} : vector<512x192xf32> to vector<512x64xf32>
    %mul3A_136 = vector.broadcast %slice3A_134 : vector<512x1xf32> to vector<512x64xf32>
    %mul3A_137 = arith.mulf %mul3A_136, %slice3A_135 : vector<512x64xf32>
    %add3A_138 = arith.addf %mul3A_133, %mul3A_137 : vector<512x64xf32>
    %slice3A_139 = vector.extract_strided_slice %div3A_129 {offsets = [0, 2], sizes = [512, 1], strides = [1, 1]} : vector<512x3xf32> to vector<512x1xf32>
    %slice3A_140 = vector.extract_strided_slice %max3A_123 {offsets = [0, 128], sizes = [512, 64], strides = [1, 1]} : vector<512x192xf32> to vector<512x64xf32>
    %mul3A_141 = vector.broadcast %slice3A_139 : vector<512x1xf32> to vector<512x64xf32>
    %mul3A_142 = arith.mulf %mul3A_141, %slice3A_140 : vector<512x64xf32>
    %add3A_143 = arith.addf %add3A_138, %mul3A_142 : vector<512x64xf32>
    %get3A_144 = arith.constant 0 : index
    %get3A_145 = arith.constant 0 : index
    %get3A_146 = arith.constant 0 : index
    %get3A_147 = vector.load %arg18[%get3A_144, %get3A_145, %get3A_146] : memref<4x64x32xf32, #tpu.memory_space<vmem>>, vector<1x64x32xf32>
    %get3A_148 = vector.shape_cast %get3A_147 : vector<1x64x32xf32> to vector<64x32xf32>
    %dot_general3A_149 = arith.constant dense<0.000000e+00> : vector<512x32xf32>
    %dot_general3A_150 = tpu.matmul %add3A_143, %get3A_148, %dot_general3A_149 {dimension_numbers = #tpu.dot_dimension_numbers<[1], [0], [0], [1], [0, 0, 1, 1], [], []>, transpose_lhs_hint = false} : vector<512x64xf32>, vector<64x32xf32>, vector<512x32xf32> -> vector<512x32xf32>
    %get3A_151 = arith.constant 0 : index
    %get3A_152 = arith.constant 0 : index
    %get3A_153 = vector.load %arg19[%get3A_151, %get3A_152] : memref<4x32xf32, #tpu.memory_space<vmem>>, vector<1x32xf32>
    %add3A_154 = vector.broadcast %get3A_153 : vector<1x32xf32> to vector<512x32xf32>
    %add3A_155 = arith.addf %dot_general3A_150, %add3A_154 : vector<512x32xf32>
    %max3A_156 = arith.constant 0.000000e+00 : f32
    %max3A_157 = vector.broadcast %max3A_156 : f32 to vector<512x32xf32>
    %max3A_158 = arith.maximumf %add3A_155, %max3A_157 : vector<512x32xf32>
    %get3A_159 = arith.constant 0 : index
    %get3A_160 = arith.constant 0 : index
    %get3A_161 = arith.constant 0 : index
    %get3A_162 = vector.load %arg20[%get3A_159, %get3A_160, %get3A_161] : memref<4x32x2xf32, #tpu.memory_space<vmem>>, vector<1x32x2xf32>
    %get3A_163 = vector.shape_cast %get3A_162 : vector<1x32x2xf32> to vector<32x2xf32>
    %dot_general3A_164 = arith.constant dense<0.000000e+00> : vector<512x2xf32>
    %dot_general3A_165 = tpu.matmul %max3A_158, %get3A_163, %dot_general3A_164 {dimension_numbers = #tpu.dot_dimension_numbers<[1], [0], [0], [1], [0, 0, 1, 1], [], []>, transpose_lhs_hint = false} : vector<512x32xf32>, vector<32x2xf32>, vector<512x2xf32> -> vector<512x2xf32>
    %get3A_166 = arith.constant 0 : index
    %get3A_167 = arith.constant 0 : index
    %get3A_168 = vector.load %arg21[%get3A_166, %get3A_167] : memref<4x2xf32, #tpu.memory_space<vmem>>, vector<1x2xf32>
    %add3A_169 = vector.broadcast %get3A_168 : vector<1x2xf32> to vector<512x2xf32>
    %add3A_170 = arith.addf %dot_general3A_165, %add3A_169 : vector<512x2xf32>
    %slice3A_171 = vector.extract_strided_slice %mul3A {offsets = [0, 0], sizes = [512, 1], strides = [1, 1]} : vector<512x4xf32> to vector<512x1xf32>
    %sub3A_172 = arith.constant 1.000000e+00 : f32
    %sub3A_173 = vector.broadcast %sub3A_172 : f32 to vector<512x1xf32>
    %sub3A_174 = arith.subf %sub3A_173, %slice3A_171 : vector<512x1xf32>
    %concatenate3A_175 = tpu.concatenate %sub3A_174, %slice3A_171 in 1 : vector<512x1xf32>, vector<512x1xf32> -> vector<512x2xf32>
    %add3A_176 = arith.addf %add3A_170, %concatenate3A_175 : vector<512x2xf32>
    %swap3A = arith.constant 0 : index
    %swap3A_177 = arith.constant 0 : index
    %swap3A_178 = arith.constant 0 : index
    %swap3A_179 = vector.load %arg22[%swap3A, %swap3A_177, %swap3A_178] : memref<4x512x2xf32, #tpu.memory_space<vmem>>, vector<1x512x2xf32>
    %swap3A_180 = vector.shape_cast %swap3A_179 : vector<1x512x2xf32> to vector<512x2xf32>
    %swap3A_181 = vector.shape_cast %add3A_176 : vector<512x2xf32> to vector<1x512x2xf32>
    tpu.vector_store %arg22[%swap3A, %swap3A_177, %swap3A_178], %swap3A_181 {strides = array<i32>} : memref<4x512x2xf32, #tpu.memory_space<vmem>>, vector<1x512x2xf32>,
    %get3A_182 = arith.constant 1 : index
    %get3A_183 = arith.constant 0 : index
    %get3A_184 = arith.constant 0 : index
    %get3A_185 = vector.load %arg10[%get3A_182, %get3A_183, %get3A_184] : memref<4x512x2xf32, #tpu.memory_space<vmem>>, vector<1x512x2xf32>
    %get3A_186 = vector.shape_cast %get3A_185 : vector<1x512x2xf32> to vector<512x2xf32>
    %get3A_187 = arith.constant 1 : index
    %get3A_188 = arith.constant 0 : index
    %get3A_189 = arith.constant 0 : index
    %get3A_190 = vector.load %arg11[%get3A_187, %get3A_188, %get3A_189] : memref<4x512x2xf32, #tpu.memory_space<vmem>>, vector<1x512x2xf32>
    %get3A_191 = vector.shape_cast %get3A_190 : vector<1x512x2xf32> to vector<512x2xf32>
    %get3A_192 = arith.constant 1 : index
    %get3A_193 = arith.constant 0 : index
    %get3A_194 = arith.constant 0 : index
    %get3A_195 = vector.load %arg12[%get3A_192, %get3A_193, %get3A_194] : memref<4x512x2xf32, #tpu.memory_space<vmem>>, vector<1x512x2xf32>
    %get3A_196 = vector.shape_cast %get3A_195 : vector<1x512x2xf32> to vector<512x2xf32>
    %slice3A_197 = vector.extract_strided_slice %get3A_186 {offsets = [0, 0], sizes = [512, 1], strides = [1, 1]} : vector<512x2xf32> to vector<512x1xf32>
    %get3A_198 = arith.constant 1 : index
    %get3A_199 = arith.constant 0 : index
    %get3A_200 = arith.constant 0 : index
    %get3A_201 = vector.load %arg4[%get3A_198, %get3A_199, %get3A_200] : memref<4x512x20xf32, #tpu.memory_space<vmem>>, vector<1x512x20xf32>
    %get3A_202 = vector.shape_cast %get3A_201 : vector<1x512x20xf32> to vector<512x20xf32>
    %mul3A_203 = vector.broadcast %slice3A_197 : vector<512x1xf32> to vector<512x20xf32>
    %mul3A_204 = arith.mulf %mul3A_203, %get3A_202 : vector<512x20xf32>
    %slice3A_205 = vector.extract_strided_slice %get3A_186 {offsets = [0, 1], sizes = [512, 1], strides = [1, 1]} : vector<512x2xf32> to vector<512x1xf32>
    %get3A_206 = arith.constant 1 : index
    %get3A_207 = arith.constant 0 : index
    %get3A_208 = arith.constant 0 : index
    %get3A_209 = vector.load %arg5[%get3A_206, %get3A_207, %get3A_208] : memref<4x512x20xf32, #tpu.memory_space<vmem>>, vector<1x512x20xf32>
    %get3A_210 = vector.shape_cast %get3A_209 : vector<1x512x20xf32> to vector<512x20xf32>
    %mul3A_211 = vector.broadcast %slice3A_205 : vector<512x1xf32> to vector<512x20xf32>
    %mul3A_212 = arith.mulf %mul3A_211, %get3A_210 : vector<512x20xf32>
    %add3A_213 = arith.addf %mul3A_204, %mul3A_212 : vector<512x20xf32>
    %slice3A_214 = vector.extract_strided_slice %get3A_191 {offsets = [0, 0], sizes = [512, 1], strides = [1, 1]} : vector<512x2xf32> to vector<512x1xf32>
    %get3A_215 = arith.constant 1 : index
    %get3A_216 = arith.constant 0 : index
    %get3A_217 = arith.constant 0 : index
    %get3A_218 = vector.load %arg6[%get3A_215, %get3A_216, %get3A_217] : memref<4x512x20xf32, #tpu.memory_space<vmem>>, vector<1x512x20xf32>
    %get3A_219 = vector.shape_cast %get3A_218 : vector<1x512x20xf32> to vector<512x20xf32>
    %mul3A_220 = vector.broadcast %slice3A_214 : vector<512x1xf32> to vector<512x20xf32>
    %mul3A_221 = arith.mulf %mul3A_220, %get3A_219 : vector<512x20xf32>
    %slice3A_222 = vector.extract_strided_slice %get3A_191 {offsets = [0, 1], sizes = [512, 1], strides = [1, 1]} : vector<512x2xf32> to vector<512x1xf32>
    %get3A_223 = arith.constant 1 : index
    %get3A_224 = arith.constant 0 : index
    %get3A_225 = arith.constant 0 : index
    %get3A_226 = vector.load %arg7[%get3A_223, %get3A_224, %get3A_225] : memref<4x512x20xf32, #tpu.memory_space<vmem>>, vector<1x512x20xf32>
    %get3A_227 = vector.shape_cast %get3A_226 : vector<1x512x20xf32> to vector<512x20xf32>
    %mul3A_228 = vector.broadcast %slice3A_222 : vector<512x1xf32> to vector<512x20xf32>
    %mul3A_229 = arith.mulf %mul3A_228, %get3A_227 : vector<512x20xf32>
    %add3A_230 = arith.addf %mul3A_221, %mul3A_229 : vector<512x20xf32>
    %slice3A_231 = vector.extract_strided_slice %get3A_196 {offsets = [0, 0], sizes = [512, 1], strides = [1, 1]} : vector<512x2xf32> to vector<512x1xf32>
    %get3A_232 = arith.constant 1 : index
    %get3A_233 = arith.constant 0 : index
    %get3A_234 = arith.constant 0 : index
    %get3A_235 = vector.load %arg8[%get3A_232, %get3A_233, %get3A_234] : memref<4x512x20xf32, #tpu.memory_space<vmem>>, vector<1x512x20xf32>
    %get3A_236 = vector.shape_cast %get3A_235 : vector<1x512x20xf32> to vector<512x20xf32>
    %mul3A_237 = vector.broadcast %slice3A_231 : vector<512x1xf32> to vector<512x20xf32>
    %mul3A_238 = arith.mulf %mul3A_237, %get3A_236 : vector<512x20xf32>
    %slice3A_239 = vector.extract_strided_slice %get3A_196 {offsets = [0, 1], sizes = [512, 1], strides = [1, 1]} : vector<512x2xf32> to vector<512x1xf32>
    %get3A_240 = arith.constant 1 : index
    %get3A_241 = arith.constant 0 : index
    %get3A_242 = arith.constant 0 : index
    %get3A_243 = vector.load %arg9[%get3A_240, %get3A_241, %get3A_242] : memref<4x512x20xf32, #tpu.memory_space<vmem>>, vector<1x512x20xf32>
    %get3A_244 = vector.shape_cast %get3A_243 : vector<1x512x20xf32> to vector<512x20xf32>
    %mul3A_245 = vector.broadcast %slice3A_239 : vector<512x1xf32> to vector<512x20xf32>
    %mul3A_246 = arith.mulf %mul3A_245, %get3A_244 : vector<512x20xf32>
    %add3A_247 = arith.addf %mul3A_238, %mul3A_246 : vector<512x20xf32>
    %concatenate3A_248 = tpu.concatenate %add3A_213, %add3A_230, %add3A_247, %slice3A, %get3A_7 in 1 : vector<512x20xf32>, vector<512x20xf32>, vector<512x20xf32>, vector<512x4xf32>, vector<512x2xf32> -> vector<512x66xf32>
    %get3A_249 = arith.constant 1 : index
    %get3A_250 = arith.constant 0 : index
    %get3A_251 = arith.constant 0 : index
    %get3A_252 = vector.load %arg16[%get3A_249, %get3A_250, %get3A_251] : memref<4x66x195xf32, #tpu.memory_space<vmem>>, vector<1x66x195xf32>
    %get3A_253 = vector.shape_cast %get3A_252 : vector<1x66x195xf32> to vector<66x195xf32>
    %dot_general3A_254 = arith.constant dense<0.000000e+00> : vector<512x195xf32>
    %dot_general3A_255 = tpu.matmul %concatenate3A_248, %get3A_253, %dot_general3A_254 {dimension_numbers = #tpu.dot_dimension_numbers<[1], [0], [0], [1], [0, 0, 1, 1], [], []>, transpose_lhs_hint = false} : vector<512x66xf32>, vector<66x195xf32>, vector<512x195xf32> -> vector<512x195xf32>
    %get3A_256 = arith.constant 1 : index
    %get3A_257 = arith.constant 0 : index
    %get3A_258 = arith.constant 0 : index
    %get3A_259 = vector.load %arg15[%get3A_256, %get3A_257, %get3A_258] : memref<4x512x195xf32, #tpu.memory_space<vmem>>, vector<1x512x195xf32>
    %get3A_260 = vector.shape_cast %get3A_259 : vector<1x512x195xf32> to vector<512x195xf32>
    %dot_general3A_261 = arith.constant dense<0.000000e+00> : vector<512x195xf32>
    %dot_general3A_262 = tpu.matmul %get3A_1, %get3A_260, %dot_general3A_261 {dimension_numbers = #tpu.dot_dimension_numbers<[1], [0], [0], [1], [0, 0, 1, 1], [], []>, transpose_lhs_hint = false} : vector<512x512xf32>, vector<512x195xf32>, vector<512x195xf32> -> vector<512x195xf32>
    %add3A_263 = arith.addf %dot_general3A_255, %dot_general3A_262 : vector<512x195xf32>
    %get3A_264 = arith.constant 1 : index
    %get3A_265 = arith.constant 0 : index
    %get3A_266 = vector.load %arg17[%get3A_264, %get3A_265] : memref<4x195xf32, #tpu.memory_space<vmem>>, vector<1x195xf32>
    %add3A_267 = vector.broadcast %get3A_266 : vector<1x195xf32> to vector<512x195xf32>
    %add3A_268 = arith.addf %add3A_263, %add3A_267 : vector<512x195xf32>
    %slice3A_269 = vector.extract_strided_slice %add3A_268 {offsets = [0, 0], sizes = [512, 192], strides = [1, 1]} : vector<512x195xf32> to vector<512x192xf32>
    %max3A_270 = arith.constant 0.000000e+00 : f32
    %max3A_271 = vector.broadcast %max3A_270 : f32 to vector<512x192xf32>
    %max3A_272 = arith.maximumf %slice3A_269, %max3A_271 : vector<512x192xf32>
    %slice3A_273 = vector.extract_strided_slice %add3A_268 {offsets = [0, 192], sizes = [512, 3], strides = [1, 1]} : vector<512x195xf32> to vector<512x3xf32>
    %reduce_max3A_274 = arith.constant dense<0xFF800000> : vector<512xf32>
    %reduce_max3A_275 = vector.multi_reduction <maximumf>, %slice3A_273, %reduce_max3A_274 [1] : vector<512x3xf32> to vector<512xf32>
    %broadcast_in_dim3A_276 = vector.shape_cast %reduce_max3A_275 : vector<512xf32> to vector<512x1xf32>
    %sub3A_277 = vector.broadcast %broadcast_in_dim3A_276 : vector<512x1xf32> to vector<512x3xf32>
    %sub3A_278 = arith.subf %slice3A_273, %sub3A_277 : vector<512x3xf32>
    %exp3A_279 = math.exp %sub3A_278 : vector<512x3xf32>
    %reduce_sum3A_280 = arith.constant dense<0.000000e+00> : vector<512xf32>
    %reduce_sum3A_281 = vector.multi_reduction <add>, %exp3A_279, %reduce_sum3A_280 [1] : vector<512x3xf32> to vector<512xf32>
    %broadcast_in_dim3A_282 = vector.shape_cast %reduce_sum3A_281 : vector<512xf32> to vector<512x1xf32>
    %div3A_283 = vector.broadcast %broadcast_in_dim3A_282 : vector<512x1xf32> to vector<512x3xf32>
    %div3A_284 = arith.divf %exp3A_279, %div3A_283 : vector<512x3xf32>
    %slice3A_285 = vector.extract_strided_slice %div3A_284 {offsets = [0, 0], sizes = [512, 1], strides = [1, 1]} : vector<512x3xf32> to vector<512x1xf32>
    %slice3A_286 = vector.extract_strided_slice %max3A_272 {offsets = [0, 0], sizes = [512, 64], strides = [1, 1]} : vector<512x192xf32> to vector<512x64xf32>
    %mul3A_287 = vector.broadcast %slice3A_285 : vector<512x1xf32> to vector<512x64xf32>
    %mul3A_288 = arith.mulf %mul3A_287, %slice3A_286 : vector<512x64xf32>
    %slice3A_289 = vector.extract_strided_slice %div3A_284 {offsets = [0, 1], sizes = [512, 1], strides = [1, 1]} : vector<512x3xf32> to vector<512x1xf32>
    %slice3A_290 = vector.extract_strided_slice %max3A_272 {offsets = [0, 64], sizes = [512, 64], strides = [1, 1]} : vector<512x192xf32> to vector<512x64xf32>
    %mul3A_291 = vector.broadcast %slice3A_289 : vector<512x1xf32> to vector<512x64xf32>
    %mul3A_292 = arith.mulf %mul3A_291, %slice3A_290 : vector<512x64xf32>
    %add3A_293 = arith.addf %mul3A_288, %mul3A_292 : vector<512x64xf32>
    %slice3A_294 = vector.extract_strided_slice %div3A_284 {offsets = [0, 2], sizes = [512, 1], strides = [1, 1]} : vector<512x3xf32> to vector<512x1xf32>
    %slice3A_295 = vector.extract_strided_slice %max3A_272 {offsets = [0, 128], sizes = [512, 64], strides = [1, 1]} : vector<512x192xf32> to vector<512x64xf32>
    %mul3A_296 = vector.broadcast %slice3A_294 : vector<512x1xf32> to vector<512x64xf32>
    %mul3A_297 = arith.mulf %mul3A_296, %slice3A_295 : vector<512x64xf32>
    %add3A_298 = arith.addf %add3A_293, %mul3A_297 : vector<512x64xf32>
    %get3A_299 = arith.constant 1 : index
    %get3A_300 = arith.constant 0 : index
    %get3A_301 = arith.constant 0 : index
    %get3A_302 = vector.load %arg18[%get3A_299, %get3A_300, %get3A_301] : memref<4x64x32xf32, #tpu.memory_space<vmem>>, vector<1x64x32xf32>
    %get3A_303 = vector.shape_cast %get3A_302 : vector<1x64x32xf32> to vector<64x32xf32>
    %dot_general3A_304 = arith.constant dense<0.000000e+00> : vector<512x32xf32>
    %dot_general3A_305 = tpu.matmul %add3A_298, %get3A_303, %dot_general3A_304 {dimension_numbers = #tpu.dot_dimension_numbers<[1], [0], [0], [1], [0, 0, 1, 1], [], []>, transpose_lhs_hint = false} : vector<512x64xf32>, vector<64x32xf32>, vector<512x32xf32> -> vector<512x32xf32>
    %get3A_306 = arith.constant 1 : index
    %get3A_307 = arith.constant 0 : index
    %get3A_308 = vector.load %arg19[%get3A_306, %get3A_307] : memref<4x32xf32, #tpu.memory_space<vmem>>, vector<1x32xf32>
    %add3A_309 = vector.broadcast %get3A_308 : vector<1x32xf32> to vector<512x32xf32>
    %add3A_310 = arith.addf %dot_general3A_305, %add3A_309 : vector<512x32xf32>
    %max3A_311 = arith.constant 0.000000e+00 : f32
    %max3A_312 = vector.broadcast %max3A_311 : f32 to vector<512x32xf32>
    %max3A_313 = arith.maximumf %add3A_310, %max3A_312 : vector<512x32xf32>
    %get3A_314 = arith.constant 1 : index
    %get3A_315 = arith.constant 0 : index
    %get3A_316 = arith.constant 0 : index
    %get3A_317 = vector.load %arg20[%get3A_314, %get3A_315, %get3A_316] : memref<4x32x2xf32, #tpu.memory_space<vmem>>, vector<1x32x2xf32>
    %get3A_318 = vector.shape_cast %get3A_317 : vector<1x32x2xf32> to vector<32x2xf32>
    %dot_general3A_319 = arith.constant dense<0.000000e+00> : vector<512x2xf32>
    %dot_general3A_320 = tpu.matmul %max3A_313, %get3A_318, %dot_general3A_319 {dimension_numbers = #tpu.dot_dimension_numbers<[1], [0], [0], [1], [0, 0, 1, 1], [], []>, transpose_lhs_hint = false} : vector<512x32xf32>, vector<32x2xf32>, vector<512x2xf32> -> vector<512x2xf32>
    %get3A_321 = arith.constant 1 : index
    %get3A_322 = arith.constant 0 : index
    %get3A_323 = vector.load %arg21[%get3A_321, %get3A_322] : memref<4x2xf32, #tpu.memory_space<vmem>>, vector<1x2xf32>
    %add3A_324 = vector.broadcast %get3A_323 : vector<1x2xf32> to vector<512x2xf32>
    %add3A_325 = arith.addf %dot_general3A_320, %add3A_324 : vector<512x2xf32>
    %slice3A_326 = vector.extract_strided_slice %mul3A {offsets = [0, 1], sizes = [512, 1], strides = [1, 1]} : vector<512x4xf32> to vector<512x1xf32>
    %sub3A_327 = arith.constant 1.000000e+00 : f32
    %sub3A_328 = vector.broadcast %sub3A_327 : f32 to vector<512x1xf32>
    %sub3A_329 = arith.subf %sub3A_328, %slice3A_326 : vector<512x1xf32>
    %concatenate3A_330 = tpu.concatenate %sub3A_329, %slice3A_326 in 1 : vector<512x1xf32>, vector<512x1xf32> -> vector<512x2xf32>
    %add3A_331 = arith.addf %add3A_325, %concatenate3A_330 : vector<512x2xf32>
    %swap3A_332 = arith.constant 1 : index
    %swap3A_333 = arith.constant 0 : index
    %swap3A_334 = arith.constant 0 : index
    %swap3A_335 = vector.load %arg22[%swap3A_332, %swap3A_333, %swap3A_334] : memref<4x512x2xf32, #tpu.memory_space<vmem>>, vector<1x512x2xf32>
    %swap3A_336 = vector.shape_cast %swap3A_335 : vector<1x512x2xf32> to vector<512x2xf32>
    %swap3A_337 = vector.shape_cast %add3A_331 : vector<512x2xf32> to vector<1x512x2xf32>
    tpu.vector_store %arg22[%swap3A_332, %swap3A_333, %swap3A_334], %swap3A_337 {strides = array<i32>} : memref<4x512x2xf32, #tpu.memory_space<vmem>>, vector<1x512x2xf32>,
    %get3A_338 = arith.constant 2 : index
    %get3A_339 = arith.constant 0 : index
    %get3A_340 = arith.constant 0 : index
    %get3A_341 = vector.load %arg10[%get3A_338, %get3A_339, %get3A_340] : memref<4x512x2xf32, #tpu.memory_space<vmem>>, vector<1x512x2xf32>
    %get3A_342 = vector.shape_cast %get3A_341 : vector<1x512x2xf32> to vector<512x2xf32>
    %get3A_343 = arith.constant 2 : index
    %get3A_344 = arith.constant 0 : index
    %get3A_345 = arith.constant 0 : index
    %get3A_346 = vector.load %arg11[%get3A_343, %get3A_344, %get3A_345] : memref<4x512x2xf32, #tpu.memory_space<vmem>>, vector<1x512x2xf32>
    %get3A_347 = vector.shape_cast %get3A_346 : vector<1x512x2xf32> to vector<512x2xf32>
    %get3A_348 = arith.constant 2 : index
    %get3A_349 = arith.constant 0 : index
    %get3A_350 = arith.constant 0 : index
    %get3A_351 = vector.load %arg12[%get3A_348, %get3A_349, %get3A_350] : memref<4x512x2xf32, #tpu.memory_space<vmem>>, vector<1x512x2xf32>
    %get3A_352 = vector.shape_cast %get3A_351 : vector<1x512x2xf32> to vector<512x2xf32>
    %slice3A_353 = vector.extract_strided_slice %get3A_342 {offsets = [0, 0], sizes = [512, 1], strides = [1, 1]} : vector<512x2xf32> to vector<512x1xf32>
    %get3A_354 = arith.constant 2 : index
    %get3A_355 = arith.constant 0 : index
    %get3A_356 = arith.constant 0 : index
    %get3A_357 = vector.load %arg4[%get3A_354, %get3A_355, %get3A_356] : memref<4x512x20xf32, #tpu.memory_space<vmem>>, vector<1x512x20xf32>
    %get3A_358 = vector.shape_cast %get3A_357 : vector<1x512x20xf32> to vector<512x20xf32>
    %mul3A_359 = vector.broadcast %slice3A_353 : vector<512x1xf32> to vector<512x20xf32>
    %mul3A_360 = arith.mulf %mul3A_359, %get3A_358 : vector<512x20xf32>
    %slice3A_361 = vector.extract_strided_slice %get3A_342 {offsets = [0, 1], sizes = [512, 1], strides = [1, 1]} : vector<512x2xf32> to vector<512x1xf32>
    %get3A_362 = arith.constant 2 : index
    %get3A_363 = arith.constant 0 : index
    %get3A_364 = arith.constant 0 : index
    %get3A_365 = vector.load %arg5[%get3A_362, %get3A_363, %get3A_364] : memref<4x512x20xf32, #tpu.memory_space<vmem>>, vector<1x512x20xf32>
    %get3A_366 = vector.shape_cast %get3A_365 : vector<1x512x20xf32> to vector<512x20xf32>
    %mul3A_367 = vector.broadcast %slice3A_361 : vector<512x1xf32> to vector<512x20xf32>
    %mul3A_368 = arith.mulf %mul3A_367, %get3A_366 : vector<512x20xf32>
    %add3A_369 = arith.addf %mul3A_360, %mul3A_368 : vector<512x20xf32>
    %slice3A_370 = vector.extract_strided_slice %get3A_347 {offsets = [0, 0], sizes = [512, 1], strides = [1, 1]} : vector<512x2xf32> to vector<512x1xf32>
    %get3A_371 = arith.constant 2 : index
    %get3A_372 = arith.constant 0 : index
    %get3A_373 = arith.constant 0 : index
    %get3A_374 = vector.load %arg6[%get3A_371, %get3A_372, %get3A_373] : memref<4x512x20xf32, #tpu.memory_space<vmem>>, vector<1x512x20xf32>
    %get3A_375 = vector.shape_cast %get3A_374 : vector<1x512x20xf32> to vector<512x20xf32>
    %mul3A_376 = vector.broadcast %slice3A_370 : vector<512x1xf32> to vector<512x20xf32>
    %mul3A_377 = arith.mulf %mul3A_376, %get3A_375 : vector<512x20xf32>
    %slice3A_378 = vector.extract_strided_slice %get3A_347 {offsets = [0, 1], sizes = [512, 1], strides = [1, 1]} : vector<512x2xf32> to vector<512x1xf32>
    %get3A_379 = arith.constant 2 : index
    %get3A_380 = arith.constant 0 : index
    %get3A_381 = arith.constant 0 : index
    %get3A_382 = vector.load %arg7[%get3A_379, %get3A_380, %get3A_381] : memref<4x512x20xf32, #tpu.memory_space<vmem>>, vector<1x512x20xf32>
    %get3A_383 = vector.shape_cast %get3A_382 : vector<1x512x20xf32> to vector<512x20xf32>
    %mul3A_384 = vector.broadcast %slice3A_378 : vector<512x1xf32> to vector<512x20xf32>
    %mul3A_385 = arith.mulf %mul3A_384, %get3A_383 : vector<512x20xf32>
    %add3A_386 = arith.addf %mul3A_377, %mul3A_385 : vector<512x20xf32>
    %slice3A_387 = vector.extract_strided_slice %get3A_352 {offsets = [0, 0], sizes = [512, 1], strides = [1, 1]} : vector<512x2xf32> to vector<512x1xf32>
    %get3A_388 = arith.constant 2 : index
    %get3A_389 = arith.constant 0 : index
    %get3A_390 = arith.constant 0 : index
    %get3A_391 = vector.load %arg8[%get3A_388, %get3A_389, %get3A_390] : memref<4x512x20xf32, #tpu.memory_space<vmem>>, vector<1x512x20xf32>
    %get3A_392 = vector.shape_cast %get3A_391 : vector<1x512x20xf32> to vector<512x20xf32>
    %mul3A_393 = vector.broadcast %slice3A_387 : vector<512x1xf32> to vector<512x20xf32>
    %mul3A_394 = arith.mulf %mul3A_393, %get3A_392 : vector<512x20xf32>
    %slice3A_395 = vector.extract_strided_slice %get3A_352 {offsets = [0, 1], sizes = [512, 1], strides = [1, 1]} : vector<512x2xf32> to vector<512x1xf32>
    %get3A_396 = arith.constant 2 : index
    %get3A_397 = arith.constant 0 : index
    %get3A_398 = arith.constant 0 : index
    %get3A_399 = vector.load %arg9[%get3A_396, %get3A_397, %get3A_398] : memref<4x512x20xf32, #tpu.memory_space<vmem>>, vector<1x512x20xf32>
    %get3A_400 = vector.shape_cast %get3A_399 : vector<1x512x20xf32> to vector<512x20xf32>
    %mul3A_401 = vector.broadcast %slice3A_395 : vector<512x1xf32> to vector<512x20xf32>
    %mul3A_402 = arith.mulf %mul3A_401, %get3A_400 : vector<512x20xf32>
    %add3A_403 = arith.addf %mul3A_394, %mul3A_402 : vector<512x20xf32>
    %concatenate3A_404 = tpu.concatenate %add3A_369, %add3A_386, %add3A_403, %slice3A, %get3A_7 in 1 : vector<512x20xf32>, vector<512x20xf32>, vector<512x20xf32>, vector<512x4xf32>, vector<512x2xf32> -> vector<512x66xf32>
    %get3A_405 = arith.constant 2 : index
    %get3A_406 = arith.constant 0 : index
    %get3A_407 = arith.constant 0 : index
    %get3A_408 = vector.load %arg16[%get3A_405, %get3A_406, %get3A_407] : memref<4x66x195xf32, #tpu.memory_space<vmem>>, vector<1x66x195xf32>
    %get3A_409 = vector.shape_cast %get3A_408 : vector<1x66x195xf32> to vector<66x195xf32>
    %dot_general3A_410 = arith.constant dense<0.000000e+00> : vector<512x195xf32>
    %dot_general3A_411 = tpu.matmul %concatenate3A_404, %get3A_409, %dot_general3A_410 {dimension_numbers = #tpu.dot_dimension_numbers<[1], [0], [0], [1], [0, 0, 1, 1], [], []>, transpose_lhs_hint = false} : vector<512x66xf32>, vector<66x195xf32>, vector<512x195xf32> -> vector<512x195xf32>
    %get3A_412 = arith.constant 2 : index
    %get3A_413 = arith.constant 0 : index
    %get3A_414 = arith.constant 0 : index
    %get3A_415 = vector.load %arg15[%get3A_412, %get3A_413, %get3A_414] : memref<4x512x195xf32, #tpu.memory_space<vmem>>, vector<1x512x195xf32>
    %get3A_416 = vector.shape_cast %get3A_415 : vector<1x512x195xf32> to vector<512x195xf32>
    %dot_general3A_417 = arith.constant dense<0.000000e+00> : vector<512x195xf32>
    %dot_general3A_418 = tpu.matmul %get3A_1, %get3A_416, %dot_general3A_417 {dimension_numbers = #tpu.dot_dimension_numbers<[1], [0], [0], [1], [0, 0, 1, 1], [], []>, transpose_lhs_hint = false} : vector<512x512xf32>, vector<512x195xf32>, vector<512x195xf32> -> vector<512x195xf32>
    %add3A_419 = arith.addf %dot_general3A_411, %dot_general3A_418 : vector<512x195xf32>
    %get3A_420 = arith.constant 2 : index
    %get3A_421 = arith.constant 0 : index
    %get3A_422 = vector.load %arg17[%get3A_420, %get3A_421] : memref<4x195xf32, #tpu.memory_space<vmem>>, vector<1x195xf32>
    %add3A_423 = vector.broadcast %get3A_422 : vector<1x195xf32> to vector<512x195xf32>
    %add3A_424 = arith.addf %add3A_419, %add3A_423 : vector<512x195xf32>
    %slice3A_425 = vector.extract_strided_slice %add3A_424 {offsets = [0, 0], sizes = [512, 192], strides = [1, 1]} : vector<512x195xf32> to vector<512x192xf32>
    %max3A_426 = arith.constant 0.000000e+00 : f32
    %max3A_427 = vector.broadcast %max3A_426 : f32 to vector<512x192xf32>
    %max3A_428 = arith.maximumf %slice3A_425, %max3A_427 : vector<512x192xf32>
    %slice3A_429 = vector.extract_strided_slice %add3A_424 {offsets = [0, 192], sizes = [512, 3], strides = [1, 1]} : vector<512x195xf32> to vector<512x3xf32>
    %reduce_max3A_430 = arith.constant dense<0xFF800000> : vector<512xf32>
    %reduce_max3A_431 = vector.multi_reduction <maximumf>, %slice3A_429, %reduce_max3A_430 [1] : vector<512x3xf32> to vector<512xf32>
    %broadcast_in_dim3A_432 = vector.shape_cast %reduce_max3A_431 : vector<512xf32> to vector<512x1xf32>
    %sub3A_433 = vector.broadcast %broadcast_in_dim3A_432 : vector<512x1xf32> to vector<512x3xf32>
    %sub3A_434 = arith.subf %slice3A_429, %sub3A_433 : vector<512x3xf32>
    %exp3A_435 = math.exp %sub3A_434 : vector<512x3xf32>
    %reduce_sum3A_436 = arith.constant dense<0.000000e+00> : vector<512xf32>
    %reduce_sum3A_437 = vector.multi_reduction <add>, %exp3A_435, %reduce_sum3A_436 [1] : vector<512x3xf32> to vector<512xf32>
    %broadcast_in_dim3A_438 = vector.shape_cast %reduce_sum3A_437 : vector<512xf32> to vector<512x1xf32>
    %div3A_439 = vector.broadcast %broadcast_in_dim3A_438 : vector<512x1xf32> to vector<512x3xf32>
    %div3A_440 = arith.divf %exp3A_435, %div3A_439 : vector<512x3xf32>
    %slice3A_441 = vector.extract_strided_slice %div3A_440 {offsets = [0, 0], sizes = [512, 1], strides = [1, 1]} : vector<512x3xf32> to vector<512x1xf32>
    %slice3A_442 = vector.extract_strided_slice %max3A_428 {offsets = [0, 0], sizes = [512, 64], strides = [1, 1]} : vector<512x192xf32> to vector<512x64xf32>
    %mul3A_443 = vector.broadcast %slice3A_441 : vector<512x1xf32> to vector<512x64xf32>
    %mul3A_444 = arith.mulf %mul3A_443, %slice3A_442 : vector<512x64xf32>
    %slice3A_445 = vector.extract_strided_slice %div3A_440 {offsets = [0, 1], sizes = [512, 1], strides = [1, 1]} : vector<512x3xf32> to vector<512x1xf32>
    %slice3A_446 = vector.extract_strided_slice %max3A_428 {offsets = [0, 64], sizes = [512, 64], strides = [1, 1]} : vector<512x192xf32> to vector<512x64xf32>
    %mul3A_447 = vector.broadcast %slice3A_445 : vector<512x1xf32> to vector<512x64xf32>
    %mul3A_448 = arith.mulf %mul3A_447, %slice3A_446 : vector<512x64xf32>
    %add3A_449 = arith.addf %mul3A_444, %mul3A_448 : vector<512x64xf32>
    %slice3A_450 = vector.extract_strided_slice %div3A_440 {offsets = [0, 2], sizes = [512, 1], strides = [1, 1]} : vector<512x3xf32> to vector<512x1xf32>
    %slice3A_451 = vector.extract_strided_slice %max3A_428 {offsets = [0, 128], sizes = [512, 64], strides = [1, 1]} : vector<512x192xf32> to vector<512x64xf32>
    %mul3A_452 = vector.broadcast %slice3A_450 : vector<512x1xf32> to vector<512x64xf32>
    %mul3A_453 = arith.mulf %mul3A_452, %slice3A_451 : vector<512x64xf32>
    %add3A_454 = arith.addf %add3A_449, %mul3A_453 : vector<512x64xf32>
    %get3A_455 = arith.constant 2 : index
    %get3A_456 = arith.constant 0 : index
    %get3A_457 = arith.constant 0 : index
    %get3A_458 = vector.load %arg18[%get3A_455, %get3A_456, %get3A_457] : memref<4x64x32xf32, #tpu.memory_space<vmem>>, vector<1x64x32xf32>
    %get3A_459 = vector.shape_cast %get3A_458 : vector<1x64x32xf32> to vector<64x32xf32>
    %dot_general3A_460 = arith.constant dense<0.000000e+00> : vector<512x32xf32>
    %dot_general3A_461 = tpu.matmul %add3A_454, %get3A_459, %dot_general3A_460 {dimension_numbers = #tpu.dot_dimension_numbers<[1], [0], [0], [1], [0, 0, 1, 1], [], []>, transpose_lhs_hint = false} : vector<512x64xf32>, vector<64x32xf32>, vector<512x32xf32> -> vector<512x32xf32>
    %get3A_462 = arith.constant 2 : index
    %get3A_463 = arith.constant 0 : index
    %get3A_464 = vector.load %arg19[%get3A_462, %get3A_463] : memref<4x32xf32, #tpu.memory_space<vmem>>, vector<1x32xf32>
    %add3A_465 = vector.broadcast %get3A_464 : vector<1x32xf32> to vector<512x32xf32>
    %add3A_466 = arith.addf %dot_general3A_461, %add3A_465 : vector<512x32xf32>
    %max3A_467 = arith.constant 0.000000e+00 : f32
    %max3A_468 = vector.broadcast %max3A_467 : f32 to vector<512x32xf32>
    %max3A_469 = arith.maximumf %add3A_466, %max3A_468 : vector<512x32xf32>
    %get3A_470 = arith.constant 2 : index
    %get3A_471 = arith.constant 0 : index
    %get3A_472 = arith.constant 0 : index
    %get3A_473 = vector.load %arg20[%get3A_470, %get3A_471, %get3A_472] : memref<4x32x2xf32, #tpu.memory_space<vmem>>, vector<1x32x2xf32>
    %get3A_474 = vector.shape_cast %get3A_473 : vector<1x32x2xf32> to vector<32x2xf32>
    %dot_general3A_475 = arith.constant dense<0.000000e+00> : vector<512x2xf32>
    %dot_general3A_476 = tpu.matmul %max3A_469, %get3A_474, %dot_general3A_475 {dimension_numbers = #tpu.dot_dimension_numbers<[1], [0], [0], [1], [0, 0, 1, 1], [], []>, transpose_lhs_hint = false} : vector<512x32xf32>, vector<32x2xf32>, vector<512x2xf32> -> vector<512x2xf32>
    %get3A_477 = arith.constant 2 : index
    %get3A_478 = arith.constant 0 : index
    %get3A_479 = vector.load %arg21[%get3A_477, %get3A_478] : memref<4x2xf32, #tpu.memory_space<vmem>>, vector<1x2xf32>
    %add3A_480 = vector.broadcast %get3A_479 : vector<1x2xf32> to vector<512x2xf32>
    %add3A_481 = arith.addf %dot_general3A_476, %add3A_480 : vector<512x2xf32>
    %slice3A_482 = vector.extract_strided_slice %mul3A {offsets = [0, 2], sizes = [512, 1], strides = [1, 1]} : vector<512x4xf32> to vector<512x1xf32>
    %sub3A_483 = arith.constant 1.000000e+00 : f32
    %sub3A_484 = vector.broadcast %sub3A_483 : f32 to vector<512x1xf32>
    %sub3A_485 = arith.subf %sub3A_484, %slice3A_482 : vector<512x1xf32>
    %concatenate3A_486 = tpu.concatenate %sub3A_485, %slice3A_482 in 1 : vector<512x1xf32>, vector<512x1xf32> -> vector<512x2xf32>
    %add3A_487 = arith.addf %add3A_481, %concatenate3A_486 : vector<512x2xf32>
    %swap3A_488 = arith.constant 2 : index
    %swap3A_489 = arith.constant 0 : index
    %swap3A_490 = arith.constant 0 : index
    %swap3A_491 = vector.load %arg22[%swap3A_488, %swap3A_489, %swap3A_490] : memref<4x512x2xf32, #tpu.memory_space<vmem>>, vector<1x512x2xf32>
    %swap3A_492 = vector.shape_cast %swap3A_491 : vector<1x512x2xf32> to vector<512x2xf32>
    %swap3A_493 = vector.shape_cast %add3A_487 : vector<512x2xf32> to vector<1x512x2xf32>
    tpu.vector_store %arg22[%swap3A_488, %swap3A_489, %swap3A_490], %swap3A_493 {strides = array<i32>} : memref<4x512x2xf32, #tpu.memory_space<vmem>>, vector<1x512x2xf32>,
    %get3A_494 = arith.constant 3 : index
    %get3A_495 = arith.constant 0 : index
    %get3A_496 = arith.constant 0 : index
    %get3A_497 = vector.load %arg10[%get3A_494, %get3A_495, %get3A_496] : memref<4x512x2xf32, #tpu.memory_space<vmem>>, vector<1x512x2xf32>
    %get3A_498 = vector.shape_cast %get3A_497 : vector<1x512x2xf32> to vector<512x2xf32>
    %get3A_499 = arith.constant 3 : index
    %get3A_500 = arith.constant 0 : index
    %get3A_501 = arith.constant 0 : index
    %get3A_502 = vector.load %arg11[%get3A_499, %get3A_500, %get3A_501] : memref<4x512x2xf32, #tpu.memory_space<vmem>>, vector<1x512x2xf32>
    %get3A_503 = vector.shape_cast %get3A_502 : vector<1x512x2xf32> to vector<512x2xf32>
    %get3A_504 = arith.constant 3 : index
    %get3A_505 = arith.constant 0 : index
    %get3A_506 = arith.constant 0 : index
    %get3A_507 = vector.load %arg12[%get3A_504, %get3A_505, %get3A_506] : memref<4x512x2xf32, #tpu.memory_space<vmem>>, vector<1x512x2xf32>
    %get3A_508 = vector.shape_cast %get3A_507 : vector<1x512x2xf32> to vector<512x2xf32>
    %slice3A_509 = vector.extract_strided_slice %get3A_498 {offsets = [0, 0], sizes = [512, 1], strides = [1, 1]} : vector<512x2xf32> to vector<512x1xf32>
    %get3A_510 = arith.constant 3 : index
    %get3A_511 = arith.constant 0 : index
    %get3A_512 = arith.constant 0 : index
    %get3A_513 = vector.load %arg4[%get3A_510, %get3A_511, %get3A_512] : memref<4x512x20xf32, #tpu.memory_space<vmem>>, vector<1x512x20xf32>
    %get3A_514 = vector.shape_cast %get3A_513 : vector<1x512x20xf32> to vector<512x20xf32>
    %mul3A_515 = vector.broadcast %slice3A_509 : vector<512x1xf32> to vector<512x20xf32>
    %mul3A_516 = arith.mulf %mul3A_515, %get3A_514 : vector<512x20xf32>
    %slice3A_517 = vector.extract_strided_slice %get3A_498 {offsets = [0, 1], sizes = [512, 1], strides = [1, 1]} : vector<512x2xf32> to vector<512x1xf32>
    %get3A_518 = arith.constant 3 : index
    %get3A_519 = arith.constant 0 : index
    %get3A_520 = arith.constant 0 : index
    %get3A_521 = vector.load %arg5[%get3A_518, %get3A_519, %get3A_520] : memref<4x512x20xf32, #tpu.memory_space<vmem>>, vector<1x512x20xf32>
    %get3A_522 = vector.shape_cast %get3A_521 : vector<1x512x20xf32> to vector<512x20xf32>
    %mul3A_523 = vector.broadcast %slice3A_517 : vector<512x1xf32> to vector<512x20xf32>
    %mul3A_524 = arith.mulf %mul3A_523, %get3A_522 : vector<512x20xf32>
    %add3A_525 = arith.addf %mul3A_516, %mul3A_524 : vector<512x20xf32>
    %slice3A_526 = vector.extract_strided_slice %get3A_503 {offsets = [0, 0], sizes = [512, 1], strides = [1, 1]} : vector<512x2xf32> to vector<512x1xf32>
    %get3A_527 = arith.constant 3 : index
    %get3A_528 = arith.constant 0 : index
    %get3A_529 = arith.constant 0 : index
    %get3A_530 = vector.load %arg6[%get3A_527, %get3A_528, %get3A_529] : memref<4x512x20xf32, #tpu.memory_space<vmem>>, vector<1x512x20xf32>
    %get3A_531 = vector.shape_cast %get3A_530 : vector<1x512x20xf32> to vector<512x20xf32>
    %mul3A_532 = vector.broadcast %slice3A_526 : vector<512x1xf32> to vector<512x20xf32>
    %mul3A_533 = arith.mulf %mul3A_532, %get3A_531 : vector<512x20xf32>
    %slice3A_534 = vector.extract_strided_slice %get3A_503 {offsets = [0, 1], sizes = [512, 1], strides = [1, 1]} : vector<512x2xf32> to vector<512x1xf32>
    %get3A_535 = arith.constant 3 : index
    %get3A_536 = arith.constant 0 : index
    %get3A_537 = arith.constant 0 : index
    %get3A_538 = vector.load %arg7[%get3A_535, %get3A_536, %get3A_537] : memref<4x512x20xf32, #tpu.memory_space<vmem>>, vector<1x512x20xf32>
    %get3A_539 = vector.shape_cast %get3A_538 : vector<1x512x20xf32> to vector<512x20xf32>
    %mul3A_540 = vector.broadcast %slice3A_534 : vector<512x1xf32> to vector<512x20xf32>
    %mul3A_541 = arith.mulf %mul3A_540, %get3A_539 : vector<512x20xf32>
    %add3A_542 = arith.addf %mul3A_533, %mul3A_541 : vector<512x20xf32>
    %slice3A_543 = vector.extract_strided_slice %get3A_508 {offsets = [0, 0], sizes = [512, 1], strides = [1, 1]} : vector<512x2xf32> to vector<512x1xf32>
    %get3A_544 = arith.constant 3 : index
    %get3A_545 = arith.constant 0 : index
    %get3A_546 = arith.constant 0 : index
    %get3A_547 = vector.load %arg8[%get3A_544, %get3A_545, %get3A_546] : memref<4x512x20xf32, #tpu.memory_space<vmem>>, vector<1x512x20xf32>
    %get3A_548 = vector.shape_cast %get3A_547 : vector<1x512x20xf32> to vector<512x20xf32>
    %mul3A_549 = vector.broadcast %slice3A_543 : vector<512x1xf32> to vector<512x20xf32>
    %mul3A_550 = arith.mulf %mul3A_549, %get3A_548 : vector<512x20xf32>
    %slice3A_551 = vector.extract_strided_slice %get3A_508 {offsets = [0, 1], sizes = [512, 1], strides = [1, 1]} : vector<512x2xf32> to vector<512x1xf32>
    %get3A_552 = arith.constant 3 : index
    %get3A_553 = arith.constant 0 : index
    %get3A_554 = arith.constant 0 : index
    %get3A_555 = vector.load %arg9[%get3A_552, %get3A_553, %get3A_554] : memref<4x512x20xf32, #tpu.memory_space<vmem>>, vector<1x512x20xf32>
    %get3A_556 = vector.shape_cast %get3A_555 : vector<1x512x20xf32> to vector<512x20xf32>
    %mul3A_557 = vector.broadcast %slice3A_551 : vector<512x1xf32> to vector<512x20xf32>
    %mul3A_558 = arith.mulf %mul3A_557, %get3A_556 : vector<512x20xf32>
    %add3A_559 = arith.addf %mul3A_550, %mul3A_558 : vector<512x20xf32>
    %concatenate3A_560 = tpu.concatenate %add3A_525, %add3A_542, %add3A_559, %slice3A, %get3A_7 in 1 : vector<512x20xf32>, vector<512x20xf32>, vector<512x20xf32>, vector<512x4xf32>, vector<512x2xf32> -> vector<512x66xf32>
    %get3A_561 = arith.constant 3 : index
    %get3A_562 = arith.constant 0 : index
    %get3A_563 = arith.constant 0 : index
    %get3A_564 = vector.load %arg16[%get3A_561, %get3A_562, %get3A_563] : memref<4x66x195xf32, #tpu.memory_space<vmem>>, vector<1x66x195xf32>
    %get3A_565 = vector.shape_cast %get3A_564 : vector<1x66x195xf32> to vector<66x195xf32>
    %dot_general3A_566 = arith.constant dense<0.000000e+00> : vector<512x195xf32>
    %dot_general3A_567 = tpu.matmul %concatenate3A_560, %get3A_565, %dot_general3A_566 {dimension_numbers = #tpu.dot_dimension_numbers<[1], [0], [0], [1], [0, 0, 1, 1], [], []>, transpose_lhs_hint = false} : vector<512x66xf32>, vector<66x195xf32>, vector<512x195xf32> -> vector<512x195xf32>
    %get3A_568 = arith.constant 3 : index
    %get3A_569 = arith.constant 0 : index
    %get3A_570 = arith.constant 0 : index
    %get3A_571 = vector.load %arg15[%get3A_568, %get3A_569, %get3A_570] : memref<4x512x195xf32, #tpu.memory_space<vmem>>, vector<1x512x195xf32>
    %get3A_572 = vector.shape_cast %get3A_571 : vector<1x512x195xf32> to vector<512x195xf32>
    %dot_general3A_573 = arith.constant dense<0.000000e+00> : vector<512x195xf32>
    %dot_general3A_574 = tpu.matmul %get3A_1, %get3A_572, %dot_general3A_573 {dimension_numbers = #tpu.dot_dimension_numbers<[1], [0], [0], [1], [0, 0, 1, 1], [], []>, transpose_lhs_hint = false} : vector<512x512xf32>, vector<512x195xf32>, vector<512x195xf32> -> vector<512x195xf32>
    %add3A_575 = arith.addf %dot_general3A_567, %dot_general3A_574 : vector<512x195xf32>
    %get3A_576 = arith.constant 3 : index
    %get3A_577 = arith.constant 0 : index
    %get3A_578 = vector.load %arg17[%get3A_576, %get3A_577] : memref<4x195xf32, #tpu.memory_space<vmem>>, vector<1x195xf32>
    %add3A_579 = vector.broadcast %get3A_578 : vector<1x195xf32> to vector<512x195xf32>
    %add3A_580 = arith.addf %add3A_575, %add3A_579 : vector<512x195xf32>
    %slice3A_581 = vector.extract_strided_slice %add3A_580 {offsets = [0, 0], sizes = [512, 192], strides = [1, 1]} : vector<512x195xf32> to vector<512x192xf32>
    %max3A_582 = arith.constant 0.000000e+00 : f32
    %max3A_583 = vector.broadcast %max3A_582 : f32 to vector<512x192xf32>
    %max3A_584 = arith.maximumf %slice3A_581, %max3A_583 : vector<512x192xf32>
    %slice3A_585 = vector.extract_strided_slice %add3A_580 {offsets = [0, 192], sizes = [512, 3], strides = [1, 1]} : vector<512x195xf32> to vector<512x3xf32>
    %reduce_max3A_586 = arith.constant dense<0xFF800000> : vector<512xf32>
    %reduce_max3A_587 = vector.multi_reduction <maximumf>, %slice3A_585, %reduce_max3A_586 [1] : vector<512x3xf32> to vector<512xf32>
    %broadcast_in_dim3A_588 = vector.shape_cast %reduce_max3A_587 : vector<512xf32> to vector<512x1xf32>
    %sub3A_589 = vector.broadcast %broadcast_in_dim3A_588 : vector<512x1xf32> to vector<512x3xf32>
    %sub3A_590 = arith.subf %slice3A_585, %sub3A_589 : vector<512x3xf32>
    %exp3A_591 = math.exp %sub3A_590 : vector<512x3xf32>
    %reduce_sum3A_592 = arith.constant dense<0.000000e+00> : vector<512xf32>
    %reduce_sum3A_593 = vector.multi_reduction <add>, %exp3A_591, %reduce_sum3A_592 [1] : vector<512x3xf32> to vector<512xf32>
    %broadcast_in_dim3A_594 = vector.shape_cast %reduce_sum3A_593 : vector<512xf32> to vector<512x1xf32>
    %div3A_595 = vector.broadcast %broadcast_in_dim3A_594 : vector<512x1xf32> to vector<512x3xf32>
    %div3A_596 = arith.divf %exp3A_591, %div3A_595 : vector<512x3xf32>
    %slice3A_597 = vector.extract_strided_slice %div3A_596 {offsets = [0, 0], sizes = [512, 1], strides = [1, 1]} : vector<512x3xf32> to vector<512x1xf32>
    %slice3A_598 = vector.extract_strided_slice %max3A_584 {offsets = [0, 0], sizes = [512, 64], strides = [1, 1]} : vector<512x192xf32> to vector<512x64xf32>
    %mul3A_599 = vector.broadcast %slice3A_597 : vector<512x1xf32> to vector<512x64xf32>
    %mul3A_600 = arith.mulf %mul3A_599, %slice3A_598 : vector<512x64xf32>
    %slice3A_601 = vector.extract_strided_slice %div3A_596 {offsets = [0, 1], sizes = [512, 1], strides = [1, 1]} : vector<512x3xf32> to vector<512x1xf32>
    %slice3A_602 = vector.extract_strided_slice %max3A_584 {offsets = [0, 64], sizes = [512, 64], strides = [1, 1]} : vector<512x192xf32> to vector<512x64xf32>
    %mul3A_603 = vector.broadcast %slice3A_601 : vector<512x1xf32> to vector<512x64xf32>
    %mul3A_604 = arith.mulf %mul3A_603, %slice3A_602 : vector<512x64xf32>
    %add3A_605 = arith.addf %mul3A_600, %mul3A_604 : vector<512x64xf32>
    %slice3A_606 = vector.extract_strided_slice %div3A_596 {offsets = [0, 2], sizes = [512, 1], strides = [1, 1]} : vector<512x3xf32> to vector<512x1xf32>
    %slice3A_607 = vector.extract_strided_slice %max3A_584 {offsets = [0, 128], sizes = [512, 64], strides = [1, 1]} : vector<512x192xf32> to vector<512x64xf32>
    %mul3A_608 = vector.broadcast %slice3A_606 : vector<512x1xf32> to vector<512x64xf32>
    %mul3A_609 = arith.mulf %mul3A_608, %slice3A_607 : vector<512x64xf32>
    %add3A_610 = arith.addf %add3A_605, %mul3A_609 : vector<512x64xf32>
    %get3A_611 = arith.constant 3 : index
    %get3A_612 = arith.constant 0 : index
    %get3A_613 = arith.constant 0 : index
    %get3A_614 = vector.load %arg18[%get3A_611, %get3A_612, %get3A_613] : memref<4x64x32xf32, #tpu.memory_space<vmem>>, vector<1x64x32xf32>
    %get3A_615 = vector.shape_cast %get3A_614 : vector<1x64x32xf32> to vector<64x32xf32>
    %dot_general3A_616 = arith.constant dense<0.000000e+00> : vector<512x32xf32>
    %dot_general3A_617 = tpu.matmul %add3A_610, %get3A_615, %dot_general3A_616 {dimension_numbers = #tpu.dot_dimension_numbers<[1], [0], [0], [1], [0, 0, 1, 1], [], []>, transpose_lhs_hint = false} : vector<512x64xf32>, vector<64x32xf32>, vector<512x32xf32> -> vector<512x32xf32>
    %get3A_618 = arith.constant 3 : index
    %get3A_619 = arith.constant 0 : index
    %get3A_620 = vector.load %arg19[%get3A_618, %get3A_619] : memref<4x32xf32, #tpu.memory_space<vmem>>, vector<1x32xf32>
    %add3A_621 = vector.broadcast %get3A_620 : vector<1x32xf32> to vector<512x32xf32>
    %add3A_622 = arith.addf %dot_general3A_617, %add3A_621 : vector<512x32xf32>
    %max3A_623 = arith.constant 0.000000e+00 : f32
    %max3A_624 = vector.broadcast %max3A_623 : f32 to vector<512x32xf32>
    %max3A_625 = arith.maximumf %add3A_622, %max3A_624 : vector<512x32xf32>
    %get3A_626 = arith.constant 3 : index
    %get3A_627 = arith.constant 0 : index
    %get3A_628 = arith.constant 0 : index
    %get3A_629 = vector.load %arg20[%get3A_626, %get3A_627, %get3A_628] : memref<4x32x2xf32, #tpu.memory_space<vmem>>, vector<1x32x2xf32>
    %get3A_630 = vector.shape_cast %get3A_629 : vector<1x32x2xf32> to vector<32x2xf32>
    %dot_general3A_631 = arith.constant dense<0.000000e+00> : vector<512x2xf32>
    %dot_general3A_632 = tpu.matmul %max3A_625, %get3A_630, %dot_general3A_631 {dimension_numbers = #tpu.dot_dimension_numbers<[1], [0], [0], [1], [0, 0, 1, 1], [], []>, transpose_lhs_hint = false} : vector<512x32xf32>, vector<32x2xf32>, vector<512x2xf32> -> vector<512x2xf32>
    %get3A_633 = arith.constant 3 : index
    %get3A_634 = arith.constant 0 : index
    %get3A_635 = vector.load %arg21[%get3A_633, %get3A_634] : memref<4x2xf32, #tpu.memory_space<vmem>>, vector<1x2xf32>
    %add3A_636 = vector.broadcast %get3A_635 : vector<1x2xf32> to vector<512x2xf32>
    %add3A_637 = arith.addf %dot_general3A_632, %add3A_636 : vector<512x2xf32>
    %slice3A_638 = vector.extract_strided_slice %mul3A {offsets = [0, 3], sizes = [512, 1], strides = [1, 1]} : vector<512x4xf32> to vector<512x1xf32>
    %sub3A_639 = arith.constant 1.000000e+00 : f32
    %sub3A_640 = vector.broadcast %sub3A_639 : f32 to vector<512x1xf32>
    %sub3A_641 = arith.subf %sub3A_640, %slice3A_638 : vector<512x1xf32>
    %concatenate3A_642 = tpu.concatenate %sub3A_641, %slice3A_638 in 1 : vector<512x1xf32>, vector<512x1xf32> -> vector<512x2xf32>
    %add3A_643 = arith.addf %add3A_637, %concatenate3A_642 : vector<512x2xf32>
    %swap3A_644 = arith.constant 3 : index
    %swap3A_645 = arith.constant 0 : index
    %swap3A_646 = arith.constant 0 : index
    %swap3A_647 = vector.load %arg22[%swap3A_644, %swap3A_645, %swap3A_646] : memref<4x512x2xf32, #tpu.memory_space<vmem>>, vector<1x512x2xf32>
    %swap3A_648 = vector.shape_cast %swap3A_647 : vector<1x512x2xf32> to vector<512x2xf32>
    %swap3A_649 = vector.shape_cast %add3A_643 : vector<512x2xf32> to vector<1x512x2xf32>
    tpu.vector_store %arg22[%swap3A_644, %swap3A_645, %swap3A_646], %swap3A_649 {strides = array<i32>} : memref<4x512x2xf32, #tpu.memory_space<vmem>>, vector<1x512x2xf32>,
    return
  }
  func.func @transform_0(%arg0: i32) -> (i32, i32) {
    %c0_i32 = arith.constant 0 : i32
    %c0_i32_0 = arith.constant 0 : i32
    return %arg0, %c0_i32 : i32, i32
  }
  func.func @transform_1(%arg0: i32) -> (i32, i32) {
    %c0_i32 = arith.constant 0 : i32
    %c0_i32_0 = arith.constant 0 : i32
    return %arg0, %c0_i32 : i32, i32
  }
  func.func @transform_2(%arg0: i32) -> (i32, i32) {
    %c0_i32 = arith.constant 0 : i32
    %c0_i32_0 = arith.constant 0 : i32
    return %arg0, %c0_i32 : i32, i32
  }
  func.func @transform_3(%arg0: i32) -> (i32, i32, i32) {
    %c0_i32 = arith.constant 0 : i32
    %c0_i32_0 = arith.constant 0 : i32
    %c0_i32_1 = arith.constant 0 : i32
    return %c0_i32, %arg0, %c0_i32_0 : i32, i32, i32
  }
  func.func @transform_4(%arg0: i32) -> (i32, i32, i32) {
    %c0_i32 = arith.constant 0 : i32
    %c0_i32_0 = arith.constant 0 : i32
    %c0_i32_1 = arith.constant 0 : i32
    return %c0_i32, %arg0, %c0_i32_0 : i32, i32, i32
  }
  func.func @transform_5(%arg0: i32) -> (i32, i32, i32) {
    %c0_i32 = arith.constant 0 : i32
    %c0_i32_0 = arith.constant 0 : i32
    %c0_i32_1 = arith.constant 0 : i32
    return %c0_i32, %arg0, %c0_i32_0 : i32, i32, i32
  }
  func.func @transform_6(%arg0: i32) -> (i32, i32, i32) {
    %c0_i32 = arith.constant 0 : i32
    %c0_i32_0 = arith.constant 0 : i32
    %c0_i32_1 = arith.constant 0 : i32
    return %c0_i32, %arg0, %c0_i32_0 : i32, i32, i32
  }
  func.func @transform_7(%arg0: i32) -> (i32, i32, i32) {
    %c0_i32 = arith.constant 0 : i32
    %c0_i32_0 = arith.constant 0 : i32
    %c0_i32_1 = arith.constant 0 : i32
    return %c0_i32, %arg0, %c0_i32_0 : i32, i32, i32
  }
  func.func @transform_8(%arg0: i32) -> (i32, i32, i32) {
    %c0_i32 = arith.constant 0 : i32
    %c0_i32_0 = arith.constant 0 : i32
    %c0_i32_1 = arith.constant 0 : i32
    return %c0_i32, %arg0, %c0_i32_0 : i32, i32, i32
  }
  func.func @transform_9(%arg0: i32) -> (i32, i32, i32) {
    %c0_i32 = arith.constant 0 : i32
    %c0_i32_0 = arith.constant 0 : i32
    %c0_i32_1 = arith.constant 0 : i32
    return %c0_i32, %arg0, %c0_i32_0 : i32, i32, i32
  }
  func.func @transform_10(%arg0: i32) -> (i32, i32, i32) {
    %c0_i32 = arith.constant 0 : i32
    %c0_i32_0 = arith.constant 0 : i32
    %c0_i32_1 = arith.constant 0 : i32
    return %c0_i32, %arg0, %c0_i32_0 : i32, i32, i32
  }
  func.func @transform_11(%arg0: i32) -> (i32, i32, i32) {
    %c0_i32 = arith.constant 0 : i32
    %c0_i32_0 = arith.constant 0 : i32
    %c0_i32_1 = arith.constant 0 : i32
    return %c0_i32, %arg0, %c0_i32_0 : i32, i32, i32
  }
  func.func @transform_12(%arg0: i32) -> (i32, i32) {
    %c0_i32 = arith.constant 0 : i32
    %c0_i32_0 = arith.constant 0 : i32
    %c0_i32_1 = arith.constant 0 : i32
    return %c0_i32, %c0_i32_0 : i32, i32
  }
  func.func @transform_13(%arg0: i32) -> (i32, i32) {
    %c0_i32 = arith.constant 0 : i32
    %c0_i32_0 = arith.constant 0 : i32
    %c0_i32_1 = arith.constant 0 : i32
    return %c0_i32, %c0_i32_0 : i32, i32
  }
  func.func @transform_14(%arg0: i32) -> (i32, i32, i32) {
    %c0_i32 = arith.constant 0 : i32
    %c0_i32_0 = arith.constant 0 : i32
    %c0_i32_1 = arith.constant 0 : i32
    %c0_i32_2 = arith.constant 0 : i32
    return %c0_i32, %c0_i32_0, %c0_i32_1 : i32, i32, i32
  }
  func.func @transform_15(%arg0: i32) -> (i32, i32, i32) {
    %c0_i32 = arith.constant 0 : i32
    %c0_i32_0 = arith.constant 0 : i32
    %c0_i32_1 = arith.constant 0 : i32
    %c0_i32_2 = arith.constant 0 : i32
    return %c0_i32, %c0_i32_0, %c0_i32_1 : i32, i32, i32
  }
  func.func @transform_16(%arg0: i32) -> (i32, i32) {
    %c0_i32 = arith.constant 0 : i32
    %c0_i32_0 = arith.constant 0 : i32
    %c0_i32_1 = arith.constant 0 : i32
    return %c0_i32, %c0_i32_0 : i32, i32
  }
  func.func @transform_17(%arg0: i32) -> (i32, i32, i32) {
    %c0_i32 = arith.constant 0 : i32
    %c0_i32_0 = arith.constant 0 : i32
    %c0_i32_1 = arith.constant 0 : i32
    %c0_i32_2 = arith.constant 0 : i32
    return %c0_i32, %c0_i32_0, %c0_i32_1 : i32, i32, i32
  }
  func.func @transform_18(%arg0: i32) -> (i32, i32) {
    %c0_i32 = arith.constant 0 : i32
    %c0_i32_0 = arith.constant 0 : i32
    %c0_i32_1 = arith.constant 0 : i32
    return %c0_i32, %c0_i32_0 : i32, i32
  }
  func.func @transform_19(%arg0: i32) -> (i32, i32, i32) {
    %c0_i32 = arith.constant 0 : i32
    %c0_i32_0 = arith.constant 0 : i32
    %c0_i32_1 = arith.constant 0 : i32
    %c0_i32_2 = arith.constant 0 : i32
    return %c0_i32, %c0_i32_0, %c0_i32_1 : i32, i32, i32
  }
  func.func @transform_20(%arg0: i32) -> (i32, i32) {
    %c0_i32 = arith.constant 0 : i32
    %c0_i32_0 = arith.constant 0 : i32
    %c0_i32_1 = arith.constant 0 : i32
    return %c0_i32, %c0_i32_0 : i32, i32
  }
  func.func @transform_21(%arg0: i32) -> (i32, i32, i32) {
    %c0_i32 = arith.constant 0 : i32
    %c0_i32_0 = arith.constant 0 : i32
    %c0_i32_1 = arith.constant 0 : i32
    return %c0_i32, %arg0, %c0_i32_0 : i32, i32, i32
  }
}

</mosaic_0001>

<sc_bundles>
// kernel: kernel.5.cloned.1.call-start
scs
__scs_entry_jumppad:
0x0: {  	(pc) =	sbr.rel $0x88, $3  }
0x1: {  	(tag) =	ssettag $0x0;
	lr =	simm.s32 $0x1  }
0x2: {  	[smem:$0x3F83] =	sst lr;
	_ =	strace $0xD0000000  }
0x3: {  	_ = 	snop  }
0x4: {  	_ = 	snop  }
0x5: {  	_ = 	snop  }
0x6: {  	_ = 	snop  }
0x7: {  	_ = 	snop  }
__scs_overlays_trampoline_lowered:
0x8: {  	[smem:$0x3F92] =	sst s0  }
0x9: {  	[smem:$0x3F93] =	sst s1  }
0xa: {  	[smem:$0x3F94] =	sst s2  }
0xb: {  	[smem:$0x3F95] =	sst s3  }
0xc: {  	[smem:$0x3F96] =	sst s4  }
0xd: {  	[smem:$0x3F97] =	sst s5  }
0xe: {  	[smem:$0x3F98] =	sst s6  }
0xf: {  	[smem:$0x3F99] =	sst s7  }
0x10: {  	[smem:$0x3F9A] =	sst s8  }
0x11: {  	[smem:$0x3F9B] =	sst s9;
	s0 =	simm.s32 @!p0 $0x0  }
0x12: {  	s1 =	sld [smem:$0x3F81];
	s0 =	simm.s32 @p0 $0x1  }
0x13: {  	[smem:$0x3F9C] =	sst s0;
	s0 =	simm.s32 @!p1 $0x0  }
0x14: {  	s2 =	sld [smem:$0x3F80];
	s0 =	simm.s32 @p1 $0x1  }
0x15: {  	[smem:$0x3F9D] =	sst s0;
	s0 =	simm.s32 @!p2 $0x0  }
0x16: {  	s3 =	sld [smem:$0x3FDB];
	s0 =	simm.s32 @p2 $0x1  }
0x17: {  	s4 =	simm.s32 $0x1BF5;
	[smem:$0x3F9F] =	sst s0  }
0x18: {  	s0 =	sld [smem:$0x3F82];
	_ =	swait.ge [sflag:s4], $0x0  }
0x19: {  	s7 =	sld [smem:$0x3F83]  }
0x1a: {  	s8 =	sadd.s32 $0xFFFFE003, lr  }
0x1b: {  	s9 =	sadd.s32 $0xFFFFFEF7, lr;
	s5 =	simm.s32 $0xFFFFFFFF;
	p2 =	slt.u32 s8, $0xFFFFF086  }
0x1c: {  	p1 =	slt.u32 s9, $0xF7A;
	s5 =	simm.s32 @!p2 $0x0  }
0x1d: {  	s5 =	simm.s32 @p1 $0x1;
	p0 =	seq.s32 s7, s2  }
0x1e: {  	s7 =	smul.u32 @!p0 $0xF7A, s2;
	p2 =	seq.s32 @!p0 s5, $0x0  }
0x1f: {  	s9 =	smul.u32 $0xF7A, s1;
	s8 =	simm.s32 @!p0 $0x1BF5;
	p2 =	por !p2, p0  }
0x20: {  	[sflag:s8] =	ssyncset.s32 @!p0 $0xFFFFF086;
	s6 =	sadd.s32 @!p0 s3, s7;
	s7 =	simm.s32 @!p0 $0x108  }
0x21: {  	s3 =	sadd.s32 s3, s9;
	s6 =	sadd.s32 @!p0 $0x88, s6;
	s7 =	simm.s32 @p2 $0x1082  }
0x22: {  	[simem:s7], [sflag:s8] =	dma.local @!p0 [hbm:s6], $0xF7A  }
0x23: {  	s9 =	sor.u32 $0xD0000000, s2;
	s6 =	simm.s32 $0x108;
	_ =	swait.ge @!p0 [sflag:s8], $0x0  }
0x24: {  	s3 =	sadd.s32 $0x88, s3;
	s6 =	simm.s32 @!p1 $0x1082;
	[sflag:s4] =	ssyncset.s32 $0xFFFFF086  }
0x25: {  	[simem:s6], [sflag:s4] =	dma.local [hbm:s3], $0xF7A  }
0x26: {  	[smem:$0x3F83] =	sst s1;
	(tag) =	ssettag s2;
	_ =	strace s9  }
0x27: {  	s1 =	sld [smem:$0x3F93]  }
0x28: {  	s2 =	sld [smem:$0x3F94]  }
0x29: {  	s4 =	sld [smem:$0x3F96]  }
0x2a: {  	p0 =	seq.s32 s5, $0x0;
	s5 =	sld [smem:$0x3F97]  }
0x2b: {  	s6 =	sld [smem:$0x3F98]  }
0x2c: {  	s7 =	sld [smem:$0x3F99]  }
0x2d: {  	s3 =	simm.s32 $0x108;
	s8 =	sld [smem:$0x3F9A]  }
0x2e: {  	s3 =	simm.s32 @!p0 $0x1082;
	s9 =	sld [smem:$0x3F9B]  }
0x2f: {  	lr =	sadd.s32 s0, s3;
	s0 =	sld [smem:$0x3F92]  }
0x30: {  	s3 =	sld [smem:$0x3F95]  }
0x31: {  	[smem:$0x3F9E] =	sst s10  }
0x32: {  	s10 =	sld [smem:$0x3F9C];
	_ =	sdelay $0x3  }
0x33: {  	p0 =	seq.s32 s10, $0x1;
	s10 =	sld [smem:$0x3F9E];
	_ =	sdelay $0x3  }
0x34: {  	[smem:$0x3F9E] =	sst s10  }
0x35: {  	s10 =	sld [smem:$0x3F9D];
	_ =	sdelay $0x3  }
0x36: {  	p1 =	seq.s32 s10, $0x1;
	s10 =	sld [smem:$0x3F9E];
	_ =	sdelay $0x3  }
0x37: {  	[smem:$0x3F9E] =	sst s10  }
0x38: {  	s10 =	sld [smem:$0x3F9F]  }
0x39: {  	_ = 	snop;
	(pc) =	sbr.ind lr, $3  }
0x3a: {  	_ = 	snop  }
0x3b: {  	_ = 	snop  }
0x3c: {  	p2 =	seq.s32 s10, $0x1;
	s10 =	sld [smem:$0x3F9E]  }
0x3d: {  	_ =	shalt  }
0x3e: {  	_ =	shalt  }
0x3f: {  	_ =	shalt  }
0x40: {  	_ =	shalt  }
0x41: {  	_ =	shalt  }
0x42: {  	_ =	shalt  }
0x43: {  	_ =	shalt  }
0x44: {  	_ =	shalt  }
0x45: {  	_ =	shalt  }
0x46: {  	_ =	shalt  }
0x47: {  	_ =	shalt  }
0x48: {  	_ =	shalt  }
0x49: {  	_ =	shalt  }
0x4a: {  	_ =	shalt  }
0x4b: {  	_ =	shalt  }
0x4c: {  	_ =	shalt  }
0x4d: {  	_ =	shalt  }
0x4e: {  	_ =	shalt  }
0x4f: {  	_ =	shalt  }
0x50: {  	_ =	shalt  }
0x51: {  	_ =	shalt  }
0x52: {  	_ =	shalt  }
0x53: {  	_ =	shalt  }
0x54: {  	_ =	shalt  }
0x55: {  	_ =	shalt  }
0x56: {  	_ =	shalt  }
0x57: {  	_ =	shalt  }
0x58: {  	_ =	shalt  }
0x59: {  	_ =	shalt  }
0x5a: {  	_ =	shalt  }
0x5b: {  	_ =	shalt  }
0x5c: {  	_ =	shalt  }
0x5d: {  	_ =	shalt  }
0x5e: {  	_ =	shalt  }
0x5f: {  	_ =	shalt  }
0x60: {  	_ =	shalt  }
0x61: {  	_ =	shalt  }
0x62: {  	_ =	shalt  }
0x63: {  	_ =	shalt  }
0x64: {  	_ =	shalt  }
0x65: {  	_ =	shalt  }
0x66: {  	_ =	shalt  }
0x67: {  	_ =	shalt  }
0x68: {  	_ =	shalt  }
0x69: {  	_ =	shalt  }
0x6a: {  	_ =	shalt  }
0x6b: {  	_ =	shalt  }
0x6c: {  	_ =	shalt  }
0x6d: {  	_ =	shalt  }
0x6e: {  	_ =	shalt  }
0x6f: {  	_ =	shalt  }
0x70: {  	_ =	shalt  }
0x71: {  	_ =	shalt  }
0x72: {  	_ =	shalt  }
0x73: {  	_ =	shalt  }
0x74: {  	_ =	shalt  }
0x75: {  	_ =	shalt  }
0x76: {  	_ =	shalt  }
0x77: {  	_ =	shalt  }
0x78: {  	_ =	shalt  }
0x79: {  	_ =	shalt  }
0x7a: {  	_ =	shalt  }
0x7b: {  	_ =	shalt  }
0x7c: {  	_ =	shalt  }
0x7d: {  	_ =	shalt  }
0x7e: {  	_ =	shalt  }
0x7f: {  	_ =	shalt  }
0x80: {  	_ =	shalt  }
0x81: {  	_ =	shalt  }
0x82: {  	_ =	shalt  }
0x83: {  	_ =	shalt  }
0x84: {  	_ =	shalt  }
0x85: {  	_ =	shalt  }
0x86: {  	_ =	shalt  }
0x87: {  	_ =	shalt  }
.Lfunc_end0:
.L_simem_size_0:
called_computation_lowered:
.L_overlay_start_0:
0x88: {  	s2 =	sld [smem:$0x3FD9]  }
0x89: {  	s3 =	sld [smem:$0x3FFE];
	_ =	sdelay $0x1  }
0x8a: {  	s1 =	srdreg.scid  }
0x8b: {  	s0 =	sand.u32 $0x1, s1  }
0x8c: {  	s16 =	sshll.u32 s0, $0xA;
	s2 =	sadd.s32 s3, s2  }
0x8d: {  	s2 =	sadd.s32 s2, s16  }
0x8e: {  	[smem:$0x3FAA] =	sst s2  }
0x8f: {  	_ = 	snop  }
0x90: {  	(tm) =	ssettm $0x1  }
0x91: {  	s17 =	sld [smem:$0x3FFB];
	_ =	sdelay $0x3  }
0x92: {  	_ =	strace s17  }
0x93: {  	s2 =	sld [smem:$0x3FFC];
	_ =	sdelay $0x3  }
0x94: {  	_ =	strace s2  }
0x95: {  	s2 =	sld [smem:$0x3FFD];
	_ =	sdelay $0x3  }
0x96: {  	_ =	strace s2  }
0x97: {  	_ =	strace $0x8FFFFFFF  }
0x98: {  	s18 =	sld [smem:$0x3FDB];
	_ =	sdelay $0x1  }
0x99: {  	s19 =	simm.s32 $_scs_section_size  }
0x9a: {  	s4 =	simm.s32 $_size__tile_overlayer_lowered;
	s5 =	simm.s32 $_tile_overlayer_lowered  }
0x9b: {  	s22 =	simm.s32 $0x1BFF;
	s21 =	sshll.u32 s5, $0x1;
	s2 =	sadd.s32 s19, s18  }
0x9c: {  	s6 =	simm.s32 $0x0;
	s20 =	sshll.u32 s4, $0x1;
	s4 =	sadd.s32 s21, s2  }
0x9d: {  	[timem:s6], [sflag:s22] =	dma.local [hbm:s4], s20  }
0x9e: {  	_ =	swait.ge [sflag:s22], s20  }
0x9f: {  	s3 =	ssub.s32 $0x0, s20;
	[sflag:s22] =	ssyncset.done $0x0  }
0xa0: {  	[sflag:s22] =	ssyncadd.s32 s3;
	_ =	sdelay $0x1  }
0xa1: {  	s23 =	simm.s32 $0x1B8B  }
0xa2: {  	_ =	swait.ge [sflag:s23], $0x1  }
0xa3: {  	[sflag:s23] =	ssyncset.done $0x0  }
0xa4: {  	s25 =	simm.s32 $0x1B8E;
	s24 =	sld [smem:$0x3FFE];
	[sflag:s23] =	ssyncadd.s32 $0xFFFFFFFF  }
0xa5: {  	s26 =	simm.s32 $execute0_lowered;
	[smem:$0x3FD2] =	sst s25  }
0xa6: {  	s4 =	sshll.u32 s26, $0x1;
	_ =	strace $0x80000046;
	[dreg:$0x1] =	wrdreg $0xFFFFFFFF  }
0xa7: {  	s28 =	simm.s32 $_size_execute0_lowered;
	s2 =	sadd.s32 s2, s4;
	[dreg:$0x0] =	wrdreg $0x0  }
0xa8: {  	s4 =	sshll.u32 s28, $0x1;
	[dreg:$0x2] =	wrdreg s2  }
0xa9: {  	[dreg:$0x3] =	wrdreg s4  }
0xaa: {  	[dreg:$0x4] =	wrdreg $0xC0  }
0xab: {  	_ =	task [dreg:s6], $0x5FFFF  }
0xac: {  	[dreg:$0x1] =	wrdreg $0xFFFFFFFF  }
0xad: {  	[dreg:$0x0] =	wrdreg $0x60  }
0xae: {  	[dreg:$0x2] =	wrdreg s24  }
0xaf: {  	[dreg:$0x3] =	wrdreg $0x9  }
0xb0: {  	_ =	task.clear_ibuf [dreg:s6], $0x4FFFF;
	_ =	strace $0x90000046  }
0xb1: {  	s29 =	simm.s32 $0x9;
	_ =	strace $0x80000048  }
0xb2: {  	_ =	swait.ge [sflag:s29], $0x1  }
0xb3: {  	[sflag:s29] =	ssyncadd.s32 $0xFFFFFFFF  }
0xb4: {  	_ =	strace $0x90000048  }
0xb5: {  	_ =	sfence  }
0xb6: {  	s30 =	sld [smem:$0x0];
	_ =	sdelay $0x2  }
0xb7: {  	s31 =	sshll.u32 s1, $0xD;
	s1 =	sshrl.u32 s1, $0x2  }
0xb8: {  	s3 =	sand.u32 $0x4000, s31;
	s1 =	sadd.s32 s1, s30  }
0xb9: {  	s0 =	sor.u32 s3, s0;
	s1 =	sshll.u32 s1, $0x11  }
0xba: {  	s0 =	sor.u32 s1, s0  }
0xbb: {  	s0 =	sadd.s32 $0x8F2B, s0  }
0xbc: {  	[sflag:s0] =	ssyncadd.remote.s32 $0x1  }
0xbd: {  	_ =	sfence.sel $0xFFFF  }
0xbe: {  	[dreg:$0x0] =	wrdreg $0xFFFFFFFF;
	(pc) =	sbr.abs _section_cstart, $3  }
0xbf: {  	[dreg:$0x1] =	wrdreg $0xFFFFFFFF  }
0xc0: {  	_ =	task.clear_ibuf [dreg:s6], $0x2FFFF;
	_ =	strace $0x9FFFFFFF  }
0xc1: {  	(tm) =	ssettm $0x7FFFFFFF  }
tec
execute0_lowered:
.L_overlay_start_1:
0x0: {  	(tag) =	ssettag $0x1  }
0x1: {  	s1 =	srdreg.scid;
	s0 =	stileid.u32  }
0x2: {  	s4 =	rddreg [dreg:$0x0];
	s2 =	simm.s32 $0x0;
	s20 =	simm.s32 $0x2710  }
0x3: {  	s21 =	simm.s32 $0x0;
	s3 =	sand.u32 $0x1, s1;
	s1 =	rddreg [dreg:$0x1]  }
0x4: {  	s24 =	sshll.u32 s0, $0x1;
	[smem:$0x7FF] =	sst s2;
	s9 =	sadd.s32 $0xF600, s4  }
0x5: {  	s14 =	sadd.s32 $0xA600, s4;
	s11 =	sadd.s32 $0x2CC00, s4;
	s5 =	sor.u32 s3, s24  }
0x6: {  	p0 =	sgt.u32 s0, $0x7;
	s26 =	ssub.s32 $0x2, s3;
	s6 =	smul.u32 $0x1388, s5  }
0x7: {  	_ =	strace $0x80000047;
	s7 =	smul.u32 $0x3A98, s5;
	s29 =	sshrl.u32 s26, $0x1  }
0x8: {  	s18 =	ssub.s32 s26, s29;
	s13 =	sshrl.u32 s6, $0x3;
	s17 =	sadd.s32 s6, s4  }
0x9: {  	s12 =	sadd.s32 $0xFFFEC780, s6;
	s28 =	sshrl.u32 s7, $0x3;
	s8 =	sadd.s32 $0x1388, s7  }
0xa: {  	s5 =	sadd.s32 s11, s7;
	s10 =	sadd.s32 $0x76688, s7;
	s19 =	sadd.s32 $0x2710, s7  }
0xb: {  	s18 =	smax.u32 s18, $0x1;
	s16 =	sadd.s32 s13, s4;
	s25 =	sand.u32 $0x1FFFFFF8, s12  }
0xc: {  	s3 =	sadd.s32 s9, s28;
	s30 =	sshrl.u32 s8, $0x3;
	s10 =	sshrl.u32 s10, $0x3  }
0xd: {  	s8 =	sadd.s32 s11, s8;
	s31 =	sshrl.u32 s19, $0x3;
	s12 =	sshrl.u32 s12, $0x3  }
.Ltmp0:
0xe: {  	s11 =	sadd.s32 s11, s19;
	s13 =	sadd.s32 s14, s13;
	(pc) =	sbr.rel .LBB2_1-.Ltmp0, $4  }
0xf: {  	s17 =	sadd.s32 $0xA2000, s17;
	s19 =	simm.s32 $0x1;
	s15 =	sadd.s32 s25, s4  }
0x10: {  	s4 =	sadd.s32 $0xEA60, s3;
	s6 =	sadd.s32 s9, s30;
	s7 =	sadd.s32 s9, s10  }
0x11: {  	v0 =	vlaneseq.u32;
	s9 =	sadd.s32 s9, s31;
	s10 =	sadd.s32 $0xEF42, s3;
	s12 =	sadd.s32 s14, s12  }
0x12: {  	v0 =	vmul.u32 $0x8, v0;
	s14 =	sadd.s32 $0xB5A00, s15;
	s15 =	sadd.s32 $0x5600, s16;
	s16 =	sadd.s32 $0x7D10, s16  }
.LBB2_13:
0x13: {  	_ =	sdelay $0x3  }
0x14: {  	v3 =	vshll.u32 v3, $0x3;
	[tilespmem:v2+s20+$0x0] =	vst.idx.msk $0xffff, v1;
	s22 =	sadd.s32 $0x10, s22  }
0x15: {  	s31 =	sadd.s32 $0x10, s23;
	v1 =	vld [tilespmem:s22+$0x0];
	v2 =	vor.u32 v0, v3  }
0x16: {  	v3 =	vld [tilespmem:s31+$0x0];
	v4 =	vor.u32 $0x1, v2;
	_ =	sdelay $0x3  }
0x17: {  	[tilespmem:v2+s20+$0x0] =	vst.idx.msk $0xffff, v1  }
0x18: {  	s22 =	smov.u32 s14;
	[tilespmem:v4+s20+$0x0] =	vst.idx.msk $0xffff, v3  }
.LBB2_14:
0x19: {  	s21 =	sadd.s32 $0x1, s21  }
0x1a: {  	p1 =	sne.s32 s21, s18  }
.Ltmp1:
0x1b: {  	_ = 	snop;
	(pc) =	sbr.rel @!p1 .LBB2_15-.Ltmp1, $4  }
0x1c: {  	[hbm4b:s22+s2] =	stream.linear.scatter [tilespmem:s20], [sflag:$0x1], $0x9C40, $0x38;
	[tilespmem:$0xC350] =	vst v63  }
0x1d: {  	_ =	swait.ge [sflag:s19], $0x9C40  }
0x1e: {  	[sflag:s19] =	ssyncset.done $0x0  }
0x1f: {  	[sflag:s19] =	ssyncadd.s32 $0xFFFF63C0  }
.LBB2_1:
0x20: {  	[tilespmem:s2], [sflag:$0x1] =	stream.linear.gather [hbm4b:s3+s2], $0x1388, $0x38;
	[tilespmem:$0xC350] =	vst v63  }
0x21: {  	_ =	swait.ge [sflag:s19], $0x1388  }
0x22: {  	[sflag:s19] =	ssyncset.done $0x0  }
0x23: {  	s22 =	simm.s32 $0x1388;
	[sflag:s19] =	ssyncadd.s32 $0xFFFFEC78  }
0x24: {  	[tilespmem:s22], [sflag:$0x1] =	stream.linear.gather [hbm4b:s4+s2], $0x1388, $0x38;
	[tilespmem:$0xC350] =	vst v63  }
0x25: {  	_ =	swait.ge [sflag:s19], $0x1388  }
0x26: {  	v1 =	vmov s2;
	[sflag:s19] =	ssyncset.done $0x0  }
0x27: {  	v1 =	vshll.u32 v1, $0x3;
	[sflag:s19] =	ssyncadd.s32 $0xFFFFEC78  }
0x28: {  	v5 =	vor.u32 v0, v1;
	v4 =	vld [tilespmem:s2+$0x0]  }
0x29: {  	v2 =	vor.u32 $0x1, v5;
	v1 =	vld [tilespmem:s22+$0x0];
	_ =	sdelay $0x2  }
0x2a: {  	s23 =	simm.s32 $0x10  }
0x2b: {  	s24 =	simm.s32 $0x20;
	v3 =	vmov s23;
	s23 =	simm.s32 $0x0;
	[tilespmem:v5+s20+$0x0] =	vst.idx.msk $0xffff, v4  }
.LBB2_2:
0x2c: {  	p1 =	sne.s32 s24, $0x1370;
	v3 =	vshll.u32 v3, $0x3;
	[tilespmem:v2+s20+$0x0] =	vst.idx.msk $0xffff, v1;
	s23 =	sadd.s32 $0x10, s23  }
0x2d: {  	s22 =	sadd.s32 $0x10, s22;
	v4 =	vld [tilespmem:s23+$0x0];
	v5 =	vor.u32 v0, v3  }
.Ltmp2:
0x2e: {  	v1 =	vld [tilespmem:s22+$0x0];
	v2 =	vor.u32 $0x1, v5;
	(pc) =	sbr.rel @p1 .LBB2_2-.Ltmp2, $2  }
0x2f: {  	_ =	sdelay $0x2  }
0x30: {  	v3 =	vmov s24;
	s24 =	sadd.s32 $0x10, s24;
	[tilespmem:v5+s20+$0x0] =	vst.idx.msk $0xffff, v4  }
0x31: {  	_ =	sdelay $0x3  }
0x32: {  	v3 =	vshll.u32 v3, $0x3;
	[tilespmem:v2+s20+$0x0] =	vst.idx.msk $0xffff, v1;
	s23 =	sadd.s32 $0x10, s23  }
0x33: {  	s22 =	sadd.s32 $0x10, s22;
	v1 =	vld [tilespmem:s23+$0x0];
	v2 =	vor.u32 v0, v3  }
0x34: {  	v3 =	vld [tilespmem:s22+$0x0];
	v4 =	vor.u32 $0x1, v2;
	_ =	sdelay $0x3  }
0x35: {  	[tilespmem:v2+s20+$0x0] =	vst.idx.msk $0xffff, v1  }
0x36: {  	s22 =	simm.s32 $0x0;
	[tilespmem:v4+s20+$0x0] =	vst.idx.msk $0xffff, v3  }
0x37: {  	[hbm4b:s5+s22] =	stream.linear.scatter [tilespmem:s20], [sflag:$0x1], $0x9C40, $0x38;
	[tilespmem:$0xC350] =	vst v63  }
0x38: {  	_ =	swait.ge [sflag:s19], $0x9C40  }
0x39: {  	[sflag:s19] =	ssyncset.done $0x0  }
0x3a: {  	[sflag:s19] =	ssyncadd.s32 $0xFFFF63C0  }
0x3b: {  	[tilespmem:s22], [sflag:$0x1] =	stream.linear.gather [hbm4b:s6+s22], $0x1388, $0x38;
	[tilespmem:$0xC350] =	vst v63  }
0x3c: {  	_ =	swait.ge [sflag:s19], $0x1388  }
0x3d: {  	[sflag:s19] =	ssyncset.done $0x0  }
0x3e: {  	s23 =	simm.s32 $0x1388;
	[sflag:s19] =	ssyncadd.s32 $0xFFFFEC78  }
0x3f: {  	[tilespmem:s23], [sflag:$0x1] =	stream.linear.gather [hbm4b:s7+s22], $0x1388, $0x38;
	[tilespmem:$0xC350] =	vst v63  }
0x40: {  	_ =	swait.ge [sflag:s19], $0x1388  }
0x41: {  	v1 =	vmov s22;
	[sflag:s19] =	ssyncset.done $0x0  }
0x42: {  	v1 =	vshll.u32 v1, $0x3;
	[sflag:s19] =	ssyncadd.s32 $0xFFFFEC78  }
0x43: {  	v5 =	vor.u32 v0, v1;
	v4 =	vld [tilespmem:s22+$0x0]  }
0x44: {  	v2 =	vor.u32 $0x1, v5;
	v1 =	vld [tilespmem:s23+$0x0];
	_ =	sdelay $0x2  }
0x45: {  	s24 =	simm.s32 $0x10  }
0x46: {  	v3 =	vmov s24;
	s24 =	simm.s32 $0x20;
	[tilespmem:v5+s20+$0x0] =	vst.idx.msk $0xffff, v4  }
.LBB2_4:
0x47: {  	p1 =	sne.s32 s24, $0x1370;
	v3 =	vshll.u32 v3, $0x3;
	[tilespmem:v2+s20+$0x0] =	vst.idx.msk $0xffff, v1;
	s22 =	sadd.s32 $0x10, s22  }
0x48: {  	s23 =	sadd.s32 $0x10, s23;
	v4 =	vld [tilespmem:s22+$0x0];
	v5 =	vor.u32 v0, v3  }
.Ltmp3:
0x49: {  	v1 =	vld [tilespmem:s23+$0x0];
	v2 =	vor.u32 $0x1, v5;
	(pc) =	sbr.rel @p1 .LBB2_4-.Ltmp3, $2  }
0x4a: {  	_ =	sdelay $0x2  }
0x4b: {  	v3 =	vmov s24;
	s24 =	sadd.s32 $0x10, s24;
	[tilespmem:v5+s20+$0x0] =	vst.idx.msk $0xffff, v4  }
0x4c: {  	_ =	sdelay $0x3  }
0x4d: {  	v3 =	vshll.u32 v3, $0x3;
	[tilespmem:v2+s20+$0x0] =	vst.idx.msk $0xffff, v1;
	s22 =	sadd.s32 $0x10, s22  }
0x4e: {  	s31 =	sadd.s32 $0x10, s23;
	v1 =	vld [tilespmem:s22+$0x0];
	v2 =	vor.u32 v0, v3  }
0x4f: {  	v3 =	vld [tilespmem:s31+$0x0];
	v4 =	vor.u32 $0x1, v2;
	_ =	sdelay $0x3  }
0x50: {  	[tilespmem:v2+s20+$0x0] =	vst.idx.msk $0xffff, v1  }
0x51: {  	s22 =	simm.s32 $0x0;
	[tilespmem:v4+s20+$0x0] =	vst.idx.msk $0xffff, v3  }
0x52: {  	[hbm4b:s8+s22] =	stream.linear.scatter [tilespmem:s20], [sflag:$0x1], $0x9C40, $0x38;
	[tilespmem:$0xC350] =	vst v63  }
0x53: {  	_ =	swait.ge [sflag:s19], $0x9C40  }
0x54: {  	[sflag:s19] =	ssyncset.done $0x0  }
0x55: {  	[sflag:s19] =	ssyncadd.s32 $0xFFFF63C0  }
0x56: {  	[tilespmem:s22], [sflag:$0x1] =	stream.linear.gather [hbm4b:s9+s22], $0x1388, $0x38;
	[tilespmem:$0xC350] =	vst v63  }
0x57: {  	_ =	swait.ge [sflag:s19], $0x1388  }
0x58: {  	[sflag:s19] =	ssyncset.done $0x0  }
0x59: {  	s23 =	simm.s32 $0x1388;
	[sflag:s19] =	ssyncadd.s32 $0xFFFFEC78  }
0x5a: {  	[tilespmem:s23], [sflag:$0x1] =	stream.linear.gather [hbm4b:s10+s22], $0x1388, $0x38;
	[tilespmem:$0xC350] =	vst v63  }
0x5b: {  	_ =	swait.ge [sflag:s19], $0x1388  }
0x5c: {  	v1 =	vmov s22;
	[sflag:s19] =	ssyncset.done $0x0  }
0x5d: {  	v1 =	vshll.u32 v1, $0x3;
	[sflag:s19] =	ssyncadd.s32 $0xFFFFEC78  }
0x5e: {  	v5 =	vor.u32 v0, v1;
	v4 =	vld [tilespmem:s22+$0x0]  }
0x5f: {  	v2 =	vor.u32 $0x1, v5;
	v1 =	vld [tilespmem:s23+$0x0];
	_ =	sdelay $0x2  }
0x60: {  	s24 =	simm.s32 $0x10  }
0x61: {  	v3 =	vmov s24;
	s24 =	simm.s32 $0x20;
	[tilespmem:v5+s20+$0x0] =	vst.idx.msk $0xffff, v4  }
.LBB2_6:
0x62: {  	p1 =	sne.s32 s24, $0x1370;
	v3 =	vshll.u32 v3, $0x3;
	[tilespmem:v2+s20+$0x0] =	vst.idx.msk $0xffff, v1;
	s22 =	sadd.s32 $0x10, s22  }
0x63: {  	s23 =	sadd.s32 $0x10, s23;
	v4 =	vld [tilespmem:s22+$0x0];
	v5 =	vor.u32 v0, v3  }
.Ltmp4:
0x64: {  	v1 =	vld [tilespmem:s23+$0x0];
	v2 =	vor.u32 $0x1, v5;
	(pc) =	sbr.rel @p1 .LBB2_6-.Ltmp4, $2  }
0x65: {  	_ =	sdelay $0x2  }
0x66: {  	v3 =	vmov s24;
	s24 =	sadd.s32 $0x10, s24;
	[tilespmem:v5+s20+$0x0] =	vst.idx.msk $0xffff, v4  }
0x67: {  	_ =	sdelay $0x3  }
0x68: {  	v3 =	vshll.u32 v3, $0x3;
	[tilespmem:v2+s20+$0x0] =	vst.idx.msk $0xffff, v1;
	s22 =	sadd.s32 $0x10, s22  }
0x69: {  	s31 =	sadd.s32 $0x10, s23;
	v1 =	vld [tilespmem:s22+$0x0];
	v2 =	vor.u32 v0, v3  }
0x6a: {  	v3 =	vld [tilespmem:s31+$0x0];
	v4 =	vor.u32 $0x1, v2;
	_ =	sdelay $0x3  }
0x6b: {  	[tilespmem:v2+s20+$0x0] =	vst.idx.msk $0xffff, v1  }
.Ltmp5:
0x6c: {  	[tilespmem:v4+s20+$0x0] =	vst.idx.msk $0xffff, v3;
	(pc) =	sbr.rel @p0 .LBB2_11-.Ltmp5, $4  }
0x6d: {  	[hbm4b:s11+s2] =	stream.linear.scatter [tilespmem:s20], [sflag:$0x1], $0x9C40, $0x38;
	[tilespmem:$0xC350] =	vst v63  }
0x6e: {  	_ =	swait.ge [sflag:s19], $0x9C40  }
0x6f: {  	[sflag:s19] =	ssyncset.done $0x0  }
0x70: {  	s22 =	simm.s32 $0x0;
	[sflag:s19] =	ssyncadd.s32 $0xFFFF63C0  }
0x71: {  	[tilespmem:s22], [sflag:$0x1] =	stream.linear.gather [hbm4b:s15+s22], $0x1388, $0x38;
	[tilespmem:$0xC350] =	vst v63  }
0x72: {  	_ =	swait.ge [sflag:s19], $0x1388  }
0x73: {  	[sflag:s19] =	ssyncset.done $0x0  }
0x74: {  	s23 =	simm.s32 $0x1388;
	[sflag:s19] =	ssyncadd.s32 $0xFFFFEC78  }
0x75: {  	[tilespmem:s23], [sflag:$0x1] =	stream.linear.gather [hbm4b:s16+s22], $0x1388, $0x38;
	[tilespmem:$0xC350] =	vst v63  }
0x76: {  	_ =	swait.ge [sflag:s19], $0x1388  }
0x77: {  	v1 =	vmov s22;
	[sflag:s19] =	ssyncset.done $0x0  }
0x78: {  	v1 =	vshll.u32 v1, $0x3;
	[sflag:s19] =	ssyncadd.s32 $0xFFFFEC78  }
0x79: {  	v5 =	vor.u32 v0, v1;
	v4 =	vld [tilespmem:s22+$0x0]  }
0x7a: {  	v2 =	vor.u32 $0x1, v5;
	v1 =	vld [tilespmem:s23+$0x0];
	_ =	sdelay $0x2  }
0x7b: {  	s24 =	simm.s32 $0x10  }
0x7c: {  	v3 =	vmov s24;
	s24 =	simm.s32 $0x20;
	[tilespmem:v5+s20+$0x0] =	vst.idx.msk $0xffff, v4  }
.LBB2_9:
0x7d: {  	p1 =	seq.s32 s24, $0x1370;
	v3 =	vshll.u32 v3, $0x3;
	[tilespmem:v2+s20+$0x0] =	vst.idx.msk $0xffff, v1;
	s22 =	sadd.s32 $0x10, s22  }
0x7e: {  	s23 =	sadd.s32 $0x10, s23;
	v4 =	vld [tilespmem:s22+$0x0];
	v5 =	vor.u32 v0, v3  }
.Ltmp6:
0x7f: {  	v1 =	vld [tilespmem:s23+$0x0];
	v2 =	vor.u32 $0x1, v5;
	(pc) =	sbr.rel @!p1 .LBB2_9-.Ltmp6, $2  }
0x80: {  	_ =	sdelay $0x2  }
0x81: {  	v3 =	vmov s24;
	s24 =	sadd.s32 $0x10, s24;
	[tilespmem:v5+s20+$0x0] =	vst.idx.msk $0xffff, v4  }
0x82: {  	_ =	sdelay $0x3  }
0x83: {  	v3 =	vshll.u32 v3, $0x3;
	[tilespmem:v2+s20+$0x0] =	vst.idx.msk $0xffff, v1;
	s22 =	sadd.s32 $0x10, s22  }
0x84: {  	s31 =	sadd.s32 $0x10, s23;
	v1 =	vld [tilespmem:s22+$0x0];
	v2 =	vor.u32 v0, v3  }
0x85: {  	v3 =	vld [tilespmem:s31+$0x0];
	v4 =	vor.u32 $0x1, v2  }
.Ltmp7:
0x86: {  	_ = 	snop;
	(pc) =	sbr.rel .LBB2_14-.Ltmp7, $3  }
0x87: {  	_ =	sdelay $0x1  }
0x88: {  	[tilespmem:v2+s20+$0x0] =	vst.idx.msk $0xffff, v1  }
0x89: {  	s22 =	smov.u32 s17;
	[tilespmem:v4+s20+$0x0] =	vst.idx.msk $0xffff, v3  }
.LBB2_11:
0x8a: {  	[tilespmem:s22], [sflag:$0x1] =	stream.linear.gather [hbm4b:s12+s22], $0x1388, $0x38;
	[tilespmem:$0xC350] =	vst v63  }
0x8b: {  	_ =	swait.ge [sflag:s19], $0x1388  }
0x8c: {  	[sflag:s19] =	ssyncset.done $0x0  }
0x8d: {  	s23 =	simm.s32 $0x1388;
	[sflag:s19] =	ssyncadd.s32 $0xFFFFEC78  }
0x8e: {  	[tilespmem:s23], [sflag:$0x1] =	stream.linear.gather [hbm4b:s13+s22], $0x1388, $0x38;
	[tilespmem:$0xC350] =	vst v63  }
0x8f: {  	_ =	swait.ge [sflag:s19], $0x1388  }
0x90: {  	v1 =	vmov s22;
	[sflag:s19] =	ssyncset.done $0x0  }
0x91: {  	v1 =	vshll.u32 v1, $0x3;
	[sflag:s19] =	ssyncadd.s32 $0xFFFFEC78  }
0x92: {  	v5 =	vor.u32 v0, v1;
	v4 =	vld [tilespmem:s22+$0x0]  }
0x93: {  	v2 =	vor.u32 $0x1, v5;
	v1 =	vld [tilespmem:s23+$0x0];
	_ =	sdelay $0x2  }
0x94: {  	s24 =	simm.s32 $0x10  }
0x95: {  	v3 =	vmov s24;
	s24 =	simm.s32 $0x20;
	[tilespmem:v5+s20+$0x0] =	vst.idx.msk $0xffff, v4  }
.LBB2_12:
0x96: {  	p1 =	sne.s32 s24, $0x1370;
	v3 =	vshll.u32 v3, $0x3;
	[tilespmem:v2+s20+$0x0] =	vst.idx.msk $0xffff, v1;
	s22 =	sadd.s32 $0x10, s22  }
0x97: {  	s23 =	sadd.s32 $0x10, s23;
	v4 =	vld [tilespmem:s22+$0x0];
	v5 =	vor.u32 v0, v3  }
.Ltmp8:
0x98: {  	v1 =	vld [tilespmem:s23+$0x0];
	v2 =	vor.u32 $0x1, v5;
	(pc) =	sbr.rel @p1 .LBB2_12-.Ltmp8, $2  }
0x99: {  	_ =	sdelay $0x2  }
0x9a: {  	v3 =	vmov s24;
	s24 =	sadd.s32 $0x10, s24;
	[tilespmem:v5+s20+$0x0] =	vst.idx.msk $0xffff, v4  }
.Ltmp9:
0x9b: {  	_ = 	snop;
	(pc) =	sbr.rel .LBB2_13-.Ltmp9, $1  }
0x9c: {  	_ =	sdelay $0x3  }
.LBB2_15:
0x9d: {  	_ =	sfence.sel $0x180000  }
0x9e: {  	[bflag:$0x0] =	sbarrier.arrive $0xFFFF  }
0x9f: {  	p0 =	sne.s32 s0, $0x0;
	_ =	strace $0x90000047  }
0xa0: {  	s0 =	sadd.s32 @!p0 $0x100000, s1;
	[bflag:$0x2] =	sbarrier.arrive $0xFFFF  }
0xa1: {  	[sflag:s0] =	ssyncadd.tile.s32 @!p0 $0x1;
	_ =	shalt  }
.Lfunc_end2:
_tile_overlayer_lowered:
.L_overlay_start_2:
0xa2: {  	(tag) =	ssettag $0x2  }
0xa3: {  	s0 =	rddreg [dreg:$0x0];
	s2 =	stileid.u32  }
0xa4: {  	s1 =	rddreg [dreg:$0x1];
	p0 =	sne.s32 s2, $0x0  }
0xa5: {  	s3 =	rddreg [dreg:$0x2];
	[bflag:$0x3] =	sbarrier.arrive $0xFFFF;
	s2 =	simm.s32 @!p0 $0x1C01  }
0xa6: {  	[timem:s3], [sflag:s2] =	dma.local @!p0 [hbm:s0], s1  }
0xa7: {  	s0 =	simm.s32 @!p0 $0x1  }
0xa8: {  	_ =	swait.ge @!p0 [sflag:s0], s1  }
0xa9: {  	s1 =	ssub.s32 @!p0 $0x0, s1;
	[sflag:s0] =	ssyncset.done @!p0 $0x0  }
0xaa: {  	[sflag:s0] =	ssyncadd.s32 @!p0 s1  }
0xab: {  	[bflag:$0x3] =	sbarrier.arrive $0xFFFF  }
0xac: {  	_ =	shalt  }

// kernel: kernel.8.cloned.1.call-start
scs
__scs_entry_jumppad:
0x0: {  	(pc) =	sbr.rel $0x88, $3  }
0x1: {  	(tag) =	ssettag $0x0;
	lr =	simm.s32 $0x1  }
0x2: {  	[smem:$0x3F83] =	sst lr;
	_ =	strace $0xD0000000  }
0x3: {  	_ = 	snop  }
0x4: {  	_ = 	snop  }
0x5: {  	_ = 	snop  }
0x6: {  	_ = 	snop  }
0x7: {  	_ = 	snop  }
__scs_overlays_trampoline_lowered:
0x8: {  	[smem:$0x3F92] =	sst s0  }
0x9: {  	[smem:$0x3F93] =	sst s1  }
0xa: {  	[smem:$0x3F94] =	sst s2  }
0xb: {  	[smem:$0x3F95] =	sst s3  }
0xc: {  	[smem:$0x3F96] =	sst s4  }
0xd: {  	[smem:$0x3F97] =	sst s5  }
0xe: {  	[smem:$0x3F98] =	sst s6  }
0xf: {  	[smem:$0x3F99] =	sst s7  }
0x10: {  	[smem:$0x3F9A] =	sst s8  }
0x11: {  	[smem:$0x3F9B] =	sst s9;
	s0 =	simm.s32 @!p0 $0x0  }
0x12: {  	s1 =	sld [smem:$0x3F81];
	s0 =	simm.s32 @p0 $0x1  }
0x13: {  	[smem:$0x3F9C] =	sst s0;
	s0 =	simm.s32 @!p1 $0x0  }
0x14: {  	s2 =	sld [smem:$0x3F80];
	s0 =	simm.s32 @p1 $0x1  }
0x15: {  	[smem:$0x3F9D] =	sst s0;
	s0 =	simm.s32 @!p2 $0x0  }
0x16: {  	s3 =	sld [smem:$0x3FDB];
	s0 =	simm.s32 @p2 $0x1  }
0x17: {  	s4 =	simm.s32 $0x1BF5;
	[smem:$0x3F9F] =	sst s0  }
0x18: {  	s0 =	sld [smem:$0x3F82];
	_ =	swait.ge [sflag:s4], $0x0  }
0x19: {  	s7 =	sld [smem:$0x3F83]  }
0x1a: {  	s8 =	sadd.s32 $0xFFFFE003, lr  }
0x1b: {  	s9 =	sadd.s32 $0xFFFFFEF7, lr;
	s5 =	simm.s32 $0xFFFFFFFF;
	p2 =	slt.u32 s8, $0xFFFFF086  }
0x1c: {  	p1 =	slt.u32 s9, $0xF7A;
	s5 =	simm.s32 @!p2 $0x0  }
0x1d: {  	s5 =	simm.s32 @p1 $0x1;
	p0 =	seq.s32 s7, s2  }
0x1e: {  	s7 =	smul.u32 @!p0 $0xF7A, s2;
	p2 =	seq.s32 @!p0 s5, $0x0  }
0x1f: {  	s9 =	smul.u32 $0xF7A, s1;
	s8 =	simm.s32 @!p0 $0x1BF5;
	p2 =	por !p2, p0  }
0x20: {  	[sflag:s8] =	ssyncset.s32 @!p0 $0xFFFFF086;
	s6 =	sadd.s32 @!p0 s3, s7;
	s7 =	simm.s32 @!p0 $0x108  }
0x21: {  	s3 =	sadd.s32 s3, s9;
	s6 =	sadd.s32 @!p0 $0x88, s6;
	s7 =	simm.s32 @p2 $0x1082  }
0x22: {  	[simem:s7], [sflag:s8] =	dma.local @!p0 [hbm:s6], $0xF7A  }
0x23: {  	s9 =	sor.u32 $0xD0000000, s2;
	s6 =	simm.s32 $0x108;
	_ =	swait.ge @!p0 [sflag:s8], $0x0  }
0x24: {  	s3 =	sadd.s32 $0x88, s3;
	s6 =	simm.s32 @!p1 $0x1082;
	[sflag:s4] =	ssyncset.s32 $0xFFFFF086  }
0x25: {  	[simem:s6], [sflag:s4] =	dma.local [hbm:s3], $0xF7A  }
0x26: {  	[smem:$0x3F83] =	sst s1;
	(tag) =	ssettag s2;
	_ =	strace s9  }
0x27: {  	s1 =	sld [smem:$0x3F93]  }
0x28: {  	s2 =	sld [smem:$0x3F94]  }
0x29: {  	s4 =	sld [smem:$0x3F96]  }
0x2a: {  	p0 =	seq.s32 s5, $0x0;
	s5 =	sld [smem:$0x3F97]  }
0x2b: {  	s6 =	sld [smem:$0x3F98]  }
0x2c: {  	s7 =	sld [smem:$0x3F99]  }
0x2d: {  	s3 =	simm.s32 $0x108;
	s8 =	sld [smem:$0x3F9A]  }
0x2e: {  	s3 =	simm.s32 @!p0 $0x1082;
	s9 =	sld [smem:$0x3F9B]  }
0x2f: {  	lr =	sadd.s32 s0, s3;
	s0 =	sld [smem:$0x3F92]  }
0x30: {  	s3 =	sld [smem:$0x3F95]  }
0x31: {  	[smem:$0x3F9E] =	sst s10  }
0x32: {  	s10 =	sld [smem:$0x3F9C];
	_ =	sdelay $0x3  }
0x33: {  	p0 =	seq.s32 s10, $0x1;
	s10 =	sld [smem:$0x3F9E];
	_ =	sdelay $0x3  }
0x34: {  	[smem:$0x3F9E] =	sst s10  }
0x35: {  	s10 =	sld [smem:$0x3F9D];
	_ =	sdelay $0x3  }
0x36: {  	p1 =	seq.s32 s10, $0x1;
	s10 =	sld [smem:$0x3F9E];
	_ =	sdelay $0x3  }
0x37: {  	[smem:$0x3F9E] =	sst s10  }
0x38: {  	s10 =	sld [smem:$0x3F9F]  }
0x39: {  	_ = 	snop;
	(pc) =	sbr.ind lr, $3  }
0x3a: {  	_ = 	snop  }
0x3b: {  	_ = 	snop  }
0x3c: {  	p2 =	seq.s32 s10, $0x1;
	s10 =	sld [smem:$0x3F9E]  }
0x3d: {  	_ =	shalt  }
0x3e: {  	_ =	shalt  }
0x3f: {  	_ =	shalt  }
0x40: {  	_ =	shalt  }
0x41: {  	_ =	shalt  }
0x42: {  	_ =	shalt  }
0x43: {  	_ =	shalt  }
0x44: {  	_ =	shalt  }
0x45: {  	_ =	shalt  }
0x46: {  	_ =	shalt  }
0x47: {  	_ =	shalt  }
0x48: {  	_ =	shalt  }
0x49: {  	_ =	shalt  }
0x4a: {  	_ =	shalt  }
0x4b: {  	_ =	shalt  }
0x4c: {  	_ =	shalt  }
0x4d: {  	_ =	shalt  }
0x4e: {  	_ =	shalt  }
0x4f: {  	_ =	shalt  }
0x50: {  	_ =	shalt  }
0x51: {  	_ =	shalt  }
0x52: {  	_ =	shalt  }
0x53: {  	_ =	shalt  }
0x54: {  	_ =	shalt  }
0x55: {  	_ =	shalt  }
0x56: {  	_ =	shalt  }
0x57: {  	_ =	shalt  }
0x58: {  	_ =	shalt  }
0x59: {  	_ =	shalt  }
0x5a: {  	_ =	shalt  }
0x5b: {  	_ =	shalt  }
0x5c: {  	_ =	shalt  }
0x5d: {  	_ =	shalt  }
0x5e: {  	_ =	shalt  }
0x5f: {  	_ =	shalt  }
0x60: {  	_ =	shalt  }
0x61: {  	_ =	shalt  }
0x62: {  	_ =	shalt  }
0x63: {  	_ =	shalt  }
0x64: {  	_ =	shalt  }
0x65: {  	_ =	shalt  }
0x66: {  	_ =	shalt  }
0x67: {  	_ =	shalt  }
0x68: {  	_ =	shalt  }
0x69: {  	_ =	shalt  }
0x6a: {  	_ =	shalt  }
0x6b: {  	_ =	shalt  }
0x6c: {  	_ =	shalt  }
0x6d: {  	_ =	shalt  }
0x6e: {  	_ =	shalt  }
0x6f: {  	_ =	shalt  }
0x70: {  	_ =	shalt  }
0x71: {  	_ =	shalt  }
0x72: {  	_ =	shalt  }
0x73: {  	_ =	shalt  }
0x74: {  	_ =	shalt  }
0x75: {  	_ =	shalt  }
0x76: {  	_ =	shalt  }
0x77: {  	_ =	shalt  }
0x78: {  	_ =	shalt  }
0x79: {  	_ =	shalt  }
0x7a: {  	_ =	shalt  }
0x7b: {  	_ =	shalt  }
0x7c: {  	_ =	shalt  }
0x7d: {  	_ =	shalt  }
0x7e: {  	_ =	shalt  }
0x7f: {  	_ =	shalt  }
0x80: {  	_ =	shalt  }
0x81: {  	_ =	shalt  }
0x82: {  	_ =	shalt  }
0x83: {  	_ =	shalt  }
0x84: {  	_ =	shalt  }
0x85: {  	_ =	shalt  }
0x86: {  	_ =	shalt  }
0x87: {  	_ =	shalt  }
.Lfunc_end0:
.L_simem_size_0:
called_computation.1_lowered:
.L_overlay_start_0:
0x88: {  	s2 =	sld [smem:$0x3FD9]  }
0x89: {  	s3 =	sld [smem:$0x3FFE];
	_ =	sdelay $0x1  }
0x8a: {  	s1 =	srdreg.scid  }
0x8b: {  	s0 =	sand.u32 $0x1, s1  }
0x8c: {  	s17 =	sshll.u32 s0, $0xA;
	s2 =	sadd.s32 s3, s2  }
0x8d: {  	s2 =	sadd.s32 s2, s17  }
0x8e: {  	[smem:$0x3FAA] =	sst s2  }
0x8f: {  	_ = 	snop  }
0x90: {  	s2 =	sld [smem:$0x3FC9]  }
0x91: {  	s18 =	sld [smem:$0x3FC8]  }
0x92: {  	s4 =	sld [smem:$0x3FC7];
	(tm) =	ssettm $0x1  }
0x93: {  	s5 =	sld [smem:$0x3FFB];
	_ =	sdelay $0x3  }
0x94: {  	_ =	strace s5  }
0x95: {  	s5 =	sld [smem:$0x3FFC];
	_ =	sdelay $0x3  }
0x96: {  	_ =	strace s5  }
0x97: {  	s5 =	sld [smem:$0x3FFD];
	_ =	sdelay $0x3  }
0x98: {  	_ =	strace s5  }
0x99: {  	_ =	strace $0x8FFFFFFF  }
0x9a: {  	s19 =	sld [smem:$0x3FDB];
	_ =	sdelay $0x1  }
0x9b: {  	s6 =	simm.s32 $_scs_section_size  }
0x9c: {  	s7 =	simm.s32 $_size__tile_overlayer_lowered;
	s8 =	simm.s32 $_tile_overlayer_lowered  }
0x9d: {  	s22 =	simm.s32 $0x1BFF;
	s21 =	sshll.u32 s8, $0x1;
	s5 =	sadd.s32 s6, s19  }
0x9e: {  	s9 =	simm.s32 $0x0;
	s20 =	sshll.u32 s7, $0x1;
	s7 =	sadd.s32 s21, s5  }
0x9f: {  	[timem:s9], [sflag:s22] =	dma.local [hbm:s7], s20  }
0xa0: {  	_ =	swait.ge [sflag:s22], s20  }
0xa1: {  	s6 =	ssub.s32 $0x0, s20;
	[sflag:s22] =	ssyncset.done $0x0  }
0xa2: {  	[sflag:s22] =	ssyncadd.s32 s6;
	_ =	sdelay $0x1  }
0xa3: {  	s23 =	simm.s32 $0x1B8B  }
0xa4: {  	_ =	swait.ge [sflag:s23], $0x1  }
0xa5: {  	[sflag:s23] =	ssyncset.done $0x0  }
0xa6: {  	s25 =	simm.s32 $0x1B8E;
	s24 =	sld [smem:$0x3FFE];
	[sflag:s23] =	ssyncadd.s32 $0xFFFFFFFF  }
0xa7: {  	s26 =	simm.s32 $execute0_lowered;
	[smem:$0x3FD2] =	sst s25  }
0xa8: {  	s7 =	sshll.u32 s26, $0x1;
	_ =	strace $0x80000049;
	[dreg:$0x1] =	wrdreg $0xFFFFFFFF  }
0xa9: {  	s28 =	simm.s32 $_size_execute0_lowered;
	s5 =	sadd.s32 s5, s7;
	[dreg:$0x0] =	wrdreg $0x0  }
0xaa: {  	s7 =	sshll.u32 s28, $0x1;
	[dreg:$0x2] =	wrdreg s5  }
0xab: {  	[dreg:$0x3] =	wrdreg s7  }
0xac: {  	[dreg:$0x4] =	wrdreg $0xC0  }
0xad: {  	_ =	task [dreg:s9], $0x5FFFF  }
0xae: {  	[dreg:$0x1] =	wrdreg $0xFFFFFFFF  }
0xaf: {  	[dreg:$0x0] =	wrdreg $0x60  }
0xb0: {  	[dreg:$0x2] =	wrdreg s2  }
0xb1: {  	[dreg:$0x3] =	wrdreg s18  }
0xb2: {  	[dreg:$0x4] =	wrdreg s4  }
0xb3: {  	[dreg:$0x5] =	wrdreg s24  }
0xb4: {  	[dreg:$0x6] =	wrdreg $0x9  }
0xb5: {  	_ =	task.clear_ibuf [dreg:s9], $0x7FFFF;
	_ =	strace $0x90000049  }
0xb6: {  	s29 =	simm.s32 $0x9;
	_ =	strace $0x8000004B  }
0xb7: {  	_ =	swait.ge [sflag:s29], $0x1  }
0xb8: {  	[sflag:s29] =	ssyncadd.s32 $0xFFFFFFFF  }
0xb9: {  	_ =	strace $0x9000004B  }
0xba: {  	_ =	sfence  }
0xbb: {  	s30 =	sld [smem:$0x0];
	_ =	sdelay $0x2  }
0xbc: {  	s31 =	sshll.u32 s1, $0xD;
	s1 =	sshrl.u32 s1, $0x2  }
0xbd: {  	s3 =	sand.u32 $0x4000, s31;
	s1 =	sadd.s32 s1, s30  }
0xbe: {  	s0 =	sor.u32 s3, s0;
	s1 =	sshll.u32 s1, $0x11  }
0xbf: {  	s0 =	sor.u32 s1, s0  }
0xc0: {  	s0 =	sadd.s32 $0x8F2B, s0  }
0xc1: {  	[sflag:s0] =	ssyncadd.remote.s32 $0x1  }
0xc2: {  	_ =	sfence.sel $0xFFFF  }
0xc3: {  	[dreg:$0x0] =	wrdreg $0xFFFFFFFF;
	(pc) =	sbr.abs _section_cstart, $3  }
0xc4: {  	[dreg:$0x1] =	wrdreg $0xFFFFFFFF  }
0xc5: {  	_ =	task.clear_ibuf [dreg:s9], $0x2FFFF;
	_ =	strace $0x9FFFFFFF  }
0xc6: {  	(tm) =	ssettm $0x7FFFFFFF  }
0xc7: {  	_ =	shalt  }
tec
execute0_lowered:
.L_overlay_start_1:
0x0: {  	(tag) =	ssettag $0x1  }
0x1: {  	s1 =	rddreg [dreg:$0x0]  }
0x2: {  	s2 =	rddreg [dreg:$0x1]  }
0x3: {  	s4 =	rddreg [dreg:$0x2]  }
0x4: {  	s0 =	rddreg [dreg:$0x3];
	s10 =	simm.s32 $0x0;
	s3 =	srdreg.scid  }
0x5: {  	s8 =	stileid.u32;
	[smem:$0x7FF] =	sst s10;
	s6 =	sadd.s32 $0xD5000, s0  }
0x6: {  	s9 =	sadd.s32 $0xC9400, s0;
	_ =	strace $0x8000004A;
	[dreg:$0x5] =	wrdreg s6  }
0x7: {  	s3 =	sand.u32 $0x1, s3;
	s7 =	sadd.s32 $0xCF200, s0;
	[dreg:$0x6] =	wrdreg s9  }
0x8: {  	s5 =	sshll.u32 s8, $0x1;
	s12 =	sadd.s32 $0x2CC00, s0;
	[dreg:$0x7] =	wrdreg s7  }
0x9: {  	s13 =	sadd.s32 $0xA2000, s0;
	s5 =	sor.u32 s3, s5;
	[dreg:$0x8] =	wrdreg s12  }
0xa: {  	s11 =	smul.u32 $0x600, s5;
	s15 =	sshll.u32 s5, $0x9;
	s5 =	sshll.u32 s5, $0x6  }
0xb: {  	s14 =	sadd.s32 $0xB5A00, s0;
	[dreg:$0x9] =	wrdreg s13;
	s5 =	sand.u32 $0x1C0, s5  }
0xc: {  	[dreg:$0xa] =	wrdreg s14;
	s1 =	sadd.s32 s1, s5  }
0xd: {  	s18 =	sadd.s32 s2, s5;
	[dreg:$0xb] =	wrdreg s1  }
0xe: {  	s7 =	sadd.s32 s15, s0;
	s4 =	sadd.s32 s4, s5;
	[dreg:$0xc] =	wrdreg s18  }
0xf: {  	s3 =	ssub.s32 $0x2, s3;
	s28 =	sadd.s32 $0x11C400, s7;
	[dreg:$0x12] =	wrdreg s4  }
0x10: {  	s9 =	sshrl.u32 s3, $0x1;
	s29 =	sadd.s32 $0x120400, s7;
	[dreg:$0x14] =	wrdreg s28  }
0x11: {  	v2 =	vimm.s32 $0xECA86420;
	s9 =	ssub.s32 s3, s9;
	s30 =	sadd.s32 $0x124400, s7;
	[dreg:$0x15] =	wrdreg s29  }
0x12: {  	vm0 =	vcmask $0xB08;
	vm1 =	vcmask $0x1310;
	vm2 =	vcmask $0x1B18;
	s6 =	sadd.s32 s11, s0;
	s31 =	smax.u32 s9, $0x1;
	[dreg:$0x16] =	wrdreg s30  }
0x13: {  	vm3 =	vcmask $0x300;
	vm4 =	vcmask $0x2320;
	vm5 =	vcmask $0x2B28;
	s8 =	sshrl.u32 s8, $0x2;
	s21 =	sadd.s32 $0x11600, s6;
	[dreg:$0x17] =	wrdreg s31  }
0x14: {  	vm6 =	vcmask $0x3330;
	vm7 =	vcmask $0x3B38;
	v5 =	vlaneseq.u32;
	s16 =	smul.u32 $0x2EE0, s8;
	s22 =	sadd.s32 $0x5600, s6;
	[dreg:$0xd] =	wrdreg s21  }
0x15: {  	vm8 =	vmmov $0xff;
	vm9 =	vcmask $0x704;
	vm10 =	vcmask $0xF0C;
	s17 =	smul.u32 $0x1D4C0, s8;
	s23 =	sadd.s32 $0x1D600, s6;
	[dreg:$0xe] =	wrdreg s22  }
0x16: {  	vm11 =	vcmask $0x1714;
	vm12 =	vcmask $0x1F1C;
	v4 =	vunpack.c.l.s4.s8 v2;
	s19 =	smul.u32 $0x7D0, s8;
	s24 =	sadd.s32 $0xF8400, s6;
	[dreg:$0xf] =	wrdreg s23  }
0x17: {  	vm13 =	vcmask $0x2724;
	vm14 =	vcmask $0x2F2C;
	vm15 =	vcmask $0x3734;
	s20 =	smul.u32 $0x4E20, s8;
	s25 =	sadd.s32 $0x104400, s6;
	[dreg:$0x10] =	wrdreg s24  }
0x18: {  	v5 =	vmul.u32 $0x2, v5;
	v4 =	vunpack.c.0.s8.s32 v4;
	v0 =	vmov s16;
	s26 =	sadd.s32 $0x110400, s6;
	[dreg:$0x11] =	wrdreg s25  }
0x19: {  	v1 =	vmov s17;
	v2 =	vmov s19;
	v3 =	vmov s20;
	s4 =	simm.s32 $0x2;
	s1 =	simm.s32 $0x0;
	[dreg:$0x13] =	wrdreg s26  }
.LBB2_1:
0x1a: {  	[dreg:$0x18] =	wrdreg s1  }
0x1b: {  	s0 =	rddreg [dreg:$0xb]  }
0x1c: {  	[tilespmem:s10], [sflag:$0x2] =	stream.linear.gather [hbm4b:s0+s10], $0x200, $0x38;
	[tilespmem:$0x16800] =	vst v63  }
0x1d: {  	_ =	swait.ge [sflag:s4], $0x200  }
0x1e: {  	[sflag:s4] =	ssyncset.done $0x0  }
0x1f: {  	s29 =	simm.s32 $0x200;
	s28 =	rddreg [dreg:$0xc];
	[sflag:s4] =	ssyncadd.s32 $0xFFFFFE00  }
0x20: {  	[tilespmem:s29], [sflag:$0x2] =	stream.linear.gather [hbm4b:s28+s10], $0x200, $0x38;
	[tilespmem:$0x16800] =	vst v63  }
0x21: {  	_ =	swait.ge [sflag:s4], $0x200  }
0x22: {  	[sflag:s4] =	ssyncset.done $0x0  }
0x23: {  	s31 =	simm.s32 $0x400;
	s30 =	rddreg [dreg:$0x12];
	[sflag:s4] =	ssyncadd.s32 $0xFFFFFE00  }
0x24: {  	[tilespmem:s31], [sflag:$0x2] =	stream.linear.gather [hbm4b:s30+s10], $0x200, $0x38;
	[tilespmem:$0x16800] =	vst v63  }
0x25: {  	_ =	swait.ge [sflag:s4], $0x200  }
0x26: {  	[sflag:s4] =	ssyncset.done $0x0  }
0x27: {  	s0 =	simm.s32 $0x0;
	[sflag:s4] =	ssyncadd.s32 $0xFFFFFE00  }
.LBB2_2:
0x28: {  	s29 =	sshra.s32 s0, $0x2  }
0x29: {  	v6 =	vld [tilespmem:s29+$0x0];
	_ =	sdelay $0x4  }
0x2a: {  	(v2sf) =	vpush v6, $0xD;
	_ =	sdelay $0x1  }
0x2b: {  	(v2sf) =	vpush v6, $0xC;
	_ =	sdelay $0x1  }
0x2c: {  	(v2sf) =	vpush v6, $0xE;
	_ =	sdelay $0x1  }
0x2d: {  	(v2sf) =	vpush v6, $0xF;
	_ =	sdelay $0x1  }
0x2e: {  	(v2sf) =	vpush v6, $0x9  }
0x2f: {  	(v2sf) =	vpush v6, $0x8;
	_ =	sdelay $0x2  }
0x30: {  	(v2sf) =	vpush v6, $0xA;
	_ =	sdelay $0x1  }
0x31: {  	(v2sf) =	vpush v6, $0xB  }
0x32: {  	s18 =	spop (v2sf)  }
0x33: {  	[dreg:$0x19] =	wrdreg s0;
	(v2sf) =	vpush v6, $0x0;
	s1 =	smulhi.u32 $0x57619F1, s18;
	s0 =	sshra.s32 s18, $0x1F  }
0x34: {  	(v2sf) =	vpush v6, $0x1;
	s2 =	spop (v2sf);
	s0 =	smul.u32 $0x57619F1, s0  }
0x35: {  	(v2sf) =	vpush v6, $0x2;
	s3 =	smulhi.u32 $0x57619F1, s2;
	s2 =	sshra.s32 s2, $0x1F  }
0x36: {  	(v2sf) =	vpush v6, $0x3;
	s4 =	spop (v2sf);
	s2 =	smul.u32 $0x57619F1, s2  }
0x37: {  	(v2sf) =	vpush v6, $0x4;
	s5 =	smulhi.u32 $0x57619F1, s4;
	s4 =	sshra.s32 s4, $0x1F  }
0x38: {  	(v2sf) =	vpush v6, $0x5;
	s6 =	spop (v2sf);
	s4 =	smul.u32 $0x57619F1, s4  }
0x39: {  	(v2sf) =	vpush v6, $0x6;
	s7 =	smulhi.u32 $0x57619F1, s6;
	s6 =	sshra.s32 s6, $0x1F  }
0x3a: {  	(v2sf) =	vpush v6, $0x7;
	s8 =	spop (v2sf);
	s0 =	sadd.s32 s0, s1;
	s6 =	smul.u32 $0x57619F1, s6  }
0x3b: {  	s10 =	smulhi.u32 $0x57619F1, s8;
	s8 =	sshra.s32 s8, $0x1F;
	s19 =	spop (v2sf)  }
0x3c: {  	s9 =	sshrl.u32 s0, $0x1F;
	s3 =	sadd.s32 s2, s3;
	s8 =	smul.u32 $0x57619F1, s8  }
0x3d: {  	s0 =	sshra.s32 s0, $0x8;
	s11 =	smulhi.u32 $0x57619F1, s19;
	s1 =	sshra.s32 s19, $0x1F  }
0x3e: {  	s20 =	spop (v2sf);
	s13 =	sshrl.u32 s3, $0x1F;
	s12 =	smul.u32 $0x57619F1, s1  }
0x3f: {  	s3 =	sshra.s32 s3, $0x8;
	s14 =	smulhi.u32 $0x57619F1, s20;
	s21 =	sshra.s32 s20, $0x1F  }
0x40: {  	s1 =	sadd.s32 s4, s5;
	s23 =	spop (v2sf);
	s22 =	smul.u32 $0x57619F1, s21  }
0x41: {  	s2 =	sadd.s32 s6, s7;
	s16 =	smulhi.u32 $0x57619F1, s23;
	s24 =	sshra.s32 s23, $0x1F  }
0x42: {  	s15 =	sshrl.u32 s1, $0x1F;
	s23 =	spop (v2sf);
	s25 =	smul.u32 $0x57619F1, s24  }
0x43: {  	s7 =	smulhi.u32 $0x57619F1, s23;
	s18 =	sshra.s32 s23, $0x1F;
	s31 =	spop (v2sf)  }
0x44: {  	s4 =	sadd.s32 s8, s10;
	s24 =	smul.u32 $0x57619F1, s18;
	s20 =	spop (v2sf)  }
0x45: {  	s18 =	smulhi.u32 $0x57619F1, s31;
	s19 =	sshra.s32 s31, $0x1F;
	s26 =	spop (v2sf)  }
0x46: {  	s8 =	sadd.s32 s12, s11;
	s19 =	smul.u32 $0x57619F1, s19;
	s21 =	spop (v2sf)  }
0x47: {  	s28 =	smulhi.u32 $0x57619F1, s20;
	s20 =	sshra.s32 s20, $0x1F;
	s31 =	spop (v2sf)  }
0x48: {  	s5 =	sadd.s32 s22, s14;
	s30 =	smul.u32 $0x57619F1, s20;
	s23 =	spop (v2sf)  }
0x49: {  	s6 =	sadd.s32 s25, s16;
	s22 =	smulhi.u32 $0x57619F1, s26;
	s25 =	spop (v2sf)  }
0x4a: {  	s12 =	sshra.s32 s26, $0x1F;
	s26 =	smulhi.u32 $0x57619F1, s25;
	s16 =	sshra.s32 s25, $0x1F  }
0x4b: {  	s17 =	sshrl.u32 s2, $0x1F;
	s10 =	sadd.s32 s24, s7;
	s16 =	smul.u32 $0x57619F1, s16  }
0x4c: {  	s24 =	sshrl.u32 s4, $0x1F;
	s12 =	smul.u32 $0x57619F1, s12;
	s11 =	sadd.s32 s19, s18  }
0x4d: {  	s18 =	sshrl.u32 s8, $0x1F;
	s19 =	sshrl.u32 s5, $0x1F;
	s7 =	sadd.s32 s16, s26  }
0x4e: {  	v8 =	vmov s13;
	s8 =	sshra.s32 s8, $0x8;
	s14 =	sadd.s32 s30, s28;
	s25 =	sshra.s32 s7, $0x1F  }
0x4f: {  	v8 =	vsel vm0, s9, v8;
	s28 =	sshrl.u32 s10, $0x1F;
	s9 =	smulhi.u32 $0x57619F1, s31;
	s26 =	sshra.s32 s10, $0x8;
	v7 =	vmov s25  }
0x50: {  	s16 =	smulhi.u32 $0x57619F1, s21;
	s21 =	sshra.s32 s21, $0x1F;
	s10 =	sshra.s32 s10, $0x1F;
	v7 =	vsel vm3, s26, v7  }
0x51: {  	s30 =	sshrl.u32 s11, $0x1F;
	v9 =	vmov s28;
	s21 =	smul.u32 $0x57619F1, s21;
	s25 =	sshra.s32 s11, $0x8;
	v7 =	vsel vm9, s10, v7  }
0x52: {  	v20 =	vmov s3;
	s31 =	sshra.s32 s31, $0x1F;
	s12 =	sadd.s32 s12, s22;
	v9 =	vnsel vm3, $0x0, v9;
	s11 =	sshra.s32 s11, $0x1F;
	v7 =	vsel vm0, s25, v7  }
0x53: {  	v8 =	vsel vm1, s15, v8;
	s20 =	sshra.s32 s14, $0x8;
	v9 =	vsel vm0, s30, v9;
	s30 =	smulhi.u32 $0x57619F1, s23;
	s16 =	sadd.s32 s21, s16;
	v7 =	vsel vm10, s11, v7  }
0x54: {  	v8 =	vsel vm2, s17, v8;
	v10 =	vmov s18;
	s21 =	sshra.s32 s14, $0x1F;
	s10 =	smul.u32 $0x57619F1, s31;
	s31 =	sshra.s32 s23, $0x1F;
	v7 =	vsel vm1, s20, v7  }
0x55: {  	v11 =	vmov s8;
	v10 =	vsel vm0, s24, v10;
	s24 =	sshra.s32 s12, $0x8;
	s26 =	sshrl.u32 s14, $0x1F;
	s17 =	smul.u32 $0x57619F1, s31;
	v7 =	vsel vm11, s21, v7  }
0x56: {  	s4 =	sshra.s32 s4, $0x8;
	s22 =	sshrl.u32 s6, $0x1F;
	v10 =	vsel vm1, s19, v10;
	v9 =	vsel vm1, s26, v9;
	s26 =	sshra.s32 s12, $0x1F;
	v7 =	vsel vm2, s24, v7  }
0x57: {  	v11 =	vsel vm0, s4, v11;
	s28 =	sshrl.u32 s12, $0x1F;
	v10 =	vsel vm2, s22, v10;
	s13 =	sadd.s32 s17, s30;
	s30 =	sshra.s32 s16, $0x8;
	v7 =	vsel vm12, s26, v7  }
0x58: {  	v8 =	vcombine.low v10, v8;
	s23 =	sshrl.u32 s16, $0x1F;
	v9 =	vsel vm2, s28, v9;
	s31 =	sshra.s32 s16, $0x1F;
	s9 =	sadd.s32 s10, s9;
	v7 =	vsel vm4, s30, v7  }
0x59: {  	v10 =	vsel vm0, s0, v20;
	v9 =	vsel vm4, s23, v9;
	s10 =	sshra.s32 s1, $0x8;
	s11 =	sshra.s32 s5, $0x8;
	s8 =	sshra.s32 s9, $0x8;
	v7 =	vsel vm13, s31, v7  }
0x5a: {  	s14 =	sshra.s32 s2, $0x8;
	s25 =	sshrl.u32 s9, $0x1F;
	s12 =	sshra.s32 s9, $0x1F;
	v10 =	vsel vm1, s10, v10;
	v11 =	vsel vm1, s11, v11;
	v7 =	vsel vm5, s8, v7  }
0x5b: {  	s15 =	sshra.s32 s6, $0x8;
	v9 =	vsel vm5, s25, v9;
	s28 =	sshrl.u32 s13, $0x1F;
	s16 =	sshra.s32 s13, $0x8;
	v10 =	vsel vm2, s14, v10;
	v7 =	vsel vm14, s12, v7  }
0x5c: {  	s17 =	sshrl.u32 s7, $0x1F;
	v11 =	vsel vm2, s15, v11;
	s18 =	sshra.s32 s13, $0x1F;
	v9 =	vsel vm6, s28, v9;
	v7 =	vsel vm6, s16, v7  }
0x5d: {  	s19 =	sshra.s32 s7, $0x8;
	v10 =	vcombine.low v11, v10;
	v9 =	vsel vm7, s17, v9;
	v7 =	vsel vm15, s18, v7  }
0x5e: {  	v8 =	vperm.xlane v8, v4;
	v9 =	vperm.xlane v9, v5;
	v7 =	vsel vm7, s19, v7  }
0x5f: {  	v10 =	vperm.xlane v10, v4;
	v7 =	vperm.xlane v7, v5;
	_ =	sdelay $0x1  }
0x60: {  	v8 =	vsel vm8, v9, v8;
	v7 =	vsel vm8, v7, v10  }
0x61: {  	v7 =	vadd.s32 v8, v7  }
0x62: {  	v7 =	vmul.u32 $0x2EE0, v7;
	_ =	sdelay $0x1  }
0x63: {  	v21 =	vsub.s32 v6, v7  }
0x64: {  	v7 =	vmul.u32 $0xFA3, v21;
	_ =	sdelay $0x1  }
0x65: {  	v7 =	vadd.s32 $0xB, v7  }
0x66: {  	(v2sf) =	vpush v7, $0xD  }
0x67: {  	(v2sf) =	vpush v7, $0xC  }
0x68: {  	(v2sf) =	vpush v7, $0xE  }
0x69: {  	(v2sf) =	vpush v7, $0xF  }
0x6a: {  	(v2sf) =	vpush v7, $0x9  }
0x6b: {  	(v2sf) =	vpush v7, $0x8  }
0x6c: {  	(v2sf) =	vpush v7, $0xA  }
0x6d: {  	(v2sf) =	vpush v7, $0xB  }
0x6e: {  	(v2sf) =	vpush v7, $0x0  }
0x6f: {  	(v2sf) =	vpush v7, $0x1  }
0x70: {  	(v2sf) =	vpush v7, $0x2  }
0x71: {  	(v2sf) =	vpush v7, $0x3  }
0x72: {  	(v2sf) =	vpush v7, $0x4  }
0x73: {  	v8 =	vmul.u32 $0xF8F, v21;
	(v2sf) =	vpush v7, $0x5  }
0x74: {  	(v2sf) =	vpush v7, $0x6  }
0x75: {  	v9 =	vadd.s32 $0x61, v8;
	s28 =	spop (v2sf);
	(v2sf) =	vpush v7, $0x7  }
0x76: {  	s8 =	spop (v2sf);
	(v2sf) =	vpush v9, $0xD  }
0x77: {  	s6 =	spop (v2sf);
	(v2sf) =	vpush v9, $0xC  }
0x78: {  	s5 =	spop (v2sf);
	(v2sf) =	vpush v9, $0xE  }
0x79: {  	s7 =	spop (v2sf);
	(v2sf) =	vpush v9, $0xF  }
0x7a: {  	s9 =	spop (v2sf);
	(v2sf) =	vpush v9, $0x9  }
0x7b: {  	s20 =	spop (v2sf);
	(v2sf) =	vpush v9, $0x8  }
0x7c: {  	s21 =	spop (v2sf);
	(v2sf) =	vpush v9, $0xA  }
0x7d: {  	s22 =	spop (v2sf);
	(v2sf) =	vpush v9, $0xB  }
0x7e: {  	s23 =	spop (v2sf);
	(v2sf) =	vpush v9, $0x0  }
0x7f: {  	s24 =	spop (v2sf);
	(v2sf) =	vpush v9, $0x1  }
0x80: {  	s25 =	spop (v2sf);
	(v2sf) =	vpush v9, $0x2  }
0x81: {  	v8 =	vld [tilespmem:s29+$0x200];
	s26 =	spop (v2sf);
	(v2sf) =	vpush v9, $0x3  }
0x82: {  	[dreg:$0x1a] =	wrdreg s29;
	s29 =	spop (v2sf);
	(v2sf) =	vpush v9, $0x4  }
0x83: {  	s30 =	spop (v2sf);
	(v2sf) =	vpush v9, $0x5  }
0x84: {  	s31 =	spop (v2sf);
	(v2sf) =	vpush v9, $0x6  }
0x85: {  	s1 =	spop (v2sf);
	(v2sf) =	vpush v9, $0x7  }
0x86: {  	s2 =	spop (v2sf);
	(v2sf) =	vpush v8, $0xD  }
0x87: {  	[smem:$0x75D] =	sst s20;
	s3 =	spop (v2sf)  }
0x88: {  	[smem:$0x75E] =	sst s21;
	s4 =	spop (v2sf);
	(v2sf) =	vpush v8, $0xC  }
0x89: {  	[smem:$0x75F] =	sst s22;
	s10 =	spop (v2sf)  }
0x8a: {  	[smem:$0x760] =	sst s23;
	(v2sf) =	vpush v8, $0xE;
	s11 =	spop (v2sf)  }
0x8b: {  	[smem:$0x761] =	sst s24;
	s12 =	spop (v2sf)  }
0x8c: {  	[smem:$0x762] =	sst s25;
	(v2sf) =	vpush v8, $0xF;
	s13 =	spop (v2sf)  }
0x8d: {  	[smem:$0x763] =	sst s26;
	s14 =	spop (v2sf)  }
0x8e: {  	[smem:$0x764] =	sst s29;
	(v2sf) =	vpush v8, $0x9;
	s15 =	spop (v2sf)  }
0x8f: {  	[smem:$0x765] =	sst s30;
	s16 =	spop (v2sf)  }
0x90: {  	[smem:$0x76B] =	sst s10;
	(v2sf) =	vpush v8, $0x8;
	s17 =	spop (v2sf)  }
0x91: {  	[smem:$0x76C] =	sst s11;
	s18 =	spop (v2sf)  }
0x92: {  	[smem:$0x76D] =	sst s12;
	(v2sf) =	vpush v8, $0xA;
	s19 =	spop (v2sf)  }
0x93: {  	[smem:$0x76E] =	sst s13;
	s20 =	spop (v2sf)  }
0x94: {  	[smem:$0x76F] =	sst s14;
	(v2sf) =	vpush v8, $0xB;
	s21 =	spop (v2sf)  }
0x95: {  	[smem:$0x77E] =	sst s15;
	s22 =	spop (v2sf)  }
0x96: {  	[smem:$0x77F] =	sst s16;
	(v2sf) =	vpush v8, $0x0;
	s11 =	smulhi.u32 $0x10624DD3, s22;
	s10 =	sshra.s32 s22, $0x1F  }
0x97: {  	s10 =	smul.u32 $0x10624DD3, s10;
	s23 =	spop (v2sf)  }
0x98: {  	[smem:$0x780] =	sst s17;
	(v2sf) =	vpush v8, $0x1;
	s13 =	smulhi.u32 $0x10624DD3, s23;
	s12 =	sshra.s32 s23, $0x1F  }
0x99: {  	s24 =	spop (v2sf);
	s12 =	smul.u32 $0x10624DD3, s12  }
0x9a: {  	[smem:$0x781] =	sst s18;
	(v2sf) =	vpush v8, $0x2;
	s15 =	smulhi.u32 $0x10624DD3, s24;
	s14 =	sshra.s32 s24, $0x1F  }
0x9b: {  	s25 =	spop (v2sf);
	s14 =	smul.u32 $0x10624DD3, s14  }
0x9c: {  	[smem:$0x788] =	sst s19;
	(v2sf) =	vpush v8, $0x3;
	s18 =	smulhi.u32 $0x10624DD3, s25;
	s16 =	sshra.s32 s25, $0x1F  }
0x9d: {  	s26 =	spop (v2sf);
	s16 =	smul.u32 $0x10624DD3, s16  }
0x9e: {  	[smem:$0x78F] =	sst s20;
	(v2sf) =	vpush v8, $0x4;
	s19 =	smulhi.u32 $0x10624DD3, s26;
	s17 =	sshra.s32 s26, $0x1F  }
0x9f: {  	s29 =	spop (v2sf);
	s20 =	smul.u32 $0x10624DD3, s17  }
0xa0: {  	[smem:$0x790] =	sst s21;
	(v2sf) =	vpush v8, $0x5;
	s21 =	smulhi.u32 $0x10624DD3, s29;
	s17 =	sshra.s32 s29, $0x1F  }
0xa1: {  	(v2sf) =	vpush v8, $0x6;
	s22 =	smul.u32 $0x10624DD3, s17;
	s30 =	spop (v2sf)  }
0xa2: {  	[smem:$0x766] =	sst s31;
	(v2sf) =	vpush v8, $0x7;
	s23 =	smulhi.u32 $0x10624DD3, s30;
	s17 =	sshra.s32 s30, $0x1F  }
0xa3: {  	s24 =	smul.u32 $0x10624DD3, s17;
	s31 =	spop (v2sf)  }
0xa4: {  	[smem:$0x767] =	sst s1;
	s25 =	smulhi.u32 $0x10624DD3, s31;
	s17 =	sshra.s32 s31, $0x1F  }
0xa5: {  	s26 =	smul.u32 $0x10624DD3, s17;
	s0 =	spop (v2sf)  }
0xa6: {  	[smem:$0x768] =	sst s2;
	s29 =	smulhi.u32 $0x10624DD3, s0;
	s17 =	sshra.s32 s0, $0x1F  }
0xa7: {  	s1 =	spop (v2sf);
	s30 =	smul.u32 $0x10624DD3, s17  }
0xa8: {  	[smem:$0x76A] =	sst s4;
	s31 =	smulhi.u32 $0x10624DD3, s1;
	s17 =	sshra.s32 s1, $0x1F  }
0xa9: {  	s2 =	spop (v2sf);
	s4 =	smul.u32 $0x10624DD3, s17  }
0xaa: {  	[smem:$0x769] =	sst s3;
	s3 =	smulhi.u32 $0x10624DD3, s2;
	s17 =	sshra.s32 s2, $0x1F  }
0xab: {  	s11 =	sadd.s32 s10, s11;
	s0 =	spop (v2sf);
	s2 =	smul.u32 $0x10624DD3, s17  }
0xac: {  	s17 =	sadd.s32 s12, s13;
	s13 =	smulhi.u32 $0x10624DD3, s0;
	s10 =	sshra.s32 s0, $0x1F  }
0xad: {  	s12 =	sadd.s32 s14, s15;
	s1 =	spop (v2sf);
	s15 =	smul.u32 $0x10624DD3, s10  }
0xae: {  	s10 =	sadd.s32 s16, s18;
	s16 =	smulhi.u32 $0x10624DD3, s1;
	s0 =	sshra.s32 s1, $0x1F  }
0xaf: {  	s14 =	sadd.s32 s20, s19;
	s1 =	spop (v2sf);
	s19 =	smul.u32 $0x10624DD3, s0  }
0xb0: {  	s20 =	smulhi.u32 $0x10624DD3, s1;
	s0 =	sshra.s32 s1, $0x1F;
	s1 =	spop (v2sf)  }
0xb1: {  	s18 =	sadd.s32 s22, s21;
	s21 =	spop (v2sf)  }
0xb2: {  	s22 =	sadd.s32 s24, s23;
	s23 =	smulhi.u32 $0x10624DD3, s21;
	s24 =	sshra.s32 s21, $0x1F  }
0xb3: {  	s30 =	sadd.s32 s30, s29;
	s4 =	sadd.s32 s4, s31;
	s24 =	smul.u32 $0x10624DD3, s24  }
0xb4: {  	s29 =	sshrl.u32 s30, $0x1F;
	s31 =	sshrl.u32 s11, $0x1F;
	s2 =	sadd.s32 s2, s3  }
0xb5: {  	v12 =	vmov s29;
	s29 =	sshrl.u32 s18, $0x1F;
	s3 =	sadd.s32 s15, s13;
	s13 =	sadd.s32 s24, s23  }
0xb6: {  	s18 =	sshra.s32 s18, $0x7;
	s0 =	smul.u32 $0x10624DD3, s0;
	s23 =	sshra.s32 s13, $0x1F  }
0xb7: {  	s15 =	sadd.s32 s19, s16;
	s21 =	sadd.s32 s26, s25;
	s26 =	sshra.s32 s30, $0x7;
	v22 =	vmov s23  }
0xb8: {  	s16 =	sshrl.u32 s12, $0x1F;
	s30 =	sshra.s32 s30, $0x1F;
	s24 =	sshrl.u32 s17, $0x1F;
	v10 =	vsel vm3, s26, v22  }
0xb9: {  	v13 =	vmov s29;
	s29 =	sshra.s32 s3, $0x1F;
	s19 =	sadd.s32 s0, s20;
	v23 =	vmov s24;
	s23 =	sshra.s32 s4, $0x7;
	v10 =	vsel vm9, s30, v10  }
0xba: {  	v12 =	vnsel vm3, $0x0, v12;
	s0 =	smulhi.u32 $0x10624DD3, s1;
	s1 =	sshra.s32 s1, $0x1F;
	s25 =	sshra.s32 s4, $0x1F;
	v11 =	vsel vm0, s31, v23;
	v10 =	vsel vm0, s23, v10  }
0xbb: {  	v15 =	vmov s18;
	s24 =	sshrl.u32 s4, $0x1F;
	s31 =	sshra.s32 s2, $0x7;
	v11 =	vsel vm1, s16, v11;
	s26 =	sshrl.u32 s10, $0x1F;
	v10 =	vsel vm10, s25, v10  }
0xbc: {  	v12 =	vsel vm0, s24, v12;
	s4 =	sshra.s32 s2, $0x1F;
	s16 =	sshrl.u32 s14, $0x1F;
	v11 =	vsel vm2, s26, v11;
	s30 =	sshrl.u32 s2, $0x1F;
	v10 =	vsel vm1, s31, v10  }
0xbd: {  	s24 =	sshrl.u32 s22, $0x1F;
	v13 =	vsel vm0, s16, v13;
	s26 =	sshra.s32 s3, $0x7;
	v12 =	vsel vm1, s30, v12;
	s23 =	sshrl.u32 s3, $0x1F;
	v10 =	vsel vm11, s4, v10  }
0xbe: {  	s1 =	smul.u32 $0x10624DD3, s1;
	v13 =	vsel vm1, s24, v13;
	s30 =	sshrl.u32 s21, $0x1F;
	s3 =	sshra.s32 s17, $0x7;
	v12 =	vsel vm2, s23, v12;
	v10 =	vsel vm2, s26, v10  }
0xbf: {  	s16 =	sshra.s32 s15, $0x7;
	s17 =	sshra.s32 s11, $0x7;
	s25 =	sshrl.u32 s15, $0x1F;
	v13 =	vsel vm2, s30, v13;
	v14 =	vmov s3;
	v10 =	vsel vm12, s29, v10  }
0xc0: {  	s20 =	sadd.s32 s1, s0;
	s23 =	sshra.s32 s15, $0x1F;
	v12 =	vsel vm4, s25, v12;
	s31 =	sshrl.u32 s19, $0x1F;
	v14 =	vsel vm0, s17, v14;
	v10 =	vsel vm4, s16, v10  }
0xc1: {  	s24 =	sshra.s32 s12, $0x7;
	s25 =	sshra.s32 s14, $0x7;
	v11 =	vcombine.low v13, v11;
	v12 =	vsel vm5, s31, v12;
	s26 =	sshra.s32 s19, $0x7;
	v10 =	vsel vm13, s23, v10  }
0xc2: {  	s30 =	sshra.s32 s22, $0x7;
	s4 =	sshrl.u32 s20, $0x1F;
	v14 =	vsel vm1, s24, v14;
	v15 =	vsel vm0, s25, v15;
	s31 =	sshra.s32 s19, $0x1F;
	v10 =	vsel vm5, s26, v10  }
0xc3: {  	s3 =	sshra.s32 s21, $0x7;
	v12 =	vsel vm6, s4, v12;
	v15 =	vsel vm1, s30, v15;
	s4 =	sshra.s32 s20, $0x7;
	s29 =	sshra.s32 s10, $0x7;
	v10 =	vsel vm14, s31, v10  }
0xc4: {  	s11 =	sshrl.u32 s13, $0x1F;
	v15 =	vsel vm2, s3, v15;
	s10 =	sshra.s32 s20, $0x1F;
	v14 =	vsel vm2, s29, v14;
	v10 =	vsel vm6, s4, v10  }
0xc5: {  	s12 =	sshra.s32 s13, $0x7;
	v12 =	vsel vm7, s11, v12;
	v24 =	vcombine.low v15, v14;
	v10 =	vsel vm15, s10, v10  }
0xc6: {  	v11 =	vperm.xlane v11, v4;
	v12 =	vperm.xlane v12, v5;
	v10 =	vsel vm7, s12, v10  }
0xc7: {  	v13 =	vperm.xlane v24, v4;
	v10 =	vperm.xlane v10, v5;
	_ =	sdelay $0x1  }
0xc8: {  	v11 =	vsel vm8, v12, v11;
	v10 =	vsel vm8, v10, v13  }
0xc9: {  	v10 =	vadd.s32 v11, v10  }
0xca: {  	v10 =	vmul.u32 $0x7D0, v10;
	_ =	sdelay $0x1  }
0xcb: {  	v10 =	vsub.s32 v8, v10  }
0xcc: {  	v25 =	vmul.u32 $0x3, v10  }
0xcd: {  	s2 =	smulhi.u32 $0x57619F1, s28  }
0xce: {  	s15 =	smulhi.u32 $0x57619F1, s6;
	v11 =	vadd.s32 $0xB, v25  }
0xcf: {  	s13 =	sshra.s32 s28, $0x1F;
	s28 =	sld [smem:$0x75F];
	s21 =	smulhi.u32 $0x57619F1, s9;
	v11 =	vshll.u32 v11, $0x10  }
0xd0: {  	s14 =	sshra.s32 s8, $0x1F;
	[smem:$0x771] =	sst s15;
	v11 =	vshra.s32 v11, $0x10  }
0xd1: {  	s0 =	smul.u32 $0x57619F1, s14;
	[smem:$0x777] =	sst s21;
	(v2sf) =	vpush v11, $0x0  }
0xd2: {  	s17 =	smulhi.u32 $0x57619F1, s5;
	s25 =	sld [smem:$0x75E];
	s16 =	sshra.s32 s6, $0x1F;
	(v2sf) =	vpush v11, $0xF  }
0xd3: {  	[smem:$0x770] =	sst s0;
	s0 =	smul.u32 $0x57619F1, s16;
	(v2sf) =	vpush v11, $0x1  }
0xd4: {  	s18 =	sshra.s32 s5, $0x1F;
	[smem:$0x773] =	sst s17;
	s19 =	smulhi.u32 $0x57619F1, s7  }
0xd5: {  	[smem:$0x772] =	sst s0;
	s0 =	smul.u32 $0x57619F1, s18;
	(v2sf) =	vpush v11, $0x2  }
0xd6: {  	s20 =	sshra.s32 s7, $0x1F;
	s29 =	smulhi.u32 $0x57619F1, s28;
	s6 =	sld [smem:$0x760];
	(v2sf) =	vpush v11, $0x3  }
0xd7: {  	[smem:$0x774] =	sst s0;
	s0 =	smul.u32 $0x57619F1, s20;
	(v2sf) =	vpush v11, $0x4  }
0xd8: {  	s22 =	sshra.s32 s9, $0x1F;
	s23 =	sld [smem:$0x75D];
	s26 =	smulhi.u32 $0x57619F1, s25;
	(v2sf) =	vpush v11, $0x5  }
0xd9: {  	[smem:$0x776] =	sst s0;
	s0 =	smul.u32 $0x57619F1, s22;
	(v2sf) =	vpush v11, $0x6  }
0xda: {  	[smem:$0x775] =	sst s19;
	s7 =	smulhi.u32 $0x57619F1, s6;
	(v2sf) =	vpush v11, $0x7  }
0xdb: {  	s24 =	smulhi.u32 $0x57619F1, s23;
	[smem:$0x778] =	sst s0;
	s0 =	sshra.s32 s23, $0x1F;
	(v2sf) =	vpush v11, $0x8  }
0xdc: {  	[smem:$0x77B] =	sst s29;
	s31 =	smul.u32 $0x57619F1, s0;
	s0 =	sshra.s32 s25, $0x1F;
	(v2sf) =	vpush v11, $0x9  }
0xdd: {  	[smem:$0x77A] =	sst s26;
	s30 =	smul.u32 $0x57619F1, s0;
	s0 =	sshra.s32 s28, $0x1F;
	(v2sf) =	vpush v11, $0xA  }
0xde: {  	[smem:$0x77D] =	sst s7;
	s0 =	smul.u32 $0x57619F1, s0;
	(v2sf) =	vpush v11, $0xB  }
0xdf: {  	s3 =	smulhi.u32 $0x57619F1, s8;
	[smem:$0x779] =	sst s24;
	v10 =	vmul.u32 $0x7BF, v10;
	(v2sf) =	vpush v11, $0xC  }
0xe0: {  	[smem:$0x77C] =	sst s0;
	(v2sf) =	vpush v11, $0xD;
	s5 =	spop (v2sf)  }
0xe1: {  	(v2sf) =	vpush v11, $0xE;
	v11 =	vadd.s32 $0x61, v10;
	[smem:$0x791] =	sst s5;
	s8 =	spop (v2sf)  }
0xe2: {  	(v2sf) =	vpush v11, $0xD;
	[smem:$0x792] =	sst s8;
	s9 =	spop (v2sf)  }
0xe3: {  	(v2sf) =	vpush v11, $0xC;
	[smem:$0x793] =	sst s9  }
0xe4: {  	s10 =	sld [smem:$0x761];
	(v2sf) =	vpush v11, $0xE  }
0xe5: {  	s4 =	smul.u32 $0x57619F1, s13;
	s13 =	sld [smem:$0x762]  }
0xe6: {  	s16 =	sld [smem:$0x763]  }
0xe7: {  	s28 =	smulhi.u32 $0x57619F1, s10;
	s0 =	sshra.s32 s6, $0x1F;
	s19 =	sld [smem:$0x764]  }
0xe8: {  	s26 =	smul.u32 $0x57619F1, s0;
	s0 =	sshra.s32 s10, $0x1F;
	s6 =	sld [smem:$0x765]  }
0xe9: {  	s24 =	smul.u32 $0x57619F1, s0;
	s8 =	rddreg [dreg:$0x1a]  }
0xea: {  	s11 =	spop (v2sf);
	s10 =	sld [smem:$0x766]  }
0xeb: {  	[smem:$0x794] =	sst s11;
	s12 =	spop (v2sf)  }
0xec: {  	[smem:$0x795] =	sst s12;
	s14 =	spop (v2sf)  }
0xed: {  	s25 =	smulhi.u32 $0x57619F1, s13;
	[smem:$0x796] =	sst s14  }
0xee: {  	s15 =	spop (v2sf);
	s23 =	smulhi.u32 $0x57619F1, s16  }
0xef: {  	s0 =	sshra.s32 s13, $0x1F;
	s21 =	smulhi.u32 $0x57619F1, s19;
	s13 =	sld [smem:$0x767]  }
0xf0: {  	s22 =	smul.u32 $0x57619F1, s0;
	[smem:$0x797] =	sst s15  }
0xf1: {  	s0 =	sshra.s32 s16, $0x1F;
	s17 =	spop (v2sf);
	s16 =	smulhi.u32 $0x57619F1, s10  }
0xf2: {  	[smem:$0x798] =	sst s17;
	s20 =	smul.u32 $0x57619F1, s0  }
0xf3: {  	s18 =	spop (v2sf);
	s0 =	sshra.s32 s19, $0x1F;
	s19 =	smulhi.u32 $0x57619F1, s6  }
0xf4: {  	[smem:$0x799] =	sst s18;
	s29 =	spop (v2sf)  }
0xf5: {  	(v2sf) =	vpush v11, $0xF;
	s18 =	smul.u32 $0x57619F1, s0;
	s0 =	sshra.s32 s6, $0x1F;
	s6 =	sld [smem:$0x768]  }
0xf6: {  	(v2sf) =	vpush v11, $0x9;
	s15 =	smulhi.u32 $0x57619F1, s13;
	[smem:$0x79A] =	sst s29  }
0xf7: {  	s5 =	spop (v2sf);
	s17 =	smul.u32 $0x57619F1, s0  }
0xf8: {  	(v2sf) =	vpush v11, $0x8;
	[smem:$0x79B] =	sst s5;
	s7 =	spop (v2sf)  }
0xf9: {  	s0 =	sshra.s32 s10, $0x1F;
	[smem:$0x79C] =	sst s7;
	s9 =	spop (v2sf)  }
0xfa: {  	s14 =	smul.u32 $0x57619F1, s0;
	[smem:$0x79D] =	sst s9  }
0xfb: {  	(v2sf) =	vpush v11, $0xA;
	s11 =	spop (v2sf);
	s9 =	sld [smem:$0x769]  }
0xfc: {  	[smem:$0x79E] =	sst s11;
	s12 =	spop (v2sf)  }
0xfd: {  	(v2sf) =	vpush v11, $0xB;
	s0 =	sshra.s32 s13, $0x1F;
	s13 =	smulhi.u32 $0x57619F1, s6;
	[smem:$0x79F] =	sst s12  }
0xfe: {  	s29 =	spop (v2sf);
	s12 =	smul.u32 $0x57619F1, s0;
	s0 =	sshra.s32 s6, $0x1F  }
0xff: {  	(v2sf) =	vpush v11, $0x0;
	[smem:$0x7A0] =	sst s29;
	s10 =	smul.u32 $0x57619F1, s0  }
0x100: {  	s5 =	spop (v2sf);
	s11 =	smulhi.u32 $0x57619F1, s9  }
0x101: {  	s0 =	sshra.s32 s9, $0x1F;
	[smem:$0x7A1] =	sst s5;
	s7 =	spop (v2sf)  }
0x102: {  	(v2sf) =	vpush v11, $0x1;
	s9 =	smul.u32 $0x57619F1, s0;
	s5 =	sld [smem:$0x76A]  }
0x103: {  	v10 =	vld [tilespmem:s8+$0x400];
	[smem:$0x7A2] =	sst s7;
	s8 =	spop (v2sf)  }
0x104: {  	(v2sf) =	vpush v11, $0x2;
	[smem:$0x7A3] =	sst s8;
	s29 =	spop (v2sf)  }
0x105: {  	[smem:$0x7A4] =	sst s29;
	s1 =	spop (v2sf)  }
0x106: {  	s6 =	smulhi.u32 $0x57619F1, s5;
	s29 =	sld [smem:$0x76B]  }
0x107: {  	(v2sf) =	vpush v11, $0x3;
	s0 =	sshra.s32 s5, $0x1F;
	[smem:$0x7A5] =	sst s1;
	s7 =	spop (v2sf)  }
0x108: {  	s0 =	smul.u32 $0x57619F1, s0;
	[smem:$0x782] =	sst s6  }
0x109: {  	(v2sf) =	vpush v11, $0x4;
	[smem:$0x7A6] =	sst s7  }
0x10a: {  	s8 =	spop (v2sf);
	[smem:$0x783] =	sst s0  }
0x10b: {  	[smem:$0x7A7] =	sst s8;
	s5 =	smulhi.u32 $0x57619F1, s29  }
0x10c: {  	(v2sf) =	vpush v11, $0x5;
	s6 =	spop (v2sf);
	s8 =	sld [smem:$0x76C]  }
0x10d: {  	[smem:$0x7A8] =	sst s6  }
0x10e: {  	(v2sf) =	vpush v11, $0x6;
	s0 =	sshra.s32 s29, $0x1F;
	s7 =	spop (v2sf);
	[smem:$0x784] =	sst s5  }
0x10f: {  	s0 =	smul.u32 $0x57619F1, s0;
	[smem:$0x7A9] =	sst s7  }
0x110: {  	(v2sf) =	vpush v11, $0x7;
	s7 =	sld [smem:$0x76D]  }
0x111: {  	s5 =	spop (v2sf);
	[smem:$0x785] =	sst s0  }
0x112: {  	s29 =	smulhi.u32 $0x57619F1, s8;
	[smem:$0x7AA] =	sst s5  }
0x113: {  	s0 =	sshra.s32 s8, $0x1F;
	s6 =	spop (v2sf);
	s5 =	sld [smem:$0x76E]  }
0x114: {  	s0 =	smul.u32 $0x57619F1, s0;
	[smem:$0x7AB] =	sst s6  }
0x115: {  	[smem:$0x786] =	sst s29  }
0x116: {  	s29 =	spop (v2sf);
	[smem:$0x787] =	sst s0  }
0x117: {  	s8 =	smulhi.u32 $0x57619F1, s7;
	[smem:$0x7AC] =	sst s29  }
0x118: {  	s1 =	spop (v2sf);
	s29 =	sld [smem:$0x76F]  }
0x119: {  	(v2sf) =	vpush v10, $0xD;
	s0 =	sshra.s32 s7, $0x1F;
	s6 =	smulhi.u32 $0x57619F1, s5;
	[smem:$0x789] =	sst s8  }
0x11a: {  	(v2sf) =	vpush v10, $0xC;
	s0 =	smul.u32 $0x57619F1, s0;
	[smem:$0x7AD] =	sst s1  }
0x11b: {  	s7 =	spop (v2sf);
	[smem:$0x78B] =	sst s6  }
0x11c: {  	(v2sf) =	vpush v10, $0xE;
	[smem:$0x7AE] =	sst s7  }
0x11d: {  	s8 =	spop (v2sf);
	[smem:$0x78A] =	sst s0  }
0x11e: {  	[smem:$0x7AF] =	sst s8  }
0x11f: {  	s0 =	sshra.s32 s5, $0x1F;
	s5 =	smulhi.u32 $0x57619F1, s29;
	s6 =	spop (v2sf)  }
0x120: {  	[smem:$0x7B0] =	sst s6  }
0x121: {  	s0 =	smul.u32 $0x57619F1, s0;
	[smem:$0x78D] =	sst s5  }
0x122: {  	s5 =	sld [smem:$0x771]  }
0x123: {  	[smem:$0x78C] =	sst s0  }
0x124: {  	s0 =	sshra.s32 s29, $0x1F;
	s29 =	sadd.s32 s4, s2;
	s4 =	sld [smem:$0x770]  }
0x125: {  	s0 =	smul.u32 $0x57619F1, s0;
	[smem:$0x7B2] =	sst s29  }
0x126: {  	s29 =	sld [smem:$0x772]  }
0x127: {  	[smem:$0x78E] =	sst s0  }
0x128: {  	s7 =	spop (v2sf);
	s1 =	sadd.s32 s4, s3;
	s4 =	sld [smem:$0x773]  }
0x129: {  	s2 =	spop (v2sf);
	[smem:$0x7B1] =	sst s1  }
0x12a: {  	s0 =	sshra.s32 s7, $0x1F;
	s1 =	sadd.s32 s29, s5;
	s29 =	sld [smem:$0x774]  }
0x12b: {  	s3 =	spop (v2sf);
	s6 =	smul.u32 $0x10624DD3, s0;
	s0 =	sshra.s32 s2, $0x1F  }
0x12c: {  	(v2sf) =	vpush v10, $0xF;
	[smem:$0x7B3] =	sst s1;
	s5 =	smul.u32 $0x10624DD3, s0;
	s0 =	sshra.s32 s3, $0x1F  }
0x12d: {  	s1 =	sadd.s32 s29, s4;
	s4 =	smulhi.u32 $0x10624DD3, s3;
	s3 =	sld [smem:$0x775]  }
0x12e: {  	s8 =	smulhi.u32 $0x10624DD3, s7;
	s29 =	sld [smem:$0x776]  }
0x12f: {  	(v2sf) =	vpush v10, $0x9;
	s7 =	smulhi.u32 $0x10624DD3, s2;
	s2 =	sld [smem:$0x777]  }
0x130: {  	[smem:$0x7B5] =	sst s1  }
0x131: {  	s24 =	sadd.s32 s24, s28;
	s1 =	sadd.s32 s29, s3;
	s29 =	sld [smem:$0x778]  }
0x132: {  	[smem:$0x7BA] =	sst s24;
	(v2sf) =	vpush v10, $0x8  }
0x133: {  	[smem:$0x7B9] =	sst s1  }
0x134: {  	s22 =	sadd.s32 s22, s25;
	(v2sf) =	vpush v10, $0xA;
	s1 =	sadd.s32 s29, s2;
	s29 =	sld [smem:$0x779]  }
0x135: {  	[smem:$0x7BC] =	sst s22  }
0x136: {  	(v2sf) =	vpush v10, $0xB;
	[smem:$0x7B7] =	sst s1  }
0x137: {  	s20 =	sadd.s32 s20, s23;
	s1 =	sadd.s32 s31, s29;
	s29 =	sld [smem:$0x77A]  }
0x138: {  	[smem:$0x7BE] =	sst s20;
	s18 =	sadd.s32 s18, s21;
	(v2sf) =	vpush v10, $0x0  }
0x139: {  	[smem:$0x7BF] =	sst s18  }
0x13a: {  	(v2sf) =	vpush v10, $0x1;
	s3 =	smul.u32 $0x10624DD3, s0;
	s31 =	sadd.s32 s30, s29;
	s30 =	sld [smem:$0x77B]  }
0x13b: {  	s17 =	sadd.s32 s17, s19;
	s0 =	spop (v2sf);
	s29 =	sld [smem:$0x77C]  }
0x13c: {  	[smem:$0x7C0] =	sst s17;
	(v2sf) =	vpush v10, $0x2;
	s2 =	smulhi.u32 $0x10624DD3, s0;
	s0 =	sshra.s32 s0, $0x1F  }
0x13d: {  	s14 =	sadd.s32 s14, s16;
	[smem:$0x7BB] =	sst s1;
	s1 =	smul.u32 $0x10624DD3, s0  }
0x13e: {  	(v2sf) =	vpush v10, $0x3;
	s0 =	spop (v2sf);
	s30 =	sadd.s32 s29, s30;
	s29 =	sld [smem:$0x77D]  }
0x13f: {  	[smem:$0x7BD] =	sst s31;
	s31 =	smulhi.u32 $0x10624DD3, s0;
	s0 =	sshra.s32 s0, $0x1F  }
0x140: {  	[smem:$0x7B6] =	sst s14;
	(v2sf) =	vpush v10, $0x4;
	s0 =	smul.u32 $0x10624DD3, s0  }
0x141: {  	[smem:$0x7B4] =	sst s30;
	s30 =	spop (v2sf);
	s26 =	sadd.s32 s26, s29  }
0x142: {  	(v2sf) =	vpush v10, $0x5;
	[smem:$0x7B8] =	sst s26;
	s26 =	smulhi.u32 $0x10624DD3, s30;
	s30 =	sshra.s32 s30, $0x1F  }
0x143: {  	s12 =	sadd.s32 s12, s15;
	s24 =	smul.u32 $0x10624DD3, s30;
	s30 =	spop (v2sf)  }
0x144: {  	[smem:$0x7C2] =	sst s12;
	(v2sf) =	vpush v10, $0x6;
	s22 =	smulhi.u32 $0x10624DD3, s30;
	s28 =	sshra.s32 s30, $0x1F  }
0x145: {  	s10 =	sadd.s32 s10, s13;
	s29 =	spop (v2sf);
	s20 =	smul.u32 $0x10624DD3, s28  }
0x146: {  	[smem:$0x7C1] =	sst s10;
	(v2sf) =	vpush v10, $0x7;
	s18 =	smulhi.u32 $0x10624DD3, s29;
	s30 =	sshra.s32 s29, $0x1F  }
0x147: {  	s9 =	sadd.s32 s9, s11;
	s23 =	spop (v2sf);
	s17 =	smul.u32 $0x10624DD3, s30  }
0x148: {  	[smem:$0x7C3] =	sst s9;
	s14 =	smulhi.u32 $0x10624DD3, s23;
	s25 =	sshra.s32 s23, $0x1F  }
0x149: {  	s15 =	sadd.s32 s6, s8;
	s28 =	spop (v2sf);
	s12 =	smul.u32 $0x10624DD3, s25  }
0x14a: {  	s10 =	sadd.s32 s5, s7;
	s13 =	smulhi.u32 $0x10624DD3, s28;
	s29 =	sshra.s32 s28, $0x1F  }
0x14b: {  	s7 =	sadd.s32 s3, s4;
	s30 =	spop (v2sf);
	s9 =	smul.u32 $0x10624DD3, s29  }
0x14c: {  	s5 =	sadd.s32 s1, s2;
	s16 =	smulhi.u32 $0x10624DD3, s30;
	s8 =	sshra.s32 s30, $0x1F  }
0x14d: {  	s6 =	sadd.s32 s0, s31;
	s11 =	spop (v2sf);
	s19 =	smul.u32 $0x10624DD3, s8  }
0x14e: {  	s4 =	sadd.s32 s17, s18;
	s3 =	smulhi.u32 $0x10624DD3, s11;
	s21 =	sshra.s32 s11, $0x1F  }
0x14f: {  	s23 =	spop (v2sf);
	s11 =	sadd.s32 s24, s26;
	s1 =	smul.u32 $0x10624DD3, s21  }
0x150: {  	s8 =	sadd.s32 s20, s22;
	s0 =	smulhi.u32 $0x10624DD3, s23;
	s2 =	sshra.s32 s23, $0x1F  }
0x151: {  	s21 =	sadd.s32 s12, s14;
	s2 =	smul.u32 $0x10624DD3, s2;
	s24 =	spop (v2sf)  }
0x152: {  	s18 =	sadd.s32 s9, s13;
	s20 =	smulhi.u32 $0x10624DD3, s24;
	s25 =	sshra.s32 s24, $0x1F  }
0x153: {  	s16 =	sadd.s32 s19, s16;
	s26 =	smul.u32 $0x10624DD3, s25;
	s28 =	spop (v2sf)  }
0x154: {  	s19 =	sshrl.u32 s21, $0x1F;
	s29 =	smulhi.u32 $0x10624DD3, s28;
	s30 =	sshra.s32 s28, $0x1F  }
0x155: {  	s22 =	sadd.s32 s1, s3;
	s23 =	spop (v2sf);
	s31 =	smul.u32 $0x10624DD3, s30  }
0x156: {  	s14 =	sadd.s32 s2, s0;
	s28 =	sld [smem:$0x77F];
	s24 =	smulhi.u32 $0x10624DD3, s23  }
0x157: {  	s13 =	sshra.s32 s23, $0x1F;
	s30 =	sshrl.u32 s10, $0x1F;
	s23 =	sshrl.u32 s15, $0x1F  }
0x158: {  	s15 =	sshra.s32 s15, $0x7;
	s10 =	sshra.s32 s10, $0x7;
	s25 =	smul.u32 $0x10624DD3, s13  }
0x159: {  	s13 =	sadd.s32 s26, s20;
	s26 =	sld [smem:$0x77E];
	v27 =	vmov s30;
	s30 =	sshrl.u32 s16, $0x1F  }
0x15a: {  	s20 =	sshrl.u32 s6, $0x1F;
	v16 =	vmov s10;
	s10 =	sld [smem:$0x786];
	s12 =	sadd.s32 s31, s29  }
0x15b: {  	s3 =	sshra.s32 s28, $0x1F;
	s31 =	sshra.s32 s21, $0x7;
	s21 =	sshra.s32 s21, $0x1F  }
0x15c: {  	v13 =	vsel vm0, s23, v27;
	s23 =	sshrl.u32 s8, $0x1F;
	v16 =	vsel vm0, s15, v16;
	s15 =	sld [smem:$0x789];
	s9 =	sadd.s32 s25, s24  }
0x15d: {  	v28 =	vmov s19;
	s24 =	sshrl.u32 s7, $0x1F;
	s0 =	smulhi.u32 $0x57619F1, s26;
	s2 =	sshra.s32 s26, $0x1F  }
0x15e: {  	v14 =	vnsel vm3, $0x0, v28;
	s29 =	sshra.s32 s9, $0x1F;
	s26 =	sshrl.u32 s18, $0x1F;
	s1 =	smul.u32 $0x57619F1, s2  }
0x15f: {  	v13 =	vsel vm1, s24, v13;
	s2 =	smulhi.u32 $0x57619F1, s28;
	v26 =	vmov s29;
	s28 =	sshrl.u32 s5, $0x1F;
	v14 =	vsel vm0, s26, v14;
	s29 =	sshrl.u32 s11, $0x1F  }
0x160: {  	s25 =	sshra.s32 s18, $0x7;
	s26 =	sshra.s32 s22, $0x1F;
	s11 =	sshra.s32 s11, $0x7;
	v12 =	vsel vm3, s31, v26;
	v13 =	vsel vm2, s28, v13;
	v29 =	vmov s29  }
0x161: {  	v14 =	vsel vm1, s30, v14;
	s28 =	sshrl.u32 s4, $0x1F;
	s30 =	sshrl.u32 s12, $0x1F;
	v17 =	vmov s11;
	s11 =	sld [smem:$0x787];
	v12 =	vsel vm9, s21, v12  }
0x162: {  	s21 =	sshrl.u32 s22, $0x1F;
	v15 =	vsel vm0, s20, v29;
	s20 =	sld [smem:$0x780];
	v12 =	vsel vm0, s25, v12;
	s25 =	sshra.s32 s22, $0x7  }
0x163: {  	v15 =	vsel vm1, s23, v15;
	s22 =	sshra.s32 s12, $0x7;
	s23 =	sshra.s32 s12, $0x1F;
	s12 =	sld [smem:$0x788]  }
0x164: {  	s7 =	sshra.s32 s7, $0x7;
	s24 =	sshrl.u32 s14, $0x1F;
	v14 =	vsel vm2, s21, v14;
	v15 =	vsel vm2, s28, v15;
	s28 =	sld [smem:$0x782]  }
0x165: {  	v16 =	vsel vm1, s7, v16;
	s29 =	sshrl.u32 s13, $0x1F;
	v14 =	vsel vm4, s24, v14;
	s7 =	sadd.s32 s11, s10;
	s11 =	sld [smem:$0x793]  }
0x166: {  	s6 =	sshra.s32 s6, $0x7;
	s18 =	sshra.s32 s18, $0x1F;
	v14 =	vsel vm5, s29, v14;
	s29 =	sld [smem:$0x783]  }
0x167: {  	v17 =	vsel vm0, s6, v17;
	v12 =	vsel vm10, s18, v12;
	s18 =	sshra.s32 s8, $0x7;
	[smem:$0x7C7] =	sst s7  }
0x168: {  	s3 =	smul.u32 $0x57619F1, s3;
	s31 =	sshra.s32 s16, $0x7;
	v17 =	vsel vm1, s18, v17;
	s18 =	sld [smem:$0x78C]  }
0x169: {  	s8 =	smulhi.u32 $0x57619F1, s20;
	s21 =	sshra.s32 s20, $0x1F;
	s20 =	sld [smem:$0x78E]  }
0x16a: {  	s16 =	sshra.s32 s16, $0x1F;
	s4 =	sshra.s32 s4, $0x7;
	v12 =	vsel vm1, s31, v12;
	v14 =	vsel vm6, s30, v14;
	s30 =	sld [smem:$0x784]  }
0x16b: {  	s24 =	sshrl.u32 s9, $0x1F;
	v12 =	vsel vm11, s16, v12;
	v17 =	vsel vm2, s4, v17;
	s4 =	smul.u32 $0x57619F1, s21;
	s21 =	sld [smem:$0x78F]  }
0x16c: {  	v12 =	vsel vm2, s25, v12;
	v14 =	vsel vm7, s24, v14;
	s25 =	sld [smem:$0x781];
	s24 =	sadd.s32 s3, s2  }
0x16d: {  	[smem:$0x7C4] =	sst s24  }
0x16e: {  	v12 =	vsel vm12, s26, v12;
	s26 =	sshra.s32 s9, $0x7;
	s9 =	sadd.s32 s29, s28;
	s28 =	sld [smem:$0x790]  }
0x16f: {  	s31 =	sshra.s32 s14, $0x7;
	[smem:$0x7C5] =	sst s9  }
0x170: {  	s17 =	sshra.s32 s13, $0x7;
	s16 =	sshra.s32 s14, $0x1F;
	v12 =	vsel vm4, s31, v12;
	s31 =	sld [smem:$0x785]  }
0x171: {  	s19 =	sshra.s32 s13, $0x1F;
	s5 =	sshra.s32 s5, $0x7;
	v12 =	vsel vm13, s16, v12;
	s16 =	sld [smem:$0x78A]  }
0x172: {  	v16 =	vsel vm2, s5, v16;
	s5 =	smulhi.u32 $0x57619F1, s25;
	s6 =	sshra.s32 s25, $0x1F;
	v12 =	vsel vm5, s17, v12;
	s17 =	sld [smem:$0x78B]  }
0x173: {  	s6 =	smul.u32 $0x57619F1, s6;
	v12 =	vsel vm14, s19, v12;
	s9 =	sadd.s32 s31, s30;
	s19 =	sld [smem:$0x78D]  }
0x174: {  	[smem:$0x7CA] =	sst s9  }
0x175: {  	s10 =	sadd.s32 s16, s15;
	s30 =	sadd.s32 s6, s5;
	s6 =	sld [smem:$0x791]  }
0x176: {  	s29 =	smulhi.u32 $0x57619F1, s28;
	v12 =	vsel vm6, s22, v12;
	[smem:$0x7CC] =	sst s10  }
0x177: {  	s22 =	smulhi.u32 $0x57619F1, s21;
	v12 =	vsel vm15, s23, v12;
	s23 =	sshra.s32 s21, $0x1F;
	[smem:$0x7C8] =	sst s30  }
0x178: {  	s21 =	sadd.s32 s1, s0;
	s0 =	sshra.s32 s28, $0x1F;
	s28 =	sld [smem:$0x798]  }
0x179: {  	s10 =	sadd.s32 s18, s17;
	s30 =	sld [smem:$0x799]  }
0x17a: {  	s13 =	smulhi.u32 $0x57619F1, s12;
	s9 =	sshra.s32 s12, $0x1F;
	[smem:$0x7CE] =	sst s10  }
0x17b: {  	s9 =	smul.u32 $0x57619F1, s9;
	s14 =	sadd.s32 s20, s19;
	s19 =	sld [smem:$0x795]  }
0x17c: {  	v12 =	vsel vm7, s26, v12;
	s25 =	smul.u32 $0x57619F1, s23;
	s26 =	sadd.s32 s4, s8;
	s23 =	sld [smem:$0x797]  }
0x17d: {  	[smem:$0x7C6] =	sst s26  }
0x17e: {  	s7 =	sadd.s32 s9, s13;
	s9 =	sld [smem:$0x792]  }
0x17f: {  	s13 =	sld [smem:$0x794]  }
0x180: {  	s31 =	smul.u32 $0x57619F1, s0;
	[smem:$0x7CB] =	sst s7  }
0x181: {  	s12 =	sshra.s32 s11, $0x1F;
	s1 =	sadd.s32 s25, s22;
	s22 =	sld [smem:$0x796]  }
0x182: {  	s0 =	sshra.s32 s6, $0x1F;
	s2 =	sadd.s32 s31, s29;
	s31 =	sld [smem:$0x79A]  }
0x183: {  	v13 =	vcombine.low v15, v13;
	s8 =	sxor.u32 s0, s6;
	s6 =	sshra.s32 s30, $0x1F;
	[smem:$0x7CD] =	sst s1  }
0x184: {  	v30 =	vcombine.low v17, v16;
	[smem:$0x7C9] =	sst s2;
	s1 =	ssub.s32 s8, s0;
	s2 =	sxor.u32 s12, s11  }
0x185: {  	v13 =	vperm.xlane v13, v4;
	v14 =	vperm.xlane v14, v5;
	s7 =	sshra.s32 s23, $0x1F;
	s8 =	sshra.s32 s28, $0x1F;
	s15 =	sshra.s32 s9, $0x1F  }
0x186: {  	v15 =	vperm.xlane v30, v4;
	v12 =	vperm.xlane v12, v5;
	(drf) =	srem.u32 s1, $0x7D0;
	s16 =	ssub.s32 s2, s12;
	s25 =	sxor.u32 s7, s23  }
0x187: {  	s29 =	sxor.u32 s8, s28;
	s10 =	sxor.u32 s15, s9;
	s9 =	sshra.s32 s13, $0x1F  }
0x188: {  	v13 =	vsel vm8, v14, v13;
	v12 =	vsel vm8, v12, v15;
	s11 =	sshra.s32 s22, $0x1F;
	s26 =	ssub.s32 s25, s7;
	s4 =	sshra.s32 s31, $0x1F  }
0x189: {  	v12 =	vadd.s32 v13, v12;
	s25 =	sld [smem:$0x79E];
	s1 =	ssub.s32 s10, s15;
	s17 =	sxor.u32 s9, s13  }
0x18a: {  	v12 =	vmul.u32 $0x7D0, v12;
	s13 =	sshra.s32 s19, $0x1F;
	s2 =	sxor.u32 s11, s22;
	s5 =	sxor.u32 s4, s31  }
0x18b: {  	(drf) =	srem.u32 s1, $0x7D0;
	s18 =	ssub.s32 s17, s9;
	s20 =	sxor.u32 s13, s19  }
0x18c: {  	v12 =	vsub.s32 v10, v12;
	s24 =	ssub.s32 s2, s11;
	s2 =	sxor.u32 s6, s30;
	s30 =	sld [smem:$0x79F]  }
0x18d: {  	s10 =	ssub.s32 s5, s4;
	v31 =	vmul.u32 $0x3, v12;
	(drf) =	srem.u32 s16, $0x7D0;
	s16 =	sld [smem:$0x79B]  }
0x18e: {  	s1 =	ssub.s32 s20, s13;
	s20 =	sld [smem:$0x79D];
	(drf) =	srem.u32 s18, $0x7D0  }
0x18f: {  	s2 =	ssub.s32 s2, s6;
	s18 =	sld [smem:$0x79C];
	v13 =	vadd.s32 $0xB, v31;
	(drf) =	srem.u32 s1, $0x7D0  }
0x190: {  	s1 =	ssub.s32 s29, s8;
	s31 =	sshra.s32 s30, $0x1F;
	v13 =	vshll.u32 v13, $0x10;
	(drf) =	srem.u32 s24, $0x7D0  }
0x191: {  	s5 =	sshra.s32 s16, $0x1F;
	[dreg:$0x1c] =	wrdreg s31;
	v13 =	vshra.s32 v13, $0x10;
	(drf) =	srem.u32 s26, $0x7D0  }
0x192: {  	s17 =	sxor.u32 s5, s16;
	s3 =	sshra.s32 s18, $0x1F;
	s26 =	sshra.s32 s25, $0x1F;
	(v2sf) =	vpush v13, $0x0  }
0x193: {  	(drf) =	srem.u32 s1, $0x7D0;
	s1 =	ssub.s32 s17, s5;
	s19 =	sxor.u32 s3, s18;
	(v2sf) =	vpush v13, $0xF  }
0x194: {  	[dreg:$0x1d] =	wrdreg s26;
	s28 =	sxor.u32 s26, s25;
	s29 =	spop (drf)  }
0x195: {  	s17 =	sld [smem:$0x7A0];
	(drf) =	srem.u32 s2, $0x7D0;
	s2 =	sshra.s32 s20, $0x1F  }
0x196: {  	s22 =	ssub.s32 s19, s3;
	s16 =	sxor.u32 s0, s29;
	(drf) =	srem.u32 s10, $0x7D0  }
0x197: {  	s23 =	sxor.u32 s2, s20;
	s0 =	ssub.s32 s16, s0;
	s16 =	sxor.u32 s31, s30  }
0x198: {  	s30 =	sld [smem:$0x7A1];
	(drf) =	srem.u32 s1, $0x7D0;
	s24 =	ssub.s32 s23, s2  }
0x199: {  	[smem:$0x7D0] =	sst s0;
	s18 =	sshra.s32 s17, $0x1F;
	(drf) =	srem.u32 s22, $0x7D0  }
0x19a: {  	s1 =	ssub.s32 s28, s26;
	[dreg:$0x1b] =	wrdreg s18;
	(drf) =	srem.u32 s24, $0x7D0  }
0x19b: {  	s0 =	ssub.s32 s16, s31;
	s24 =	spop (drf);
	s29 =	smulhi.u32 $0x10624DD3, s30  }
0x19c: {  	s20 =	sxor.u32 s18, s17;
	(drf) =	srem.u32 s1, $0x7D0;
	s25 =	spop (drf)  }
0x19d: {  	(drf) =	srem.u32 s0, $0x7D0;
	s0 =	ssub.s32 s20, s18;
	s20 =	sld [smem:$0x7A2]  }
0x19e: {  	s17 =	sxor.u32 s15, s24;
	s28 =	sxor.u32 s12, s25;
	s25 =	sld [smem:$0x7A3]  }
0x19f: {  	s26 =	ssub.s32 s17, s15;
	s15 =	spop (drf);
	(drf) =	srem.u32 s0, $0x7D0  }
0x1a0: {  	[smem:$0x7CF] =	sst s26;
	s17 =	smulhi.u32 $0x10624DD3, s20  }
0x1a1: {  	s31 =	sshra.s32 s30, $0x1F;
	s18 =	smulhi.u32 $0x10624DD3, s25;
	s19 =	spop (v2sf)  }
0x1a2: {  	s26 =	sshra.s32 s25, $0x1F;
	s1 =	sshra.s32 s19, $0x1F;
	s22 =	spop (v2sf)  }
0x1a3: {  	s16 =	sxor.u32 s1, s19;
	s0 =	sshra.s32 s22, $0x1F;
	s19 =	sxor.u32 s9, s15  }
0x1a4: {  	s16 =	ssub.s32 s16, s1;
	s23 =	sxor.u32 s0, s22;
	s9 =	ssub.s32 s19, s9  }
0x1a5: {  	(drf) =	srem.u32 s16, $0x7D0;
	s16 =	ssub.s32 s23, s0;
	s23 =	spop (drf)  }
0x1a6: {  	s22 =	sshra.s32 s20, $0x1F;
	[smem:$0x7D2] =	sst s9;
	(drf) =	srem.u32 s16, $0x7D0  }
0x1a7: {  	s16 =	ssub.s32 s28, s12;
	s12 =	smul.u32 $0x10624DD3, s22;
	s28 =	spop (drf)  }
0x1a8: {  	s24 =	sxor.u32 s13, s23;
	[smem:$0x7D1] =	sst s16;
	s16 =	smul.u32 $0x10624DD3, s31  }
0x1a9: {  	s9 =	ssub.s32 s24, s13;
	s13 =	smul.u32 $0x10624DD3, s26;
	s31 =	sld [smem:$0x7A4]  }
0x1aa: {  	s30 =	sxor.u32 s11, s28;
	s15 =	spop (drf);
	s24 =	sld [smem:$0x7A5]  }
0x1ab: {  	[smem:$0x7D3] =	sst s9;
	s9 =	ssub.s32 s30, s11;
	s26 =	spop (drf)  }
0x1ac: {  	s23 =	sxor.u32 s7, s15;
	s30 =	sld [smem:$0x7A6];
	s19 =	smulhi.u32 $0x10624DD3, s31  }
0x1ad: {  	[smem:$0x7D4] =	sst s9;
	s10 =	sshra.s32 s31, $0x1F;
	s20 =	smulhi.u32 $0x10624DD3, s24  }
0x1ae: {  	s7 =	ssub.s32 s23, s7;
	s25 =	sshra.s32 s24, $0x1F;
	s11 =	smul.u32 $0x10624DD3, s10  }
0x1af: {  	s28 =	sxor.u32 s8, s26;
	s23 =	sld [smem:$0x7AB];
	s9 =	smul.u32 $0x10624DD3, s25  }
0x1b0: {  	[smem:$0x7D5] =	sst s7;
	s7 =	ssub.s32 s28, s8;
	s22 =	smulhi.u32 $0x10624DD3, s30  }
0x1b1: {  	s10 =	spop (drf);
	[smem:$0x7D6] =	sst s7  }
0x1b2: {  	s31 =	sshra.s32 s30, $0x1F;
	s25 =	sld [smem:$0x7A7];
	s15 =	sxor.u32 s6, s10  }
0x1b3: {  	s8 =	smul.u32 $0x10624DD3, s31;
	s31 =	sld [smem:$0x7A8];
	s6 =	ssub.s32 s15, s6  }
0x1b4: {  	s28 =	spop (drf);
	s19 =	sadd.s32 s11, s19;
	[smem:$0x7D7] =	sst s6  }
0x1b5: {  	s30 =	sxor.u32 s4, s28;
	s9 =	sadd.s32 s9, s20;
	[smem:$0x7DF] =	sst s19  }
0x1b6: {  	s28 =	spop (drf);
	s4 =	ssub.s32 s30, s4;
	[smem:$0x7E2] =	sst s9  }
0x1b7: {  	s24 =	smulhi.u32 $0x10624DD3, s25;
	s26 =	sshra.s32 s25, $0x1F;
	[smem:$0x7D8] =	sst s4  }
0x1b8: {  	s25 =	smulhi.u32 $0x10624DD3, s31;
	s15 =	sshra.s32 s31, $0x1F;
	s31 =	sld [smem:$0x7A9]  }
0x1b9: {  	(v2sf) =	vpush v13, $0x1;
	s30 =	sxor.u32 s5, s28;
	s7 =	smul.u32 $0x10624DD3, s26;
	s26 =	sld [smem:$0x7AA]  }
0x1ba: {  	s4 =	ssub.s32 s30, s5;
	s6 =	smul.u32 $0x10624DD3, s15;
	s15 =	spop (drf)  }
0x1bb: {  	[smem:$0x7DA] =	sst s4;
	s4 =	sxor.u32 s3, s15  }
0x1bc: {  	(v2sf) =	vpush v13, $0x2;
	s7 =	sadd.s32 s7, s24;
	s15 =	smulhi.u32 $0x10624DD3, s26;
	s30 =	sshra.s32 s26, $0x1F  }
0x1bd: {  	s26 =	sadd.s32 s16, s29;
	s29 =	sadd.s32 s12, s17;
	s17 =	sld [smem:$0x7AC]  }
0x1be: {  	(v2sf) =	vpush v13, $0x3;
	[smem:$0x7E3] =	sst s7  }
0x1bf: {  	s3 =	ssub.s32 s4, s3;
	s12 =	sld [smem:$0x7AF]  }
0x1c0: {  	[smem:$0x7DC] =	sst s3  }
0x1c1: {  	s28 =	smulhi.u32 $0x10624DD3, s31;
	[smem:$0x7DB] =	sst s26  }
0x1c2: {  	s10 =	sshra.s32 s31, $0x1F;
	s16 =	sadd.s32 s13, s18;
	[smem:$0x7D9] =	sst s29  }
0x1c3: {  	s31 =	spop (drf);
	s6 =	sadd.s32 s6, s25;
	[smem:$0x7DD] =	sst s16  }
0x1c4: {  	(v2sf) =	vpush v13, $0x4;
	s5 =	smul.u32 $0x10624DD3, s10;
	s10 =	sxor.u32 s2, s31;
	s26 =	sld [smem:$0x7AD]  }
0x1c5: {  	s4 =	smul.u32 $0x10624DD3, s30;
	[smem:$0x7E4] =	sst s6;
	s2 =	ssub.s32 s10, s2  }
0x1c6: {  	(v2sf) =	vpush v13, $0x5;
	s3 =	smulhi.u32 $0x10624DD3, s23;
	[smem:$0x7DE] =	sst s2  }
0x1c7: {  	s2 =	sshra.s32 s23, $0x1F;
	s18 =	smulhi.u32 $0x10624DD3, s17;
	s23 =	sadd.s32 s8, s22  }
0x1c8: {  	s24 =	sadd.s32 s4, s15;
	s15 =	smulhi.u32 $0x10624DD3, s12;
	s8 =	spop (v2sf)  }
0x1c9: {  	(v2sf) =	vpush v13, $0x6;
	s30 =	smul.u32 $0x10624DD3, s2;
	[smem:$0x7E1] =	sst s23  }
0x1ca: {  	s2 =	sshra.s32 s17, $0x1F;
	s29 =	smulhi.u32 $0x10624DD3, s26;
	s17 =	spop (drf)  }
0x1cb: {  	s23 =	sadd.s32 s5, s28;
	s5 =	sld [smem:$0x7AE];
	s9 =	spop (v2sf)  }
0x1cc: {  	s16 =	sshra.s32 s12, $0x1F;
	s20 =	smul.u32 $0x10624DD3, s2;
	s19 =	spop (drf)  }
0x1cd: {  	(v2sf) =	vpush v13, $0x7;
	s2 =	sshra.s32 s26, $0x1F;
	[smem:$0x7FD] =	sst s17;
	s17 =	spop (v2sf)  }
0x1ce: {  	(v2sf) =	vpush v13, $0x8;
	s31 =	smul.u32 $0x10624DD3, s2;
	s26 =	sadd.s32 s30, s3;
	[dreg:$0x1f] =	wrdreg s19  }
0x1cf: {  	(v2sf) =	vpush v13, $0x9;
	s30 =	spop (drf);
	s7 =	smulhi.u32 $0x10624DD3, s5;
	s10 =	sshra.s32 s5, $0x1F  }
0x1d0: {  	s28 =	sadd.s32 s20, s18;
	s18 =	smul.u32 $0x10624DD3, s16;
	s20 =	sld [smem:$0x7B0]  }
0x1d1: {  	(v2sf) =	vpush v13, $0xA;
	[dreg:$0x1e] =	wrdreg s30;
	s29 =	sadd.s32 s31, s29;
	s31 =	spop (drf)  }
0x1d2: {  	(v2sf) =	vpush v13, $0xB;
	s11 =	smul.u32 $0x10624DD3, s10;
	s4 =	sadd.s32 s18, s15;
	s5 =	spop (drf)  }
0x1d3: {  	s15 =	sshra.s32 s8, $0x1F;
	s18 =	spop (v2sf);
	s22 =	smulhi.u32 $0x10624DD3, s20  }
0x1d4: {  	(v2sf) =	vpush v13, $0xC;
	s25 =	sshra.s32 s20, $0x1F;
	s3 =	sadd.s32 s11, s7;
	[smem:$0x7E6] =	sst s4  }
0x1d5: {  	(v2sf) =	vpush v13, $0xD;
	s7 =	sxor.u32 s1, s31;
	s10 =	sxor.u32 s15, s8;
	s19 =	spop (v2sf)  }
0x1d6: {  	v12 =	vmul.u32 $0x7BF, v12;
	(v2sf) =	vpush v13, $0xE;
	s11 =	sshra.s32 s18, $0x1F;
	s13 =	smul.u32 $0x10624DD3, s25;
	[smem:$0x7E5] =	sst s3  }
0x1d7: {  	s1 =	ssub.s32 s7, s1;
	s3 =	sxor.u32 s0, s5;
	s12 =	ssub.s32 s10, s15  }
0x1d8: {  	v12 =	vadd.s32 $0x61, v12;
	s20 =	spop (v2sf);
	s2 =	sshra.s32 s19, $0x1F;
	[smem:$0x7E8] =	sst s1  }
0x1d9: {  	(v2sf) =	vpush v12, $0xD;
	s0 =	ssub.s32 s3, s0;
	(drf) =	srem.u32 s12, $0x7D0;
	s12 =	sshra.s32 s17, $0x1F  }
0x1da: {  	s3 =	sxor.u32 s2, s19;
	s4 =	sshra.s32 s20, $0x1F;
	s6 =	sadd.s32 s13, s22  }
0x1db: {  	(v2sf) =	vpush v12, $0xC;
	s13 =	sshra.s32 s9, $0x1F;
	[smem:$0x7E7] =	sst s0;
	s0 =	sxor.u32 s11, s18  }
0x1dc: {  	(v2sf) =	vpush v12, $0xE;
	s22 =	spop (v2sf);
	s3 =	ssub.s32 s3, s2;
	[smem:$0x7E0] =	sst s6  }
0x1dd: {  	(v2sf) =	vpush v12, $0xF;
	s1 =	sxor.u32 s13, s9;
	s0 =	ssub.s32 s0, s11;
	s25 =	spop (v2sf)  }
0x1de: {  	s16 =	ssub.s32 s1, s13;
	s1 =	sxor.u32 s12, s17;
	s30 =	spop (v2sf)  }
0x1df: {  	(v2sf) =	vpush v12, $0x9;
	(drf) =	srem.u32 s16, $0x7D0;
	s1 =	ssub.s32 s1, s12;
	[smem:$0x7ED] =	sst s30  }
0x1e0: {  	s16 =	sxor.u32 s4, s20;
	s31 =	spop (v2sf);
	(drf) =	srem.u32 s1, $0x7D0  }
0x1e1: {  	s30 =	sshra.s32 s22, $0x1F;
	[smem:$0x7F8] =	sst s31;
	s5 =	spop (v2sf)  }
0x1e2: {  	(v2sf) =	vpush v12, $0x8;
	s1 =	ssub.s32 s16, s4;
	(drf) =	srem.u32 s0, $0x7D0;
	[smem:$0x7F9] =	sst s5  }
0x1e3: {  	s7 =	sxor.u32 s30, s22;
	s6 =	spop (v2sf);
	(drf) =	srem.u32 s3, $0x7D0  }
0x1e4: {  	s31 =	sshra.s32 s25, $0x1F;
	[smem:$0x7FA] =	sst s6;
	s8 =	spop (v2sf)  }
0x1e5: {  	s9 =	sxor.u32 s31, s25;
	[smem:$0x7FB] =	sst s8;
	s10 =	spop (v2sf)  }
0x1e6: {  	(v2sf) =	vpush v12, $0xA;
	s3 =	ssub.s32 s7, s30;
	(drf) =	srem.u32 s1, $0x7D0;
	[smem:$0x7FC] =	sst s10  }
0x1e7: {  	s17 =	ssub.s32 s9, s31;
	(drf) =	srem.u32 s3, $0x7D0;
	s18 =	spop (drf)  }
0x1e8: {  	s20 =	spop (v2sf);
	(drf) =	srem.u32 s17, $0x7D0  }
0x1e9: {  	s19 =	sxor.u32 s15, s18;
	s18 =	smulhi.u32 $0x10624DD3, s20;
	s16 =	sshra.s32 s20, $0x1F  }
0x1ea: {  	s1 =	spop (v2sf);
	s8 =	smul.u32 $0x10624DD3, s16  }
0x1eb: {  	s25 =	ssub.s32 s19, s15;
	s19 =	smulhi.u32 $0x10624DD3, s1;
	s6 =	spop (v2sf)  }
0x1ec: {  	s15 =	sshra.s32 s1, $0x1F;
	[smem:$0x7E9] =	sst s25;
	s9 =	spop (v2sf)  }
0x1ed: {  	s15 =	smul.u32 $0x10624DD3, s15;
	s22 =	spop (drf)  }
0x1ee: {  	s16 =	smulhi.u32 $0x10624DD3, s6;
	s10 =	spop (v2sf);
	s3 =	sxor.u32 s13, s22  }
0x1ef: {  	s7 =	spop (drf);
	s0 =	sshra.s32 s10, $0x1F;
	s19 =	sadd.s32 s15, s19  }
0x1f0: {  	(v2sf) =	vpush v12, $0xB;
	s5 =	ssub.s32 s3, s13;
	s13 =	sshra.s32 s6, $0x1F;
	s6 =	smul.u32 $0x10624DD3, s0  }
0x1f1: {  	s20 =	sxor.u32 s12, s7;
	s3 =	spop (v2sf);
	[smem:$0x7F0] =	sst s19  }
0x1f2: {  	[smem:$0x7EA] =	sst s5;
	s25 =	smul.u32 $0x10624DD3, s13;
	s13 =	sshra.s32 s9, $0x1F  }
0x1f3: {  	s17 =	ssub.s32 s20, s12;
	s20 =	spop (drf);
	s5 =	smulhi.u32 $0x10624DD3, s3  }
0x1f4: {  	(v2sf) =	vpush v12, $0x0;
	[smem:$0x7EB] =	sst s17;
	s12 =	smul.u32 $0x10624DD3, s13  }
0x1f5: {  	(v2sf) =	vpush v12, $0x1;
	s13 =	sxor.u32 s11, s20;
	s20 =	smulhi.u32 $0x10624DD3, s10;
	s10 =	spop (v2sf)  }
0x1f6: {  	s22 =	ssub.s32 s13, s11;
	s11 =	sshra.s32 s3, $0x1F;
	s3 =	smulhi.u32 $0x10624DD3, s10  }
0x1f7: {  	s0 =	sshra.s32 s10, $0x1F;
	s10 =	sadd.s32 s8, s18;
	s18 =	sld [smem:$0x7B3]  }
0x1f8: {  	s7 =	smulhi.u32 $0x10624DD3, s9;
	[smem:$0x7EC] =	sst s22  }
0x1f9: {  	s9 =	spop (drf);
	s25 =	sadd.s32 s25, s16;
	[smem:$0x7F2] =	sst s10  }
0x1fa: {  	s13 =	sxor.u32 s2, s9;
	[smem:$0x7F4] =	sst s25  }
0x1fb: {  	s2 =	ssub.s32 s13, s2;
	s25 =	sld [smem:$0x7B4]  }
0x1fc: {  	s17 =	spop (drf);
	s7 =	sadd.s32 s12, s7;
	[smem:$0x7EE] =	sst s2  }
0x1fd: {  	s11 =	smul.u32 $0x10624DD3, s11;
	s6 =	sadd.s32 s6, s20;
	[smem:$0x7F6] =	sst s7  }
0x1fe: {  	s0 =	smul.u32 $0x10624DD3, s0;
	s1 =	sxor.u32 s4, s17;
	[smem:$0x7F3] =	sst s6  }
0x1ff: {  	s22 =	spop (v2sf);
	s1 =	ssub.s32 s1, s4;
	s7 =	sld [smem:$0x7B6]  }
0x200: {  	s13 =	smulhi.u32 $0x10624DD3, s22;
	s2 =	sshra.s32 s22, $0x1F;
	[smem:$0x7EF] =	sst s1  }
0x201: {  	s5 =	sadd.s32 s11, s5;
	s0 =	sadd.s32 s0, s3;
	s3 =	sld [smem:$0x7B8]  }
0x202: {  	s1 =	smul.u32 $0x10624DD3, s2;
	[smem:$0x7F1] =	sst s5  }
0x203: {  	s20 =	sshrl.u32 s18, $0x1F;
	s5 =	sld [smem:$0x7B5];
	s9 =	spop (v2sf)  }
0x204: {  	s11 =	sshra.s32 s18, $0x8;
	s17 =	smulhi.u32 $0x10624DD3, s9;
	s22 =	spop (v2sf)  }
0x205: {  	s2 =	sshra.s32 s9, $0x1F;
	s9 =	smulhi.u32 $0x10624DD3, s22;
	s10 =	sshra.s32 s22, $0x1F  }
0x206: {  	s12 =	sadd.s32 s1, s13;
	s13 =	sld [smem:$0x7B1];
	s16 =	smul.u32 $0x10624DD3, s10  }
0x207: {  	[smem:$0x7F5] =	sst s0;
	s4 =	sshrl.u32 s25, $0x1F;
	s18 =	sshra.s32 s25, $0x1F  }
0x208: {  	s2 =	smul.u32 $0x10624DD3, s2;
	s22 =	sadd.s32 s16, s9;
	s16 =	sld [smem:$0x7B2]  }
0x209: {  	s0 =	sld [smem:$0x7BA];
	s6 =	sshrl.u32 s5, $0x1F;
	s15 =	sshrl.u32 s13, $0x1F  }
0x20a: {  	v33 =	vmov s4;
	v32 =	vmov s15;
	s15 =	sshrl.u32 s3, $0x1F;
	s19 =	sadd.s32 s2, s17;
	s9 =	sshra.s32 s13, $0x8  }
0x20b: {  	v14 =	vnsel vm3, $0x0, v33;
	s13 =	sshra.s32 s5, $0x8;
	s5 =	sld [smem:$0x7B7];
	s17 =	sshrl.u32 s16, $0x1F  }
0x20c: {  	s1 =	sshrl.u32 s0, $0x1F;
	v14 =	vsel vm0, s15, v14;
	v13 =	vsel vm0, s17, v32;
	s17 =	sshra.s32 s25, $0x8;
	s25 =	sld [smem:$0x7B9]  }
0x20d: {  	(v2sf) =	vpush v12, $0x2;
	s8 =	sshra.s32 s7, $0x1F;
	v14 =	vsel vm1, s1, v14;
	s1 =	sld [smem:$0x7BB]  }
0x20e: {  	[smem:$0x7F7] =	sst s12;
	s15 =	sshra.s32 s3, $0x1F;
	s12 =	sshrl.u32 s5, $0x1F  }
0x20f: {  	v34 =	vmov s8;
	v35 =	vmov s12;
	s12 =	sshra.s32 s3, $0x8;
	s3 =	sld [smem:$0x7BD];
	v13 =	vsel vm1, s20, v13;
	s20 =	sshrl.u32 s25, $0x1F  }
0x210: {  	s4 =	sshrl.u32 s1, $0x1F;
	v15 =	vsel vm3, s17, v34;
	v13 =	vsel vm2, s6, v13;
	s6 =	sld [smem:$0x7BC];
	v16 =	vsel vm0, s20, v35  }
0x211: {  	v38 =	vmov s9;
	s10 =	sshra.s32 s16, $0x8;
	v15 =	vsel vm9, s18, v15;
	v16 =	vsel vm1, s4, v16;
	s4 =	sld [smem:$0x7BE]  }
0x212: {  	s2 =	sshra.s32 s0, $0x8;
	s9 =	sshra.s32 s5, $0x8;
	s5 =	sld [smem:$0x7C1];
	v17 =	vsel vm0, s10, v38;
	v15 =	vsel vm0, s12, v15  }
0x213: {  	v39 =	vsel vm1, s11, v17;
	s11 =	sshrl.u32 s21, $0x1F;
	s17 =	sshrl.u32 s3, $0x1F;
	v15 =	vsel vm10, s15, v15;
	s8 =	sshrl.u32 s6, $0x1F  }
0x214: {  	s12 =	sshra.s32 s0, $0x1F;
	v15 =	vsel vm1, s2, v15;
	v36 =	vsel vm2, s8, v14;
	s8 =	sshra.s32 s25, $0x8;
	s18 =	sshrl.u32 s4, $0x1F  }
0x215: {  	s25 =	sld [smem:$0x7BF];
	v18 =	vsel vm11, s12, v15;
	v37 =	vsel vm4, s18, v36;
	s18 =	sshra.s32 s1, $0x8;
	s1 =	sshra.s32 s6, $0x8  }
0x216: {  	s0 =	sshrl.u32 s7, $0x1F;
	s3 =	sshra.s32 s3, $0x8;
	s6 =	sshra.s32 s6, $0x1F;
	v40 =	vsel vm2, s1, v18  }
0x217: {  	(v2sf) =	vpush v12, $0x3;
	v41 =	vmov s9;
	s15 =	sld [smem:$0x7C0];
	s10 =	sshra.s32 s4, $0x8;
	s4 =	sshra.s32 s4, $0x1F;
	v17 =	vsel vm12, s6, v40  }
0x218: {  	v14 =	vsel vm2, s17, v16;
	s20 =	sshrl.u32 s25, $0x1F;
	v18 =	vsel vm0, s8, v41;
	s8 =	sshrl.u32 s5, $0x1F;
	s1 =	sld [smem:$0x7C4];
	v17 =	vsel vm4, s10, v17  }
0x219: {  	s12 =	sshra.s32 s25, $0x8;
	v16 =	vsel vm5, s20, v37;
	s5 =	sshra.s32 s5, $0x8;
	v20 =	vmov s8;
	s8 =	sld [smem:$0x7C9];
	v19 =	vsel vm13, s4, v17  }
0x21a: {  	s17 =	sshrl.u32 s15, $0x1F;
	s25 =	sshra.s32 s25, $0x1F;
	v18 =	vsel vm1, s18, v18;
	v50 =	vmov s5;
	s5 =	sld [smem:$0x7D0];
	v42 =	vsel vm5, s12, v19  }
0x21b: {  	v16 =	vsel vm6, s17, v16;
	s17 =	sshra.s32 s7, $0x8;
	s7 =	sshrl.u32 s14, $0x1F;
	v17 =	vsel vm2, s3, v18;
	v18 =	vsel vm14, s25, v42;
	s25 =	sld [smem:$0x7C2]  }
0x21c: {  	s6 =	spop (v2sf);
	v15 =	vsel vm7, s0, v16;
	s0 =	sshra.s32 s14, $0x8;
	v43 =	vmov s7;
	s7 =	sld [smem:$0x7C3]  }
0x21d: {  	s18 =	smulhi.u32 $0x10624DD3, s6;
	s3 =	sshra.s32 s6, $0x1F;
	s6 =	sld [smem:$0x7C6];
	v19 =	vnsel vm3, $0x0, v43  }
0x21e: {  	s4 =	sshra.s32 s14, $0x1F;
	v19 =	vsel vm0, s11, v19;
	s11 =	sld [smem:$0x7C5];
	s9 =	sshrl.u32 s25, $0x1F  }
0x21f: {  	s14 =	sshrl.u32 s1, $0x1F;
	s12 =	sshrl.u32 s7, $0x1F;
	v20 =	vsel vm0, s9, v20;
	s9 =	sld [smem:$0x7C7]  }
0x220: {  	v16 =	vsel vm2, s13, v39;
	s13 =	sshra.s32 s15, $0x8;
	v21 =	vsel vm1, s14, v19;
	s14 =	sshra.s32 s8, $0x1F;
	v20 =	vsel vm1, s12, v20;
	s12 =	sld [smem:$0x7C8]  }
0x221: {  	(v2sf) =	vpush v12, $0x4;
	s15 =	sshra.s32 s15, $0x1F;
	v18 =	vsel vm6, s13, v18;
	v22 =	vmov s14;
	s14 =	sld [smem:$0x7CB]  }
0x222: {  	s16 =	sshrl.u32 s6, $0x1F;
	s13 =	sld [smem:$0x7CC];
	v18 =	vsel vm15, s15, v18  }
0x223: {  	(v2sf) =	vpush v12, $0x5;
	v45 =	vsel vm2, s16, v21;
	s15 =	sshrl.u32 s11, $0x1F;
	v18 =	vsel vm7, s17, v18;
	s17 =	sshrl.u32 s9, $0x1F;
	s20 =	sshrl.u32 s12, $0x1F  }
0x224: {  	v44 =	vsel vm2, s15, v20;
	v46 =	vmov s17;
	s17 =	sshrl.u32 s14, $0x1F;
	v20 =	vsel vm4, s20, v45;
	s20 =	sld [smem:$0x7CA]  }
0x225: {  	v20 =	vsel vm5, s17, v20;
	s17 =	sld [smem:$0x7CD]  }
0x226: {  	s2 =	smul.u32 $0x10624DD3, s3;
	s3 =	spop (v2sf);
	s7 =	sshra.s32 s7, $0x8  }
0x227: {  	s16 =	smulhi.u32 $0x10624DD3, s3;
	v22 =	vsel vm3, s0, v22;
	s0 =	sshra.s32 s3, $0x1F;
	s15 =	sshrl.u32 s20, $0x1F  }
0x228: {  	s10 =	sshrl.u32 s13, $0x1F;
	v23 =	vsel vm9, s4, v22;
	s4 =	sshrl.u32 s8, $0x1F;
	v21 =	vsel vm0, s15, v46;
	s15 =	sshrl.u32 s17, $0x1F  }
0x229: {  	s0 =	smul.u32 $0x10624DD3, s0;
	v21 =	vsel vm1, s10, v21;
	v20 =	vsel vm6, s15, v20;
	s15 =	sld [smem:$0x7CE];
	s10 =	sshra.s32 s21, $0x8  }
0x22a: {  	s13 =	sshra.s32 s13, $0x8;
	v49 =	vsel vm0, s10, v23;
	s10 =	sshra.s32 s21, $0x1F;
	s21 =	sld [smem:$0x7CF]  }
0x22b: {  	v48 =	vsel vm7, s4, v20;
	s4 =	sshra.s32 s1, $0x8;
	v20 =	vsel vm10, s10, v49;
	s10 =	sadd.s32 s2, s18;
	s18 =	sld [smem:$0x7D1]  }
0x22c: {  	s2 =	sshra.s32 s20, $0x8;
	s20 =	sshra.s32 s12, $0x1F;
	s3 =	sshrl.u32 s15, $0x1F  }
0x22d: {  	v20 =	vsel vm1, s4, v20;
	s4 =	sld [smem:$0x7D2];
	v47 =	vsel vm2, s3, v21;
	v24 =	vmov s21;
	s3 =	sshra.s32 s25, $0x8;
	s25 =	sadd.s32 s0, s16  }
0x22e: {  	s16 =	sshra.s32 s1, $0x1F;
	v24 =	vsel vm3, s5, v24;
	s5 =	sshra.s32 s9, $0x8;
	s9 =	sld [smem:$0x7D3]  }
0x22f: {  	s21 =	sshra.s32 s11, $0x8;
	v23 =	vsel vm0, s3, v50;
	v20 =	vsel vm11, s16, v20;
	s16 =	sshra.s32 s12, $0x8;
	s12 =	sld [smem:$0x7D6]  }
0x230: {  	s1 =	sshra.s32 s6, $0x8;
	v23 =	vsel vm1, s7, v23;
	v24 =	vsel vm9, s18, v24;
	s7 =	spop (v2sf);
	v25 =	vmov s5;
	s18 =	sld [smem:$0x7D4]  }
0x231: {  	s6 =	sshra.s32 s6, $0x1F;
	s5 =	sld [smem:$0x7D5];
	v24 =	vsel vm0, s4, v24;
	s0 =	smulhi.u32 $0x10624DD3, s7;
	v25 =	vsel vm0, s2, v25  }
0x232: {  	v23 =	vsel vm2, s21, v23;
	s11 =	sshra.s32 s7, $0x1F;
	s21 =	spop (v2sf);
	v24 =	vsel vm10, s9, v24;
	v25 =	vsel vm1, s13, v25;
	s13 =	sld [smem:$0x7DD]  }
0x233: {  	v20 =	vsel vm2, s1, v20;
	s3 =	smul.u32 $0x10624DD3, s11;
	s7 =	sshra.s32 s21, $0x1F;
	v24 =	vsel vm1, s18, v24;
	s18 =	sld [smem:$0x7D7]  }
0x234: {  	v20 =	vsel vm12, s6, v20;
	s4 =	smul.u32 $0x10624DD3, s7;
	s7 =	sld [smem:$0x7DA]  }
0x235: {  	v20 =	vsel vm4, s16, v20;
	s6 =	smulhi.u32 $0x10624DD3, s21;
	s21 =	sadd.s32 s3, s0;
	s3 =	sld [smem:$0x7D8]  }
0x236: {  	s9 =	sshra.s32 s14, $0x8;
	v20 =	vsel vm13, s20, v20;
	v24 =	vsel vm11, s5, v24;
	s5 =	sld [smem:$0x7D9]  }
0x237: {  	s1 =	sshra.s32 s17, $0x8;
	s16 =	sshra.s32 s14, $0x1F;
	v20 =	vsel vm5, s9, v20;
	s9 =	sld [smem:$0x7DB]  }
0x238: {  	(v2sf) =	vpush v12, $0x6;
	s20 =	sshra.s32 s15, $0x8;
	s15 =	sshrl.u32 s23, $0x1F;
	v24 =	vsel vm2, s12, v24;
	s12 =	sld [smem:$0x7DC]  }
0x239: {  	v26 =	vsel vm2, s20, v25;
	v20 =	vsel vm14, s16, v20;
	s20 =	sadd.s32 s4, s6;
	s4 =	sshra.s32 s17, $0x1F;
	s16 =	sld [smem:$0x7DE];
	v24 =	vsel vm12, s18, v24  }
0x23a: {  	v24 =	vsel vm4, s3, v24;
	s11 =	sshrl.u32 s9, $0x1F;
	s3 =	sshra.s32 s9, $0x7;
	s9 =	sld [smem:$0x7DF]  }
0x23b: {  	(v2sf) =	vpush v12, $0x7;
	v20 =	vsel vm6, s1, v20;
	s6 =	sshrl.u32 s5, $0x1F;
	s0 =	sshra.s32 s5, $0x7;
	s5 =	sld [smem:$0x7E0]  }
0x23c: {  	s8 =	sshra.s32 s8, $0x8;
	v55 =	vmov s15;
	s14 =	sshrl.u32 s13, $0x1F;
	s2 =	sshra.s32 s13, $0x7;
	v20 =	vsel vm15, s4, v20;
	v51 =	vsel vm13, s7, v24  }
0x23d: {  	v27 =	vmov s6;
	v52 =	vsel vm7, s8, v20;
	s8 =	sld [smem:$0x7E1];
	s6 =	sshrl.u32 s24, $0x1F;
	s7 =	sshra.s32 s23, $0x7;
	v53 =	vsel vm5, s12, v51  }
0x23e: {  	v54 =	vsel vm0, s11, v27;
	v27 =	vnsel vm3, $0x0, v55;
	s12 =	sshra.s32 s23, $0x1F;
	v20 =	vsel vm14, s16, v53;
	s17 =	sshrl.u32 s9, $0x1F;
	s18 =	sshra.s32 s5, $0x1F  }
0x23f: {  	v25 =	vsel vm1, s14, v54;
	v27 =	vsel vm0, s6, v27;
	s6 =	sld [smem:$0x7E2];
	s14 =	sshrl.u32 s26, $0x1F;
	s16 =	sshrl.u32 s28, $0x1F;
	v28 =	vmov s18  }
0x240: {  	v25 =	vsel vm2, s17, v25;
	s1 =	sshrl.u32 s8, $0x1F;
	s17 =	sshra.s32 s24, $0x7;
	v28 =	vsel vm3, s7, v28;
	s7 =	sld [smem:$0x7E3]  }
0x241: {  	v27 =	vsel vm1, s14, v27;
	s18 =	sshra.s32 s24, $0x1F;
	s24 =	sshrl.u32 s29, $0x1F;
	v29 =	vmov s1;
	s1 =	sld [smem:$0x7E4]  }
0x242: {  	v30 =	vsel vm2, s16, v27;
	s16 =	sshra.s32 s26, $0x1F;
	v28 =	vsel vm9, s12, v28;
	s12 =	sshra.s32 s9, $0x7;
	s9 =	sld [smem:$0x7E5]  }
0x243: {  	v58 =	vmov s0;
	s13 =	sshrl.u32 s6, $0x1F;
	v57 =	vsel vm4, s24, v30;
	s0 =	sshra.s32 s6, $0x7;
	s6 =	sld [smem:$0x7E6]  }
0x244: {  	v30 =	vsel vm0, s3, v58;
	s24 =	sshra.s32 s28, $0x7;
	v29 =	vsel vm0, s13, v29;
	v28 =	vsel vm0, s17, v28;
	s13 =	sld [smem:$0x7EE];
	s15 =	sshrl.u32 s7, $0x1F  }
0x245: {  	v60 =	vsel vm1, s2, v30;
	s23 =	sshrl.u32 s1, $0x1F;
	v28 =	vsel vm10, s18, v28;
	s18 =	sshra.s32 s8, $0x7;
	s2 =	sshra.s32 s7, $0x7  }
0x246: {  	s7 =	sld [smem:$0x7E7];
	v29 =	vsel vm1, s15, v29;
	s14 =	sshrl.u32 s9, $0x1F;
	s15 =	sshra.s32 s26, $0x7  }
0x247: {  	s17 =	sshrl.u32 s6, $0x1F;
	s26 =	sshra.s32 s28, $0x1F;
	s28 =	spop (v2sf)  }
0x248: {  	v32 =	vmov s18;
	s18 =	sld [smem:$0x7E9];
	v56 =	vsel vm2, s23, v29;
	v28 =	vsel vm1, s15, v28;
	s23 =	sshrl.u32 s5, $0x1F;
	s8 =	smulhi.u32 $0x10624DD3, s28  }
0x249: {  	v29 =	vsel vm5, s14, v57;
	s14 =	sshra.s32 s29, $0x7;
	s15 =	sld [smem:$0x7E8];
	v31 =	vsel vm11, s16, v28;
	s16 =	sshra.s32 s29, $0x1F  }
0x24a: {  	v32 =	vsel vm0, s0, v32;
	v29 =	vsel vm6, s17, v29;
	v62 =	vmov s7;
	s17 =	spop (v2sf);
	s29 =	sshra.s32 s1, $0x7;
	s1 =	sshra.s32 s9, $0x1F  }
0x24b: {  	v32 =	vsel vm1, s2, v32;
	s2 =	sld [smem:$0x7EB];
	s7 =	sshra.s32 s6, $0x7;
	v59 =	vsel vm7, s23, v29;
	v29 =	vsel vm2, s12, v60;
	s12 =	sshra.s32 s28, $0x1F  }
0x24c: {  	v61 =	vsel vm2, s24, v31;
	s23 =	smulhi.u32 $0x10624DD3, s17;
	s24 =	sshra.s32 s17, $0x1F;
	s28 =	sld [smem:$0x7EA]  }
0x24d: {  	v30 =	vsel vm12, s26, v61;
	s11 =	smul.u32 $0x10624DD3, s12;
	s26 =	sshra.s32 s9, $0x7;
	s9 =	sld [smem:$0x7EC]  }
0x24e: {  	v31 =	vsel vm3, s15, v62;
	s3 =	smul.u32 $0x10624DD3, s24;
	s12 =	sld [smem:$0x7ED];
	s15 =	sshrl.u32 s22, $0x1F  }
0x24f: {  	v30 =	vsel vm4, s14, v30;
	s14 =	sshra.s32 s5, $0x7;
	s5 =	sld [smem:$0x7F5];
	s4 =	sadd.s32 s11, s8  }
0x250: {  	v31 =	vsel vm9, s18, v31;
	v30 =	vsel vm13, s16, v30;
	s8 =	sshrl.u32 s19, $0x1F;
	s3 =	sadd.s32 s3, s23;
	s16 =	sld [smem:$0x7EF]  }
0x251: {  	v31 =	vsel vm0, s28, v31;
	s11 =	sshra.s32 s6, $0x1F;
	s23 =	sshrl.u32 s10, $0x1F;
	v30 =	vsel vm5, s26, v30;
	v33 =	vmov s8;
	s8 =	sld [smem:$0x7F0]  }
0x252: {  	v13 =	vcombine.low v14, v13;
	s28 =	sshrl.u32 s25, $0x1F;
	v31 =	vsel vm10, s2, v31;
	s2 =	sshra.s32 s12, $0x1F;
	v30 =	vsel vm14, s1, v30;
	s1 =	sld [smem:$0x7F2]  }
0x253: {  	v31 =	vsel vm1, s9, v31;
	v33 =	vnsel vm3, $0x0, v33;
	s6 =	sshrl.u32 s5, $0x1F;
	s9 =	sshrl.u32 s21, $0x1F;
	v30 =	vsel vm6, s7, v30;
	s7 =	sld [smem:$0x7F3]  }
0x254: {  	v31 =	vsel vm11, s13, v31;
	v40 =	vsel vm0, s15, v33;
	s15 =	sld [smem:$0x7F6];
	v30 =	vsel vm15, s11, v30;
	s11 =	sxor.u32 s2, s12;
	s17 =	sshrl.u32 s8, $0x1F  }
0x255: {  	v16 =	vcombine.low v17, v16;
	v63 =	vsel vm2, s16, v31;
	v31 =	vsel vm1, s23, v40;
	s12 =	sld [smem:$0x7F4];
	s23 =	sshra.s32 s8, $0x7;
	s8 =	sshra.s32 s25, $0x1F  }
0x256: {  	v13 =	vperm.xlane v13, v4;
	v34 =	vsel vm7, s14, v30;
	s14 =	sld [smem:$0x7F1];
	s24 =	sshrl.u32 s1, $0x1F;
	v31 =	vsel vm2, s28, v31;
	s28 =	sshra.s32 s1, $0x7  }
0x257: {  	v15 =	vperm.xlane v15, v5;
	v16 =	vperm.xlane v16, v4;
	v36 =	vmov s23;
	s1 =	sshra.s32 s19, $0x7;
	s23 =	ssub.s32 s11, s2;
	s11 =	sld [smem:$0x7FB]  }
0x258: {  	v18 =	vperm.xlane v18, v5;
	v41 =	vmov s17;
	s26 =	sshrl.u32 s7, $0x1F;
	v31 =	vsel vm4, s9, v31;
	s16 =	sshrl.u32 s15, $0x1F;
	s9 =	sld [smem:$0x7F7]  }
0x259: {  	v13 =	vsel vm8, v15, v13;
	v33 =	vsel vm0, s24, v41;
	s24 =	sshrl.u32 s4, $0x1F;
	s15 =	sshra.s32 s15, $0x7;
	(drf) =	srem.u32 s23, $0x7D0  }
0x25a: {  	v16 =	vsel vm8, v18, v16;
	v32 =	vsel vm2, s29, v32;
	v36 =	vsel vm0, s28, v36;
	s28 =	sshra.s32 s10, $0x1F;
	s29 =	sshrl.u32 s12, $0x1F;
	s12 =	sshra.s32 s12, $0x7  }
0x25b: {  	v13 =	vadd.s32 v13, v16;
	s18 =	sshrl.u32 s14, $0x1F;
	v33 =	vsel vm1, s29, v33;
	s29 =	sshrl.u32 s3, $0x1F;
	s13 =	sshra.s32 s14, $0x7  }
0x25c: {  	v43 =	vcombine.low v47, v44;
	v44 =	vcombine.low v26, v23;
	s14 =	sshra.s32 s19, $0x1F;
	v36 =	vsel vm1, s12, v36;
	s19 =	sshra.s32 s5, $0x7;
	s5 =	sld [smem:$0x7F9]  }
0x25d: {  	v35 =	vmov s18;
	s17 =	sshrl.u32 s9, $0x1F;
	s18 =	sshrl.u32 s20, $0x1F;
	v33 =	vsel vm2, s16, v33;
	v38 =	vmov s13;
	s16 =	sshra.s32 s7, $0x7  }
0x25e: {  	v36 =	vsel vm2, s15, v36;
	s15 =	sshra.s32 s21, $0x1F;
	v35 =	vsel vm0, s26, v35;
	v31 =	vsel vm5, s18, v31;
	s26 =	sshra.s32 s3, $0x1F;
	s18 =	sld [smem:$0x7F8]  }
0x25f: {  	v38 =	vsel vm0, s16, v38;
	s16 =	sshra.s32 s20, $0x7;
	s3 =	sshra.s32 s3, $0x7;
	v35 =	vsel vm1, s6, v35;
	v31 =	vsel vm6, s24, v31;
	s24 =	sshra.s32 s10, $0x7  }
0x260: {  	v21 =	vperm.xlane v48, v5;
	v37 =	vmov s26;
	s10 =	sshra.s32 s21, $0x7;
	s21 =	spop (drf);
	v35 =	vsel vm2, s17, v35;
	s17 =	sshra.s32 s22, $0x7  }
0x261: {  	v17 =	vperm.xlane v43, v4;
	v46 =	vperm.xlane v44, v4;
	v37 =	vsel vm3, s1, v37;
	s22 =	sshra.s32 s22, $0x1F;
	s1 =	sshra.s32 s5, $0x1F;
	s0 =	sshra.s32 s18, $0x1F  }
0x262: {  	v47 =	vperm.xlane v52, v5;
	v31 =	vsel vm7, s29, v31;
	s29 =	sshra.s32 s25, $0x7;
	v37 =	vsel vm9, s14, v37;
	s7 =	sxor.u32 s1, s5;
	s6 =	sxor.u32 s0, s18  }
0x263: {  	v6 =	vadd.s32 v1, v6;
	v13 =	vmul.u32 $0x2EE0, v13;
	v37 =	vsel vm0, s17, v37;
	s7 =	ssub.s32 s7, s1;
	s17 =	sld [smem:$0x7FC];
	s18 =	sshra.s32 s20, $0x1F  }
0x264: {  	v17 =	vsel vm8, v21, v17;
	v15 =	vsel vm8, v47, v46;
	v42 =	vsel vm10, s22, v37;
	s26 =	ssub.s32 s6, s0;
	s6 =	sshra.s32 s9, $0x7;
	s9 =	sld [smem:$0x7FA]  }
0x265: {  	v48 =	vcombine.low v56, v25;
	v38 =	vsel vm1, s19, v38;
	s20 =	sshra.s32 s4, $0x7;
	s4 =	sshra.s32 s4, $0x1F;
	s22 =	spop (drf);
	v14 =	vsel vm1, s24, v42  }
0x266: {  	v49 =	vcombine.low v32, v29;
	(drf) =	srem.u32 s26, $0x7D0;
	v45 =	vsel vm2, s6, v38;
	s6 =	sshra.s32 s11, $0x1F;
	s23 =	spop (drf);
	v14 =	vsel vm11, s28, v14  }
0x267: {  	v18 =	vperm.xlane v48, v4;
	v50 =	vperm.xlane v59, v5;
	s26 =	rddreg [dreg:$0x1d];
	(drf) =	srem.u32 s7, $0x7D0;
	v14 =	vsel vm2, s29, v14;
	s5 =	sshra.s32 s9, $0x1F  }
0x268: {  	v19 =	vperm.xlane v49, v4;
	v51 =	vperm.xlane v34, v5;
	s13 =	sxor.u32 s6, s11;
	s7 =	sshra.s32 s17, $0x1F;
	v14 =	vsel vm12, s8, v14;
	s8 =	sxor.u32 s5, s9  }
0x269: {  	v7 =	vsub.s32 v7, v13;
	v15 =	vadd.s32 v17, v15;
	s28 =	sld [smem:$0x7FD];
	s14 =	ssub.s32 s13, s6;
	v14 =	vsel vm4, s10, v14;
	s12 =	ssub.s32 s8, s5  }
0x26a: {  	v52 =	vsel vm8, v50, v18;
	v53 =	vsel vm8, v51, v19;
	s19 =	sxor.u32 s7, s17;
	s17 =	rddreg [dreg:$0x1b];
	(drf) =	srem.u32 s12, $0x7D0;
	v14 =	vsel vm13, s15, v14  }
0x26b: {  	v15 =	vmul.u32 $0x2EE0, v15;
	v16 =	vadd.s32 v52, v53;
	s10 =	ssub.s32 s19, s7;
	s8 =	sxor.u32 s30, s21;
	(drf) =	srem.u32 s14, $0x7D0;
	v14 =	vsel vm5, s16, v14  }
0x26c: {  	v7 =	vadd.s32 v0, v7;
	v16 =	vmul.u32 $0x7D0, v16;
	s11 =	sxor.u32 s26, s28;
	s15 =	rddreg [dreg:$0x1f];
	v14 =	vsel vm14, s18, v14;
	(drf) =	srem.u32 s10, $0x7D0  }
0x26d: {  	v9 =	vsub.s32 v9, v15;
	v54 =	vcombine.low v35, v33;
	s8 =	ssub.s32 s8, s30;
	s10 =	sxor.u32 s31, s22;
	s18 =	rddreg [dreg:$0x1e];
	v14 =	vsel vm6, s20, v14  }
0x26e: {  	v11 =	vsub.s32 v11, v16;
	v55 =	vcombine.low v45, v36;
	s11 =	ssub.s32 s11, s26;
	s10 =	ssub.s32 s10, s31;
	s31 =	rddreg [dreg:$0x1c];
	v14 =	vsel vm15, s4, v14  }
0x26f: {  	v56 =	vperm.xlane v31, v5;
	v17 =	vperm.xlane v54, v4;
	s9 =	sxor.u32 s17, s18;
	s20 =	rddreg [dreg:$0x1a];
	s24 =	spop (drf);
	v14 =	vsel vm7, s3, v14  }
0x270: {  	v18 =	vperm.xlane v55, v4;
	v57 =	vsel vm12, s8, v63;
	s13 =	sxor.u32 s31, s15;
	s4 =	sxor.u32 s2, s23;
	s21 =	ssub.s32 s9, s17;
	v14 =	vperm.xlane v14, v5  }
0x271: {  	v58 =	vsel vm8, v56, v17;
	v60 =	vsel vm6, s11, v20;
	v59 =	vsel vm4, s10, v57;
	[tilespmem:s20+$0x600] =	vst v7;
	s25 =	spop (drf);
	s13 =	ssub.s32 s13, s31;
	s16 =	sxor.u32 s0, s24  }
0x272: {  	v7 =	vadd.s32 v0, v9;
	[tilespmem:s20+$0xA00] =	vst v6;
	s2 =	ssub.s32 s4, s2;
	s31 =	rddreg [dreg:$0x19];
	s0 =	ssub.s32 s16, s0;
	v61 =	vsel vm15, s13, v60;
	v14 =	vsel vm8, v14, v18  }
0x273: {  	[tilespmem:s20+$0x800] =	vst v7;
	v15 =	vsel vm13, s2, v59;
	s19 =	sxor.u32 s1, s25;
	p0 =	sne.s32 s31, $0x7C0;
	v7 =	vsel vm7, s21, v61;
	s29 =	spop (drf);
	v6 =	vadd.s32 v58, v14  }
0x274: {  	v15 =	vsel vm5, s0, v15;
	s22 =	ssub.s32 s19, s1;
	v7 =	vadd.s32 v7, v2;
	s30 =	spop (drf);
	s23 =	sxor.u32 s5, s29;
	v6 =	vmul.u32 $0x7D0, v6  }
0x275: {  	v62 =	vsel vm14, s22, v15;
	[tilespmem:s20+$0xC00] =	vst v7;
	v7 =	vadd.s32 v2, v11;
	s24 =	ssub.s32 s23, s5;
	s25 =	sxor.u32 s6, s30;
	s26 =	spop (drf)  }
.Ltmp0:
0x276: {  	[tilespmem:s20+$0xE00] =	vst v7;
	v7 =	vadd.s32 v3, v8;
	v9 =	vsel vm6, s24, v62;
	s28 =	ssub.s32 s25, s6;
	s29 =	sxor.u32 s7, s26;
	v6 =	vsub.s32 v12, v6;
	(pc) =	sbr.rel @p0 .LBB2_2-.Ltmp0, $4  }
0x277: {  	[tilespmem:s20+$0x1000] =	vst v7;
	v9 =	vsel vm15, s28, v9;
	s30 =	ssub.s32 s29, s7;
	v6 =	vadd.s32 v2, v6  }
0x278: {  	v63 =	vsel vm7, s30, v9;
	[tilespmem:s20+$0x1400] =	vst v6;
	v6 =	vadd.s32 v3, v10  }
0x279: {  	v7 =	vadd.s32 v63, v2;
	[tilespmem:s20+$0x1600] =	vst v6  }
0x27a: {  	s0 =	sadd.s32 $0x40, s31;
	[tilespmem:s20+$0x1200] =	vst v7  }
0x27b: {  	s0 =	rddreg [dreg:$0x5]  }
0x27c: {  	s1 =	simm.s32 $0x80;
	s2 =	simm.s32 $0x600;
	s3 =	simm.s32 $0x1800  }
0x27d: {  	[tilespmem:s3], [sflag:$0x1] =	stream.indirect.gather [hbm4b:s0+s1], $0x14, s2, s1, $0xb8;
	[tilespmem:$0x16800] =	vst v63  }
0x27e: {  	s18 =	simm.s32 $0x680;
	s4 =	simm.s32 $0x2400  }
0x27f: {  	[tilespmem:s4], [sflag:$0x1] =	stream.indirect.gather [hbm4b:s0+s1], $0x14, s18, s1, $0xb8;
	[tilespmem:$0x16800] =	vst v63  }
0x280: {  	s19 =	simm.s32 $0x700;
	s20 =	simm.s32 $0x3000  }
0x281: {  	[tilespmem:s20], [sflag:$0x1] =	stream.indirect.gather [hbm4b:s0+s1], $0x14, s19, s1, $0xb8;
	[tilespmem:$0x16800] =	vst v63  }
0x282: {  	s21 =	simm.s32 $0x780;
	s22 =	simm.s32 $0x3C00  }
0x283: {  	[tilespmem:s22], [sflag:$0x1] =	stream.indirect.gather [hbm4b:s0+s1], $0x14, s21, s1, $0xb8;
	[tilespmem:$0x16800] =	vst v63  }
0x284: {  	s23 =	simm.s32 $0x800;
	s5 =	simm.s32 $0x4800  }
0x285: {  	[tilespmem:s5], [sflag:$0x1] =	stream.indirect.gather [hbm4b:s0+s1], $0x14, s23, s1, $0xb8;
	[tilespmem:$0x16800] =	vst v63  }
0x286: {  	s24 =	simm.s32 $0x880;
	s25 =	simm.s32 $0x5400  }
0x287: {  	[tilespmem:s25], [sflag:$0x1] =	stream.indirect.gather [hbm4b:s0+s1], $0x14, s24, s1, $0xb8;
	[tilespmem:$0x16800] =	vst v63  }
0x288: {  	s26 =	simm.s32 $0x900;
	s28 =	simm.s32 $0x6000  }
0x289: {  	[tilespmem:s28], [sflag:$0x1] =	stream.indirect.gather [hbm4b:s0+s1], $0x14, s26, s1, $0xb8;
	[tilespmem:$0x16800] =	vst v63  }
0x28a: {  	s29 =	simm.s32 $0x980;
	s30 =	simm.s32 $0x6C00  }
0x28b: {  	[tilespmem:s30], [sflag:$0x1] =	stream.indirect.gather [hbm4b:s0+s1], $0x14, s29, s1, $0xb8;
	[tilespmem:$0x16800] =	vst v63  }
0x28c: {  	s31 =	rddreg [dreg:$0x6];
	s6 =	simm.s32 $0x7800;
	s4 =	simm.s32 $0xC00  }
0x28d: {  	[tilespmem:s6], [sflag:$0x1] =	stream.indirect.gather [hbm4b:s31+s1], $0x14, s4, s1, $0xb8;
	[tilespmem:$0x16800] =	vst v63  }
0x28e: {  	s7 =	simm.s32 $0xC80;
	s8 =	simm.s32 $0x8400  }
0x28f: {  	[tilespmem:s8], [sflag:$0x1] =	stream.indirect.gather [hbm4b:s31+s1], $0x14, s7, s1, $0xb8;
	[tilespmem:$0x16800] =	vst v63  }
0x290: {  	s9 =	simm.s32 $0xD00;
	s10 =	simm.s32 $0x9000  }
0x291: {  	[tilespmem:s10], [sflag:$0x1] =	stream.indirect.gather [hbm4b:s31+s1], $0x14, s9, s1, $0xb8;
	[tilespmem:$0x16800] =	vst v63  }
0x292: {  	s11 =	simm.s32 $0xD80;
	s12 =	simm.s32 $0x9C00  }
0x293: {  	[tilespmem:s12], [sflag:$0x1] =	stream.indirect.gather [hbm4b:s31+s1], $0x14, s11, s1, $0xb8;
	[tilespmem:$0x16800] =	vst v63  }
0x294: {  	s13 =	simm.s32 $0xE00;
	s7 =	simm.s32 $0xA800  }
0x295: {  	[tilespmem:s7], [sflag:$0x1] =	stream.indirect.gather [hbm4b:s31+s1], $0x14, s13, s1, $0xb8;
	[tilespmem:$0x16800] =	vst v63  }
0x296: {  	s14 =	simm.s32 $0xE80;
	s15 =	simm.s32 $0xB400  }
0x297: {  	[tilespmem:s15], [sflag:$0x1] =	stream.indirect.gather [hbm4b:s31+s1], $0x14, s14, s1, $0xb8;
	[tilespmem:$0x16800] =	vst v63  }
0x298: {  	s16 =	simm.s32 $0xF00;
	s17 =	simm.s32 $0xC000  }
0x299: {  	[tilespmem:s17], [sflag:$0x1] =	stream.indirect.gather [hbm4b:s31+s1], $0x14, s16, s1, $0xb8;
	[tilespmem:$0x16800] =	vst v63  }
0x29a: {  	s18 =	simm.s32 $0xF80;
	s19 =	simm.s32 $0xCC00  }
0x29b: {  	[tilespmem:s19], [sflag:$0x1] =	stream.indirect.gather [hbm4b:s31+s1], $0x14, s18, s1, $0xb8;
	[tilespmem:$0x16800] =	vst v63  }
0x29c: {  	s20 =	rddreg [dreg:$0x7];
	s21 =	simm.s32 $0x1200;
	s8 =	simm.s32 $0xD800  }
0x29d: {  	[tilespmem:s8], [sflag:$0x1] =	stream.indirect.gather [hbm4b:s20+s1], $0x14, s21, s1, $0xb8;
	[tilespmem:$0x16800] =	vst v63  }
0x29e: {  	s22 =	simm.s32 $0x1280;
	s23 =	simm.s32 $0xE400  }
0x29f: {  	[tilespmem:s23], [sflag:$0x1] =	stream.indirect.gather [hbm4b:s20+s1], $0x14, s22, s1, $0xb8;
	[tilespmem:$0x16800] =	vst v63  }
0x2a0: {  	s24 =	simm.s32 $0x1300;
	s25 =	simm.s32 $0xF000  }
0x2a1: {  	[tilespmem:s25], [sflag:$0x1] =	stream.indirect.gather [hbm4b:s20+s1], $0x14, s24, s1, $0xb8;
	[tilespmem:$0x16800] =	vst v63  }
0x2a2: {  	s26 =	simm.s32 $0x1380;
	s28 =	simm.s32 $0xFC00  }
0x2a3: {  	[tilespmem:s28], [sflag:$0x1] =	stream.indirect.gather [hbm4b:s20+s1], $0x14, s26, s1, $0xb8;
	[tilespmem:$0x16800] =	vst v63  }
0x2a4: {  	s29 =	simm.s32 $0x1400;
	s9 =	simm.s32 $0x10800  }
0x2a5: {  	[tilespmem:s9], [sflag:$0x1] =	stream.indirect.gather [hbm4b:s20+s1], $0x14, s29, s1, $0xb8;
	[tilespmem:$0x16800] =	vst v63  }
0x2a6: {  	s30 =	simm.s32 $0x1480;
	s31 =	simm.s32 $0x11400  }
0x2a7: {  	[tilespmem:s31], [sflag:$0x1] =	stream.indirect.gather [hbm4b:s20+s1], $0x14, s30, s1, $0xb8;
	[tilespmem:$0x16800] =	vst v63  }
0x2a8: {  	s10 =	simm.s32 $0x1500;
	s11 =	simm.s32 $0x12000  }
0x2a9: {  	[tilespmem:s11], [sflag:$0x1] =	stream.indirect.gather [hbm4b:s20+s1], $0x14, s10, s1, $0xb8;
	[tilespmem:$0x16800] =	vst v63  }
0x2aa: {  	s12 =	simm.s32 $0x1580;
	s13 =	simm.s32 $0x12C00  }
0x2ab: {  	[tilespmem:s13], [sflag:$0x1] =	stream.indirect.gather [hbm4b:s20+s1], $0x14, s12, s1, $0xb8;
	[tilespmem:$0x16800] =	vst v63  }
0x2ac: {  	s14 =	rddreg [dreg:$0x8];
	s15 =	simm.s32 $0xA00;
	s11 =	simm.s32 $0x13800  }
0x2ad: {  	[tilespmem:s11], [sflag:$0x1] =	stream.indirect.gather [hbm4b:s14+s1], $0x2, s15, s1, $0xb8;
	[tilespmem:$0x16800] =	vst v63  }
0x2ae: {  	s16 =	simm.s32 $0xA80;
	s17 =	simm.s32 $0x13C00  }
0x2af: {  	[tilespmem:s17], [sflag:$0x1] =	stream.indirect.gather [hbm4b:s14+s1], $0x2, s16, s1, $0xb8;
	[tilespmem:$0x16800] =	vst v63  }
0x2b0: {  	s18 =	simm.s32 $0xB00;
	s19 =	simm.s32 $0x14000  }
0x2b1: {  	[tilespmem:s19], [sflag:$0x1] =	stream.indirect.gather [hbm4b:s14+s1], $0x2, s18, s1, $0xb8;
	[tilespmem:$0x16800] =	vst v63  }
0x2b2: {  	s21 =	simm.s32 $0x14400;
	s20 =	simm.s32 $0xB80  }
0x2b3: {  	[tilespmem:s21], [sflag:$0x1] =	stream.indirect.gather [hbm4b:s14+s1], $0x2, s20, s1, $0xb8;
	[tilespmem:$0x16800] =	vst v63  }
0x2b4: {  	s22 =	rddreg [dreg:$0x9];
	s23 =	simm.s32 $0x1000;
	s12 =	simm.s32 $0x14800  }
0x2b5: {  	[tilespmem:s12], [sflag:$0x1] =	stream.indirect.gather [hbm4b:s22+s1], $0x2, s23, s1, $0xb8;
	[tilespmem:$0x16800] =	vst v63  }
0x2b6: {  	s24 =	simm.s32 $0x1080;
	s25 =	simm.s32 $0x14C00  }
0x2b7: {  	[tilespmem:s25], [sflag:$0x1] =	stream.indirect.gather [hbm4b:s22+s1], $0x2, s24, s1, $0xb8;
	[tilespmem:$0x16800] =	vst v63  }
0x2b8: {  	s26 =	simm.s32 $0x1100;
	s28 =	simm.s32 $0x15000  }
0x2b9: {  	[tilespmem:s28], [sflag:$0x1] =	stream.indirect.gather [hbm4b:s22+s1], $0x2, s26, s1, $0xb8;
	[tilespmem:$0x16800] =	vst v63  }
0x2ba: {  	s29 =	simm.s32 $0x1180;
	s30 =	simm.s32 $0x15400  }
0x2bb: {  	[tilespmem:s30], [sflag:$0x1] =	stream.indirect.gather [hbm4b:s22+s1], $0x2, s29, s1, $0xb8;
	[tilespmem:$0x16800] =	vst v63  }
0x2bc: {  	s4 =	simm.s32 $0x1600;
	s31 =	rddreg [dreg:$0xa];
	s13 =	simm.s32 $0x15800  }
0x2bd: {  	[tilespmem:s13], [sflag:$0x1] =	stream.indirect.gather [hbm4b:s31+s1], $0x2, s4, s1, $0xb8;
	[tilespmem:$0x16800] =	vst v63  }
0x2be: {  	s10 =	simm.s32 $0x1680;
	s14 =	simm.s32 $0x15C00  }
0x2bf: {  	[tilespmem:s14], [sflag:$0x1] =	stream.indirect.gather [hbm4b:s31+s1], $0x2, s10, s1, $0xb8;
	[tilespmem:$0x16800] =	vst v63  }
0x2c0: {  	s15 =	simm.s32 $0x1700;
	s16 =	simm.s32 $0x16000  }
0x2c1: {  	[tilespmem:s16], [sflag:$0x1] =	stream.indirect.gather [hbm4b:s31+s1], $0x2, s15, s1, $0xb8;
	[tilespmem:$0x16800] =	vst v63  }
0x2c2: {  	s17 =	simm.s32 $0x1780;
	s18 =	simm.s32 $0x16400;
	s19 =	simm.s32 $0x1  }
0x2c3: {  	[tilespmem:s18], [sflag:$0x1] =	stream.indirect.gather [hbm4b:s31+s1], $0x2, s17, s1, $0xb8;
	[tilespmem:$0x16800] =	vst v63  }
0x2c4: {  	_ =	swait.ge [sflag:s19], $0xA00  }
0x2c5: {  	[sflag:s19] =	ssyncset.done $0x0  }
0x2c6: {  	[sflag:s19] =	ssyncadd.s32 $0xFFFFF600  }
0x2c7: {  	_ =	swait.ge [sflag:s19], $0xA00  }
0x2c8: {  	[sflag:s19] =	ssyncset.done $0x0  }
0x2c9: {  	[sflag:s19] =	ssyncadd.s32 $0xFFFFF600  }
0x2ca: {  	_ =	swait.ge [sflag:s19], $0xA00  }
0x2cb: {  	[sflag:s19] =	ssyncset.done $0x0  }
0x2cc: {  	[sflag:s19] =	ssyncadd.s32 $0xFFFFF600  }
0x2cd: {  	_ =	swait.ge [sflag:s19], $0xA00  }
0x2ce: {  	[sflag:s19] =	ssyncset.done $0x0  }
0x2cf: {  	[sflag:s19] =	ssyncadd.s32 $0xFFFFF600  }
0x2d0: {  	_ =	swait.ge [sflag:s19], $0xA00  }
0x2d1: {  	[sflag:s19] =	ssyncset.done $0x0  }
0x2d2: {  	[sflag:s19] =	ssyncadd.s32 $0xFFFFF600  }
0x2d3: {  	_ =	swait.ge [sflag:s19], $0xA00  }
0x2d4: {  	[sflag:s19] =	ssyncset.done $0x0  }
0x2d5: {  	[sflag:s19] =	ssyncadd.s32 $0xFFFFF600  }
0x2d6: {  	_ =	swait.ge [sflag:s19], $0xA00  }
0x2d7: {  	[sflag:s19] =	ssyncset.done $0x0  }
0x2d8: {  	[sflag:s19] =	ssyncadd.s32 $0xFFFFF600  }
0x2d9: {  	_ =	swait.ge [sflag:s19], $0xA00  }
0x2da: {  	[sflag:s19] =	ssyncset.done $0x0  }
0x2db: {  	[sflag:s19] =	ssyncadd.s32 $0xFFFFF600  }
0x2dc: {  	_ =	swait.ge [sflag:s19], $0xA00  }
0x2dd: {  	[sflag:s19] =	ssyncset.done $0x0  }
0x2de: {  	[sflag:s19] =	ssyncadd.s32 $0xFFFFF600  }
0x2df: {  	_ =	swait.ge [sflag:s19], $0xA00  }
0x2e0: {  	[sflag:s19] =	ssyncset.done $0x0  }
0x2e1: {  	[sflag:s19] =	ssyncadd.s32 $0xFFFFF600  }
0x2e2: {  	_ =	swait.ge [sflag:s19], $0xA00  }
0x2e3: {  	[sflag:s19] =	ssyncset.done $0x0  }
0x2e4: {  	[sflag:s19] =	ssyncadd.s32 $0xFFFFF600  }
0x2e5: {  	_ =	swait.ge [sflag:s19], $0xA00  }
0x2e6: {  	[sflag:s19] =	ssyncset.done $0x0  }
0x2e7: {  	[sflag:s19] =	ssyncadd.s32 $0xFFFFF600  }
0x2e8: {  	_ =	swait.ge [sflag:s19], $0xA00  }
0x2e9: {  	[sflag:s19] =	ssyncset.done $0x0  }
0x2ea: {  	[sflag:s19] =	ssyncadd.s32 $0xFFFFF600  }
0x2eb: {  	_ =	swait.ge [sflag:s19], $0xA00  }
0x2ec: {  	[sflag:s19] =	ssyncset.done $0x0  }
0x2ed: {  	[sflag:s19] =	ssyncadd.s32 $0xFFFFF600  }
0x2ee: {  	_ =	swait.ge [sflag:s19], $0xA00  }
0x2ef: {  	[sflag:s19] =	ssyncset.done $0x0  }
0x2f0: {  	[sflag:s19] =	ssyncadd.s32 $0xFFFFF600  }
0x2f1: {  	_ =	swait.ge [sflag:s19], $0xA00  }
0x2f2: {  	[sflag:s19] =	ssyncset.done $0x0  }
0x2f3: {  	[sflag:s19] =	ssyncadd.s32 $0xFFFFF600  }
0x2f4: {  	_ =	swait.ge [sflag:s19], $0xA00  }
0x2f5: {  	[sflag:s19] =	ssyncset.done $0x0  }
0x2f6: {  	[sflag:s19] =	ssyncadd.s32 $0xFFFFF600  }
0x2f7: {  	_ =	swait.ge [sflag:s19], $0xA00  }
0x2f8: {  	[sflag:s19] =	ssyncset.done $0x0  }
0x2f9: {  	[sflag:s19] =	ssyncadd.s32 $0xFFFFF600  }
0x2fa: {  	_ =	swait.ge [sflag:s19], $0xA00  }
0x2fb: {  	[sflag:s19] =	ssyncset.done $0x0  }
0x2fc: {  	[sflag:s19] =	ssyncadd.s32 $0xFFFFF600  }
0x2fd: {  	_ =	swait.ge [sflag:s19], $0xA00  }
0x2fe: {  	[sflag:s19] =	ssyncset.done $0x0  }
0x2ff: {  	[sflag:s19] =	ssyncadd.s32 $0xFFFFF600  }
0x300: {  	_ =	swait.ge [sflag:s19], $0xA00  }
0x301: {  	[sflag:s19] =	ssyncset.done $0x0  }
0x302: {  	[sflag:s19] =	ssyncadd.s32 $0xFFFFF600  }
0x303: {  	_ =	swait.ge [sflag:s19], $0xA00  }
0x304: {  	[sflag:s19] =	ssyncset.done $0x0  }
0x305: {  	[sflag:s19] =	ssyncadd.s32 $0xFFFFF600  }
0x306: {  	_ =	swait.ge [sflag:s19], $0xA00  }
0x307: {  	[sflag:s19] =	ssyncset.done $0x0  }
0x308: {  	[sflag:s19] =	ssyncadd.s32 $0xFFFFF600  }
0x309: {  	_ =	swait.ge [sflag:s19], $0xA00  }
0x30a: {  	[sflag:s19] =	ssyncset.done $0x0  }
0x30b: {  	[sflag:s19] =	ssyncadd.s32 $0xFFFFF600  }
0x30c: {  	_ =	swait.ge [sflag:s19], $0x100  }
0x30d: {  	[sflag:s19] =	ssyncset.done $0x0  }
0x30e: {  	[sflag:s19] =	ssyncadd.s32 $0xFFFFFF00  }
0x30f: {  	_ =	swait.ge [sflag:s19], $0x100  }
0x310: {  	[sflag:s19] =	ssyncset.done $0x0  }
0x311: {  	[sflag:s19] =	ssyncadd.s32 $0xFFFFFF00  }
0x312: {  	_ =	swait.ge [sflag:s19], $0x100  }
0x313: {  	[sflag:s19] =	ssyncset.done $0x0  }
0x314: {  	[sflag:s19] =	ssyncadd.s32 $0xFFFFFF00  }
0x315: {  	_ =	swait.ge [sflag:s19], $0x100  }
0x316: {  	[sflag:s19] =	ssyncset.done $0x0  }
0x317: {  	[sflag:s19] =	ssyncadd.s32 $0xFFFFFF00  }
0x318: {  	_ =	swait.ge [sflag:s19], $0x100  }
0x319: {  	[sflag:s19] =	ssyncset.done $0x0  }
0x31a: {  	[sflag:s19] =	ssyncadd.s32 $0xFFFFFF00  }
0x31b: {  	_ =	swait.ge [sflag:s19], $0x100  }
0x31c: {  	[sflag:s19] =	ssyncset.done $0x0  }
0x31d: {  	[sflag:s19] =	ssyncadd.s32 $0xFFFFFF00  }
0x31e: {  	_ =	swait.ge [sflag:s19], $0x100  }
0x31f: {  	[sflag:s19] =	ssyncset.done $0x0  }
0x320: {  	[sflag:s19] =	ssyncadd.s32 $0xFFFFFF00  }
0x321: {  	_ =	swait.ge [sflag:s19], $0x100  }
0x322: {  	[sflag:s19] =	ssyncset.done $0x0  }
0x323: {  	[sflag:s19] =	ssyncadd.s32 $0xFFFFFF00  }
0x324: {  	_ =	swait.ge [sflag:s19], $0x100  }
0x325: {  	[sflag:s19] =	ssyncset.done $0x0  }
0x326: {  	[sflag:s19] =	ssyncadd.s32 $0xFFFFFF00  }
0x327: {  	_ =	swait.ge [sflag:s19], $0x100  }
0x328: {  	[sflag:s19] =	ssyncset.done $0x0  }
0x329: {  	[sflag:s19] =	ssyncadd.s32 $0xFFFFFF00  }
0x32a: {  	_ =	swait.ge [sflag:s19], $0x100  }
0x32b: {  	[sflag:s19] =	ssyncset.done $0x0  }
0x32c: {  	[sflag:s19] =	ssyncadd.s32 $0xFFFFFF00  }
0x32d: {  	_ =	swait.ge [sflag:s19], $0x100  }
0x32e: {  	s4 =	simm.s32 $0x2;
	[sflag:s19] =	ssyncset.done $0x0  }
0x32f: {  	s10 =	simm.s32 $0x0;
	s20 =	rddreg [dreg:$0xd];
	[sflag:s19] =	ssyncadd.s32 $0xFFFFFF00  }
0x330: {  	[hbm4b:s20+s10] =	stream.linear.scatter [tilespmem:s3], [sflag:$0x2], $0x3000, $0x38;
	[tilespmem:$0x16800] =	vst v63  }
0x331: {  	_ =	swait.ge [sflag:s4], $0x3000  }
0x332: {  	[sflag:s4] =	ssyncset.done $0x0  }
0x333: {  	s21 =	rddreg [dreg:$0xe];
	[sflag:s4] =	ssyncadd.s32 $0xFFFFD000  }
0x334: {  	[hbm4b:s21+s10] =	stream.linear.scatter [tilespmem:s5], [sflag:$0x2], $0x3000, $0x38;
	[tilespmem:$0x16800] =	vst v63  }
0x335: {  	_ =	swait.ge [sflag:s4], $0x3000  }
0x336: {  	[sflag:s4] =	ssyncset.done $0x0  }
0x337: {  	s22 =	rddreg [dreg:$0xf];
	[sflag:s4] =	ssyncadd.s32 $0xFFFFD000  }
0x338: {  	[hbm4b:s22+s10] =	stream.linear.scatter [tilespmem:s6], [sflag:$0x2], $0x3000, $0x38;
	[tilespmem:$0x16800] =	vst v63  }
0x339: {  	_ =	swait.ge [sflag:s4], $0x3000  }
0x33a: {  	[sflag:s4] =	ssyncset.done $0x0  }
0x33b: {  	s23 =	rddreg [dreg:$0x10];
	[sflag:s4] =	ssyncadd.s32 $0xFFFFD000  }
0x33c: {  	[hbm4b:s23+s10] =	stream.linear.scatter [tilespmem:s7], [sflag:$0x2], $0x3000, $0x38;
	[tilespmem:$0x16800] =	vst v63  }
0x33d: {  	_ =	swait.ge [sflag:s4], $0x3000  }
0x33e: {  	[sflag:s4] =	ssyncset.done $0x0  }
0x33f: {  	s24 =	rddreg [dreg:$0x11];
	[sflag:s4] =	ssyncadd.s32 $0xFFFFD000  }
0x340: {  	[hbm4b:s24+s10] =	stream.linear.scatter [tilespmem:s8], [sflag:$0x2], $0x3000, $0x38;
	[tilespmem:$0x16800] =	vst v63  }
0x341: {  	_ =	swait.ge [sflag:s4], $0x3000  }
0x342: {  	[sflag:s4] =	ssyncset.done $0x0  }
0x343: {  	s25 =	rddreg [dreg:$0x13];
	[sflag:s4] =	ssyncadd.s32 $0xFFFFD000  }
0x344: {  	[hbm4b:s25+s10] =	stream.linear.scatter [tilespmem:s9], [sflag:$0x2], $0x3000, $0x38;
	[tilespmem:$0x16800] =	vst v63  }
0x345: {  	_ =	swait.ge [sflag:s4], $0x3000  }
0x346: {  	[sflag:s4] =	ssyncset.done $0x0  }
0x347: {  	s26 =	rddreg [dreg:$0x14];
	[sflag:s4] =	ssyncadd.s32 $0xFFFFD000  }
0x348: {  	[hbm4b:s26+s10] =	stream.linear.scatter [tilespmem:s11], [sflag:$0x2], $0x1000, $0x38;
	[tilespmem:$0x16800] =	vst v63  }
0x349: {  	_ =	swait.ge [sflag:s4], $0x1000  }
0x34a: {  	[sflag:s4] =	ssyncset.done $0x0  }
0x34b: {  	s28 =	rddreg [dreg:$0x15];
	[sflag:s4] =	ssyncadd.s32 $0xFFFFF000  }
0x34c: {  	[hbm4b:s28+s10] =	stream.linear.scatter [tilespmem:s12], [sflag:$0x2], $0x1000, $0x38;
	[tilespmem:$0x16800] =	vst v63  }
0x34d: {  	_ =	swait.ge [sflag:s4], $0x1000  }
0x34e: {  	[sflag:s4] =	ssyncset.done $0x0  }
0x34f: {  	s29 =	rddreg [dreg:$0x16];
	[sflag:s4] =	ssyncadd.s32 $0xFFFFF000  }
0x350: {  	[hbm4b:s29+s10] =	stream.linear.scatter [tilespmem:s13], [sflag:$0x2], $0x1000, $0x38;
	[tilespmem:$0x16800] =	vst v63  }
0x351: {  	_ =	swait.ge [sflag:s4], $0x1000  }
0x352: {  	s30 =	rddreg [dreg:$0x18]  }
0x353: {  	s31 =	rddreg [dreg:$0x17];
	s1 =	sadd.s32 $0x1, s30  }
0x354: {  	p0 =	sne.s32 s1, s31  }
.Ltmp1:
0x355: {  	_ = 	snop;
	(pc) =	sbr.rel @p0 .LBB2_1-.Ltmp1, $3  }
0x356: {  	_ =	sdelay $0x1  }
0x357: {  	[sflag:s4] =	ssyncset.done $0x0  }
0x358: {  	[sflag:s4] =	ssyncadd.s32 $0xFFFFF000  }
0x359: {  	_ =	sfence.sel $0x180000  }
0x35a: {  	[bflag:$0x0] =	sbarrier.arrive $0xFFFF  }
0x35b: {  	_ =	strace $0x9000004A  }
0x35c: {  	s0 =	stileid.u32;
	[bflag:$0x2] =	sbarrier.arrive $0xFFFF  }
0x35d: {  	p0 =	sne.s32 s0, $0x0;
	s0 =	rddreg [dreg:$0x4]  }
0x35e: {  	s0 =	sadd.s32 @!p0 $0x100000, s0  }
0x35f: {  	[sflag:s0] =	ssyncadd.tile.s32 @!p0 $0x1;
	_ =	shalt  }
.Lfunc_end2:
_tile_overlayer_lowered:
.L_overlay_start_2:
0x360: {  	(tag) =	ssettag $0x2  }
0x361: {  	s0 =	rddreg [dreg:$0x0];
	s2 =	stileid.u32  }
0x362: {  	s1 =	rddreg [dreg:$0x1];
	p0 =	sne.s32 s2, $0x0  }
0x363: {  	s3 =	rddreg [dreg:$0x2];
	[bflag:$0x3] =	sbarrier.arrive $0xFFFF;
	s2 =	simm.s32 @!p0 $0x1C02  }
0x364: {  	[timem:s3], [sflag:s2] =	dma.local @!p0 [hbm:s0], s1  }
0x365: {  	s0 =	simm.s32 @!p0 $0x2  }
0x366: {  	_ =	swait.ge @!p0 [sflag:s0], s1  }
0x367: {  	s1 =	ssub.s32 @!p0 $0x0, s1;
	[sflag:s0] =	ssyncset.done @!p0 $0x0  }
0x368: {  	[sflag:s0] =	ssyncadd.s32 @!p0 s1  }
0x369: {  	[bflag:$0x3] =	sbarrier.arrive $0xFFFF  }
0x36a: {  	_ =	shalt  }

</sc_bundles>
